<compile_context>
chip_gen: v7x
topology: tpu7x:2x2x1
jax: 0.10.2.dev20260603
libtpu: 0.0.44.dev20260713+nightly
codegen_flags: <defaults>
</compile_context>

<pallas_src>
import functools

import jax
import jax.numpy as jnp
from jax import lax
from jax.experimental import pallas as pl
from jax.experimental.pallas import tpu as pltpu
from jax.experimental.pallas import tpu_sc as plsc

_BATCH = 16384
_DIM = 64
_LANES = 16
_NUM_WORKERS = 32
_BPW = _BATCH // _NUM_WORKERS
_NCH = _BPW // _LANES


def _vec_sqrt(x):
    i = lax.bitcast_convert_type(x, jnp.int32)
    i = jnp.int32(0x1FBD1DF5) + lax.shift_right_logical(i, 1)
    y = lax.bitcast_convert_type(i, jnp.float32)
    for _ in range(3):
        y = 0.5 * (y + x / y)
    return y


def _tec_body(head, relation, tail, ent, rel, out,
              hidx, ridx, tidx,
              hbufA, rbufA, tbufA, hbufB, rbufB, tbufB, outv, semA, semB):
    wid = lax.axis_index("s") * 2 + lax.axis_index("c")
    base = wid * _BPW

    src = pl.ds(base, _BPW)
    pltpu.sync_copy(head.at[src], hidx)
    pltpu.sync_copy(relation.at[src], ridx)
    pltpu.sync_copy(tail.at[src], tidx)

    row_iota = lax.iota(jnp.int32, _LANES)

    def fire(g, hbuf, rbuf, tbuf, sem):
        sl = pl.ds(g * _LANES, _LANES)
        hv = hidx[sl]
        rv = ridx[sl]
        tv = tidx[sl]
        for j in range(_LANES):
            pltpu.async_copy(
                ent.at[pl.ds(hv[j], 1), :], hbuf.at[pl.ds(j, 1), :], sem)
            pltpu.async_copy(
                rel.at[pl.ds(rv[j], 1), :], rbuf.at[pl.ds(j, 1), :], sem)
            pltpu.async_copy(
                ent.at[pl.ds(tv[j], 1), :], tbuf.at[pl.ds(j, 1), :], sem)

    def drain(hbuf, rbuf, tbuf, sem):
        pltpu.make_async_copy(ent.at[pl.ds(0, _LANES), :], hbuf, sem).wait()
        pltpu.make_async_copy(ent.at[pl.ds(0, _LANES), :], rbuf, sem).wait()
        pltpu.make_async_copy(ent.at[pl.ds(0, _LANES), :], tbuf, sem).wait()

    def compute(g, hbuf, rbuf, tbuf):
        sl = pl.ds(g * _LANES, _LANES)
        res = jnp.zeros((_LANES,), jnp.float32)
        for e in range(_LANES):
            acc = jnp.zeros((_LANES,), jnp.float32)
            for c in range(_DIM // _LANES):
                csl = pl.ds(c * _LANES, _LANES)
                s = hbuf[e, csl] + rbuf[e, csl] - tbuf[e, csl]
                acc = acc + s * s
            res = jnp.where(row_iota == e, jnp.sum(acc), res)
        outv[sl] = _vec_sqrt(res)

    fire(0, hbufA, rbufA, tbufA, semA)

    def body2(k, carry):
        g0 = 2 * k
        fire(g0 + 1, hbufB, rbufB, tbufB, semB)
        drain(hbufA, rbufA, tbufA, semA)
        compute(g0, hbufA, rbufA, tbufA)
        g2 = jnp.where(g0 + 2 < _NCH, g0 + 2, 0)
        fire(g2, hbufA, rbufA, tbufA, semA)
        drain(hbufB, rbufB, tbufB, semB)
        compute(g0 + 1, hbufB, rbufB, tbufB)
        return carry

    lax.fori_loop(0, _NCH // 2, body2, 0)
    drain(hbufA, rbufA, tbufA, semA)

    pltpu.sync_copy(outv, out.at[pl.ds(base, _BPW)])


@functools.partial(
    pl.kernel,
    out_type=jax.ShapeDtypeStruct((_BATCH,), jnp.float32),
    mesh=plsc.VectorSubcoreMesh(core_axis_name="c", subcore_axis_name="s"),
    compiler_params=pltpu.CompilerParams(needs_layout_passes=False),
    scratch_types=[
        pltpu.VMEM((_BPW,), jnp.int32),
        pltpu.VMEM((_BPW,), jnp.int32),
        pltpu.VMEM((_BPW,), jnp.int32),
        pltpu.VMEM((_LANES, _DIM), jnp.float32),
        pltpu.VMEM((_LANES, _DIM), jnp.float32),
        pltpu.VMEM((_LANES, _DIM), jnp.float32),
        pltpu.VMEM((_LANES, _DIM), jnp.float32),
        pltpu.VMEM((_LANES, _DIM), jnp.float32),
        pltpu.VMEM((_LANES, _DIM), jnp.float32),
        pltpu.VMEM((_BPW,), jnp.float32),
        pltpu.SemaphoreType.DMA,
        pltpu.SemaphoreType.DMA,
    ],
)
def _transe_sc(*args):
    _tec_body(*args)


def kernel(head, relation, tail, entity_table, relation_table):
    return _transe_sc(head, relation, tail, entity_table, relation_table)

# --- scband reference (transcript-rebuilt; emitter-appended) ---
"""Pipeline reference for scband-trans-emodel-85830626444027 (READ-ONLY COPY).

The authoritative reference and input builder live on the scoring server;
editing this copy changes nothing except your own understanding.
"""

import jax, jax.numpy as jnp
import numpy as np

NUM_ENTITIES = 1000000
NUM_RELATIONS = 1000
EMBED_DIM = 64
BATCH = 16384


def setup_inputs(seed: int = 0) -> dict:
    key = jax.random.key(seed)
    k1, k2, k3, k4, k5 = jax.random.split(key, 5)
    head = jax.random.randint(k1, (BATCH,), 0, NUM_ENTITIES, dtype=jnp.int64 if jax.config.jax_enable_x64 else jnp.int32).astype(jnp.int32)
    relation = jax.random.randint(k2, (BATCH,), 0, NUM_RELATIONS).astype(jnp.int32)
    tail = jax.random.randint(k3, (BATCH,), 0, NUM_ENTITIES).astype(jnp.int32)
    entity_table = jax.random.normal(k4, (NUM_ENTITIES, EMBED_DIM), dtype=jnp.float32)
    relation_table = jax.random.normal(k5, (NUM_RELATIONS, EMBED_DIM), dtype=jnp.float32)
    return {
        "head": head,
        "relation": relation,
        "tail": tail,
        "entity_table": entity_table,
        "relation_table": relation_table,
    }


def reference(head, relation, tail, entity_table, relation_table):
    h = jnp.take(entity_table, head, axis=0)
    r = jnp.take(relation_table, relation, axis=0)
    t = jnp.take(entity_table, tail, axis=0)
    score = h + r - t
    return jnp.sqrt(jnp.sum(score * score, axis=1))

if __name__ == "__main__":
    import jax
    _d = setup_inputs()
    print(jax.jit(kernel)(*tuple(_d.values())))

</pallas_src>

<mosaic_0001>
#map = affine_map<(d0, d1) -> (0)>
#map1 = affine_map<(d0, d1) -> (0, 0)>
module attributes {stable_mosaic.version = 14 : i64} {
  func.func @_transe_sc(%arg0: i32, %arg1: i32, %arg2: memref<16384xi32, #tpu.memory_space<hbm>>, %arg3: memref<16384xi32, #tpu.memory_space<hbm>>, %arg4: memref<16384xi32, #tpu.memory_space<hbm>>, %arg5: memref<1000000x64xf32, #tpu.memory_space<hbm>>, %arg6: memref<1000x64xf32, #tpu.memory_space<hbm>>, %arg7: memref<16384xf32, #tpu.memory_space<hbm>>, %arg8: memref<512xi32, #tpu.memory_space<vmem>>, %arg9: memref<512xi32, #tpu.memory_space<vmem>>, %arg10: memref<512xi32, #tpu.memory_space<vmem>>, %arg11: memref<16x64xf32, #tpu.memory_space<vmem>>, %arg12: memref<16x64xf32, #tpu.memory_space<vmem>>, %arg13: memref<16x64xf32, #tpu.memory_space<vmem>>, %arg14: memref<16x64xf32, #tpu.memory_space<vmem>>, %arg15: memref<16x64xf32, #tpu.memory_space<vmem>>, %arg16: memref<16x64xf32, #tpu.memory_space<vmem>>, %arg17: memref<512xf32, #tpu.memory_space<vmem>>, %arg18: memref<!tpu.dma_semaphore, #tpu.memory_space<semaphore_mem>>, %arg19: memref<!tpu.dma_semaphore, #tpu.memory_space<semaphore_mem>>) attributes {dimension_semantics = [#tpu.dimension_semantics<core_parallel>, #tpu.dimension_semantics<subcore_parallel>], iteration_bounds = array<i64: 2, 16>, scalar_prefetch = 0 : i64, scratch_operands = 12 : i64, tpu.core_type = #tpu.core_type<sc_vector_subcore>, window_params = [{transform_indices = #map}, {transform_indices = #map}, {transform_indices = #map}, {transform_indices = #map1}, {transform_indices = #map1}, {transform_indices = #map}]} {
    %mul3A = arith.constant 2 : i32
    %mul3A_0 = arith.muli %arg1, %mul3A : i32
    %add3A = arith.addi %mul3A_0, %arg0 : i32
    %mul3A_1 = arith.constant 512 : i32
    %mul3A_2 = arith.muli %add3A, %mul3A_1 : i32
    "tpu.region"() ({
      %run_scoped3A = tpu.sem_alloc : memref<!tpu.dma_semaphore, #tpu.memory_space<semaphore_mem>>
      %dma_start3A_603 = tpu.memref_slice %arg2[%mul3A_2] : memref<16384xi32, #tpu.memory_space<hbm>> -> memref<512xi32, #tpu.memory_space<hbm>>
      %dma_start3A_604 = tpu.memref_slice %arg2[%mul3A_2] : memref<16384xi32, #tpu.memory_space<hbm>> -> memref<512xi32, #tpu.memory_space<hbm>>
      tpu.enqueue_dma source(%dma_start3A_604 : memref<512xi32, #tpu.memory_space<hbm>>) target(%arg8 : memref<512xi32, #tpu.memory_space<vmem>>) target_semaphore(%run_scoped3A : memref<!tpu.dma_semaphore, #tpu.memory_space<semaphore_mem>>)
      %dma_wait3A_605 = tpu.memref_slice %arg2[%mul3A_2] : memref<16384xi32, #tpu.memory_space<hbm>> -> memref<512xi32, #tpu.memory_space<hbm>>
      %dma_wait3A_606 = tpu.memref_slice %arg2[%mul3A_2] : memref<16384xi32, #tpu.memory_space<hbm>> -> memref<512xi32, #tpu.memory_space<hbm>>
      tpu.wait_dma2 semaphore(%run_scoped3A : memref<!tpu.dma_semaphore, #tpu.memory_space<semaphore_mem>>) src(%dma_wait3A_606 : memref<512xi32, #tpu.memory_space<hbm>>) dst(%arg8 : memref<512xi32, #tpu.memory_space<vmem>>)
      tpu.yield
    }) : () -> ()
    "tpu.region"() ({
      %run_scoped3A = tpu.sem_alloc : memref<!tpu.dma_semaphore, #tpu.memory_space<semaphore_mem>>
      %dma_start3A_603 = tpu.memref_slice %arg3[%mul3A_2] : memref<16384xi32, #tpu.memory_space<hbm>> -> memref<512xi32, #tpu.memory_space<hbm>>
      %dma_start3A_604 = tpu.memref_slice %arg3[%mul3A_2] : memref<16384xi32, #tpu.memory_space<hbm>> -> memref<512xi32, #tpu.memory_space<hbm>>
      tpu.enqueue_dma source(%dma_start3A_604 : memref<512xi32, #tpu.memory_space<hbm>>) target(%arg9 : memref<512xi32, #tpu.memory_space<vmem>>) target_semaphore(%run_scoped3A : memref<!tpu.dma_semaphore, #tpu.memory_space<semaphore_mem>>)
      %dma_wait3A_605 = tpu.memref_slice %arg3[%mul3A_2] : memref<16384xi32, #tpu.memory_space<hbm>> -> memref<512xi32, #tpu.memory_space<hbm>>
      %dma_wait3A_606 = tpu.memref_slice %arg3[%mul3A_2] : memref<16384xi32, #tpu.memory_space<hbm>> -> memref<512xi32, #tpu.memory_space<hbm>>
      tpu.wait_dma2 semaphore(%run_scoped3A : memref<!tpu.dma_semaphore, #tpu.memory_space<semaphore_mem>>) src(%dma_wait3A_606 : memref<512xi32, #tpu.memory_space<hbm>>) dst(%arg9 : memref<512xi32, #tpu.memory_space<vmem>>)
      tpu.yield
    }) : () -> ()
    "tpu.region"() ({
      %run_scoped3A = tpu.sem_alloc : memref<!tpu.dma_semaphore, #tpu.memory_space<semaphore_mem>>
      %dma_start3A_603 = tpu.memref_slice %arg4[%mul3A_2] : memref<16384xi32, #tpu.memory_space<hbm>> -> memref<512xi32, #tpu.memory_space<hbm>>
      %dma_start3A_604 = tpu.memref_slice %arg4[%mul3A_2] : memref<16384xi32, #tpu.memory_space<hbm>> -> memref<512xi32, #tpu.memory_space<hbm>>
      tpu.enqueue_dma source(%dma_start3A_604 : memref<512xi32, #tpu.memory_space<hbm>>) target(%arg10 : memref<512xi32, #tpu.memory_space<vmem>>) target_semaphore(%run_scoped3A : memref<!tpu.dma_semaphore, #tpu.memory_space<semaphore_mem>>)
      %dma_wait3A_605 = tpu.memref_slice %arg4[%mul3A_2] : memref<16384xi32, #tpu.memory_space<hbm>> -> memref<512xi32, #tpu.memory_space<hbm>>
      %dma_wait3A_606 = tpu.memref_slice %arg4[%mul3A_2] : memref<16384xi32, #tpu.memory_space<hbm>> -> memref<512xi32, #tpu.memory_space<hbm>>
      tpu.wait_dma2 semaphore(%run_scoped3A : memref<!tpu.dma_semaphore, #tpu.memory_space<semaphore_mem>>) src(%dma_wait3A_606 : memref<512xi32, #tpu.memory_space<hbm>>) dst(%arg10 : memref<512xi32, #tpu.memory_space<vmem>>)
      tpu.yield
    }) : () -> ()
    %iota3A = tpu.iota {dimensions = array<i32: 0>} : vector<16xi32>
    %get3A = arith.constant 0 : index
    %get3A_3 = tpu.vector_load %arg8[%get3A] {strides = array<i32>} : memref<512xi32, #tpu.memory_space<vmem>>, vector<16xi32>,
    %get3A_4 = arith.constant 0 : index
    %get3A_5 = tpu.vector_load %arg9[%get3A_4] {strides = array<i32>} : memref<512xi32, #tpu.memory_space<vmem>>, vector<16xi32>,
    %get3A_6 = arith.constant 0 : index
    %get3A_7 = tpu.vector_load %arg10[%get3A_6] {strides = array<i32>} : memref<512xi32, #tpu.memory_space<vmem>>, vector<16xi32>,
    %slice3A = vector.extract_strided_slice %get3A_3 {offsets = [0], sizes = [1], strides = [1]} : vector<16xi32> to vector<1xi32>
    %squeeze3A = vector.extract %slice3A[0] : i32 from vector<1xi32>
    %dma_start3A = arith.constant 0 : i32
    %dma_start3A_8 = arith.constant 0 : i32
    %dma_start3A_9 = tpu.memref_slice %arg11[%dma_start3A, %dma_start3A_8] : memref<16x64xf32, #tpu.memory_space<vmem>> -> memref<1x64xf32, #tpu.memory_space<vmem>>
    %dma_start3A_10 = arith.constant 0 : i32
    %dma_start3A_11 = tpu.memref_slice %arg5[%squeeze3A, %dma_start3A_10] : memref<1000000x64xf32, #tpu.memory_space<hbm>> -> memref<1x64xf32, #tpu.memory_space<hbm>>
    %dma_start3A_12 = arith.constant 0 : i32
    %dma_start3A_13 = arith.constant 0 : i32
    %dma_start3A_14 = tpu.memref_slice %arg11[%dma_start3A_12, %dma_start3A_13] : memref<16x64xf32, #tpu.memory_space<vmem>> -> memref<1x64xf32, #tpu.memory_space<vmem>>
    %dma_start3A_15 = arith.constant 0 : i32
    %dma_start3A_16 = tpu.memref_slice %arg5[%squeeze3A, %dma_start3A_15] : memref<1000000x64xf32, #tpu.memory_space<hbm>> -> memref<1x64xf32, #tpu.memory_space<hbm>>
    tpu.enqueue_dma source(%dma_start3A_16 : memref<1x64xf32, #tpu.memory_space<hbm>>) target(%dma_start3A_14 : memref<1x64xf32, #tpu.memory_space<vmem>>) target_semaphore(%arg18 : memref<!tpu.dma_semaphore, #tpu.memory_space<semaphore_mem>>)
    %slice3A_17 = vector.extract_strided_slice %get3A_5 {offsets = [0], sizes = [1], strides = [1]} : vector<16xi32> to vector<1xi32>
    %squeeze3A_18 = vector.extract %slice3A_17[0] : i32 from vector<1xi32>
    %dma_start3A_19 = arith.constant 0 : i32
    %dma_start3A_20 = arith.constant 0 : i32
    %dma_start3A_21 = tpu.memref_slice %arg12[%dma_start3A_19, %dma_start3A_20] : memref<16x64xf32, #tpu.memory_space<vmem>> -> memref<1x64xf32, #tpu.memory_space<vmem>>
    %dma_start3A_22 = arith.constant 0 : i32
    %dma_start3A_23 = tpu.memref_slice %arg6[%squeeze3A_18, %dma_start3A_22] : memref<1000x64xf32, #tpu.memory_space<hbm>> -> memref<1x64xf32, #tpu.memory_space<hbm>>
    %dma_start3A_24 = arith.constant 0 : i32
    %dma_start3A_25 = arith.constant 0 : i32
    %dma_start3A_26 = tpu.memref_slice %arg12[%dma_start3A_24, %dma_start3A_25] : memref<16x64xf32, #tpu.memory_space<vmem>> -> memref<1x64xf32, #tpu.memory_space<vmem>>
    %dma_start3A_27 = arith.constant 0 : i32
    %dma_start3A_28 = tpu.memref_slice %arg6[%squeeze3A_18, %dma_start3A_27] : memref<1000x64xf32, #tpu.memory_space<hbm>> -> memref<1x64xf32, #tpu.memory_space<hbm>>
    tpu.enqueue_dma source(%dma_start3A_28 : memref<1x64xf32, #tpu.memory_space<hbm>>) target(%dma_start3A_26 : memref<1x64xf32, #tpu.memory_space<vmem>>) target_semaphore(%arg18 : memref<!tpu.dma_semaphore, #tpu.memory_space<semaphore_mem>>)
    %slice3A_29 = vector.extract_strided_slice %get3A_7 {offsets = [0], sizes = [1], strides = [1]} : vector<16xi32> to vector<1xi32>
    %squeeze3A_30 = vector.extract %slice3A_29[0] : i32 from vector<1xi32>
    %dma_start3A_31 = arith.constant 0 : i32
    %dma_start3A_32 = arith.constant 0 : i32
    %dma_start3A_33 = tpu.memref_slice %arg13[%dma_start3A_31, %dma_start3A_32] : memref<16x64xf32, #tpu.memory_space<vmem>> -> memref<1x64xf32, #tpu.memory_space<vmem>>
    %dma_start3A_34 = arith.constant 0 : i32
    %dma_start3A_35 = tpu.memref_slice %arg5[%squeeze3A_30, %dma_start3A_34] : memref<1000000x64xf32, #tpu.memory_space<hbm>> -> memref<1x64xf32, #tpu.memory_space<hbm>>
    %dma_start3A_36 = arith.constant 0 : i32
    %dma_start3A_37 = arith.constant 0 : i32
    %dma_start3A_38 = tpu.memref_slice %arg13[%dma_start3A_36, %dma_start3A_37] : memref<16x64xf32, #tpu.memory_space<vmem>> -> memref<1x64xf32, #tpu.memory_space<vmem>>
    %dma_start3A_39 = arith.constant 0 : i32
    %dma_start3A_40 = tpu.memref_slice %arg5[%squeeze3A_30, %dma_start3A_39] : memref<1000000x64xf32, #tpu.memory_space<hbm>> -> memref<1x64xf32, #tpu.memory_space<hbm>>
    tpu.enqueue_dma source(%dma_start3A_40 : memref<1x64xf32, #tpu.memory_space<hbm>>) target(%dma_start3A_38 : memref<1x64xf32, #tpu.memory_space<vmem>>) target_semaphore(%arg18 : memref<!tpu.dma_semaphore, #tpu.memory_space<semaphore_mem>>)
    %slice3A_41 = vector.extract_strided_slice %get3A_3 {offsets = [1], sizes = [1], strides = [1]} : vector<16xi32> to vector<1xi32>
    %squeeze3A_42 = vector.extract %slice3A_41[0] : i32 from vector<1xi32>
    %dma_start3A_43 = arith.constant 1 : i32
    %dma_start3A_44 = arith.constant 0 : i32
    %dma_start3A_45 = tpu.memref_slice %arg11[%dma_start3A_43, %dma_start3A_44] : memref<16x64xf32, #tpu.memory_space<vmem>> -> memref<1x64xf32, #tpu.memory_space<vmem>>
    %dma_start3A_46 = arith.constant 0 : i32
    %dma_start3A_47 = tpu.memref_slice %arg5[%squeeze3A_42, %dma_start3A_46] : memref<1000000x64xf32, #tpu.memory_space<hbm>> -> memref<1x64xf32, #tpu.memory_space<hbm>>
    %dma_start3A_48 = arith.constant 1 : i32
    %dma_start3A_49 = arith.constant 0 : i32
    %dma_start3A_50 = tpu.memref_slice %arg11[%dma_start3A_48, %dma_start3A_49] : memref<16x64xf32, #tpu.memory_space<vmem>> -> memref<1x64xf32, #tpu.memory_space<vmem>>
    %dma_start3A_51 = arith.constant 0 : i32
    %dma_start3A_52 = tpu.memref_slice %arg5[%squeeze3A_42, %dma_start3A_51] : memref<1000000x64xf32, #tpu.memory_space<hbm>> -> memref<1x64xf32, #tpu.memory_space<hbm>>
    tpu.enqueue_dma source(%dma_start3A_52 : memref<1x64xf32, #tpu.memory_space<hbm>>) target(%dma_start3A_50 : memref<1x64xf32, #tpu.memory_space<vmem>>) target_semaphore(%arg18 : memref<!tpu.dma_semaphore, #tpu.memory_space<semaphore_mem>>)
    %slice3A_53 = vector.extract_strided_slice %get3A_5 {offsets = [1], sizes = [1], strides = [1]} : vector<16xi32> to vector<1xi32>
    %squeeze3A_54 = vector.extract %slice3A_53[0] : i32 from vector<1xi32>
    %dma_start3A_55 = arith.constant 1 : i32
    %dma_start3A_56 = arith.constant 0 : i32
    %dma_start3A_57 = tpu.memref_slice %arg12[%dma_start3A_55, %dma_start3A_56] : memref<16x64xf32, #tpu.memory_space<vmem>> -> memref<1x64xf32, #tpu.memory_space<vmem>>
    %dma_start3A_58 = arith.constant 0 : i32
    %dma_start3A_59 = tpu.memref_slice %arg6[%squeeze3A_54, %dma_start3A_58] : memref<1000x64xf32, #tpu.memory_space<hbm>> -> memref<1x64xf32, #tpu.memory_space<hbm>>
    %dma_start3A_60 = arith.constant 1 : i32
    %dma_start3A_61 = arith.constant 0 : i32
    %dma_start3A_62 = tpu.memref_slice %arg12[%dma_start3A_60, %dma_start3A_61] : memref<16x64xf32, #tpu.memory_space<vmem>> -> memref<1x64xf32, #tpu.memory_space<vmem>>
    %dma_start3A_63 = arith.constant 0 : i32
    %dma_start3A_64 = tpu.memref_slice %arg6[%squeeze3A_54, %dma_start3A_63] : memref<1000x64xf32, #tpu.memory_space<hbm>> -> memref<1x64xf32, #tpu.memory_space<hbm>>
    tpu.enqueue_dma source(%dma_start3A_64 : memref<1x64xf32, #tpu.memory_space<hbm>>) target(%dma_start3A_62 : memref<1x64xf32, #tpu.memory_space<vmem>>) target_semaphore(%arg18 : memref<!tpu.dma_semaphore, #tpu.memory_space<semaphore_mem>>)
    %slice3A_65 = vector.extract_strided_slice %get3A_7 {offsets = [1], sizes = [1], strides = [1]} : vector<16xi32> to vector<1xi32>
    %squeeze3A_66 = vector.extract %slice3A_65[0] : i32 from vector<1xi32>
    %dma_start3A_67 = arith.constant 1 : i32
    %dma_start3A_68 = arith.constant 0 : i32
    %dma_start3A_69 = tpu.memref_slice %arg13[%dma_start3A_67, %dma_start3A_68] : memref<16x64xf32, #tpu.memory_space<vmem>> -> memref<1x64xf32, #tpu.memory_space<vmem>>
    %dma_start3A_70 = arith.constant 0 : i32
    %dma_start3A_71 = tpu.memref_slice %arg5[%squeeze3A_66, %dma_start3A_70] : memref<1000000x64xf32, #tpu.memory_space<hbm>> -> memref<1x64xf32, #tpu.memory_space<hbm>>
    %dma_start3A_72 = arith.constant 1 : i32
    %dma_start3A_73 = arith.constant 0 : i32
    %dma_start3A_74 = tpu.memref_slice %arg13[%dma_start3A_72, %dma_start3A_73] : memref<16x64xf32, #tpu.memory_space<vmem>> -> memref<1x64xf32, #tpu.memory_space<vmem>>
    %dma_start3A_75 = arith.constant 0 : i32
    %dma_start3A_76 = tpu.memref_slice %arg5[%squeeze3A_66, %dma_start3A_75] : memref<1000000x64xf32, #tpu.memory_space<hbm>> -> memref<1x64xf32, #tpu.memory_space<hbm>>
    tpu.enqueue_dma source(%dma_start3A_76 : memref<1x64xf32, #tpu.memory_space<hbm>>) target(%dma_start3A_74 : memref<1x64xf32, #tpu.memory_space<vmem>>) target_semaphore(%arg18 : memref<!tpu.dma_semaphore, #tpu.memory_space<semaphore_mem>>)
    %slice3A_77 = vector.extract_strided_slice %get3A_3 {offsets = [2], sizes = [1], strides = [1]} : vector<16xi32> to vector<1xi32>
    %squeeze3A_78 = vector.extract %slice3A_77[0] : i32 from vector<1xi32>
    %dma_start3A_79 = arith.constant 2 : i32
    %dma_start3A_80 = arith.constant 0 : i32
    %dma_start3A_81 = tpu.memref_slice %arg11[%dma_start3A_79, %dma_start3A_80] : memref<16x64xf32, #tpu.memory_space<vmem>> -> memref<1x64xf32, #tpu.memory_space<vmem>>
    %dma_start3A_82 = arith.constant 0 : i32
    %dma_start3A_83 = tpu.memref_slice %arg5[%squeeze3A_78, %dma_start3A_82] : memref<1000000x64xf32, #tpu.memory_space<hbm>> -> memref<1x64xf32, #tpu.memory_space<hbm>>
    %dma_start3A_84 = arith.constant 2 : i32
    %dma_start3A_85 = arith.constant 0 : i32
    %dma_start3A_86 = tpu.memref_slice %arg11[%dma_start3A_84, %dma_start3A_85] : memref<16x64xf32, #tpu.memory_space<vmem>> -> memref<1x64xf32, #tpu.memory_space<vmem>>
    %dma_start3A_87 = arith.constant 0 : i32
    %dma_start3A_88 = tpu.memref_slice %arg5[%squeeze3A_78, %dma_start3A_87] : memref<1000000x64xf32, #tpu.memory_space<hbm>> -> memref<1x64xf32, #tpu.memory_space<hbm>>
    tpu.enqueue_dma source(%dma_start3A_88 : memref<1x64xf32, #tpu.memory_space<hbm>>) target(%dma_start3A_86 : memref<1x64xf32, #tpu.memory_space<vmem>>) target_semaphore(%arg18 : memref<!tpu.dma_semaphore, #tpu.memory_space<semaphore_mem>>)
    %slice3A_89 = vector.extract_strided_slice %get3A_5 {offsets = [2], sizes = [1], strides = [1]} : vector<16xi32> to vector<1xi32>
    %squeeze3A_90 = vector.extract %slice3A_89[0] : i32 from vector<1xi32>
    %dma_start3A_91 = arith.constant 2 : i32
    %dma_start3A_92 = arith.constant 0 : i32
    %dma_start3A_93 = tpu.memref_slice %arg12[%dma_start3A_91, %dma_start3A_92] : memref<16x64xf32, #tpu.memory_space<vmem>> -> memref<1x64xf32, #tpu.memory_space<vmem>>
    %dma_start3A_94 = arith.constant 0 : i32
    %dma_start3A_95 = tpu.memref_slice %arg6[%squeeze3A_90, %dma_start3A_94] : memref<1000x64xf32, #tpu.memory_space<hbm>> -> memref<1x64xf32, #tpu.memory_space<hbm>>
    %dma_start3A_96 = arith.constant 2 : i32
    %dma_start3A_97 = arith.constant 0 : i32
    %dma_start3A_98 = tpu.memref_slice %arg12[%dma_start3A_96, %dma_start3A_97] : memref<16x64xf32, #tpu.memory_space<vmem>> -> memref<1x64xf32, #tpu.memory_space<vmem>>
    %dma_start3A_99 = arith.constant 0 : i32
    %dma_start3A_100 = tpu.memref_slice %arg6[%squeeze3A_90, %dma_start3A_99] : memref<1000x64xf32, #tpu.memory_space<hbm>> -> memref<1x64xf32, #tpu.memory_space<hbm>>
    tpu.enqueue_dma source(%dma_start3A_100 : memref<1x64xf32, #tpu.memory_space<hbm>>) target(%dma_start3A_98 : memref<1x64xf32, #tpu.memory_space<vmem>>) target_semaphore(%arg18 : memref<!tpu.dma_semaphore, #tpu.memory_space<semaphore_mem>>)
    %slice3A_101 = vector.extract_strided_slice %get3A_7 {offsets = [2], sizes = [1], strides = [1]} : vector<16xi32> to vector<1xi32>
    %squeeze3A_102 = vector.extract %slice3A_101[0] : i32 from vector<1xi32>
    %dma_start3A_103 = arith.constant 2 : i32
    %dma_start3A_104 = arith.constant 0 : i32
    %dma_start3A_105 = tpu.memref_slice %arg13[%dma_start3A_103, %dma_start3A_104] : memref<16x64xf32, #tpu.memory_space<vmem>> -> memref<1x64xf32, #tpu.memory_space<vmem>>
    %dma_start3A_106 = arith.constant 0 : i32
    %dma_start3A_107 = tpu.memref_slice %arg5[%squeeze3A_102, %dma_start3A_106] : memref<1000000x64xf32, #tpu.memory_space<hbm>> -> memref<1x64xf32, #tpu.memory_space<hbm>>
    %dma_start3A_108 = arith.constant 2 : i32
    %dma_start3A_109 = arith.constant 0 : i32
    %dma_start3A_110 = tpu.memref_slice %arg13[%dma_start3A_108, %dma_start3A_109] : memref<16x64xf32, #tpu.memory_space<vmem>> -> memref<1x64xf32, #tpu.memory_space<vmem>>
    %dma_start3A_111 = arith.constant 0 : i32
    %dma_start3A_112 = tpu.memref_slice %arg5[%squeeze3A_102, %dma_start3A_111] : memref<1000000x64xf32, #tpu.memory_space<hbm>> -> memref<1x64xf32, #tpu.memory_space<hbm>>
    tpu.enqueue_dma source(%dma_start3A_112 : memref<1x64xf32, #tpu.memory_space<hbm>>) target(%dma_start3A_110 : memref<1x64xf32, #tpu.memory_space<vmem>>) target_semaphore(%arg18 : memref<!tpu.dma_semaphore, #tpu.memory_space<semaphore_mem>>)
    %slice3A_113 = vector.extract_strided_slice %get3A_3 {offsets = [3], sizes = [1], strides = [1]} : vector<16xi32> to vector<1xi32>
    %squeeze3A_114 = vector.extract %slice3A_113[0] : i32 from vector<1xi32>
    %dma_start3A_115 = arith.constant 3 : i32
    %dma_start3A_116 = arith.constant 0 : i32
    %dma_start3A_117 = tpu.memref_slice %arg11[%dma_start3A_115, %dma_start3A_116] : memref<16x64xf32, #tpu.memory_space<vmem>> -> memref<1x64xf32, #tpu.memory_space<vmem>>
    %dma_start3A_118 = arith.constant 0 : i32
    %dma_start3A_119 = tpu.memref_slice %arg5[%squeeze3A_114, %dma_start3A_118] : memref<1000000x64xf32, #tpu.memory_space<hbm>> -> memref<1x64xf32, #tpu.memory_space<hbm>>
    %dma_start3A_120 = arith.constant 3 : i32
    %dma_start3A_121 = arith.constant 0 : i32
    %dma_start3A_122 = tpu.memref_slice %arg11[%dma_start3A_120, %dma_start3A_121] : memref<16x64xf32, #tpu.memory_space<vmem>> -> memref<1x64xf32, #tpu.memory_space<vmem>>
    %dma_start3A_123 = arith.constant 0 : i32
    %dma_start3A_124 = tpu.memref_slice %arg5[%squeeze3A_114, %dma_start3A_123] : memref<1000000x64xf32, #tpu.memory_space<hbm>> -> memref<1x64xf32, #tpu.memory_space<hbm>>
    tpu.enqueue_dma source(%dma_start3A_124 : memref<1x64xf32, #tpu.memory_space<hbm>>) target(%dma_start3A_122 : memref<1x64xf32, #tpu.memory_space<vmem>>) target_semaphore(%arg18 : memref<!tpu.dma_semaphore, #tpu.memory_space<semaphore_mem>>)
    %slice3A_125 = vector.extract_strided_slice %get3A_5 {offsets = [3], sizes = [1], strides = [1]} : vector<16xi32> to vector<1xi32>
    %squeeze3A_126 = vector.extract %slice3A_125[0] : i32 from vector<1xi32>
    %dma_start3A_127 = arith.constant 3 : i32
    %dma_start3A_128 = arith.constant 0 : i32
    %dma_start3A_129 = tpu.memref_slice %arg12[%dma_start3A_127, %dma_start3A_128] : memref<16x64xf32, #tpu.memory_space<vmem>> -> memref<1x64xf32, #tpu.memory_space<vmem>>
    %dma_start3A_130 = arith.constant 0 : i32
    %dma_start3A_131 = tpu.memref_slice %arg6[%squeeze3A_126, %dma_start3A_130] : memref<1000x64xf32, #tpu.memory_space<hbm>> -> memref<1x64xf32, #tpu.memory_space<hbm>>
    %dma_start3A_132 = arith.constant 3 : i32
    %dma_start3A_133 = arith.constant 0 : i32
    %dma_start3A_134 = tpu.memref_slice %arg12[%dma_start3A_132, %dma_start3A_133] : memref<16x64xf32, #tpu.memory_space<vmem>> -> memref<1x64xf32, #tpu.memory_space<vmem>>
    %dma_start3A_135 = arith.constant 0 : i32
    %dma_start3A_136 = tpu.memref_slice %arg6[%squeeze3A_126, %dma_start3A_135] : memref<1000x64xf32, #tpu.memory_space<hbm>> -> memref<1x64xf32, #tpu.memory_space<hbm>>
    tpu.enqueue_dma source(%dma_start3A_136 : memref<1x64xf32, #tpu.memory_space<hbm>>) target(%dma_start3A_134 : memref<1x64xf32, #tpu.memory_space<vmem>>) target_semaphore(%arg18 : memref<!tpu.dma_semaphore, #tpu.memory_space<semaphore_mem>>)
    %slice3A_137 = vector.extract_strided_slice %get3A_7 {offsets = [3], sizes = [1], strides = [1]} : vector<16xi32> to vector<1xi32>
    %squeeze3A_138 = vector.extract %slice3A_137[0] : i32 from vector<1xi32>
    %dma_start3A_139 = arith.constant 3 : i32
    %dma_start3A_140 = arith.constant 0 : i32
    %dma_start3A_141 = tpu.memref_slice %arg13[%dma_start3A_139, %dma_start3A_140] : memref<16x64xf32, #tpu.memory_space<vmem>> -> memref<1x64xf32, #tpu.memory_space<vmem>>
    %dma_start3A_142 = arith.constant 0 : i32
    %dma_start3A_143 = tpu.memref_slice %arg5[%squeeze3A_138, %dma_start3A_142] : memref<1000000x64xf32, #tpu.memory_space<hbm>> -> memref<1x64xf32, #tpu.memory_space<hbm>>
    %dma_start3A_144 = arith.constant 3 : i32
    %dma_start3A_145 = arith.constant 0 : i32
    %dma_start3A_146 = tpu.memref_slice %arg13[%dma_start3A_144, %dma_start3A_145] : memref<16x64xf32, #tpu.memory_space<vmem>> -> memref<1x64xf32, #tpu.memory_space<vmem>>
    %dma_start3A_147 = arith.constant 0 : i32
    %dma_start3A_148 = tpu.memref_slice %arg5[%squeeze3A_138, %dma_start3A_147] : memref<1000000x64xf32, #tpu.memory_space<hbm>> -> memref<1x64xf32, #tpu.memory_space<hbm>>
    tpu.enqueue_dma source(%dma_start3A_148 : memref<1x64xf32, #tpu.memory_space<hbm>>) target(%dma_start3A_146 : memref<1x64xf32, #tpu.memory_space<vmem>>) target_semaphore(%arg18 : memref<!tpu.dma_semaphore, #tpu.memory_space<semaphore_mem>>)
    %slice3A_149 = vector.extract_strided_slice %get3A_3 {offsets = [4], sizes = [1], strides = [1]} : vector<16xi32> to vector<1xi32>
    %squeeze3A_150 = vector.extract %slice3A_149[0] : i32 from vector<1xi32>
    %dma_start3A_151 = arith.constant 4 : i32
    %dma_start3A_152 = arith.constant 0 : i32
    %dma_start3A_153 = tpu.memref_slice %arg11[%dma_start3A_151, %dma_start3A_152] : memref<16x64xf32, #tpu.memory_space<vmem>> -> memref<1x64xf32, #tpu.memory_space<vmem>>
    %dma_start3A_154 = arith.constant 0 : i32
    %dma_start3A_155 = tpu.memref_slice %arg5[%squeeze3A_150, %dma_start3A_154] : memref<1000000x64xf32, #tpu.memory_space<hbm>> -> memref<1x64xf32, #tpu.memory_space<hbm>>
    %dma_start3A_156 = arith.constant 4 : i32
    %dma_start3A_157 = arith.constant 0 : i32
    %dma_start3A_158 = tpu.memref_slice %arg11[%dma_start3A_156, %dma_start3A_157] : memref<16x64xf32, #tpu.memory_space<vmem>> -> memref<1x64xf32, #tpu.memory_space<vmem>>
    %dma_start3A_159 = arith.constant 0 : i32
    %dma_start3A_160 = tpu.memref_slice %arg5[%squeeze3A_150, %dma_start3A_159] : memref<1000000x64xf32, #tpu.memory_space<hbm>> -> memref<1x64xf32, #tpu.memory_space<hbm>>
    tpu.enqueue_dma source(%dma_start3A_160 : memref<1x64xf32, #tpu.memory_space<hbm>>) target(%dma_start3A_158 : memref<1x64xf32, #tpu.memory_space<vmem>>) target_semaphore(%arg18 : memref<!tpu.dma_semaphore, #tpu.memory_space<semaphore_mem>>)
    %slice3A_161 = vector.extract_strided_slice %get3A_5 {offsets = [4], sizes = [1], strides = [1]} : vector<16xi32> to vector<1xi32>
    %squeeze3A_162 = vector.extract %slice3A_161[0] : i32 from vector<1xi32>
    %dma_start3A_163 = arith.constant 4 : i32
    %dma_start3A_164 = arith.constant 0 : i32
    %dma_start3A_165 = tpu.memref_slice %arg12[%dma_start3A_163, %dma_start3A_164] : memref<16x64xf32, #tpu.memory_space<vmem>> -> memref<1x64xf32, #tpu.memory_space<vmem>>
    %dma_start3A_166 = arith.constant 0 : i32
    %dma_start3A_167 = tpu.memref_slice %arg6[%squeeze3A_162, %dma_start3A_166] : memref<1000x64xf32, #tpu.memory_space<hbm>> -> memref<1x64xf32, #tpu.memory_space<hbm>>
    %dma_start3A_168 = arith.constant 4 : i32
    %dma_start3A_169 = arith.constant 0 : i32
    %dma_start3A_170 = tpu.memref_slice %arg12[%dma_start3A_168, %dma_start3A_169] : memref<16x64xf32, #tpu.memory_space<vmem>> -> memref<1x64xf32, #tpu.memory_space<vmem>>
    %dma_start3A_171 = arith.constant 0 : i32
    %dma_start3A_172 = tpu.memref_slice %arg6[%squeeze3A_162, %dma_start3A_171] : memref<1000x64xf32, #tpu.memory_space<hbm>> -> memref<1x64xf32, #tpu.memory_space<hbm>>
    tpu.enqueue_dma source(%dma_start3A_172 : memref<1x64xf32, #tpu.memory_space<hbm>>) target(%dma_start3A_170 : memref<1x64xf32, #tpu.memory_space<vmem>>) target_semaphore(%arg18 : memref<!tpu.dma_semaphore, #tpu.memory_space<semaphore_mem>>)
    %slice3A_173 = vector.extract_strided_slice %get3A_7 {offsets = [4], sizes = [1], strides = [1]} : vector<16xi32> to vector<1xi32>
    %squeeze3A_174 = vector.extract %slice3A_173[0] : i32 from vector<1xi32>
    %dma_start3A_175 = arith.constant 4 : i32
    %dma_start3A_176 = arith.constant 0 : i32
    %dma_start3A_177 = tpu.memref_slice %arg13[%dma_start3A_175, %dma_start3A_176] : memref<16x64xf32, #tpu.memory_space<vmem>> -> memref<1x64xf32, #tpu.memory_space<vmem>>
    %dma_start3A_178 = arith.constant 0 : i32
    %dma_start3A_179 = tpu.memref_slice %arg5[%squeeze3A_174, %dma_start3A_178] : memref<1000000x64xf32, #tpu.memory_space<hbm>> -> memref<1x64xf32, #tpu.memory_space<hbm>>
    %dma_start3A_180 = arith.constant 4 : i32
    %dma_start3A_181 = arith.constant 0 : i32
    %dma_start3A_182 = tpu.memref_slice %arg13[%dma_start3A_180, %dma_start3A_181] : memref<16x64xf32, #tpu.memory_space<vmem>> -> memref<1x64xf32, #tpu.memory_space<vmem>>
    %dma_start3A_183 = arith.constant 0 : i32
    %dma_start3A_184 = tpu.memref_slice %arg5[%squeeze3A_174, %dma_start3A_183] : memref<1000000x64xf32, #tpu.memory_space<hbm>> -> memref<1x64xf32, #tpu.memory_space<hbm>>
    tpu.enqueue_dma source(%dma_start3A_184 : memref<1x64xf32, #tpu.memory_space<hbm>>) target(%dma_start3A_182 : memref<1x64xf32, #tpu.memory_space<vmem>>) target_semaphore(%arg18 : memref<!tpu.dma_semaphore, #tpu.memory_space<semaphore_mem>>)
    %slice3A_185 = vector.extract_strided_slice %get3A_3 {offsets = [5], sizes = [1], strides = [1]} : vector<16xi32> to vector<1xi32>
    %squeeze3A_186 = vector.extract %slice3A_185[0] : i32 from vector<1xi32>
    %dma_start3A_187 = arith.constant 5 : i32
    %dma_start3A_188 = arith.constant 0 : i32
    %dma_start3A_189 = tpu.memref_slice %arg11[%dma_start3A_187, %dma_start3A_188] : memref<16x64xf32, #tpu.memory_space<vmem>> -> memref<1x64xf32, #tpu.memory_space<vmem>>
    %dma_start3A_190 = arith.constant 0 : i32
    %dma_start3A_191 = tpu.memref_slice %arg5[%squeeze3A_186, %dma_start3A_190] : memref<1000000x64xf32, #tpu.memory_space<hbm>> -> memref<1x64xf32, #tpu.memory_space<hbm>>
    %dma_start3A_192 = arith.constant 5 : i32
    %dma_start3A_193 = arith.constant 0 : i32
    %dma_start3A_194 = tpu.memref_slice %arg11[%dma_start3A_192, %dma_start3A_193] : memref<16x64xf32, #tpu.memory_space<vmem>> -> memref<1x64xf32, #tpu.memory_space<vmem>>
    %dma_start3A_195 = arith.constant 0 : i32
    %dma_start3A_196 = tpu.memref_slice %arg5[%squeeze3A_186, %dma_start3A_195] : memref<1000000x64xf32, #tpu.memory_space<hbm>> -> memref<1x64xf32, #tpu.memory_space<hbm>>
    tpu.enqueue_dma source(%dma_start3A_196 : memref<1x64xf32, #tpu.memory_space<hbm>>) target(%dma_start3A_194 : memref<1x64xf32, #tpu.memory_space<vmem>>) target_semaphore(%arg18 : memref<!tpu.dma_semaphore, #tpu.memory_space<semaphore_mem>>)
    %slice3A_197 = vector.extract_strided_slice %get3A_5 {offsets = [5], sizes = [1], strides = [1]} : vector<16xi32> to vector<1xi32>
    %squeeze3A_198 = vector.extract %slice3A_197[0] : i32 from vector<1xi32>
    %dma_start3A_199 = arith.constant 5 : i32
    %dma_start3A_200 = arith.constant 0 : i32
    %dma_start3A_201 = tpu.memref_slice %arg12[%dma_start3A_199, %dma_start3A_200] : memref<16x64xf32, #tpu.memory_space<vmem>> -> memref<1x64xf32, #tpu.memory_space<vmem>>
    %dma_start3A_202 = arith.constant 0 : i32
    %dma_start3A_203 = tpu.memref_slice %arg6[%squeeze3A_198, %dma_start3A_202] : memref<1000x64xf32, #tpu.memory_space<hbm>> -> memref<1x64xf32, #tpu.memory_space<hbm>>
    %dma_start3A_204 = arith.constant 5 : i32
    %dma_start3A_205 = arith.constant 0 : i32
    %dma_start3A_206 = tpu.memref_slice %arg12[%dma_start3A_204, %dma_start3A_205] : memref<16x64xf32, #tpu.memory_space<vmem>> -> memref<1x64xf32, #tpu.memory_space<vmem>>
    %dma_start3A_207 = arith.constant 0 : i32
    %dma_start3A_208 = tpu.memref_slice %arg6[%squeeze3A_198, %dma_start3A_207] : memref<1000x64xf32, #tpu.memory_space<hbm>> -> memref<1x64xf32, #tpu.memory_space<hbm>>
    tpu.enqueue_dma source(%dma_start3A_208 : memref<1x64xf32, #tpu.memory_space<hbm>>) target(%dma_start3A_206 : memref<1x64xf32, #tpu.memory_space<vmem>>) target_semaphore(%arg18 : memref<!tpu.dma_semaphore, #tpu.memory_space<semaphore_mem>>)
    %slice3A_209 = vector.extract_strided_slice %get3A_7 {offsets = [5], sizes = [1], strides = [1]} : vector<16xi32> to vector<1xi32>
    %squeeze3A_210 = vector.extract %slice3A_209[0] : i32 from vector<1xi32>
    %dma_start3A_211 = arith.constant 5 : i32
    %dma_start3A_212 = arith.constant 0 : i32
    %dma_start3A_213 = tpu.memref_slice %arg13[%dma_start3A_211, %dma_start3A_212] : memref<16x64xf32, #tpu.memory_space<vmem>> -> memref<1x64xf32, #tpu.memory_space<vmem>>
    %dma_start3A_214 = arith.constant 0 : i32
    %dma_start3A_215 = tpu.memref_slice %arg5[%squeeze3A_210, %dma_start3A_214] : memref<1000000x64xf32, #tpu.memory_space<hbm>> -> memref<1x64xf32, #tpu.memory_space<hbm>>
    %dma_start3A_216 = arith.constant 5 : i32
    %dma_start3A_217 = arith.constant 0 : i32
    %dma_start3A_218 = tpu.memref_slice %arg13[%dma_start3A_216, %dma_start3A_217] : memref<16x64xf32, #tpu.memory_space<vmem>> -> memref<1x64xf32, #tpu.memory_space<vmem>>
    %dma_start3A_219 = arith.constant 0 : i32
    %dma_start3A_220 = tpu.memref_slice %arg5[%squeeze3A_210, %dma_start3A_219] : memref<1000000x64xf32, #tpu.memory_space<hbm>> -> memref<1x64xf32, #tpu.memory_space<hbm>>
    tpu.enqueue_dma source(%dma_start3A_220 : memref<1x64xf32, #tpu.memory_space<hbm>>) target(%dma_start3A_218 : memref<1x64xf32, #tpu.memory_space<vmem>>) target_semaphore(%arg18 : memref<!tpu.dma_semaphore, #tpu.memory_space<semaphore_mem>>)
    %slice3A_221 = vector.extract_strided_slice %get3A_3 {offsets = [6], sizes = [1], strides = [1]} : vector<16xi32> to vector<1xi32>
    %squeeze3A_222 = vector.extract %slice3A_221[0] : i32 from vector<1xi32>
    %dma_start3A_223 = arith.constant 6 : i32
    %dma_start3A_224 = arith.constant 0 : i32
    %dma_start3A_225 = tpu.memref_slice %arg11[%dma_start3A_223, %dma_start3A_224] : memref<16x64xf32, #tpu.memory_space<vmem>> -> memref<1x64xf32, #tpu.memory_space<vmem>>
    %dma_start3A_226 = arith.constant 0 : i32
    %dma_start3A_227 = tpu.memref_slice %arg5[%squeeze3A_222, %dma_start3A_226] : memref<1000000x64xf32, #tpu.memory_space<hbm>> -> memref<1x64xf32, #tpu.memory_space<hbm>>
    %dma_start3A_228 = arith.constant 6 : i32
    %dma_start3A_229 = arith.constant 0 : i32
    %dma_start3A_230 = tpu.memref_slice %arg11[%dma_start3A_228, %dma_start3A_229] : memref<16x64xf32, #tpu.memory_space<vmem>> -> memref<1x64xf32, #tpu.memory_space<vmem>>
    %dma_start3A_231 = arith.constant 0 : i32
    %dma_start3A_232 = tpu.memref_slice %arg5[%squeeze3A_222, %dma_start3A_231] : memref<1000000x64xf32, #tpu.memory_space<hbm>> -> memref<1x64xf32, #tpu.memory_space<hbm>>
    tpu.enqueue_dma source(%dma_start3A_232 : memref<1x64xf32, #tpu.memory_space<hbm>>) target(%dma_start3A_230 : memref<1x64xf32, #tpu.memory_space<vmem>>) target_semaphore(%arg18 : memref<!tpu.dma_semaphore, #tpu.memory_space<semaphore_mem>>)
    %slice3A_233 = vector.extract_strided_slice %get3A_5 {offsets = [6], sizes = [1], strides = [1]} : vector<16xi32> to vector<1xi32>
    %squeeze3A_234 = vector.extract %slice3A_233[0] : i32 from vector<1xi32>
    %dma_start3A_235 = arith.constant 6 : i32
    %dma_start3A_236 = arith.constant 0 : i32
    %dma_start3A_237 = tpu.memref_slice %arg12[%dma_start3A_235, %dma_start3A_236] : memref<16x64xf32, #tpu.memory_space<vmem>> -> memref<1x64xf32, #tpu.memory_space<vmem>>
    %dma_start3A_238 = arith.constant 0 : i32
    %dma_start3A_239 = tpu.memref_slice %arg6[%squeeze3A_234, %dma_start3A_238] : memref<1000x64xf32, #tpu.memory_space<hbm>> -> memref<1x64xf32, #tpu.memory_space<hbm>>
    %dma_start3A_240 = arith.constant 6 : i32
    %dma_start3A_241 = arith.constant 0 : i32
    %dma_start3A_242 = tpu.memref_slice %arg12[%dma_start3A_240, %dma_start3A_241] : memref<16x64xf32, #tpu.memory_space<vmem>> -> memref<1x64xf32, #tpu.memory_space<vmem>>
    %dma_start3A_243 = arith.constant 0 : i32
    %dma_start3A_244 = tpu.memref_slice %arg6[%squeeze3A_234, %dma_start3A_243] : memref<1000x64xf32, #tpu.memory_space<hbm>> -> memref<1x64xf32, #tpu.memory_space<hbm>>
    tpu.enqueue_dma source(%dma_start3A_244 : memref<1x64xf32, #tpu.memory_space<hbm>>) target(%dma_start3A_242 : memref<1x64xf32, #tpu.memory_space<vmem>>) target_semaphore(%arg18 : memref<!tpu.dma_semaphore, #tpu.memory_space<semaphore_mem>>)
    %slice3A_245 = vector.extract_strided_slice %get3A_7 {offsets = [6], sizes = [1], strides = [1]} : vector<16xi32> to vector<1xi32>
    %squeeze3A_246 = vector.extract %slice3A_245[0] : i32 from vector<1xi32>
    %dma_start3A_247 = arith.constant 6 : i32
    %dma_start3A_248 = arith.constant 0 : i32
    %dma_start3A_249 = tpu.memref_slice %arg13[%dma_start3A_247, %dma_start3A_248] : memref<16x64xf32, #tpu.memory_space<vmem>> -> memref<1x64xf32, #tpu.memory_space<vmem>>
    %dma_start3A_250 = arith.constant 0 : i32
    %dma_start3A_251 = tpu.memref_slice %arg5[%squeeze3A_246, %dma_start3A_250] : memref<1000000x64xf32, #tpu.memory_space<hbm>> -> memref<1x64xf32, #tpu.memory_space<hbm>>
    %dma_start3A_252 = arith.constant 6 : i32
    %dma_start3A_253 = arith.constant 0 : i32
    %dma_start3A_254 = tpu.memref_slice %arg13[%dma_start3A_252, %dma_start3A_253] : memref<16x64xf32, #tpu.memory_space<vmem>> -> memref<1x64xf32, #tpu.memory_space<vmem>>
    %dma_start3A_255 = arith.constant 0 : i32
    %dma_start3A_256 = tpu.memref_slice %arg5[%squeeze3A_246, %dma_start3A_255] : memref<1000000x64xf32, #tpu.memory_space<hbm>> -> memref<1x64xf32, #tpu.memory_space<hbm>>
    tpu.enqueue_dma source(%dma_start3A_256 : memref<1x64xf32, #tpu.memory_space<hbm>>) target(%dma_start3A_254 : memref<1x64xf32, #tpu.memory_space<vmem>>) target_semaphore(%arg18 : memref<!tpu.dma_semaphore, #tpu.memory_space<semaphore_mem>>)
    %slice3A_257 = vector.extract_strided_slice %get3A_3 {offsets = [7], sizes = [1], strides = [1]} : vector<16xi32> to vector<1xi32>
    %squeeze3A_258 = vector.extract %slice3A_257[0] : i32 from vector<1xi32>
    %dma_start3A_259 = arith.constant 7 : i32
    %dma_start3A_260 = arith.constant 0 : i32
    %dma_start3A_261 = tpu.memref_slice %arg11[%dma_start3A_259, %dma_start3A_260] : memref<16x64xf32, #tpu.memory_space<vmem>> -> memref<1x64xf32, #tpu.memory_space<vmem>>
    %dma_start3A_262 = arith.constant 0 : i32
    %dma_start3A_263 = tpu.memref_slice %arg5[%squeeze3A_258, %dma_start3A_262] : memref<1000000x64xf32, #tpu.memory_space<hbm>> -> memref<1x64xf32, #tpu.memory_space<hbm>>
    %dma_start3A_264 = arith.constant 7 : i32
    %dma_start3A_265 = arith.constant 0 : i32
    %dma_start3A_266 = tpu.memref_slice %arg11[%dma_start3A_264, %dma_start3A_265] : memref<16x64xf32, #tpu.memory_space<vmem>> -> memref<1x64xf32, #tpu.memory_space<vmem>>
    %dma_start3A_267 = arith.constant 0 : i32
    %dma_start3A_268 = tpu.memref_slice %arg5[%squeeze3A_258, %dma_start3A_267] : memref<1000000x64xf32, #tpu.memory_space<hbm>> -> memref<1x64xf32, #tpu.memory_space<hbm>>
    tpu.enqueue_dma source(%dma_start3A_268 : memref<1x64xf32, #tpu.memory_space<hbm>>) target(%dma_start3A_266 : memref<1x64xf32, #tpu.memory_space<vmem>>) target_semaphore(%arg18 : memref<!tpu.dma_semaphore, #tpu.memory_space<semaphore_mem>>)
    %slice3A_269 = vector.extract_strided_slice %get3A_5 {offsets = [7], sizes = [1], strides = [1]} : vector<16xi32> to vector<1xi32>
    %squeeze3A_270 = vector.extract %slice3A_269[0] : i32 from vector<1xi32>
    %dma_start3A_271 = arith.constant 7 : i32
    %dma_start3A_272 = arith.constant 0 : i32
    %dma_start3A_273 = tpu.memref_slice %arg12[%dma_start3A_271, %dma_start3A_272] : memref<16x64xf32, #tpu.memory_space<vmem>> -> memref<1x64xf32, #tpu.memory_space<vmem>>
    %dma_start3A_274 = arith.constant 0 : i32
    %dma_start3A_275 = tpu.memref_slice %arg6[%squeeze3A_270, %dma_start3A_274] : memref<1000x64xf32, #tpu.memory_space<hbm>> -> memref<1x64xf32, #tpu.memory_space<hbm>>
    %dma_start3A_276 = arith.constant 7 : i32
    %dma_start3A_277 = arith.constant 0 : i32
    %dma_start3A_278 = tpu.memref_slice %arg12[%dma_start3A_276, %dma_start3A_277] : memref<16x64xf32, #tpu.memory_space<vmem>> -> memref<1x64xf32, #tpu.memory_space<vmem>>
    %dma_start3A_279 = arith.constant 0 : i32
    %dma_start3A_280 = tpu.memref_slice %arg6[%squeeze3A_270, %dma_start3A_279] : memref<1000x64xf32, #tpu.memory_space<hbm>> -> memref<1x64xf32, #tpu.memory_space<hbm>>
    tpu.enqueue_dma source(%dma_start3A_280 : memref<1x64xf32, #tpu.memory_space<hbm>>) target(%dma_start3A_278 : memref<1x64xf32, #tpu.memory_space<vmem>>) target_semaphore(%arg18 : memref<!tpu.dma_semaphore, #tpu.memory_space<semaphore_mem>>)
    %slice3A_281 = vector.extract_strided_slice %get3A_7 {offsets = [7], sizes = [1], strides = [1]} : vector<16xi32> to vector<1xi32>
    %squeeze3A_282 = vector.extract %slice3A_281[0] : i32 from vector<1xi32>
    %dma_start3A_283 = arith.constant 7 : i32
    %dma_start3A_284 = arith.constant 0 : i32
    %dma_start3A_285 = tpu.memref_slice %arg13[%dma_start3A_283, %dma_start3A_284] : memref<16x64xf32, #tpu.memory_space<vmem>> -> memref<1x64xf32, #tpu.memory_space<vmem>>
    %dma_start3A_286 = arith.constant 0 : i32
    %dma_start3A_287 = tpu.memref_slice %arg5[%squeeze3A_282, %dma_start3A_286] : memref<1000000x64xf32, #tpu.memory_space<hbm>> -> memref<1x64xf32, #tpu.memory_space<hbm>>
    %dma_start3A_288 = arith.constant 7 : i32
    %dma_start3A_289 = arith.constant 0 : i32
    %dma_start3A_290 = tpu.memref_slice %arg13[%dma_start3A_288, %dma_start3A_289] : memref<16x64xf32, #tpu.memory_space<vmem>> -> memref<1x64xf32, #tpu.memory_space<vmem>>
    %dma_start3A_291 = arith.constant 0 : i32
    %dma_start3A_292 = tpu.memref_slice %arg5[%squeeze3A_282, %dma_start3A_291] : memref<1000000x64xf32, #tpu.memory_space<hbm>> -> memref<1x64xf32, #tpu.memory_space<hbm>>
    tpu.enqueue_dma source(%dma_start3A_292 : memref<1x64xf32, #tpu.memory_space<hbm>>) target(%dma_start3A_290 : memref<1x64xf32, #tpu.memory_space<vmem>>) target_semaphore(%arg18 : memref<!tpu.dma_semaphore, #tpu.memory_space<semaphore_mem>>)
    %slice3A_293 = vector.extract_strided_slice %get3A_3 {offsets = [8], sizes = [1], strides = [1]} : vector<16xi32> to vector<1xi32>
    %squeeze3A_294 = vector.extract %slice3A_293[0] : i32 from vector<1xi32>
    %dma_start3A_295 = arith.constant 8 : i32
    %dma_start3A_296 = arith.constant 0 : i32
    %dma_start3A_297 = tpu.memref_slice %arg11[%dma_start3A_295, %dma_start3A_296] : memref<16x64xf32, #tpu.memory_space<vmem>> -> memref<1x64xf32, #tpu.memory_space<vmem>>
    %dma_start3A_298 = arith.constant 0 : i32
    %dma_start3A_299 = tpu.memref_slice %arg5[%squeeze3A_294, %dma_start3A_298] : memref<1000000x64xf32, #tpu.memory_space<hbm>> -> memref<1x64xf32, #tpu.memory_space<hbm>>
    %dma_start3A_300 = arith.constant 8 : i32
    %dma_start3A_301 = arith.constant 0 : i32
    %dma_start3A_302 = tpu.memref_slice %arg11[%dma_start3A_300, %dma_start3A_301] : memref<16x64xf32, #tpu.memory_space<vmem>> -> memref<1x64xf32, #tpu.memory_space<vmem>>
    %dma_start3A_303 = arith.constant 0 : i32
    %dma_start3A_304 = tpu.memref_slice %arg5[%squeeze3A_294, %dma_start3A_303] : memref<1000000x64xf32, #tpu.memory_space<hbm>> -> memref<1x64xf32, #tpu.memory_space<hbm>>
    tpu.enqueue_dma source(%dma_start3A_304 : memref<1x64xf32, #tpu.memory_space<hbm>>) target(%dma_start3A_302 : memref<1x64xf32, #tpu.memory_space<vmem>>) target_semaphore(%arg18 : memref<!tpu.dma_semaphore, #tpu.memory_space<semaphore_mem>>)
    %slice3A_305 = vector.extract_strided_slice %get3A_5 {offsets = [8], sizes = [1], strides = [1]} : vector<16xi32> to vector<1xi32>
    %squeeze3A_306 = vector.extract %slice3A_305[0] : i32 from vector<1xi32>
    %dma_start3A_307 = arith.constant 8 : i32
    %dma_start3A_308 = arith.constant 0 : i32
    %dma_start3A_309 = tpu.memref_slice %arg12[%dma_start3A_307, %dma_start3A_308] : memref<16x64xf32, #tpu.memory_space<vmem>> -> memref<1x64xf32, #tpu.memory_space<vmem>>
    %dma_start3A_310 = arith.constant 0 : i32
    %dma_start3A_311 = tpu.memref_slice %arg6[%squeeze3A_306, %dma_start3A_310] : memref<1000x64xf32, #tpu.memory_space<hbm>> -> memref<1x64xf32, #tpu.memory_space<hbm>>
    %dma_start3A_312 = arith.constant 8 : i32
    %dma_start3A_313 = arith.constant 0 : i32
    %dma_start3A_314 = tpu.memref_slice %arg12[%dma_start3A_312, %dma_start3A_313] : memref<16x64xf32, #tpu.memory_space<vmem>> -> memref<1x64xf32, #tpu.memory_space<vmem>>
    %dma_start3A_315 = arith.constant 0 : i32
    %dma_start3A_316 = tpu.memref_slice %arg6[%squeeze3A_306, %dma_start3A_315] : memref<1000x64xf32, #tpu.memory_space<hbm>> -> memref<1x64xf32, #tpu.memory_space<hbm>>
    tpu.enqueue_dma source(%dma_start3A_316 : memref<1x64xf32, #tpu.memory_space<hbm>>) target(%dma_start3A_314 : memref<1x64xf32, #tpu.memory_space<vmem>>) target_semaphore(%arg18 : memref<!tpu.dma_semaphore, #tpu.memory_space<semaphore_mem>>)
    %slice3A_317 = vector.extract_strided_slice %get3A_7 {offsets = [8], sizes = [1], strides = [1]} : vector<16xi32> to vector<1xi32>
    %squeeze3A_318 = vector.extract %slice3A_317[0] : i32 from vector<1xi32>
    %dma_start3A_319 = arith.constant 8 : i32
    %dma_start3A_320 = arith.constant 0 : i32
    %dma_start3A_321 = tpu.memref_slice %arg13[%dma_start3A_319, %dma_start3A_320] : memref<16x64xf32, #tpu.memory_space<vmem>> -> memref<1x64xf32, #tpu.memory_space<vmem>>
    %dma_start3A_322 = arith.constant 0 : i32
    %dma_start3A_323 = tpu.memref_slice %arg5[%squeeze3A_318, %dma_start3A_322] : memref<1000000x64xf32, #tpu.memory_space<hbm>> -> memref<1x64xf32, #tpu.memory_space<hbm>>
    %dma_start3A_324 = arith.constant 8 : i32
    %dma_start3A_325 = arith.constant 0 : i32
    %dma_start3A_326 = tpu.memref_slice %arg13[%dma_start3A_324, %dma_start3A_325] : memref<16x64xf32, #tpu.memory_space<vmem>> -> memref<1x64xf32, #tpu.memory_space<vmem>>
    %dma_start3A_327 = arith.constant 0 : i32
    %dma_start3A_328 = tpu.memref_slice %arg5[%squeeze3A_318, %dma_start3A_327] : memref<1000000x64xf32, #tpu.memory_space<hbm>> -> memref<1x64xf32, #tpu.memory_space<hbm>>
    tpu.enqueue_dma source(%dma_start3A_328 : memref<1x64xf32, #tpu.memory_space<hbm>>) target(%dma_start3A_326 : memref<1x64xf32, #tpu.memory_space<vmem>>) target_semaphore(%arg18 : memref<!tpu.dma_semaphore, #tpu.memory_space<semaphore_mem>>)
    %slice3A_329 = vector.extract_strided_slice %get3A_3 {offsets = [9], sizes = [1], strides = [1]} : vector<16xi32> to vector<1xi32>
    %squeeze3A_330 = vector.extract %slice3A_329[0] : i32 from vector<1xi32>
    %dma_start3A_331 = arith.constant 9 : i32
    %dma_start3A_332 = arith.constant 0 : i32
    %dma_start3A_333 = tpu.memref_slice %arg11[%dma_start3A_331, %dma_start3A_332] : memref<16x64xf32, #tpu.memory_space<vmem>> -> memref<1x64xf32, #tpu.memory_space<vmem>>
    %dma_start3A_334 = arith.constant 0 : i32
    %dma_start3A_335 = tpu.memref_slice %arg5[%squeeze3A_330, %dma_start3A_334] : memref<1000000x64xf32, #tpu.memory_space<hbm>> -> memref<1x64xf32, #tpu.memory_space<hbm>>
    %dma_start3A_336 = arith.constant 9 : i32
    %dma_start3A_337 = arith.constant 0 : i32
    %dma_start3A_338 = tpu.memref_slice %arg11[%dma_start3A_336, %dma_start3A_337] : memref<16x64xf32, #tpu.memory_space<vmem>> -> memref<1x64xf32, #tpu.memory_space<vmem>>
    %dma_start3A_339 = arith.constant 0 : i32
    %dma_start3A_340 = tpu.memref_slice %arg5[%squeeze3A_330, %dma_start3A_339] : memref<1000000x64xf32, #tpu.memory_space<hbm>> -> memref<1x64xf32, #tpu.memory_space<hbm>>
    tpu.enqueue_dma source(%dma_start3A_340 : memref<1x64xf32, #tpu.memory_space<hbm>>) target(%dma_start3A_338 : memref<1x64xf32, #tpu.memory_space<vmem>>) target_semaphore(%arg18 : memref<!tpu.dma_semaphore, #tpu.memory_space<semaphore_mem>>)
    %slice3A_341 = vector.extract_strided_slice %get3A_5 {offsets = [9], sizes = [1], strides = [1]} : vector<16xi32> to vector<1xi32>
    %squeeze3A_342 = vector.extract %slice3A_341[0] : i32 from vector<1xi32>
    %dma_start3A_343 = arith.constant 9 : i32
    %dma_start3A_344 = arith.constant 0 : i32
    %dma_start3A_345 = tpu.memref_slice %arg12[%dma_start3A_343, %dma_start3A_344] : memref<16x64xf32, #tpu.memory_space<vmem>> -> memref<1x64xf32, #tpu.memory_space<vmem>>
    %dma_start3A_346 = arith.constant 0 : i32
    %dma_start3A_347 = tpu.memref_slice %arg6[%squeeze3A_342, %dma_start3A_346] : memref<1000x64xf32, #tpu.memory_space<hbm>> -> memref<1x64xf32, #tpu.memory_space<hbm>>
    %dma_start3A_348 = arith.constant 9 : i32
    %dma_start3A_349 = arith.constant 0 : i32
    %dma_start3A_350 = tpu.memref_slice %arg12[%dma_start3A_348, %dma_start3A_349] : memref<16x64xf32, #tpu.memory_space<vmem>> -> memref<1x64xf32, #tpu.memory_space<vmem>>
    %dma_start3A_351 = arith.constant 0 : i32
    %dma_start3A_352 = tpu.memref_slice %arg6[%squeeze3A_342, %dma_start3A_351] : memref<1000x64xf32, #tpu.memory_space<hbm>> -> memref<1x64xf32, #tpu.memory_space<hbm>>
    tpu.enqueue_dma source(%dma_start3A_352 : memref<1x64xf32, #tpu.memory_space<hbm>>) target(%dma_start3A_350 : memref<1x64xf32, #tpu.memory_space<vmem>>) target_semaphore(%arg18 : memref<!tpu.dma_semaphore, #tpu.memory_space<semaphore_mem>>)
    %slice3A_353 = vector.extract_strided_slice %get3A_7 {offsets = [9], sizes = [1], strides = [1]} : vector<16xi32> to vector<1xi32>
    %squeeze3A_354 = vector.extract %slice3A_353[0] : i32 from vector<1xi32>
    %dma_start3A_355 = arith.constant 9 : i32
    %dma_start3A_356 = arith.constant 0 : i32
    %dma_start3A_357 = tpu.memref_slice %arg13[%dma_start3A_355, %dma_start3A_356] : memref<16x64xf32, #tpu.memory_space<vmem>> -> memref<1x64xf32, #tpu.memory_space<vmem>>
    %dma_start3A_358 = arith.constant 0 : i32
    %dma_start3A_359 = tpu.memref_slice %arg5[%squeeze3A_354, %dma_start3A_358] : memref<1000000x64xf32, #tpu.memory_space<hbm>> -> memref<1x64xf32, #tpu.memory_space<hbm>>
    %dma_start3A_360 = arith.constant 9 : i32
    %dma_start3A_361 = arith.constant 0 : i32
    %dma_start3A_362 = tpu.memref_slice %arg13[%dma_start3A_360, %dma_start3A_361] : memref<16x64xf32, #tpu.memory_space<vmem>> -> memref<1x64xf32, #tpu.memory_space<vmem>>
    %dma_start3A_363 = arith.constant 0 : i32
    %dma_start3A_364 = tpu.memref_slice %arg5[%squeeze3A_354, %dma_start3A_363] : memref<1000000x64xf32, #tpu.memory_space<hbm>> -> memref<1x64xf32, #tpu.memory_space<hbm>>
    tpu.enqueue_dma source(%dma_start3A_364 : memref<1x64xf32, #tpu.memory_space<hbm>>) target(%dma_start3A_362 : memref<1x64xf32, #tpu.memory_space<vmem>>) target_semaphore(%arg18 : memref<!tpu.dma_semaphore, #tpu.memory_space<semaphore_mem>>)
    %slice3A_365 = vector.extract_strided_slice %get3A_3 {offsets = [10], sizes = [1], strides = [1]} : vector<16xi32> to vector<1xi32>
    %squeeze3A_366 = vector.extract %slice3A_365[0] : i32 from vector<1xi32>
    %dma_start3A_367 = arith.constant 10 : i32
    %dma_start3A_368 = arith.constant 0 : i32
    %dma_start3A_369 = tpu.memref_slice %arg11[%dma_start3A_367, %dma_start3A_368] : memref<16x64xf32, #tpu.memory_space<vmem>> -> memref<1x64xf32, #tpu.memory_space<vmem>>
    %dma_start3A_370 = arith.constant 0 : i32
    %dma_start3A_371 = tpu.memref_slice %arg5[%squeeze3A_366, %dma_start3A_370] : memref<1000000x64xf32, #tpu.memory_space<hbm>> -> memref<1x64xf32, #tpu.memory_space<hbm>>
    %dma_start3A_372 = arith.constant 10 : i32
    %dma_start3A_373 = arith.constant 0 : i32
    %dma_start3A_374 = tpu.memref_slice %arg11[%dma_start3A_372, %dma_start3A_373] : memref<16x64xf32, #tpu.memory_space<vmem>> -> memref<1x64xf32, #tpu.memory_space<vmem>>
    %dma_start3A_375 = arith.constant 0 : i32
    %dma_start3A_376 = tpu.memref_slice %arg5[%squeeze3A_366, %dma_start3A_375] : memref<1000000x64xf32, #tpu.memory_space<hbm>> -> memref<1x64xf32, #tpu.memory_space<hbm>>
    tpu.enqueue_dma source(%dma_start3A_376 : memref<1x64xf32, #tpu.memory_space<hbm>>) target(%dma_start3A_374 : memref<1x64xf32, #tpu.memory_space<vmem>>) target_semaphore(%arg18 : memref<!tpu.dma_semaphore, #tpu.memory_space<semaphore_mem>>)
    %slice3A_377 = vector.extract_strided_slice %get3A_5 {offsets = [10], sizes = [1], strides = [1]} : vector<16xi32> to vector<1xi32>
    %squeeze3A_378 = vector.extract %slice3A_377[0] : i32 from vector<1xi32>
    %dma_start3A_379 = arith.constant 10 : i32
    %dma_start3A_380 = arith.constant 0 : i32
    %dma_start3A_381 = tpu.memref_slice %arg12[%dma_start3A_379, %dma_start3A_380] : memref<16x64xf32, #tpu.memory_space<vmem>> -> memref<1x64xf32, #tpu.memory_space<vmem>>
    %dma_start3A_382 = arith.constant 0 : i32
    %dma_start3A_383 = tpu.memref_slice %arg6[%squeeze3A_378, %dma_start3A_382] : memref<1000x64xf32, #tpu.memory_space<hbm>> -> memref<1x64xf32, #tpu.memory_space<hbm>>
    %dma_start3A_384 = arith.constant 10 : i32
    %dma_start3A_385 = arith.constant 0 : i32
    %dma_start3A_386 = tpu.memref_slice %arg12[%dma_start3A_384, %dma_start3A_385] : memref<16x64xf32, #tpu.memory_space<vmem>> -> memref<1x64xf32, #tpu.memory_space<vmem>>
    %dma_start3A_387 = arith.constant 0 : i32
    %dma_start3A_388 = tpu.memref_slice %arg6[%squeeze3A_378, %dma_start3A_387] : memref<1000x64xf32, #tpu.memory_space<hbm>> -> memref<1x64xf32, #tpu.memory_space<hbm>>
    tpu.enqueue_dma source(%dma_start3A_388 : memref<1x64xf32, #tpu.memory_space<hbm>>) target(%dma_start3A_386 : memref<1x64xf32, #tpu.memory_space<vmem>>) target_semaphore(%arg18 : memref<!tpu.dma_semaphore, #tpu.memory_space<semaphore_mem>>)
    %slice3A_389 = vector.extract_strided_slice %get3A_7 {offsets = [10], sizes = [1], strides = [1]} : vector<16xi32> to vector<1xi32>
    %squeeze3A_390 = vector.extract %slice3A_389[0] : i32 from vector<1xi32>
    %dma_start3A_391 = arith.constant 10 : i32
    %dma_start3A_392 = arith.constant 0 : i32
    %dma_start3A_393 = tpu.memref_slice %arg13[%dma_start3A_391, %dma_start3A_392] : memref<16x64xf32, #tpu.memory_space<vmem>> -> memref<1x64xf32, #tpu.memory_space<vmem>>
    %dma_start3A_394 = arith.constant 0 : i32
    %dma_start3A_395 = tpu.memref_slice %arg5[%squeeze3A_390, %dma_start3A_394] : memref<1000000x64xf32, #tpu.memory_space<hbm>> -> memref<1x64xf32, #tpu.memory_space<hbm>>
    %dma_start3A_396 = arith.constant 10 : i32
    %dma_start3A_397 = arith.constant 0 : i32
    %dma_start3A_398 = tpu.memref_slice %arg13[%dma_start3A_396, %dma_start3A_397] : memref<16x64xf32, #tpu.memory_space<vmem>> -> memref<1x64xf32, #tpu.memory_space<vmem>>
    %dma_start3A_399 = arith.constant 0 : i32
    %dma_start3A_400 = tpu.memref_slice %arg5[%squeeze3A_390, %dma_start3A_399] : memref<1000000x64xf32, #tpu.memory_space<hbm>> -> memref<1x64xf32, #tpu.memory_space<hbm>>
    tpu.enqueue_dma source(%dma_start3A_400 : memref<1x64xf32, #tpu.memory_space<hbm>>) target(%dma_start3A_398 : memref<1x64xf32, #tpu.memory_space<vmem>>) target_semaphore(%arg18 : memref<!tpu.dma_semaphore, #tpu.memory_space<semaphore_mem>>)
    %slice3A_401 = vector.extract_strided_slice %get3A_3 {offsets = [11], sizes = [1], strides = [1]} : vector<16xi32> to vector<1xi32>
    %squeeze3A_402 = vector.extract %slice3A_401[0] : i32 from vector<1xi32>
    %dma_start3A_403 = arith.constant 11 : i32
    %dma_start3A_404 = arith.constant 0 : i32
    %dma_start3A_405 = tpu.memref_slice %arg11[%dma_start3A_403, %dma_start3A_404] : memref<16x64xf32, #tpu.memory_space<vmem>> -> memref<1x64xf32, #tpu.memory_space<vmem>>
    %dma_start3A_406 = arith.constant 0 : i32
    %dma_start3A_407 = tpu.memref_slice %arg5[%squeeze3A_402, %dma_start3A_406] : memref<1000000x64xf32, #tpu.memory_space<hbm>> -> memref<1x64xf32, #tpu.memory_space<hbm>>
    %dma_start3A_408 = arith.constant 11 : i32
    %dma_start3A_409 = arith.constant 0 : i32
    %dma_start3A_410 = tpu.memref_slice %arg11[%dma_start3A_408, %dma_start3A_409] : memref<16x64xf32, #tpu.memory_space<vmem>> -> memref<1x64xf32, #tpu.memory_space<vmem>>
    %dma_start3A_411 = arith.constant 0 : i32
    %dma_start3A_412 = tpu.memref_slice %arg5[%squeeze3A_402, %dma_start3A_411] : memref<1000000x64xf32, #tpu.memory_space<hbm>> -> memref<1x64xf32, #tpu.memory_space<hbm>>
    tpu.enqueue_dma source(%dma_start3A_412 : memref<1x64xf32, #tpu.memory_space<hbm>>) target(%dma_start3A_410 : memref<1x64xf32, #tpu.memory_space<vmem>>) target_semaphore(%arg18 : memref<!tpu.dma_semaphore, #tpu.memory_space<semaphore_mem>>)
    %slice3A_413 = vector.extract_strided_slice %get3A_5 {offsets = [11], sizes = [1], strides = [1]} : vector<16xi32> to vector<1xi32>
    %squeeze3A_414 = vector.extract %slice3A_413[0] : i32 from vector<1xi32>
    %dma_start3A_415 = arith.constant 11 : i32
    %dma_start3A_416 = arith.constant 0 : i32
    %dma_start3A_417 = tpu.memref_slice %arg12[%dma_start3A_415, %dma_start3A_416] : memref<16x64xf32, #tpu.memory_space<vmem>> -> memref<1x64xf32, #tpu.memory_space<vmem>>
    %dma_start3A_418 = arith.constant 0 : i32
    %dma_start3A_419 = tpu.memref_slice %arg6[%squeeze3A_414, %dma_start3A_418] : memref<1000x64xf32, #tpu.memory_space<hbm>> -> memref<1x64xf32, #tpu.memory_space<hbm>>
    %dma_start3A_420 = arith.constant 11 : i32
    %dma_start3A_421 = arith.constant 0 : i32
    %dma_start3A_422 = tpu.memref_slice %arg12[%dma_start3A_420, %dma_start3A_421] : memref<16x64xf32, #tpu.memory_space<vmem>> -> memref<1x64xf32, #tpu.memory_space<vmem>>
    %dma_start3A_423 = arith.constant 0 : i32
    %dma_start3A_424 = tpu.memref_slice %arg6[%squeeze3A_414, %dma_start3A_423] : memref<1000x64xf32, #tpu.memory_space<hbm>> -> memref<1x64xf32, #tpu.memory_space<hbm>>
    tpu.enqueue_dma source(%dma_start3A_424 : memref<1x64xf32, #tpu.memory_space<hbm>>) target(%dma_start3A_422 : memref<1x64xf32, #tpu.memory_space<vmem>>) target_semaphore(%arg18 : memref<!tpu.dma_semaphore, #tpu.memory_space<semaphore_mem>>)
    %slice3A_425 = vector.extract_strided_slice %get3A_7 {offsets = [11], sizes = [1], strides = [1]} : vector<16xi32> to vector<1xi32>
    %squeeze3A_426 = vector.extract %slice3A_425[0] : i32 from vector<1xi32>
    %dma_start3A_427 = arith.constant 11 : i32
    %dma_start3A_428 = arith.constant 0 : i32
    %dma_start3A_429 = tpu.memref_slice %arg13[%dma_start3A_427, %dma_start3A_428] : memref<16x64xf32, #tpu.memory_space<vmem>> -> memref<1x64xf32, #tpu.memory_space<vmem>>
    %dma_start3A_430 = arith.constant 0 : i32
    %dma_start3A_431 = tpu.memref_slice %arg5[%squeeze3A_426, %dma_start3A_430] : memref<1000000x64xf32, #tpu.memory_space<hbm>> -> memref<1x64xf32, #tpu.memory_space<hbm>>
    %dma_start3A_432 = arith.constant 11 : i32
    %dma_start3A_433 = arith.constant 0 : i32
    %dma_start3A_434 = tpu.memref_slice %arg13[%dma_start3A_432, %dma_start3A_433] : memref<16x64xf32, #tpu.memory_space<vmem>> -> memref<1x64xf32, #tpu.memory_space<vmem>>
    %dma_start3A_435 = arith.constant 0 : i32
    %dma_start3A_436 = tpu.memref_slice %arg5[%squeeze3A_426, %dma_start3A_435] : memref<1000000x64xf32, #tpu.memory_space<hbm>> -> memref<1x64xf32, #tpu.memory_space<hbm>>
    tpu.enqueue_dma source(%dma_start3A_436 : memref<1x64xf32, #tpu.memory_space<hbm>>) target(%dma_start3A_434 : memref<1x64xf32, #tpu.memory_space<vmem>>) target_semaphore(%arg18 : memref<!tpu.dma_semaphore, #tpu.memory_space<semaphore_mem>>)
    %slice3A_437 = vector.extract_strided_slice %get3A_3 {offsets = [12], sizes = [1], strides = [1]} : vector<16xi32> to vector<1xi32>
    %squeeze3A_438 = vector.extract %slice3A_437[0] : i32 from vector<1xi32>
    %dma_start3A_439 = arith.constant 12 : i32
    %dma_start3A_440 = arith.constant 0 : i32
    %dma_start3A_441 = tpu.memref_slice %arg11[%dma_start3A_439, %dma_start3A_440] : memref<16x64xf32, #tpu.memory_space<vmem>> -> memref<1x64xf32, #tpu.memory_space<vmem>>
    %dma_start3A_442 = arith.constant 0 : i32
    %dma_start3A_443 = tpu.memref_slice %arg5[%squeeze3A_438, %dma_start3A_442] : memref<1000000x64xf32, #tpu.memory_space<hbm>> -> memref<1x64xf32, #tpu.memory_space<hbm>>
    %dma_start3A_444 = arith.constant 12 : i32
    %dma_start3A_445 = arith.constant 0 : i32
    %dma_start3A_446 = tpu.memref_slice %arg11[%dma_start3A_444, %dma_start3A_445] : memref<16x64xf32, #tpu.memory_space<vmem>> -> memref<1x64xf32, #tpu.memory_space<vmem>>
    %dma_start3A_447 = arith.constant 0 : i32
    %dma_start3A_448 = tpu.memref_slice %arg5[%squeeze3A_438, %dma_start3A_447] : memref<1000000x64xf32, #tpu.memory_space<hbm>> -> memref<1x64xf32, #tpu.memory_space<hbm>>
    tpu.enqueue_dma source(%dma_start3A_448 : memref<1x64xf32, #tpu.memory_space<hbm>>) target(%dma_start3A_446 : memref<1x64xf32, #tpu.memory_space<vmem>>) target_semaphore(%arg18 : memref<!tpu.dma_semaphore, #tpu.memory_space<semaphore_mem>>)
    %slice3A_449 = vector.extract_strided_slice %get3A_5 {offsets = [12], sizes = [1], strides = [1]} : vector<16xi32> to vector<1xi32>
    %squeeze3A_450 = vector.extract %slice3A_449[0] : i32 from vector<1xi32>
    %dma_start3A_451 = arith.constant 12 : i32
    %dma_start3A_452 = arith.constant 0 : i32
    %dma_start3A_453 = tpu.memref_slice %arg12[%dma_start3A_451, %dma_start3A_452] : memref<16x64xf32, #tpu.memory_space<vmem>> -> memref<1x64xf32, #tpu.memory_space<vmem>>
    %dma_start3A_454 = arith.constant 0 : i32
    %dma_start3A_455 = tpu.memref_slice %arg6[%squeeze3A_450, %dma_start3A_454] : memref<1000x64xf32, #tpu.memory_space<hbm>> -> memref<1x64xf32, #tpu.memory_space<hbm>>
    %dma_start3A_456 = arith.constant 12 : i32
    %dma_start3A_457 = arith.constant 0 : i32
    %dma_start3A_458 = tpu.memref_slice %arg12[%dma_start3A_456, %dma_start3A_457] : memref<16x64xf32, #tpu.memory_space<vmem>> -> memref<1x64xf32, #tpu.memory_space<vmem>>
    %dma_start3A_459 = arith.constant 0 : i32
    %dma_start3A_460 = tpu.memref_slice %arg6[%squeeze3A_450, %dma_start3A_459] : memref<1000x64xf32, #tpu.memory_space<hbm>> -> memref<1x64xf32, #tpu.memory_space<hbm>>
    tpu.enqueue_dma source(%dma_start3A_460 : memref<1x64xf32, #tpu.memory_space<hbm>>) target(%dma_start3A_458 : memref<1x64xf32, #tpu.memory_space<vmem>>) target_semaphore(%arg18 : memref<!tpu.dma_semaphore, #tpu.memory_space<semaphore_mem>>)
    %slice3A_461 = vector.extract_strided_slice %get3A_7 {offsets = [12], sizes = [1], strides = [1]} : vector<16xi32> to vector<1xi32>
    %squeeze3A_462 = vector.extract %slice3A_461[0] : i32 from vector<1xi32>
    %dma_start3A_463 = arith.constant 12 : i32
    %dma_start3A_464 = arith.constant 0 : i32
    %dma_start3A_465 = tpu.memref_slice %arg13[%dma_start3A_463, %dma_start3A_464] : memref<16x64xf32, #tpu.memory_space<vmem>> -> memref<1x64xf32, #tpu.memory_space<vmem>>
    %dma_start3A_466 = arith.constant 0 : i32
    %dma_start3A_467 = tpu.memref_slice %arg5[%squeeze3A_462, %dma_start3A_466] : memref<1000000x64xf32, #tpu.memory_space<hbm>> -> memref<1x64xf32, #tpu.memory_space<hbm>>
    %dma_start3A_468 = arith.constant 12 : i32
    %dma_start3A_469 = arith.constant 0 : i32
    %dma_start3A_470 = tpu.memref_slice %arg13[%dma_start3A_468, %dma_start3A_469] : memref<16x64xf32, #tpu.memory_space<vmem>> -> memref<1x64xf32, #tpu.memory_space<vmem>>
    %dma_start3A_471 = arith.constant 0 : i32
    %dma_start3A_472 = tpu.memref_slice %arg5[%squeeze3A_462, %dma_start3A_471] : memref<1000000x64xf32, #tpu.memory_space<hbm>> -> memref<1x64xf32, #tpu.memory_space<hbm>>
    tpu.enqueue_dma source(%dma_start3A_472 : memref<1x64xf32, #tpu.memory_space<hbm>>) target(%dma_start3A_470 : memref<1x64xf32, #tpu.memory_space<vmem>>) target_semaphore(%arg18 : memref<!tpu.dma_semaphore, #tpu.memory_space<semaphore_mem>>)
    %slice3A_473 = vector.extract_strided_slice %get3A_3 {offsets = [13], sizes = [1], strides = [1]} : vector<16xi32> to vector<1xi32>
    %squeeze3A_474 = vector.extract %slice3A_473[0] : i32 from vector<1xi32>
    %dma_start3A_475 = arith.constant 13 : i32
    %dma_start3A_476 = arith.constant 0 : i32
    %dma_start3A_477 = tpu.memref_slice %arg11[%dma_start3A_475, %dma_start3A_476] : memref<16x64xf32, #tpu.memory_space<vmem>> -> memref<1x64xf32, #tpu.memory_space<vmem>>
    %dma_start3A_478 = arith.constant 0 : i32
    %dma_start3A_479 = tpu.memref_slice %arg5[%squeeze3A_474, %dma_start3A_478] : memref<1000000x64xf32, #tpu.memory_space<hbm>> -> memref<1x64xf32, #tpu.memory_space<hbm>>
    %dma_start3A_480 = arith.constant 13 : i32
    %dma_start3A_481 = arith.constant 0 : i32
    %dma_start3A_482 = tpu.memref_slice %arg11[%dma_start3A_480, %dma_start3A_481] : memref<16x64xf32, #tpu.memory_space<vmem>> -> memref<1x64xf32, #tpu.memory_space<vmem>>
    %dma_start3A_483 = arith.constant 0 : i32
    %dma_start3A_484 = tpu.memref_slice %arg5[%squeeze3A_474, %dma_start3A_483] : memref<1000000x64xf32, #tpu.memory_space<hbm>> -> memref<1x64xf32, #tpu.memory_space<hbm>>
    tpu.enqueue_dma source(%dma_start3A_484 : memref<1x64xf32, #tpu.memory_space<hbm>>) target(%dma_start3A_482 : memref<1x64xf32, #tpu.memory_space<vmem>>) target_semaphore(%arg18 : memref<!tpu.dma_semaphore, #tpu.memory_space<semaphore_mem>>)
    %slice3A_485 = vector.extract_strided_slice %get3A_5 {offsets = [13], sizes = [1], strides = [1]} : vector<16xi32> to vector<1xi32>
    %squeeze3A_486 = vector.extract %slice3A_485[0] : i32 from vector<1xi32>
    %dma_start3A_487 = arith.constant 13 : i32
    %dma_start3A_488 = arith.constant 0 : i32
    %dma_start3A_489 = tpu.memref_slice %arg12[%dma_start3A_487, %dma_start3A_488] : memref<16x64xf32, #tpu.memory_space<vmem>> -> memref<1x64xf32, #tpu.memory_space<vmem>>
    %dma_start3A_490 = arith.constant 0 : i32
    %dma_start3A_491 = tpu.memref_slice %arg6[%squeeze3A_486, %dma_start3A_490] : memref<1000x64xf32, #tpu.memory_space<hbm>> -> memref<1x64xf32, #tpu.memory_space<hbm>>
    %dma_start3A_492 = arith.constant 13 : i32
    %dma_start3A_493 = arith.constant 0 : i32
    %dma_start3A_494 = tpu.memref_slice %arg12[%dma_start3A_492, %dma_start3A_493] : memref<16x64xf32, #tpu.memory_space<vmem>> -> memref<1x64xf32, #tpu.memory_space<vmem>>
    %dma_start3A_495 = arith.constant 0 : i32
    %dma_start3A_496 = tpu.memref_slice %arg6[%squeeze3A_486, %dma_start3A_495] : memref<1000x64xf32, #tpu.memory_space<hbm>> -> memref<1x64xf32, #tpu.memory_space<hbm>>
    tpu.enqueue_dma source(%dma_start3A_496 : memref<1x64xf32, #tpu.memory_space<hbm>>) target(%dma_start3A_494 : memref<1x64xf32, #tpu.memory_space<vmem>>) target_semaphore(%arg18 : memref<!tpu.dma_semaphore, #tpu.memory_space<semaphore_mem>>)
    %slice3A_497 = vector.extract_strided_slice %get3A_7 {offsets = [13], sizes = [1], strides = [1]} : vector<16xi32> to vector<1xi32>
    %squeeze3A_498 = vector.extract %slice3A_497[0] : i32 from vector<1xi32>
    %dma_start3A_499 = arith.constant 13 : i32
    %dma_start3A_500 = arith.constant 0 : i32
    %dma_start3A_501 = tpu.memref_slice %arg13[%dma_start3A_499, %dma_start3A_500] : memref<16x64xf32, #tpu.memory_space<vmem>> -> memref<1x64xf32, #tpu.memory_space<vmem>>
    %dma_start3A_502 = arith.constant 0 : i32
    %dma_start3A_503 = tpu.memref_slice %arg5[%squeeze3A_498, %dma_start3A_502] : memref<1000000x64xf32, #tpu.memory_space<hbm>> -> memref<1x64xf32, #tpu.memory_space<hbm>>
    %dma_start3A_504 = arith.constant 13 : i32
    %dma_start3A_505 = arith.constant 0 : i32
    %dma_start3A_506 = tpu.memref_slice %arg13[%dma_start3A_504, %dma_start3A_505] : memref<16x64xf32, #tpu.memory_space<vmem>> -> memref<1x64xf32, #tpu.memory_space<vmem>>
    %dma_start3A_507 = arith.constant 0 : i32
    %dma_start3A_508 = tpu.memref_slice %arg5[%squeeze3A_498, %dma_start3A_507] : memref<1000000x64xf32, #tpu.memory_space<hbm>> -> memref<1x64xf32, #tpu.memory_space<hbm>>
    tpu.enqueue_dma source(%dma_start3A_508 : memref<1x64xf32, #tpu.memory_space<hbm>>) target(%dma_start3A_506 : memref<1x64xf32, #tpu.memory_space<vmem>>) target_semaphore(%arg18 : memref<!tpu.dma_semaphore, #tpu.memory_space<semaphore_mem>>)
    %slice3A_509 = vector.extract_strided_slice %get3A_3 {offsets = [14], sizes = [1], strides = [1]} : vector<16xi32> to vector<1xi32>
    %squeeze3A_510 = vector.extract %slice3A_509[0] : i32 from vector<1xi32>
    %dma_start3A_511 = arith.constant 14 : i32
    %dma_start3A_512 = arith.constant 0 : i32
    %dma_start3A_513 = tpu.memref_slice %arg11[%dma_start3A_511, %dma_start3A_512] : memref<16x64xf32, #tpu.memory_space<vmem>> -> memref<1x64xf32, #tpu.memory_space<vmem>>
    %dma_start3A_514 = arith.constant 0 : i32
    %dma_start3A_515 = tpu.memref_slice %arg5[%squeeze3A_510, %dma_start3A_514] : memref<1000000x64xf32, #tpu.memory_space<hbm>> -> memref<1x64xf32, #tpu.memory_space<hbm>>
    %dma_start3A_516 = arith.constant 14 : i32
    %dma_start3A_517 = arith.constant 0 : i32
    %dma_start3A_518 = tpu.memref_slice %arg11[%dma_start3A_516, %dma_start3A_517] : memref<16x64xf32, #tpu.memory_space<vmem>> -> memref<1x64xf32, #tpu.memory_space<vmem>>
    %dma_start3A_519 = arith.constant 0 : i32
    %dma_start3A_520 = tpu.memref_slice %arg5[%squeeze3A_510, %dma_start3A_519] : memref<1000000x64xf32, #tpu.memory_space<hbm>> -> memref<1x64xf32, #tpu.memory_space<hbm>>
    tpu.enqueue_dma source(%dma_start3A_520 : memref<1x64xf32, #tpu.memory_space<hbm>>) target(%dma_start3A_518 : memref<1x64xf32, #tpu.memory_space<vmem>>) target_semaphore(%arg18 : memref<!tpu.dma_semaphore, #tpu.memory_space<semaphore_mem>>)
    %slice3A_521 = vector.extract_strided_slice %get3A_5 {offsets = [14], sizes = [1], strides = [1]} : vector<16xi32> to vector<1xi32>
    %squeeze3A_522 = vector.extract %slice3A_521[0] : i32 from vector<1xi32>
    %dma_start3A_523 = arith.constant 14 : i32
    %dma_start3A_524 = arith.constant 0 : i32
    %dma_start3A_525 = tpu.memref_slice %arg12[%dma_start3A_523, %dma_start3A_524] : memref<16x64xf32, #tpu.memory_space<vmem>> -> memref<1x64xf32, #tpu.memory_space<vmem>>
    %dma_start3A_526 = arith.constant 0 : i32
    %dma_start3A_527 = tpu.memref_slice %arg6[%squeeze3A_522, %dma_start3A_526] : memref<1000x64xf32, #tpu.memory_space<hbm>> -> memref<1x64xf32, #tpu.memory_space<hbm>>
    %dma_start3A_528 = arith.constant 14 : i32
    %dma_start3A_529 = arith.constant 0 : i32
    %dma_start3A_530 = tpu.memref_slice %arg12[%dma_start3A_528, %dma_start3A_529] : memref<16x64xf32, #tpu.memory_space<vmem>> -> memref<1x64xf32, #tpu.memory_space<vmem>>
    %dma_start3A_531 = arith.constant 0 : i32
    %dma_start3A_532 = tpu.memref_slice %arg6[%squeeze3A_522, %dma_start3A_531] : memref<1000x64xf32, #tpu.memory_space<hbm>> -> memref<1x64xf32, #tpu.memory_space<hbm>>
    tpu.enqueue_dma source(%dma_start3A_532 : memref<1x64xf32, #tpu.memory_space<hbm>>) target(%dma_start3A_530 : memref<1x64xf32, #tpu.memory_space<vmem>>) target_semaphore(%arg18 : memref<!tpu.dma_semaphore, #tpu.memory_space<semaphore_mem>>)
    %slice3A_533 = vector.extract_strided_slice %get3A_7 {offsets = [14], sizes = [1], strides = [1]} : vector<16xi32> to vector<1xi32>
    %squeeze3A_534 = vector.extract %slice3A_533[0] : i32 from vector<1xi32>
    %dma_start3A_535 = arith.constant 14 : i32
    %dma_start3A_536 = arith.constant 0 : i32
    %dma_start3A_537 = tpu.memref_slice %arg13[%dma_start3A_535, %dma_start3A_536] : memref<16x64xf32, #tpu.memory_space<vmem>> -> memref<1x64xf32, #tpu.memory_space<vmem>>
    %dma_start3A_538 = arith.constant 0 : i32
    %dma_start3A_539 = tpu.memref_slice %arg5[%squeeze3A_534, %dma_start3A_538] : memref<1000000x64xf32, #tpu.memory_space<hbm>> -> memref<1x64xf32, #tpu.memory_space<hbm>>
    %dma_start3A_540 = arith.constant 14 : i32
    %dma_start3A_541 = arith.constant 0 : i32
    %dma_start3A_542 = tpu.memref_slice %arg13[%dma_start3A_540, %dma_start3A_541] : memref<16x64xf32, #tpu.memory_space<vmem>> -> memref<1x64xf32, #tpu.memory_space<vmem>>
    %dma_start3A_543 = arith.constant 0 : i32
    %dma_start3A_544 = tpu.memref_slice %arg5[%squeeze3A_534, %dma_start3A_543] : memref<1000000x64xf32, #tpu.memory_space<hbm>> -> memref<1x64xf32, #tpu.memory_space<hbm>>
    tpu.enqueue_dma source(%dma_start3A_544 : memref<1x64xf32, #tpu.memory_space<hbm>>) target(%dma_start3A_542 : memref<1x64xf32, #tpu.memory_space<vmem>>) target_semaphore(%arg18 : memref<!tpu.dma_semaphore, #tpu.memory_space<semaphore_mem>>)
    %slice3A_545 = vector.extract_strided_slice %get3A_3 {offsets = [15], sizes = [1], strides = [1]} : vector<16xi32> to vector<1xi32>
    %squeeze3A_546 = vector.extract %slice3A_545[0] : i32 from vector<1xi32>
    %dma_start3A_547 = arith.constant 15 : i32
    %dma_start3A_548 = arith.constant 0 : i32
    %dma_start3A_549 = tpu.memref_slice %arg11[%dma_start3A_547, %dma_start3A_548] : memref<16x64xf32, #tpu.memory_space<vmem>> -> memref<1x64xf32, #tpu.memory_space<vmem>>
    %dma_start3A_550 = arith.constant 0 : i32
    %dma_start3A_551 = tpu.memref_slice %arg5[%squeeze3A_546, %dma_start3A_550] : memref<1000000x64xf32, #tpu.memory_space<hbm>> -> memref<1x64xf32, #tpu.memory_space<hbm>>
    %dma_start3A_552 = arith.constant 15 : i32
    %dma_start3A_553 = arith.constant 0 : i32
    %dma_start3A_554 = tpu.memref_slice %arg11[%dma_start3A_552, %dma_start3A_553] : memref<16x64xf32, #tpu.memory_space<vmem>> -> memref<1x64xf32, #tpu.memory_space<vmem>>
    %dma_start3A_555 = arith.constant 0 : i32
    %dma_start3A_556 = tpu.memref_slice %arg5[%squeeze3A_546, %dma_start3A_555] : memref<1000000x64xf32, #tpu.memory_space<hbm>> -> memref<1x64xf32, #tpu.memory_space<hbm>>
    tpu.enqueue_dma source(%dma_start3A_556 : memref<1x64xf32, #tpu.memory_space<hbm>>) target(%dma_start3A_554 : memref<1x64xf32, #tpu.memory_space<vmem>>) target_semaphore(%arg18 : memref<!tpu.dma_semaphore, #tpu.memory_space<semaphore_mem>>)
    %slice3A_557 = vector.extract_strided_slice %get3A_5 {offsets = [15], sizes = [1], strides = [1]} : vector<16xi32> to vector<1xi32>
    %squeeze3A_558 = vector.extract %slice3A_557[0] : i32 from vector<1xi32>
    %dma_start3A_559 = arith.constant 15 : i32
    %dma_start3A_560 = arith.constant 0 : i32
    %dma_start3A_561 = tpu.memref_slice %arg12[%dma_start3A_559, %dma_start3A_560] : memref<16x64xf32, #tpu.memory_space<vmem>> -> memref<1x64xf32, #tpu.memory_space<vmem>>
    %dma_start3A_562 = arith.constant 0 : i32
    %dma_start3A_563 = tpu.memref_slice %arg6[%squeeze3A_558, %dma_start3A_562] : memref<1000x64xf32, #tpu.memory_space<hbm>> -> memref<1x64xf32, #tpu.memory_space<hbm>>
    %dma_start3A_564 = arith.constant 15 : i32
    %dma_start3A_565 = arith.constant 0 : i32
    %dma_start3A_566 = tpu.memref_slice %arg12[%dma_start3A_564, %dma_start3A_565] : memref<16x64xf32, #tpu.memory_space<vmem>> -> memref<1x64xf32, #tpu.memory_space<vmem>>
    %dma_start3A_567 = arith.constant 0 : i32
    %dma_start3A_568 = tpu.memref_slice %arg6[%squeeze3A_558, %dma_start3A_567] : memref<1000x64xf32, #tpu.memory_space<hbm>> -> memref<1x64xf32, #tpu.memory_space<hbm>>
    tpu.enqueue_dma source(%dma_start3A_568 : memref<1x64xf32, #tpu.memory_space<hbm>>) target(%dma_start3A_566 : memref<1x64xf32, #tpu.memory_space<vmem>>) target_semaphore(%arg18 : memref<!tpu.dma_semaphore, #tpu.memory_space<semaphore_mem>>)
    %slice3A_569 = vector.extract_strided_slice %get3A_7 {offsets = [15], sizes = [1], strides = [1]} : vector<16xi32> to vector<1xi32>
    %squeeze3A_570 = vector.extract %slice3A_569[0] : i32 from vector<1xi32>
    %dma_start3A_571 = arith.constant 15 : i32
    %dma_start3A_572 = arith.constant 0 : i32
    %dma_start3A_573 = tpu.memref_slice %arg13[%dma_start3A_571, %dma_start3A_572] : memref<16x64xf32, #tpu.memory_space<vmem>> -> memref<1x64xf32, #tpu.memory_space<vmem>>
    %dma_start3A_574 = arith.constant 0 : i32
    %dma_start3A_575 = tpu.memref_slice %arg5[%squeeze3A_570, %dma_start3A_574] : memref<1000000x64xf32, #tpu.memory_space<hbm>> -> memref<1x64xf32, #tpu.memory_space<hbm>>
    %dma_start3A_576 = arith.constant 15 : i32
    %dma_start3A_577 = arith.constant 0 : i32
    %dma_start3A_578 = tpu.memref_slice %arg13[%dma_start3A_576, %dma_start3A_577] : memref<16x64xf32, #tpu.memory_space<vmem>> -> memref<1x64xf32, #tpu.memory_space<vmem>>
    %dma_start3A_579 = arith.constant 0 : i32
    %dma_start3A_580 = tpu.memref_slice %arg5[%squeeze3A_570, %dma_start3A_579] : memref<1000000x64xf32, #tpu.memory_space<hbm>> -> memref<1x64xf32, #tpu.memory_space<hbm>>
    tpu.enqueue_dma source(%dma_start3A_580 : memref<1x64xf32, #tpu.memory_space<hbm>>) target(%dma_start3A_578 : memref<1x64xf32, #tpu.memory_space<vmem>>) target_semaphore(%arg18 : memref<!tpu.dma_semaphore, #tpu.memory_space<semaphore_mem>>)
    %scan3A = arith.constant 0 : i32
    %scan3A_581 = arith.constant 0 : i32
    %scan3A_582 = arith.constant 16 : i32
    %scan3A_583 = arith.addi %scan3A_581, %scan3A_582 : i32
    %scan3A_584 = arith.constant 1 : i32
    scf.for %scan3A_603 = %scan3A_581 to %scan3A_583 step %scan3A_584  : i32 {
      %mul3A_604 = arith.constant 2 : i32
      %mul3A_605 = arith.muli %mul3A_604, %scan3A_603 : i32
      %add3A_606 = arith.constant 1 : i32
      %add3A_607 = arith.addi %mul3A_605, %add3A_606 : i32
      %mul3A_608 = arith.constant 16 : i32
      %mul3A_609 = arith.muli %add3A_607, %mul3A_608 : i32
      %get3A_610 = arith.index_cast %mul3A_609 : i32 to index
      %get3A_611 = tpu.vector_load %arg8[%get3A_610] {strides = array<i32>} : memref<512xi32, #tpu.memory_space<vmem>>, vector<16xi32>,
      %get3A_612 = arith.index_cast %mul3A_609 : i32 to index
      %get3A_613 = tpu.vector_load %arg9[%get3A_612] {strides = array<i32>} : memref<512xi32, #tpu.memory_space<vmem>>, vector<16xi32>,
      %get3A_614 = arith.index_cast %mul3A_609 : i32 to index
      %get3A_615 = tpu.vector_load %arg10[%get3A_614] {strides = array<i32>} : memref<512xi32, #tpu.memory_space<vmem>>, vector<16xi32>,
      %slice3A_616 = vector.extract_strided_slice %get3A_611 {offsets = [0], sizes = [1], strides = [1]} : vector<16xi32> to vector<1xi32>
      %squeeze3A_617 = vector.extract %slice3A_616[0] : i32 from vector<1xi32>
      %dma_start3A_618 = arith.constant 0 : i32
      %dma_start3A_619 = arith.constant 0 : i32
      %dma_start3A_620 = tpu.memref_slice %arg14[%dma_start3A_618, %dma_start3A_619] : memref<16x64xf32, #tpu.memory_space<vmem>> -> memref<1x64xf32, #tpu.memory_space<vmem>>
      %dma_start3A_621 = arith.constant 0 : i32
      %dma_start3A_622 = tpu.memref_slice %arg5[%squeeze3A_617, %dma_start3A_621] : memref<1000000x64xf32, #tpu.memory_space<hbm>> -> memref<1x64xf32, #tpu.memory_space<hbm>>
      %dma_start3A_623 = arith.constant 0 : i32
      %dma_start3A_624 = arith.constant 0 : i32
      %dma_start3A_625 = tpu.memref_slice %arg14[%dma_start3A_623, %dma_start3A_624] : memref<16x64xf32, #tpu.memory_space<vmem>> -> memref<1x64xf32, #tpu.memory_space<vmem>>
      %dma_start3A_626 = arith.constant 0 : i32
      %dma_start3A_627 = tpu.memref_slice %arg5[%squeeze3A_617, %dma_start3A_626] : memref<1000000x64xf32, #tpu.memory_space<hbm>> -> memref<1x64xf32, #tpu.memory_space<hbm>>
      tpu.enqueue_dma source(%dma_start3A_627 : memref<1x64xf32, #tpu.memory_space<hbm>>) target(%dma_start3A_625 : memref<1x64xf32, #tpu.memory_space<vmem>>) target_semaphore(%arg19 : memref<!tpu.dma_semaphore, #tpu.memory_space<semaphore_mem>>)
      %slice3A_628 = vector.extract_strided_slice %get3A_613 {offsets = [0], sizes = [1], strides = [1]} : vector<16xi32> to vector<1xi32>
      %squeeze3A_629 = vector.extract %slice3A_628[0] : i32 from vector<1xi32>
      %dma_start3A_630 = arith.constant 0 : i32
      %dma_start3A_631 = arith.constant 0 : i32
      %dma_start3A_632 = tpu.memref_slice %arg15[%dma_start3A_630, %dma_start3A_631] : memref<16x64xf32, #tpu.memory_space<vmem>> -> memref<1x64xf32, #tpu.memory_space<vmem>>
      %dma_start3A_633 = arith.constant 0 : i32
      %dma_start3A_634 = tpu.memref_slice %arg6[%squeeze3A_629, %dma_start3A_633] : memref<1000x64xf32, #tpu.memory_space<hbm>> -> memref<1x64xf32, #tpu.memory_space<hbm>>
      %dma_start3A_635 = arith.constant 0 : i32
      %dma_start3A_636 = arith.constant 0 : i32
      %dma_start3A_637 = tpu.memref_slice %arg15[%dma_start3A_635, %dma_start3A_636] : memref<16x64xf32, #tpu.memory_space<vmem>> -> memref<1x64xf32, #tpu.memory_space<vmem>>
      %dma_start3A_638 = arith.constant 0 : i32
      %dma_start3A_639 = tpu.memref_slice %arg6[%squeeze3A_629, %dma_start3A_638] : memref<1000x64xf32, #tpu.memory_space<hbm>> -> memref<1x64xf32, #tpu.memory_space<hbm>>
      tpu.enqueue_dma source(%dma_start3A_639 : memref<1x64xf32, #tpu.memory_space<hbm>>) target(%dma_start3A_637 : memref<1x64xf32, #tpu.memory_space<vmem>>) target_semaphore(%arg19 : memref<!tpu.dma_semaphore, #tpu.memory_space<semaphore_mem>>)
      %slice3A_640 = vector.extract_strided_slice %get3A_615 {offsets = [0], sizes = [1], strides = [1]} : vector<16xi32> to vector<1xi32>
      %squeeze3A_641 = vector.extract %slice3A_640[0] : i32 from vector<1xi32>
      %dma_start3A_642 = arith.constant 0 : i32
      %dma_start3A_643 = arith.constant 0 : i32
      %dma_start3A_644 = tpu.memref_slice %arg16[%dma_start3A_642, %dma_start3A_643] : memref<16x64xf32, #tpu.memory_space<vmem>> -> memref<1x64xf32, #tpu.memory_space<vmem>>
      %dma_start3A_645 = arith.constant 0 : i32
      %dma_start3A_646 = tpu.memref_slice %arg5[%squeeze3A_641, %dma_start3A_645] : memref<1000000x64xf32, #tpu.memory_space<hbm>> -> memref<1x64xf32, #tpu.memory_space<hbm>>
      %dma_start3A_647 = arith.constant 0 : i32
      %dma_start3A_648 = arith.constant 0 : i32
      %dma_start3A_649 = tpu.memref_slice %arg16[%dma_start3A_647, %dma_start3A_648] : memref<16x64xf32, #tpu.memory_space<vmem>> -> memref<1x64xf32, #tpu.memory_space<vmem>>
      %dma_start3A_650 = arith.constant 0 : i32
      %dma_start3A_651 = tpu.memref_slice %arg5[%squeeze3A_641, %dma_start3A_650] : memref<1000000x64xf32, #tpu.memory_space<hbm>> -> memref<1x64xf32, #tpu.memory_space<hbm>>
      tpu.enqueue_dma source(%dma_start3A_651 : memref<1x64xf32, #tpu.memory_space<hbm>>) target(%dma_start3A_649 : memref<1x64xf32, #tpu.memory_space<vmem>>) target_semaphore(%arg19 : memref<!tpu.dma_semaphore, #tpu.memory_space<semaphore_mem>>)
      %slice3A_652 = vector.extract_strided_slice %get3A_611 {offsets = [1], sizes = [1], strides = [1]} : vector<16xi32> to vector<1xi32>
      %squeeze3A_653 = vector.extract %slice3A_652[0] : i32 from vector<1xi32>
      %dma_start3A_654 = arith.constant 1 : i32
      %dma_start3A_655 = arith.constant 0 : i32
      %dma_start3A_656 = tpu.memref_slice %arg14[%dma_start3A_654, %dma_start3A_655] : memref<16x64xf32, #tpu.memory_space<vmem>> -> memref<1x64xf32, #tpu.memory_space<vmem>>
      %dma_start3A_657 = arith.constant 0 : i32
      %dma_start3A_658 = tpu.memref_slice %arg5[%squeeze3A_653, %dma_start3A_657] : memref<1000000x64xf32, #tpu.memory_space<hbm>> -> memref<1x64xf32, #tpu.memory_space<hbm>>
      %dma_start3A_659 = arith.constant 1 : i32
      %dma_start3A_660 = arith.constant 0 : i32
      %dma_start3A_661 = tpu.memref_slice %arg14[%dma_start3A_659, %dma_start3A_660] : memref<16x64xf32, #tpu.memory_space<vmem>> -> memref<1x64xf32, #tpu.memory_space<vmem>>
      %dma_start3A_662 = arith.constant 0 : i32
      %dma_start3A_663 = tpu.memref_slice %arg5[%squeeze3A_653, %dma_start3A_662] : memref<1000000x64xf32, #tpu.memory_space<hbm>> -> memref<1x64xf32, #tpu.memory_space<hbm>>
      tpu.enqueue_dma source(%dma_start3A_663 : memref<1x64xf32, #tpu.memory_space<hbm>>) target(%dma_start3A_661 : memref<1x64xf32, #tpu.memory_space<vmem>>) target_semaphore(%arg19 : memref<!tpu.dma_semaphore, #tpu.memory_space<semaphore_mem>>)
      %slice3A_664 = vector.extract_strided_slice %get3A_613 {offsets = [1], sizes = [1], strides = [1]} : vector<16xi32> to vector<1xi32>
      %squeeze3A_665 = vector.extract %slice3A_664[0] : i32 from vector<1xi32>
      %dma_start3A_666 = arith.constant 1 : i32
      %dma_start3A_667 = arith.constant 0 : i32
      %dma_start3A_668 = tpu.memref_slice %arg15[%dma_start3A_666, %dma_start3A_667] : memref<16x64xf32, #tpu.memory_space<vmem>> -> memref<1x64xf32, #tpu.memory_space<vmem>>
      %dma_start3A_669 = arith.constant 0 : i32
      %dma_start3A_670 = tpu.memref_slice %arg6[%squeeze3A_665, %dma_start3A_669] : memref<1000x64xf32, #tpu.memory_space<hbm>> -> memref<1x64xf32, #tpu.memory_space<hbm>>
      %dma_start3A_671 = arith.constant 1 : i32
      %dma_start3A_672 = arith.constant 0 : i32
      %dma_start3A_673 = tpu.memref_slice %arg15[%dma_start3A_671, %dma_start3A_672] : memref<16x64xf32, #tpu.memory_space<vmem>> -> memref<1x64xf32, #tpu.memory_space<vmem>>
      %dma_start3A_674 = arith.constant 0 : i32
      %dma_start3A_675 = tpu.memref_slice %arg6[%squeeze3A_665, %dma_start3A_674] : memref<1000x64xf32, #tpu.memory_space<hbm>> -> memref<1x64xf32, #tpu.memory_space<hbm>>
      tpu.enqueue_dma source(%dma_start3A_675 : memref<1x64xf32, #tpu.memory_space<hbm>>) target(%dma_start3A_673 : memref<1x64xf32, #tpu.memory_space<vmem>>) target_semaphore(%arg19 : memref<!tpu.dma_semaphore, #tpu.memory_space<semaphore_mem>>)
      %slice3A_676 = vector.extract_strided_slice %get3A_615 {offsets = [1], sizes = [1], strides = [1]} : vector<16xi32> to vector<1xi32>
      %squeeze3A_677 = vector.extract %slice3A_676[0] : i32 from vector<1xi32>
      %dma_start3A_678 = arith.constant 1 : i32
      %dma_start3A_679 = arith.constant 0 : i32
      %dma_start3A_680 = tpu.memref_slice %arg16[%dma_start3A_678, %dma_start3A_679] : memref<16x64xf32, #tpu.memory_space<vmem>> -> memref<1x64xf32, #tpu.memory_space<vmem>>
      %dma_start3A_681 = arith.constant 0 : i32
      %dma_start3A_682 = tpu.memref_slice %arg5[%squeeze3A_677, %dma_start3A_681] : memref<1000000x64xf32, #tpu.memory_space<hbm>> -> memref<1x64xf32, #tpu.memory_space<hbm>>
      %dma_start3A_683 = arith.constant 1 : i32
      %dma_start3A_684 = arith.constant 0 : i32
      %dma_start3A_685 = tpu.memref_slice %arg16[%dma_start3A_683, %dma_start3A_684] : memref<16x64xf32, #tpu.memory_space<vmem>> -> memref<1x64xf32, #tpu.memory_space<vmem>>
      %dma_start3A_686 = arith.constant 0 : i32
      %dma_start3A_687 = tpu.memref_slice %arg5[%squeeze3A_677, %dma_start3A_686] : memref<1000000x64xf32, #tpu.memory_space<hbm>> -> memref<1x64xf32, #tpu.memory_space<hbm>>
      tpu.enqueue_dma source(%dma_start3A_687 : memref<1x64xf32, #tpu.memory_space<hbm>>) target(%dma_start3A_685 : memref<1x64xf32, #tpu.memory_space<vmem>>) target_semaphore(%arg19 : memref<!tpu.dma_semaphore, #tpu.memory_space<semaphore_mem>>)
      %slice3A_688 = vector.extract_strided_slice %get3A_611 {offsets = [2], sizes = [1], strides = [1]} : vector<16xi32> to vector<1xi32>
      %squeeze3A_689 = vector.extract %slice3A_688[0] : i32 from vector<1xi32>
      %dma_start3A_690 = arith.constant 2 : i32
      %dma_start3A_691 = arith.constant 0 : i32
      %dma_start3A_692 = tpu.memref_slice %arg14[%dma_start3A_690, %dma_start3A_691] : memref<16x64xf32, #tpu.memory_space<vmem>> -> memref<1x64xf32, #tpu.memory_space<vmem>>
      %dma_start3A_693 = arith.constant 0 : i32
      %dma_start3A_694 = tpu.memref_slice %arg5[%squeeze3A_689, %dma_start3A_693] : memref<1000000x64xf32, #tpu.memory_space<hbm>> -> memref<1x64xf32, #tpu.memory_space<hbm>>
      %dma_start3A_695 = arith.constant 2 : i32
      %dma_start3A_696 = arith.constant 0 : i32
      %dma_start3A_697 = tpu.memref_slice %arg14[%dma_start3A_695, %dma_start3A_696] : memref<16x64xf32, #tpu.memory_space<vmem>> -> memref<1x64xf32, #tpu.memory_space<vmem>>
      %dma_start3A_698 = arith.constant 0 : i32
      %dma_start3A_699 = tpu.memref_slice %arg5[%squeeze3A_689, %dma_start3A_698] : memref<1000000x64xf32, #tpu.memory_space<hbm>> -> memref<1x64xf32, #tpu.memory_space<hbm>>
      tpu.enqueue_dma source(%dma_start3A_699 : memref<1x64xf32, #tpu.memory_space<hbm>>) target(%dma_start3A_697 : memref<1x64xf32, #tpu.memory_space<vmem>>) target_semaphore(%arg19 : memref<!tpu.dma_semaphore, #tpu.memory_space<semaphore_mem>>)
      %slice3A_700 = vector.extract_strided_slice %get3A_613 {offsets = [2], sizes = [1], strides = [1]} : vector<16xi32> to vector<1xi32>
      %squeeze3A_701 = vector.extract %slice3A_700[0] : i32 from vector<1xi32>
      %dma_start3A_702 = arith.constant 2 : i32
      %dma_start3A_703 = arith.constant 0 : i32
      %dma_start3A_704 = tpu.memref_slice %arg15[%dma_start3A_702, %dma_start3A_703] : memref<16x64xf32, #tpu.memory_space<vmem>> -> memref<1x64xf32, #tpu.memory_space<vmem>>
      %dma_start3A_705 = arith.constant 0 : i32
      %dma_start3A_706 = tpu.memref_slice %arg6[%squeeze3A_701, %dma_start3A_705] : memref<1000x64xf32, #tpu.memory_space<hbm>> -> memref<1x64xf32, #tpu.memory_space<hbm>>
      %dma_start3A_707 = arith.constant 2 : i32
      %dma_start3A_708 = arith.constant 0 : i32
      %dma_start3A_709 = tpu.memref_slice %arg15[%dma_start3A_707, %dma_start3A_708] : memref<16x64xf32, #tpu.memory_space<vmem>> -> memref<1x64xf32, #tpu.memory_space<vmem>>
      %dma_start3A_710 = arith.constant 0 : i32
      %dma_start3A_711 = tpu.memref_slice %arg6[%squeeze3A_701, %dma_start3A_710] : memref<1000x64xf32, #tpu.memory_space<hbm>> -> memref<1x64xf32, #tpu.memory_space<hbm>>
      tpu.enqueue_dma source(%dma_start3A_711 : memref<1x64xf32, #tpu.memory_space<hbm>>) target(%dma_start3A_709 : memref<1x64xf32, #tpu.memory_space<vmem>>) target_semaphore(%arg19 : memref<!tpu.dma_semaphore, #tpu.memory_space<semaphore_mem>>)
      %slice3A_712 = vector.extract_strided_slice %get3A_615 {offsets = [2], sizes = [1], strides = [1]} : vector<16xi32> to vector<1xi32>
      %squeeze3A_713 = vector.extract %slice3A_712[0] : i32 from vector<1xi32>
      %dma_start3A_714 = arith.constant 2 : i32
      %dma_start3A_715 = arith.constant 0 : i32
      %dma_start3A_716 = tpu.memref_slice %arg16[%dma_start3A_714, %dma_start3A_715] : memref<16x64xf32, #tpu.memory_space<vmem>> -> memref<1x64xf32, #tpu.memory_space<vmem>>
      %dma_start3A_717 = arith.constant 0 : i32
      %dma_start3A_718 = tpu.memref_slice %arg5[%squeeze3A_713, %dma_start3A_717] : memref<1000000x64xf32, #tpu.memory_space<hbm>> -> memref<1x64xf32, #tpu.memory_space<hbm>>
      %dma_start3A_719 = arith.constant 2 : i32
      %dma_start3A_720 = arith.constant 0 : i32
      %dma_start3A_721 = tpu.memref_slice %arg16[%dma_start3A_719, %dma_start3A_720] : memref<16x64xf32, #tpu.memory_space<vmem>> -> memref<1x64xf32, #tpu.memory_space<vmem>>
      %dma_start3A_722 = arith.constant 0 : i32
      %dma_start3A_723 = tpu.memref_slice %arg5[%squeeze3A_713, %dma_start3A_722] : memref<1000000x64xf32, #tpu.memory_space<hbm>> -> memref<1x64xf32, #tpu.memory_space<hbm>>
      tpu.enqueue_dma source(%dma_start3A_723 : memref<1x64xf32, #tpu.memory_space<hbm>>) target(%dma_start3A_721 : memref<1x64xf32, #tpu.memory_space<vmem>>) target_semaphore(%arg19 : memref<!tpu.dma_semaphore, #tpu.memory_space<semaphore_mem>>)
      %slice3A_724 = vector.extract_strided_slice %get3A_611 {offsets = [3], sizes = [1], strides = [1]} : vector<16xi32> to vector<1xi32>
      %squeeze3A_725 = vector.extract %slice3A_724[0] : i32 from vector<1xi32>
      %dma_start3A_726 = arith.constant 3 : i32
      %dma_start3A_727 = arith.constant 0 : i32
      %dma_start3A_728 = tpu.memref_slice %arg14[%dma_start3A_726, %dma_start3A_727] : memref<16x64xf32, #tpu.memory_space<vmem>> -> memref<1x64xf32, #tpu.memory_space<vmem>>
      %dma_start3A_729 = arith.constant 0 : i32
      %dma_start3A_730 = tpu.memref_slice %arg5[%squeeze3A_725, %dma_start3A_729] : memref<1000000x64xf32, #tpu.memory_space<hbm>> -> memref<1x64xf32, #tpu.memory_space<hbm>>
      %dma_start3A_731 = arith.constant 3 : i32
      %dma_start3A_732 = arith.constant 0 : i32
      %dma_start3A_733 = tpu.memref_slice %arg14[%dma_start3A_731, %dma_start3A_732] : memref<16x64xf32, #tpu.memory_space<vmem>> -> memref<1x64xf32, #tpu.memory_space<vmem>>
      %dma_start3A_734 = arith.constant 0 : i32
      %dma_start3A_735 = tpu.memref_slice %arg5[%squeeze3A_725, %dma_start3A_734] : memref<1000000x64xf32, #tpu.memory_space<hbm>> -> memref<1x64xf32, #tpu.memory_space<hbm>>
      tpu.enqueue_dma source(%dma_start3A_735 : memref<1x64xf32, #tpu.memory_space<hbm>>) target(%dma_start3A_733 : memref<1x64xf32, #tpu.memory_space<vmem>>) target_semaphore(%arg19 : memref<!tpu.dma_semaphore, #tpu.memory_space<semaphore_mem>>)
      %slice3A_736 = vector.extract_strided_slice %get3A_613 {offsets = [3], sizes = [1], strides = [1]} : vector<16xi32> to vector<1xi32>
      %squeeze3A_737 = vector.extract %slice3A_736[0] : i32 from vector<1xi32>
      %dma_start3A_738 = arith.constant 3 : i32
      %dma_start3A_739 = arith.constant 0 : i32
      %dma_start3A_740 = tpu.memref_slice %arg15[%dma_start3A_738, %dma_start3A_739] : memref<16x64xf32, #tpu.memory_space<vmem>> -> memref<1x64xf32, #tpu.memory_space<vmem>>
      %dma_start3A_741 = arith.constant 0 : i32
      %dma_start3A_742 = tpu.memref_slice %arg6[%squeeze3A_737, %dma_start3A_741] : memref<1000x64xf32, #tpu.memory_space<hbm>> -> memref<1x64xf32, #tpu.memory_space<hbm>>
      %dma_start3A_743 = arith.constant 3 : i32
      %dma_start3A_744 = arith.constant 0 : i32
      %dma_start3A_745 = tpu.memref_slice %arg15[%dma_start3A_743, %dma_start3A_744] : memref<16x64xf32, #tpu.memory_space<vmem>> -> memref<1x64xf32, #tpu.memory_space<vmem>>
      %dma_start3A_746 = arith.constant 0 : i32
      %dma_start3A_747 = tpu.memref_slice %arg6[%squeeze3A_737, %dma_start3A_746] : memref<1000x64xf32, #tpu.memory_space<hbm>> -> memref<1x64xf32, #tpu.memory_space<hbm>>
      tpu.enqueue_dma source(%dma_start3A_747 : memref<1x64xf32, #tpu.memory_space<hbm>>) target(%dma_start3A_745 : memref<1x64xf32, #tpu.memory_space<vmem>>) target_semaphore(%arg19 : memref<!tpu.dma_semaphore, #tpu.memory_space<semaphore_mem>>)
      %slice3A_748 = vector.extract_strided_slice %get3A_615 {offsets = [3], sizes = [1], strides = [1]} : vector<16xi32> to vector<1xi32>
      %squeeze3A_749 = vector.extract %slice3A_748[0] : i32 from vector<1xi32>
      %dma_start3A_750 = arith.constant 3 : i32
      %dma_start3A_751 = arith.constant 0 : i32
      %dma_start3A_752 = tpu.memref_slice %arg16[%dma_start3A_750, %dma_start3A_751] : memref<16x64xf32, #tpu.memory_space<vmem>> -> memref<1x64xf32, #tpu.memory_space<vmem>>
      %dma_start3A_753 = arith.constant 0 : i32
      %dma_start3A_754 = tpu.memref_slice %arg5[%squeeze3A_749, %dma_start3A_753] : memref<1000000x64xf32, #tpu.memory_space<hbm>> -> memref<1x64xf32, #tpu.memory_space<hbm>>
      %dma_start3A_755 = arith.constant 3 : i32
      %dma_start3A_756 = arith.constant 0 : i32
      %dma_start3A_757 = tpu.memref_slice %arg16[%dma_start3A_755, %dma_start3A_756] : memref<16x64xf32, #tpu.memory_space<vmem>> -> memref<1x64xf32, #tpu.memory_space<vmem>>
      %dma_start3A_758 = arith.constant 0 : i32
      %dma_start3A_759 = tpu.memref_slice %arg5[%squeeze3A_749, %dma_start3A_758] : memref<1000000x64xf32, #tpu.memory_space<hbm>> -> memref<1x64xf32, #tpu.memory_space<hbm>>
      tpu.enqueue_dma source(%dma_start3A_759 : memref<1x64xf32, #tpu.memory_space<hbm>>) target(%dma_start3A_757 : memref<1x64xf32, #tpu.memory_space<vmem>>) target_semaphore(%arg19 : memref<!tpu.dma_semaphore, #tpu.memory_space<semaphore_mem>>)
      %slice3A_760 = vector.extract_strided_slice %get3A_611 {offsets = [4], sizes = [1], strides = [1]} : vector<16xi32> to vector<1xi32>
      %squeeze3A_761 = vector.extract %slice3A_760[0] : i32 from vector<1xi32>
      %dma_start3A_762 = arith.constant 4 : i32
      %dma_start3A_763 = arith.constant 0 : i32
      %dma_start3A_764 = tpu.memref_slice %arg14[%dma_start3A_762, %dma_start3A_763] : memref<16x64xf32, #tpu.memory_space<vmem>> -> memref<1x64xf32, #tpu.memory_space<vmem>>
      %dma_start3A_765 = arith.constant 0 : i32
      %dma_start3A_766 = tpu.memref_slice %arg5[%squeeze3A_761, %dma_start3A_765] : memref<1000000x64xf32, #tpu.memory_space<hbm>> -> memref<1x64xf32, #tpu.memory_space<hbm>>
      %dma_start3A_767 = arith.constant 4 : i32
      %dma_start3A_768 = arith.constant 0 : i32
      %dma_start3A_769 = tpu.memref_slice %arg14[%dma_start3A_767, %dma_start3A_768] : memref<16x64xf32, #tpu.memory_space<vmem>> -> memref<1x64xf32, #tpu.memory_space<vmem>>
      %dma_start3A_770 = arith.constant 0 : i32
      %dma_start3A_771 = tpu.memref_slice %arg5[%squeeze3A_761, %dma_start3A_770] : memref<1000000x64xf32, #tpu.memory_space<hbm>> -> memref<1x64xf32, #tpu.memory_space<hbm>>
      tpu.enqueue_dma source(%dma_start3A_771 : memref<1x64xf32, #tpu.memory_space<hbm>>) target(%dma_start3A_769 : memref<1x64xf32, #tpu.memory_space<vmem>>) target_semaphore(%arg19 : memref<!tpu.dma_semaphore, #tpu.memory_space<semaphore_mem>>)
      %slice3A_772 = vector.extract_strided_slice %get3A_613 {offsets = [4], sizes = [1], strides = [1]} : vector<16xi32> to vector<1xi32>
      %squeeze3A_773 = vector.extract %slice3A_772[0] : i32 from vector<1xi32>
      %dma_start3A_774 = arith.constant 4 : i32
      %dma_start3A_775 = arith.constant 0 : i32
      %dma_start3A_776 = tpu.memref_slice %arg15[%dma_start3A_774, %dma_start3A_775] : memref<16x64xf32, #tpu.memory_space<vmem>> -> memref<1x64xf32, #tpu.memory_space<vmem>>
      %dma_start3A_777 = arith.constant 0 : i32
      %dma_start3A_778 = tpu.memref_slice %arg6[%squeeze3A_773, %dma_start3A_777] : memref<1000x64xf32, #tpu.memory_space<hbm>> -> memref<1x64xf32, #tpu.memory_space<hbm>>
      %dma_start3A_779 = arith.constant 4 : i32
      %dma_start3A_780 = arith.constant 0 : i32
      %dma_start3A_781 = tpu.memref_slice %arg15[%dma_start3A_779, %dma_start3A_780] : memref<16x64xf32, #tpu.memory_space<vmem>> -> memref<1x64xf32, #tpu.memory_space<vmem>>
      %dma_start3A_782 = arith.constant 0 : i32
      %dma_start3A_783 = tpu.memref_slice %arg6[%squeeze3A_773, %dma_start3A_782] : memref<1000x64xf32, #tpu.memory_space<hbm>> -> memref<1x64xf32, #tpu.memory_space<hbm>>
      tpu.enqueue_dma source(%dma_start3A_783 : memref<1x64xf32, #tpu.memory_space<hbm>>) target(%dma_start3A_781 : memref<1x64xf32, #tpu.memory_space<vmem>>) target_semaphore(%arg19 : memref<!tpu.dma_semaphore, #tpu.memory_space<semaphore_mem>>)
      %slice3A_784 = vector.extract_strided_slice %get3A_615 {offsets = [4], sizes = [1], strides = [1]} : vector<16xi32> to vector<1xi32>
      %squeeze3A_785 = vector.extract %slice3A_784[0] : i32 from vector<1xi32>
      %dma_start3A_786 = arith.constant 4 : i32
      %dma_start3A_787 = arith.constant 0 : i32
      %dma_start3A_788 = tpu.memref_slice %arg16[%dma_start3A_786, %dma_start3A_787] : memref<16x64xf32, #tpu.memory_space<vmem>> -> memref<1x64xf32, #tpu.memory_space<vmem>>
      %dma_start3A_789 = arith.constant 0 : i32
      %dma_start3A_790 = tpu.memref_slice %arg5[%squeeze3A_785, %dma_start3A_789] : memref<1000000x64xf32, #tpu.memory_space<hbm>> -> memref<1x64xf32, #tpu.memory_space<hbm>>
      %dma_start3A_791 = arith.constant 4 : i32
      %dma_start3A_792 = arith.constant 0 : i32
      %dma_start3A_793 = tpu.memref_slice %arg16[%dma_start3A_791, %dma_start3A_792] : memref<16x64xf32, #tpu.memory_space<vmem>> -> memref<1x64xf32, #tpu.memory_space<vmem>>
      %dma_start3A_794 = arith.constant 0 : i32
      %dma_start3A_795 = tpu.memref_slice %arg5[%squeeze3A_785, %dma_start3A_794] : memref<1000000x64xf32, #tpu.memory_space<hbm>> -> memref<1x64xf32, #tpu.memory_space<hbm>>
      tpu.enqueue_dma source(%dma_start3A_795 : memref<1x64xf32, #tpu.memory_space<hbm>>) target(%dma_start3A_793 : memref<1x64xf32, #tpu.memory_space<vmem>>) target_semaphore(%arg19 : memref<!tpu.dma_semaphore, #tpu.memory_space<semaphore_mem>>)
      %slice3A_796 = vector.extract_strided_slice %get3A_611 {offsets = [5], sizes = [1], strides = [1]} : vector<16xi32> to vector<1xi32>
      %squeeze3A_797 = vector.extract %slice3A_796[0] : i32 from vector<1xi32>
      %dma_start3A_798 = arith.constant 5 : i32
      %dma_start3A_799 = arith.constant 0 : i32
      %dma_start3A_800 = tpu.memref_slice %arg14[%dma_start3A_798, %dma_start3A_799] : memref<16x64xf32, #tpu.memory_space<vmem>> -> memref<1x64xf32, #tpu.memory_space<vmem>>
      %dma_start3A_801 = arith.constant 0 : i32
      %dma_start3A_802 = tpu.memref_slice %arg5[%squeeze3A_797, %dma_start3A_801] : memref<1000000x64xf32, #tpu.memory_space<hbm>> -> memref<1x64xf32, #tpu.memory_space<hbm>>
      %dma_start3A_803 = arith.constant 5 : i32
      %dma_start3A_804 = arith.constant 0 : i32
      %dma_start3A_805 = tpu.memref_slice %arg14[%dma_start3A_803, %dma_start3A_804] : memref<16x64xf32, #tpu.memory_space<vmem>> -> memref<1x64xf32, #tpu.memory_space<vmem>>
      %dma_start3A_806 = arith.constant 0 : i32
      %dma_start3A_807 = tpu.memref_slice %arg5[%squeeze3A_797, %dma_start3A_806] : memref<1000000x64xf32, #tpu.memory_space<hbm>> -> memref<1x64xf32, #tpu.memory_space<hbm>>
      tpu.enqueue_dma source(%dma_start3A_807 : memref<1x64xf32, #tpu.memory_space<hbm>>) target(%dma_start3A_805 : memref<1x64xf32, #tpu.memory_space<vmem>>) target_semaphore(%arg19 : memref<!tpu.dma_semaphore, #tpu.memory_space<semaphore_mem>>)
      %slice3A_808 = vector.extract_strided_slice %get3A_613 {offsets = [5], sizes = [1], strides = [1]} : vector<16xi32> to vector<1xi32>
      %squeeze3A_809 = vector.extract %slice3A_808[0] : i32 from vector<1xi32>
      %dma_start3A_810 = arith.constant 5 : i32
      %dma_start3A_811 = arith.constant 0 : i32
      %dma_start3A_812 = tpu.memref_slice %arg15[%dma_start3A_810, %dma_start3A_811] : memref<16x64xf32, #tpu.memory_space<vmem>> -> memref<1x64xf32, #tpu.memory_space<vmem>>
      %dma_start3A_813 = arith.constant 0 : i32
      %dma_start3A_814 = tpu.memref_slice %arg6[%squeeze3A_809, %dma_start3A_813] : memref<1000x64xf32, #tpu.memory_space<hbm>> -> memref<1x64xf32, #tpu.memory_space<hbm>>
      %dma_start3A_815 = arith.constant 5 : i32
      %dma_start3A_816 = arith.constant 0 : i32
      %dma_start3A_817 = tpu.memref_slice %arg15[%dma_start3A_815, %dma_start3A_816] : memref<16x64xf32, #tpu.memory_space<vmem>> -> memref<1x64xf32, #tpu.memory_space<vmem>>
      %dma_start3A_818 = arith.constant 0 : i32
      %dma_start3A_819 = tpu.memref_slice %arg6[%squeeze3A_809, %dma_start3A_818] : memref<1000x64xf32, #tpu.memory_space<hbm>> -> memref<1x64xf32, #tpu.memory_space<hbm>>
      tpu.enqueue_dma source(%dma_start3A_819 : memref<1x64xf32, #tpu.memory_space<hbm>>) target(%dma_start3A_817 : memref<1x64xf32, #tpu.memory_space<vmem>>) target_semaphore(%arg19 : memref<!tpu.dma_semaphore, #tpu.memory_space<semaphore_mem>>)
      %slice3A_820 = vector.extract_strided_slice %get3A_615 {offsets = [5], sizes = [1], strides = [1]} : vector<16xi32> to vector<1xi32>
      %squeeze3A_821 = vector.extract %slice3A_820[0] : i32 from vector<1xi32>
      %dma_start3A_822 = arith.constant 5 : i32
      %dma_start3A_823 = arith.constant 0 : i32
      %dma_start3A_824 = tpu.memref_slice %arg16[%dma_start3A_822, %dma_start3A_823] : memref<16x64xf32, #tpu.memory_space<vmem>> -> memref<1x64xf32, #tpu.memory_space<vmem>>
      %dma_start3A_825 = arith.constant 0 : i32
      %dma_start3A_826 = tpu.memref_slice %arg5[%squeeze3A_821, %dma_start3A_825] : memref<1000000x64xf32, #tpu.memory_space<hbm>> -> memref<1x64xf32, #tpu.memory_space<hbm>>
      %dma_start3A_827 = arith.constant 5 : i32
      %dma_start3A_828 = arith.constant 0 : i32
      %dma_start3A_829 = tpu.memref_slice %arg16[%dma_start3A_827, %dma_start3A_828] : memref<16x64xf32, #tpu.memory_space<vmem>> -> memref<1x64xf32, #tpu.memory_space<vmem>>
      %dma_start3A_830 = arith.constant 0 : i32
      %dma_start3A_831 = tpu.memref_slice %arg5[%squeeze3A_821, %dma_start3A_830] : memref<1000000x64xf32, #tpu.memory_space<hbm>> -> memref<1x64xf32, #tpu.memory_space<hbm>>
      tpu.enqueue_dma source(%dma_start3A_831 : memref<1x64xf32, #tpu.memory_space<hbm>>) target(%dma_start3A_829 : memref<1x64xf32, #tpu.memory_space<vmem>>) target_semaphore(%arg19 : memref<!tpu.dma_semaphore, #tpu.memory_space<semaphore_mem>>)
      %slice3A_832 = vector.extract_strided_slice %get3A_611 {offsets = [6], sizes = [1], strides = [1]} : vector<16xi32> to vector<1xi32>
      %squeeze3A_833 = vector.extract %slice3A_832[0] : i32 from vector<1xi32>
      %dma_start3A_834 = arith.constant 6 : i32
      %dma_start3A_835 = arith.constant 0 : i32
      %dma_start3A_836 = tpu.memref_slice %arg14[%dma_start3A_834, %dma_start3A_835] : memref<16x64xf32, #tpu.memory_space<vmem>> -> memref<1x64xf32, #tpu.memory_space<vmem>>
      %dma_start3A_837 = arith.constant 0 : i32
      %dma_start3A_838 = tpu.memref_slice %arg5[%squeeze3A_833, %dma_start3A_837] : memref<1000000x64xf32, #tpu.memory_space<hbm>> -> memref<1x64xf32, #tpu.memory_space<hbm>>
      %dma_start3A_839 = arith.constant 6 : i32
      %dma_start3A_840 = arith.constant 0 : i32
      %dma_start3A_841 = tpu.memref_slice %arg14[%dma_start3A_839, %dma_start3A_840] : memref<16x64xf32, #tpu.memory_space<vmem>> -> memref<1x64xf32, #tpu.memory_space<vmem>>
      %dma_start3A_842 = arith.constant 0 : i32
      %dma_start3A_843 = tpu.memref_slice %arg5[%squeeze3A_833, %dma_start3A_842] : memref<1000000x64xf32, #tpu.memory_space<hbm>> -> memref<1x64xf32, #tpu.memory_space<hbm>>
      tpu.enqueue_dma source(%dma_start3A_843 : memref<1x64xf32, #tpu.memory_space<hbm>>) target(%dma_start3A_841 : memref<1x64xf32, #tpu.memory_space<vmem>>) target_semaphore(%arg19 : memref<!tpu.dma_semaphore, #tpu.memory_space<semaphore_mem>>)
      %slice3A_844 = vector.extract_strided_slice %get3A_613 {offsets = [6], sizes = [1], strides = [1]} : vector<16xi32> to vector<1xi32>
      %squeeze3A_845 = vector.extract %slice3A_844[0] : i32 from vector<1xi32>
      %dma_start3A_846 = arith.constant 6 : i32
      %dma_start3A_847 = arith.constant 0 : i32
      %dma_start3A_848 = tpu.memref_slice %arg15[%dma_start3A_846, %dma_start3A_847] : memref<16x64xf32, #tpu.memory_space<vmem>> -> memref<1x64xf32, #tpu.memory_space<vmem>>
      %dma_start3A_849 = arith.constant 0 : i32
      %dma_start3A_850 = tpu.memref_slice %arg6[%squeeze3A_845, %dma_start3A_849] : memref<1000x64xf32, #tpu.memory_space<hbm>> -> memref<1x64xf32, #tpu.memory_space<hbm>>
      %dma_start3A_851 = arith.constant 6 : i32
      %dma_start3A_852 = arith.constant 0 : i32
      %dma_start3A_853 = tpu.memref_slice %arg15[%dma_start3A_851, %dma_start3A_852] : memref<16x64xf32, #tpu.memory_space<vmem>> -> memref<1x64xf32, #tpu.memory_space<vmem>>
      %dma_start3A_854 = arith.constant 0 : i32
      %dma_start3A_855 = tpu.memref_slice %arg6[%squeeze3A_845, %dma_start3A_854] : memref<1000x64xf32, #tpu.memory_space<hbm>> -> memref<1x64xf32, #tpu.memory_space<hbm>>
      tpu.enqueue_dma source(%dma_start3A_855 : memref<1x64xf32, #tpu.memory_space<hbm>>) target(%dma_start3A_853 : memref<1x64xf32, #tpu.memory_space<vmem>>) target_semaphore(%arg19 : memref<!tpu.dma_semaphore, #tpu.memory_space<semaphore_mem>>)
      %slice3A_856 = vector.extract_strided_slice %get3A_615 {offsets = [6], sizes = [1], strides = [1]} : vector<16xi32> to vector<1xi32>
      %squeeze3A_857 = vector.extract %slice3A_856[0] : i32 from vector<1xi32>
      %dma_start3A_858 = arith.constant 6 : i32
      %dma_start3A_859 = arith.constant 0 : i32
      %dma_start3A_860 = tpu.memref_slice %arg16[%dma_start3A_858, %dma_start3A_859] : memref<16x64xf32, #tpu.memory_space<vmem>> -> memref<1x64xf32, #tpu.memory_space<vmem>>
      %dma_start3A_861 = arith.constant 0 : i32
      %dma_start3A_862 = tpu.memref_slice %arg5[%squeeze3A_857, %dma_start3A_861] : memref<1000000x64xf32, #tpu.memory_space<hbm>> -> memref<1x64xf32, #tpu.memory_space<hbm>>
      %dma_start3A_863 = arith.constant 6 : i32
      %dma_start3A_864 = arith.constant 0 : i32
      %dma_start3A_865 = tpu.memref_slice %arg16[%dma_start3A_863, %dma_start3A_864] : memref<16x64xf32, #tpu.memory_space<vmem>> -> memref<1x64xf32, #tpu.memory_space<vmem>>
      %dma_start3A_866 = arith.constant 0 : i32
      %dma_start3A_867 = tpu.memref_slice %arg5[%squeeze3A_857, %dma_start3A_866] : memref<1000000x64xf32, #tpu.memory_space<hbm>> -> memref<1x64xf32, #tpu.memory_space<hbm>>
      tpu.enqueue_dma source(%dma_start3A_867 : memref<1x64xf32, #tpu.memory_space<hbm>>) target(%dma_start3A_865 : memref<1x64xf32, #tpu.memory_space<vmem>>) target_semaphore(%arg19 : memref<!tpu.dma_semaphore, #tpu.memory_space<semaphore_mem>>)
      %slice3A_868 = vector.extract_strided_slice %get3A_611 {offsets = [7], sizes = [1], strides = [1]} : vector<16xi32> to vector<1xi32>
      %squeeze3A_869 = vector.extract %slice3A_868[0] : i32 from vector<1xi32>
      %dma_start3A_870 = arith.constant 7 : i32
      %dma_start3A_871 = arith.constant 0 : i32
      %dma_start3A_872 = tpu.memref_slice %arg14[%dma_start3A_870, %dma_start3A_871] : memref<16x64xf32, #tpu.memory_space<vmem>> -> memref<1x64xf32, #tpu.memory_space<vmem>>
      %dma_start3A_873 = arith.constant 0 : i32
      %dma_start3A_874 = tpu.memref_slice %arg5[%squeeze3A_869, %dma_start3A_873] : memref<1000000x64xf32, #tpu.memory_space<hbm>> -> memref<1x64xf32, #tpu.memory_space<hbm>>
      %dma_start3A_875 = arith.constant 7 : i32
      %dma_start3A_876 = arith.constant 0 : i32
      %dma_start3A_877 = tpu.memref_slice %arg14[%dma_start3A_875, %dma_start3A_876] : memref<16x64xf32, #tpu.memory_space<vmem>> -> memref<1x64xf32, #tpu.memory_space<vmem>>
      %dma_start3A_878 = arith.constant 0 : i32
      %dma_start3A_879 = tpu.memref_slice %arg5[%squeeze3A_869, %dma_start3A_878] : memref<1000000x64xf32, #tpu.memory_space<hbm>> -> memref<1x64xf32, #tpu.memory_space<hbm>>
      tpu.enqueue_dma source(%dma_start3A_879 : memref<1x64xf32, #tpu.memory_space<hbm>>) target(%dma_start3A_877 : memref<1x64xf32, #tpu.memory_space<vmem>>) target_semaphore(%arg19 : memref<!tpu.dma_semaphore, #tpu.memory_space<semaphore_mem>>)
      %slice3A_880 = vector.extract_strided_slice %get3A_613 {offsets = [7], sizes = [1], strides = [1]} : vector<16xi32> to vector<1xi32>
      %squeeze3A_881 = vector.extract %slice3A_880[0] : i32 from vector<1xi32>
      %dma_start3A_882 = arith.constant 7 : i32
      %dma_start3A_883 = arith.constant 0 : i32
      %dma_start3A_884 = tpu.memref_slice %arg15[%dma_start3A_882, %dma_start3A_883] : memref<16x64xf32, #tpu.memory_space<vmem>> -> memref<1x64xf32, #tpu.memory_space<vmem>>
      %dma_start3A_885 = arith.constant 0 : i32
      %dma_start3A_886 = tpu.memref_slice %arg6[%squeeze3A_881, %dma_start3A_885] : memref<1000x64xf32, #tpu.memory_space<hbm>> -> memref<1x64xf32, #tpu.memory_space<hbm>>
      %dma_start3A_887 = arith.constant 7 : i32
      %dma_start3A_888 = arith.constant 0 : i32
      %dma_start3A_889 = tpu.memref_slice %arg15[%dma_start3A_887, %dma_start3A_888] : memref<16x64xf32, #tpu.memory_space<vmem>> -> memref<1x64xf32, #tpu.memory_space<vmem>>
      %dma_start3A_890 = arith.constant 0 : i32
      %dma_start3A_891 = tpu.memref_slice %arg6[%squeeze3A_881, %dma_start3A_890] : memref<1000x64xf32, #tpu.memory_space<hbm>> -> memref<1x64xf32, #tpu.memory_space<hbm>>
      tpu.enqueue_dma source(%dma_start3A_891 : memref<1x64xf32, #tpu.memory_space<hbm>>) target(%dma_start3A_889 : memref<1x64xf32, #tpu.memory_space<vmem>>) target_semaphore(%arg19 : memref<!tpu.dma_semaphore, #tpu.memory_space<semaphore_mem>>)
      %slice3A_892 = vector.extract_strided_slice %get3A_615 {offsets = [7], sizes = [1], strides = [1]} : vector<16xi32> to vector<1xi32>
      %squeeze3A_893 = vector.extract %slice3A_892[0] : i32 from vector<1xi32>
      %dma_start3A_894 = arith.constant 7 : i32
      %dma_start3A_895 = arith.constant 0 : i32
      %dma_start3A_896 = tpu.memref_slice %arg16[%dma_start3A_894, %dma_start3A_895] : memref<16x64xf32, #tpu.memory_space<vmem>> -> memref<1x64xf32, #tpu.memory_space<vmem>>
      %dma_start3A_897 = arith.constant 0 : i32
      %dma_start3A_898 = tpu.memref_slice %arg5[%squeeze3A_893, %dma_start3A_897] : memref<1000000x64xf32, #tpu.memory_space<hbm>> -> memref<1x64xf32, #tpu.memory_space<hbm>>
      %dma_start3A_899 = arith.constant 7 : i32
      %dma_start3A_900 = arith.constant 0 : i32
      %dma_start3A_901 = tpu.memref_slice %arg16[%dma_start3A_899, %dma_start3A_900] : memref<16x64xf32, #tpu.memory_space<vmem>> -> memref<1x64xf32, #tpu.memory_space<vmem>>
      %dma_start3A_902 = arith.constant 0 : i32
      %dma_start3A_903 = tpu.memref_slice %arg5[%squeeze3A_893, %dma_start3A_902] : memref<1000000x64xf32, #tpu.memory_space<hbm>> -> memref<1x64xf32, #tpu.memory_space<hbm>>
      tpu.enqueue_dma source(%dma_start3A_903 : memref<1x64xf32, #tpu.memory_space<hbm>>) target(%dma_start3A_901 : memref<1x64xf32, #tpu.memory_space<vmem>>) target_semaphore(%arg19 : memref<!tpu.dma_semaphore, #tpu.memory_space<semaphore_mem>>)
      %slice3A_904 = vector.extract_strided_slice %get3A_611 {offsets = [8], sizes = [1], strides = [1]} : vector<16xi32> to vector<1xi32>
      %squeeze3A_905 = vector.extract %slice3A_904[0] : i32 from vector<1xi32>
      %dma_start3A_906 = arith.constant 8 : i32
      %dma_start3A_907 = arith.constant 0 : i32
      %dma_start3A_908 = tpu.memref_slice %arg14[%dma_start3A_906, %dma_start3A_907] : memref<16x64xf32, #tpu.memory_space<vmem>> -> memref<1x64xf32, #tpu.memory_space<vmem>>
      %dma_start3A_909 = arith.constant 0 : i32
      %dma_start3A_910 = tpu.memref_slice %arg5[%squeeze3A_905, %dma_start3A_909] : memref<1000000x64xf32, #tpu.memory_space<hbm>> -> memref<1x64xf32, #tpu.memory_space<hbm>>
      %dma_start3A_911 = arith.constant 8 : i32
      %dma_start3A_912 = arith.constant 0 : i32
      %dma_start3A_913 = tpu.memref_slice %arg14[%dma_start3A_911, %dma_start3A_912] : memref<16x64xf32, #tpu.memory_space<vmem>> -> memref<1x64xf32, #tpu.memory_space<vmem>>
      %dma_start3A_914 = arith.constant 0 : i32
      %dma_start3A_915 = tpu.memref_slice %arg5[%squeeze3A_905, %dma_start3A_914] : memref<1000000x64xf32, #tpu.memory_space<hbm>> -> memref<1x64xf32, #tpu.memory_space<hbm>>
      tpu.enqueue_dma source(%dma_start3A_915 : memref<1x64xf32, #tpu.memory_space<hbm>>) target(%dma_start3A_913 : memref<1x64xf32, #tpu.memory_space<vmem>>) target_semaphore(%arg19 : memref<!tpu.dma_semaphore, #tpu.memory_space<semaphore_mem>>)
      %slice3A_916 = vector.extract_strided_slice %get3A_613 {offsets = [8], sizes = [1], strides = [1]} : vector<16xi32> to vector<1xi32>
      %squeeze3A_917 = vector.extract %slice3A_916[0] : i32 from vector<1xi32>
      %dma_start3A_918 = arith.constant 8 : i32
      %dma_start3A_919 = arith.constant 0 : i32
      %dma_start3A_920 = tpu.memref_slice %arg15[%dma_start3A_918, %dma_start3A_919] : memref<16x64xf32, #tpu.memory_space<vmem>> -> memref<1x64xf32, #tpu.memory_space<vmem>>
      %dma_start3A_921 = arith.constant 0 : i32
      %dma_start3A_922 = tpu.memref_slice %arg6[%squeeze3A_917, %dma_start3A_921] : memref<1000x64xf32, #tpu.memory_space<hbm>> -> memref<1x64xf32, #tpu.memory_space<hbm>>
      %dma_start3A_923 = arith.constant 8 : i32
      %dma_start3A_924 = arith.constant 0 : i32
      %dma_start3A_925 = tpu.memref_slice %arg15[%dma_start3A_923, %dma_start3A_924] : memref<16x64xf32, #tpu.memory_space<vmem>> -> memref<1x64xf32, #tpu.memory_space<vmem>>
      %dma_start3A_926 = arith.constant 0 : i32
      %dma_start3A_927 = tpu.memref_slice %arg6[%squeeze3A_917, %dma_start3A_926] : memref<1000x64xf32, #tpu.memory_space<hbm>> -> memref<1x64xf32, #tpu.memory_space<hbm>>
      tpu.enqueue_dma source(%dma_start3A_927 : memref<1x64xf32, #tpu.memory_space<hbm>>) target(%dma_start3A_925 : memref<1x64xf32, #tpu.memory_space<vmem>>) target_semaphore(%arg19 : memref<!tpu.dma_semaphore, #tpu.memory_space<semaphore_mem>>)
      %slice3A_928 = vector.extract_strided_slice %get3A_615 {offsets = [8], sizes = [1], strides = [1]} : vector<16xi32> to vector<1xi32>
      %squeeze3A_929 = vector.extract %slice3A_928[0] : i32 from vector<1xi32>
      %dma_start3A_930 = arith.constant 8 : i32
      %dma_start3A_931 = arith.constant 0 : i32
      %dma_start3A_932 = tpu.memref_slice %arg16[%dma_start3A_930, %dma_start3A_931] : memref<16x64xf32, #tpu.memory_space<vmem>> -> memref<1x64xf32, #tpu.memory_space<vmem>>
      %dma_start3A_933 = arith.constant 0 : i32
      %dma_start3A_934 = tpu.memref_slice %arg5[%squeeze3A_929, %dma_start3A_933] : memref<1000000x64xf32, #tpu.memory_space<hbm>> -> memref<1x64xf32, #tpu.memory_space<hbm>>
      %dma_start3A_935 = arith.constant 8 : i32
      %dma_start3A_936 = arith.constant 0 : i32
      %dma_start3A_937 = tpu.memref_slice %arg16[%dma_start3A_935, %dma_start3A_936] : memref<16x64xf32, #tpu.memory_space<vmem>> -> memref<1x64xf32, #tpu.memory_space<vmem>>
      %dma_start3A_938 = arith.constant 0 : i32
      %dma_start3A_939 = tpu.memref_slice %arg5[%squeeze3A_929, %dma_start3A_938] : memref<1000000x64xf32, #tpu.memory_space<hbm>> -> memref<1x64xf32, #tpu.memory_space<hbm>>
      tpu.enqueue_dma source(%dma_start3A_939 : memref<1x64xf32, #tpu.memory_space<hbm>>) target(%dma_start3A_937 : memref<1x64xf32, #tpu.memory_space<vmem>>) target_semaphore(%arg19 : memref<!tpu.dma_semaphore, #tpu.memory_space<semaphore_mem>>)
      %slice3A_940 = vector.extract_strided_slice %get3A_611 {offsets = [9], sizes = [1], strides = [1]} : vector<16xi32> to vector<1xi32>
      %squeeze3A_941 = vector.extract %slice3A_940[0] : i32 from vector<1xi32>
      %dma_start3A_942 = arith.constant 9 : i32
      %dma_start3A_943 = arith.constant 0 : i32
      %dma_start3A_944 = tpu.memref_slice %arg14[%dma_start3A_942, %dma_start3A_943] : memref<16x64xf32, #tpu.memory_space<vmem>> -> memref<1x64xf32, #tpu.memory_space<vmem>>
      %dma_start3A_945 = arith.constant 0 : i32
      %dma_start3A_946 = tpu.memref_slice %arg5[%squeeze3A_941, %dma_start3A_945] : memref<1000000x64xf32, #tpu.memory_space<hbm>> -> memref<1x64xf32, #tpu.memory_space<hbm>>
      %dma_start3A_947 = arith.constant 9 : i32
      %dma_start3A_948 = arith.constant 0 : i32
      %dma_start3A_949 = tpu.memref_slice %arg14[%dma_start3A_947, %dma_start3A_948] : memref<16x64xf32, #tpu.memory_space<vmem>> -> memref<1x64xf32, #tpu.memory_space<vmem>>
      %dma_start3A_950 = arith.constant 0 : i32
      %dma_start3A_951 = tpu.memref_slice %arg5[%squeeze3A_941, %dma_start3A_950] : memref<1000000x64xf32, #tpu.memory_space<hbm>> -> memref<1x64xf32, #tpu.memory_space<hbm>>
      tpu.enqueue_dma source(%dma_start3A_951 : memref<1x64xf32, #tpu.memory_space<hbm>>) target(%dma_start3A_949 : memref<1x64xf32, #tpu.memory_space<vmem>>) target_semaphore(%arg19 : memref<!tpu.dma_semaphore, #tpu.memory_space<semaphore_mem>>)
      %slice3A_952 = vector.extract_strided_slice %get3A_613 {offsets = [9], sizes = [1], strides = [1]} : vector<16xi32> to vector<1xi32>
      %squeeze3A_953 = vector.extract %slice3A_952[0] : i32 from vector<1xi32>
      %dma_start3A_954 = arith.constant 9 : i32
      %dma_start3A_955 = arith.constant 0 : i32
      %dma_start3A_956 = tpu.memref_slice %arg15[%dma_start3A_954, %dma_start3A_955] : memref<16x64xf32, #tpu.memory_space<vmem>> -> memref<1x64xf32, #tpu.memory_space<vmem>>
      %dma_start3A_957 = arith.constant 0 : i32
      %dma_start3A_958 = tpu.memref_slice %arg6[%squeeze3A_953, %dma_start3A_957] : memref<1000x64xf32, #tpu.memory_space<hbm>> -> memref<1x64xf32, #tpu.memory_space<hbm>>
      %dma_start3A_959 = arith.constant 9 : i32
      %dma_start3A_960 = arith.constant 0 : i32
      %dma_start3A_961 = tpu.memref_slice %arg15[%dma_start3A_959, %dma_start3A_960] : memref<16x64xf32, #tpu.memory_space<vmem>> -> memref<1x64xf32, #tpu.memory_space<vmem>>
      %dma_start3A_962 = arith.constant 0 : i32
      %dma_start3A_963 = tpu.memref_slice %arg6[%squeeze3A_953, %dma_start3A_962] : memref<1000x64xf32, #tpu.memory_space<hbm>> -> memref<1x64xf32, #tpu.memory_space<hbm>>
      tpu.enqueue_dma source(%dma_start3A_963 : memref<1x64xf32, #tpu.memory_space<hbm>>) target(%dma_start3A_961 : memref<1x64xf32, #tpu.memory_space<vmem>>) target_semaphore(%arg19 : memref<!tpu.dma_semaphore, #tpu.memory_space<semaphore_mem>>)
      %slice3A_964 = vector.extract_strided_slice %get3A_615 {offsets = [9], sizes = [1], strides = [1]} : vector<16xi32> to vector<1xi32>
      %squeeze3A_965 = vector.extract %slice3A_964[0] : i32 from vector<1xi32>
      %dma_start3A_966 = arith.constant 9 : i32
      %dma_start3A_967 = arith.constant 0 : i32
      %dma_start3A_968 = tpu.memref_slice %arg16[%dma_start3A_966, %dma_start3A_967] : memref<16x64xf32, #tpu.memory_space<vmem>> -> memref<1x64xf32, #tpu.memory_space<vmem>>
      %dma_start3A_969 = arith.constant 0 : i32
      %dma_start3A_970 = tpu.memref_slice %arg5[%squeeze3A_965, %dma_start3A_969] : memref<1000000x64xf32, #tpu.memory_space<hbm>> -> memref<1x64xf32, #tpu.memory_space<hbm>>
      %dma_start3A_971 = arith.constant 9 : i32
      %dma_start3A_972 = arith.constant 0 : i32
      %dma_start3A_973 = tpu.memref_slice %arg16[%dma_start3A_971, %dma_start3A_972] : memref<16x64xf32, #tpu.memory_space<vmem>> -> memref<1x64xf32, #tpu.memory_space<vmem>>
      %dma_start3A_974 = arith.constant 0 : i32
      %dma_start3A_975 = tpu.memref_slice %arg5[%squeeze3A_965, %dma_start3A_974] : memref<1000000x64xf32, #tpu.memory_space<hbm>> -> memref<1x64xf32, #tpu.memory_space<hbm>>
      tpu.enqueue_dma source(%dma_start3A_975 : memref<1x64xf32, #tpu.memory_space<hbm>>) target(%dma_start3A_973 : memref<1x64xf32, #tpu.memory_space<vmem>>) target_semaphore(%arg19 : memref<!tpu.dma_semaphore, #tpu.memory_space<semaphore_mem>>)
      %slice3A_976 = vector.extract_strided_slice %get3A_611 {offsets = [10], sizes = [1], strides = [1]} : vector<16xi32> to vector<1xi32>
      %squeeze3A_977 = vector.extract %slice3A_976[0] : i32 from vector<1xi32>
      %dma_start3A_978 = arith.constant 10 : i32
      %dma_start3A_979 = arith.constant 0 : i32
      %dma_start3A_980 = tpu.memref_slice %arg14[%dma_start3A_978, %dma_start3A_979] : memref<16x64xf32, #tpu.memory_space<vmem>> -> memref<1x64xf32, #tpu.memory_space<vmem>>
      %dma_start3A_981 = arith.constant 0 : i32
      %dma_start3A_982 = tpu.memref_slice %arg5[%squeeze3A_977, %dma_start3A_981] : memref<1000000x64xf32, #tpu.memory_space<hbm>> -> memref<1x64xf32, #tpu.memory_space<hbm>>
      %dma_start3A_983 = arith.constant 10 : i32
      %dma_start3A_984 = arith.constant 0 : i32
      %dma_start3A_985 = tpu.memref_slice %arg14[%dma_start3A_983, %dma_start3A_984] : memref<16x64xf32, #tpu.memory_space<vmem>> -> memref<1x64xf32, #tpu.memory_space<vmem>>
      %dma_start3A_986 = arith.constant 0 : i32
      %dma_start3A_987 = tpu.memref_slice %arg5[%squeeze3A_977, %dma_start3A_986] : memref<1000000x64xf32, #tpu.memory_space<hbm>> -> memref<1x64xf32, #tpu.memory_space<hbm>>
      tpu.enqueue_dma source(%dma_start3A_987 : memref<1x64xf32, #tpu.memory_space<hbm>>) target(%dma_start3A_985 : memref<1x64xf32, #tpu.memory_space<vmem>>) target_semaphore(%arg19 : memref<!tpu.dma_semaphore, #tpu.memory_space<semaphore_mem>>)
      %slice3A_988 = vector.extract_strided_slice %get3A_613 {offsets = [10], sizes = [1], strides = [1]} : vector<16xi32> to vector<1xi32>
      %squeeze3A_989 = vector.extract %slice3A_988[0] : i32 from vector<1xi32>
      %dma_start3A_990 = arith.constant 10 : i32
      %dma_start3A_991 = arith.constant 0 : i32
      %dma_start3A_992 = tpu.memref_slice %arg15[%dma_start3A_990, %dma_start3A_991] : memref<16x64xf32, #tpu.memory_space<vmem>> -> memref<1x64xf32, #tpu.memory_space<vmem>>
      %dma_start3A_993 = arith.constant 0 : i32
      %dma_start3A_994 = tpu.memref_slice %arg6[%squeeze3A_989, %dma_start3A_993] : memref<1000x64xf32, #tpu.memory_space<hbm>> -> memref<1x64xf32, #tpu.memory_space<hbm>>
      %dma_start3A_995 = arith.constant 10 : i32
      %dma_start3A_996 = arith.constant 0 : i32
      %dma_start3A_997 = tpu.memref_slice %arg15[%dma_start3A_995, %dma_start3A_996] : memref<16x64xf32, #tpu.memory_space<vmem>> -> memref<1x64xf32, #tpu.memory_space<vmem>>
      %dma_start3A_998 = arith.constant 0 : i32
      %dma_start3A_999 = tpu.memref_slice %arg6[%squeeze3A_989, %dma_start3A_998] : memref<1000x64xf32, #tpu.memory_space<hbm>> -> memref<1x64xf32, #tpu.memory_space<hbm>>
      tpu.enqueue_dma source(%dma_start3A_999 : memref<1x64xf32, #tpu.memory_space<hbm>>) target(%dma_start3A_997 : memref<1x64xf32, #tpu.memory_space<vmem>>) target_semaphore(%arg19 : memref<!tpu.dma_semaphore, #tpu.memory_space<semaphore_mem>>)
      %slice3A_1000 = vector.extract_strided_slice %get3A_615 {offsets = [10], sizes = [1], strides = [1]} : vector<16xi32> to vector<1xi32>
      %squeeze3A_1001 = vector.extract %slice3A_1000[0] : i32 from vector<1xi32>
      %dma_start3A_1002 = arith.constant 10 : i32
      %dma_start3A_1003 = arith.constant 0 : i32
      %dma_start3A_1004 = tpu.memref_slice %arg16[%dma_start3A_1002, %dma_start3A_1003] : memref<16x64xf32, #tpu.memory_space<vmem>> -> memref<1x64xf32, #tpu.memory_space<vmem>>
      %dma_start3A_1005 = arith.constant 0 : i32
      %dma_start3A_1006 = tpu.memref_slice %arg5[%squeeze3A_1001, %dma_start3A_1005] : memref<1000000x64xf32, #tpu.memory_space<hbm>> -> memref<1x64xf32, #tpu.memory_space<hbm>>
      %dma_start3A_1007 = arith.constant 10 : i32
      %dma_start3A_1008 = arith.constant 0 : i32
      %dma_start3A_1009 = tpu.memref_slice %arg16[%dma_start3A_1007, %dma_start3A_1008] : memref<16x64xf32, #tpu.memory_space<vmem>> -> memref<1x64xf32, #tpu.memory_space<vmem>>
      %dma_start3A_1010 = arith.constant 0 : i32
      %dma_start3A_1011 = tpu.memref_slice %arg5[%squeeze3A_1001, %dma_start3A_1010] : memref<1000000x64xf32, #tpu.memory_space<hbm>> -> memref<1x64xf32, #tpu.memory_space<hbm>>
      tpu.enqueue_dma source(%dma_start3A_1011 : memref<1x64xf32, #tpu.memory_space<hbm>>) target(%dma_start3A_1009 : memref<1x64xf32, #tpu.memory_space<vmem>>) target_semaphore(%arg19 : memref<!tpu.dma_semaphore, #tpu.memory_space<semaphore_mem>>)
      %slice3A_1012 = vector.extract_strided_slice %get3A_611 {offsets = [11], sizes = [1], strides = [1]} : vector<16xi32> to vector<1xi32>
      %squeeze3A_1013 = vector.extract %slice3A_1012[0] : i32 from vector<1xi32>
      %dma_start3A_1014 = arith.constant 11 : i32
      %dma_start3A_1015 = arith.constant 0 : i32
      %dma_start3A_1016 = tpu.memref_slice %arg14[%dma_start3A_1014, %dma_start3A_1015] : memref<16x64xf32, #tpu.memory_space<vmem>> -> memref<1x64xf32, #tpu.memory_space<vmem>>
      %dma_start3A_1017 = arith.constant 0 : i32
      %dma_start3A_1018 = tpu.memref_slice %arg5[%squeeze3A_1013, %dma_start3A_1017] : memref<1000000x64xf32, #tpu.memory_space<hbm>> -> memref<1x64xf32, #tpu.memory_space<hbm>>
      %dma_start3A_1019 = arith.constant 11 : i32
      %dma_start3A_1020 = arith.constant 0 : i32
      %dma_start3A_1021 = tpu.memref_slice %arg14[%dma_start3A_1019, %dma_start3A_1020] : memref<16x64xf32, #tpu.memory_space<vmem>> -> memref<1x64xf32, #tpu.memory_space<vmem>>
      %dma_start3A_1022 = arith.constant 0 : i32
      %dma_start3A_1023 = tpu.memref_slice %arg5[%squeeze3A_1013, %dma_start3A_1022] : memref<1000000x64xf32, #tpu.memory_space<hbm>> -> memref<1x64xf32, #tpu.memory_space<hbm>>
      tpu.enqueue_dma source(%dma_start3A_1023 : memref<1x64xf32, #tpu.memory_space<hbm>>) target(%dma_start3A_1021 : memref<1x64xf32, #tpu.memory_space<vmem>>) target_semaphore(%arg19 : memref<!tpu.dma_semaphore, #tpu.memory_space<semaphore_mem>>)
      %slice3A_1024 = vector.extract_strided_slice %get3A_613 {offsets = [11], sizes = [1], strides = [1]} : vector<16xi32> to vector<1xi32>
      %squeeze3A_1025 = vector.extract %slice3A_1024[0] : i32 from vector<1xi32>
      %dma_start3A_1026 = arith.constant 11 : i32
      %dma_start3A_1027 = arith.constant 0 : i32
      %dma_start3A_1028 = tpu.memref_slice %arg15[%dma_start3A_1026, %dma_start3A_1027] : memref<16x64xf32, #tpu.memory_space<vmem>> -> memref<1x64xf32, #tpu.memory_space<vmem>>
      %dma_start3A_1029 = arith.constant 0 : i32
      %dma_start3A_1030 = tpu.memref_slice %arg6[%squeeze3A_1025, %dma_start3A_1029] : memref<1000x64xf32, #tpu.memory_space<hbm>> -> memref<1x64xf32, #tpu.memory_space<hbm>>
      %dma_start3A_1031 = arith.constant 11 : i32
      %dma_start3A_1032 = arith.constant 0 : i32
      %dma_start3A_1033 = tpu.memref_slice %arg15[%dma_start3A_1031, %dma_start3A_1032] : memref<16x64xf32, #tpu.memory_space<vmem>> -> memref<1x64xf32, #tpu.memory_space<vmem>>
      %dma_start3A_1034 = arith.constant 0 : i32
      %dma_start3A_1035 = tpu.memref_slice %arg6[%squeeze3A_1025, %dma_start3A_1034] : memref<1000x64xf32, #tpu.memory_space<hbm>> -> memref<1x64xf32, #tpu.memory_space<hbm>>
      tpu.enqueue_dma source(%dma_start3A_1035 : memref<1x64xf32, #tpu.memory_space<hbm>>) target(%dma_start3A_1033 : memref<1x64xf32, #tpu.memory_space<vmem>>) target_semaphore(%arg19 : memref<!tpu.dma_semaphore, #tpu.memory_space<semaphore_mem>>)
      %slice3A_1036 = vector.extract_strided_slice %get3A_615 {offsets = [11], sizes = [1], strides = [1]} : vector<16xi32> to vector<1xi32>
      %squeeze3A_1037 = vector.extract %slice3A_1036[0] : i32 from vector<1xi32>
      %dma_start3A_1038 = arith.constant 11 : i32
      %dma_start3A_1039 = arith.constant 0 : i32
      %dma_start3A_1040 = tpu.memref_slice %arg16[%dma_start3A_1038, %dma_start3A_1039] : memref<16x64xf32, #tpu.memory_space<vmem>> -> memref<1x64xf32, #tpu.memory_space<vmem>>
      %dma_start3A_1041 = arith.constant 0 : i32
      %dma_start3A_1042 = tpu.memref_slice %arg5[%squeeze3A_1037, %dma_start3A_1041] : memref<1000000x64xf32, #tpu.memory_space<hbm>> -> memref<1x64xf32, #tpu.memory_space<hbm>>
      %dma_start3A_1043 = arith.constant 11 : i32
      %dma_start3A_1044 = arith.constant 0 : i32
      %dma_start3A_1045 = tpu.memref_slice %arg16[%dma_start3A_1043, %dma_start3A_1044] : memref<16x64xf32, #tpu.memory_space<vmem>> -> memref<1x64xf32, #tpu.memory_space<vmem>>
      %dma_start3A_1046 = arith.constant 0 : i32
      %dma_start3A_1047 = tpu.memref_slice %arg5[%squeeze3A_1037, %dma_start3A_1046] : memref<1000000x64xf32, #tpu.memory_space<hbm>> -> memref<1x64xf32, #tpu.memory_space<hbm>>
      tpu.enqueue_dma source(%dma_start3A_1047 : memref<1x64xf32, #tpu.memory_space<hbm>>) target(%dma_start3A_1045 : memref<1x64xf32, #tpu.memory_space<vmem>>) target_semaphore(%arg19 : memref<!tpu.dma_semaphore, #tpu.memory_space<semaphore_mem>>)
      %slice3A_1048 = vector.extract_strided_slice %get3A_611 {offsets = [12], sizes = [1], strides = [1]} : vector<16xi32> to vector<1xi32>
      %squeeze3A_1049 = vector.extract %slice3A_1048[0] : i32 from vector<1xi32>
      %dma_start3A_1050 = arith.constant 12 : i32
      %dma_start3A_1051 = arith.constant 0 : i32
      %dma_start3A_1052 = tpu.memref_slice %arg14[%dma_start3A_1050, %dma_start3A_1051] : memref<16x64xf32, #tpu.memory_space<vmem>> -> memref<1x64xf32, #tpu.memory_space<vmem>>
      %dma_start3A_1053 = arith.constant 0 : i32
      %dma_start3A_1054 = tpu.memref_slice %arg5[%squeeze3A_1049, %dma_start3A_1053] : memref<1000000x64xf32, #tpu.memory_space<hbm>> -> memref<1x64xf32, #tpu.memory_space<hbm>>
      %dma_start3A_1055 = arith.constant 12 : i32
      %dma_start3A_1056 = arith.constant 0 : i32
      %dma_start3A_1057 = tpu.memref_slice %arg14[%dma_start3A_1055, %dma_start3A_1056] : memref<16x64xf32, #tpu.memory_space<vmem>> -> memref<1x64xf32, #tpu.memory_space<vmem>>
      %dma_start3A_1058 = arith.constant 0 : i32
      %dma_start3A_1059 = tpu.memref_slice %arg5[%squeeze3A_1049, %dma_start3A_1058] : memref<1000000x64xf32, #tpu.memory_space<hbm>> -> memref<1x64xf32, #tpu.memory_space<hbm>>
      tpu.enqueue_dma source(%dma_start3A_1059 : memref<1x64xf32, #tpu.memory_space<hbm>>) target(%dma_start3A_1057 : memref<1x64xf32, #tpu.memory_space<vmem>>) target_semaphore(%arg19 : memref<!tpu.dma_semaphore, #tpu.memory_space<semaphore_mem>>)
      %slice3A_1060 = vector.extract_strided_slice %get3A_613 {offsets = [12], sizes = [1], strides = [1]} : vector<16xi32> to vector<1xi32>
      %squeeze3A_1061 = vector.extract %slice3A_1060[0] : i32 from vector<1xi32>
      %dma_start3A_1062 = arith.constant 12 : i32
      %dma_start3A_1063 = arith.constant 0 : i32
      %dma_start3A_1064 = tpu.memref_slice %arg15[%dma_start3A_1062, %dma_start3A_1063] : memref<16x64xf32, #tpu.memory_space<vmem>> -> memref<1x64xf32, #tpu.memory_space<vmem>>
      %dma_start3A_1065 = arith.constant 0 : i32
      %dma_start3A_1066 = tpu.memref_slice %arg6[%squeeze3A_1061, %dma_start3A_1065] : memref<1000x64xf32, #tpu.memory_space<hbm>> -> memref<1x64xf32, #tpu.memory_space<hbm>>
      %dma_start3A_1067 = arith.constant 12 : i32
      %dma_start3A_1068 = arith.constant 0 : i32
      %dma_start3A_1069 = tpu.memref_slice %arg15[%dma_start3A_1067, %dma_start3A_1068] : memref<16x64xf32, #tpu.memory_space<vmem>> -> memref<1x64xf32, #tpu.memory_space<vmem>>
      %dma_start3A_1070 = arith.constant 0 : i32
      %dma_start3A_1071 = tpu.memref_slice %arg6[%squeeze3A_1061, %dma_start3A_1070] : memref<1000x64xf32, #tpu.memory_space<hbm>> -> memref<1x64xf32, #tpu.memory_space<hbm>>
      tpu.enqueue_dma source(%dma_start3A_1071 : memref<1x64xf32, #tpu.memory_space<hbm>>) target(%dma_start3A_1069 : memref<1x64xf32, #tpu.memory_space<vmem>>) target_semaphore(%arg19 : memref<!tpu.dma_semaphore, #tpu.memory_space<semaphore_mem>>)
      %slice3A_1072 = vector.extract_strided_slice %get3A_615 {offsets = [12], sizes = [1], strides = [1]} : vector<16xi32> to vector<1xi32>
      %squeeze3A_1073 = vector.extract %slice3A_1072[0] : i32 from vector<1xi32>
      %dma_start3A_1074 = arith.constant 12 : i32
      %dma_start3A_1075 = arith.constant 0 : i32
      %dma_start3A_1076 = tpu.memref_slice %arg16[%dma_start3A_1074, %dma_start3A_1075] : memref<16x64xf32, #tpu.memory_space<vmem>> -> memref<1x64xf32, #tpu.memory_space<vmem>>
      %dma_start3A_1077 = arith.constant 0 : i32
      %dma_start3A_1078 = tpu.memref_slice %arg5[%squeeze3A_1073, %dma_start3A_1077] : memref<1000000x64xf32, #tpu.memory_space<hbm>> -> memref<1x64xf32, #tpu.memory_space<hbm>>
      %dma_start3A_1079 = arith.constant 12 : i32
      %dma_start3A_1080 = arith.constant 0 : i32
      %dma_start3A_1081 = tpu.memref_slice %arg16[%dma_start3A_1079, %dma_start3A_1080] : memref<16x64xf32, #tpu.memory_space<vmem>> -> memref<1x64xf32, #tpu.memory_space<vmem>>
      %dma_start3A_1082 = arith.constant 0 : i32
      %dma_start3A_1083 = tpu.memref_slice %arg5[%squeeze3A_1073, %dma_start3A_1082] : memref<1000000x64xf32, #tpu.memory_space<hbm>> -> memref<1x64xf32, #tpu.memory_space<hbm>>
      tpu.enqueue_dma source(%dma_start3A_1083 : memref<1x64xf32, #tpu.memory_space<hbm>>) target(%dma_start3A_1081 : memref<1x64xf32, #tpu.memory_space<vmem>>) target_semaphore(%arg19 : memref<!tpu.dma_semaphore, #tpu.memory_space<semaphore_mem>>)
      %slice3A_1084 = vector.extract_strided_slice %get3A_611 {offsets = [13], sizes = [1], strides = [1]} : vector<16xi32> to vector<1xi32>
      %squeeze3A_1085 = vector.extract %slice3A_1084[0] : i32 from vector<1xi32>
      %dma_start3A_1086 = arith.constant 13 : i32
      %dma_start3A_1087 = arith.constant 0 : i32
      %dma_start3A_1088 = tpu.memref_slice %arg14[%dma_start3A_1086, %dma_start3A_1087] : memref<16x64xf32, #tpu.memory_space<vmem>> -> memref<1x64xf32, #tpu.memory_space<vmem>>
      %dma_start3A_1089 = arith.constant 0 : i32
      %dma_start3A_1090 = tpu.memref_slice %arg5[%squeeze3A_1085, %dma_start3A_1089] : memref<1000000x64xf32, #tpu.memory_space<hbm>> -> memref<1x64xf32, #tpu.memory_space<hbm>>
      %dma_start3A_1091 = arith.constant 13 : i32
      %dma_start3A_1092 = arith.constant 0 : i32
      %dma_start3A_1093 = tpu.memref_slice %arg14[%dma_start3A_1091, %dma_start3A_1092] : memref<16x64xf32, #tpu.memory_space<vmem>> -> memref<1x64xf32, #tpu.memory_space<vmem>>
      %dma_start3A_1094 = arith.constant 0 : i32
      %dma_start3A_1095 = tpu.memref_slice %arg5[%squeeze3A_1085, %dma_start3A_1094] : memref<1000000x64xf32, #tpu.memory_space<hbm>> -> memref<1x64xf32, #tpu.memory_space<hbm>>
      tpu.enqueue_dma source(%dma_start3A_1095 : memref<1x64xf32, #tpu.memory_space<hbm>>) target(%dma_start3A_1093 : memref<1x64xf32, #tpu.memory_space<vmem>>) target_semaphore(%arg19 : memref<!tpu.dma_semaphore, #tpu.memory_space<semaphore_mem>>)
      %slice3A_1096 = vector.extract_strided_slice %get3A_613 {offsets = [13], sizes = [1], strides = [1]} : vector<16xi32> to vector<1xi32>
      %squeeze3A_1097 = vector.extract %slice3A_1096[0] : i32 from vector<1xi32>
      %dma_start3A_1098 = arith.constant 13 : i32
      %dma_start3A_1099 = arith.constant 0 : i32
      %dma_start3A_1100 = tpu.memref_slice %arg15[%dma_start3A_1098, %dma_start3A_1099] : memref<16x64xf32, #tpu.memory_space<vmem>> -> memref<1x64xf32, #tpu.memory_space<vmem>>
      %dma_start3A_1101 = arith.constant 0 : i32
      %dma_start3A_1102 = tpu.memref_slice %arg6[%squeeze3A_1097, %dma_start3A_1101] : memref<1000x64xf32, #tpu.memory_space<hbm>> -> memref<1x64xf32, #tpu.memory_space<hbm>>
      %dma_start3A_1103 = arith.constant 13 : i32
      %dma_start3A_1104 = arith.constant 0 : i32
      %dma_start3A_1105 = tpu.memref_slice %arg15[%dma_start3A_1103, %dma_start3A_1104] : memref<16x64xf32, #tpu.memory_space<vmem>> -> memref<1x64xf32, #tpu.memory_space<vmem>>
      %dma_start3A_1106 = arith.constant 0 : i32
      %dma_start3A_1107 = tpu.memref_slice %arg6[%squeeze3A_1097, %dma_start3A_1106] : memref<1000x64xf32, #tpu.memory_space<hbm>> -> memref<1x64xf32, #tpu.memory_space<hbm>>
      tpu.enqueue_dma source(%dma_start3A_1107 : memref<1x64xf32, #tpu.memory_space<hbm>>) target(%dma_start3A_1105 : memref<1x64xf32, #tpu.memory_space<vmem>>) target_semaphore(%arg19 : memref<!tpu.dma_semaphore, #tpu.memory_space<semaphore_mem>>)
      %slice3A_1108 = vector.extract_strided_slice %get3A_615 {offsets = [13], sizes = [1], strides = [1]} : vector<16xi32> to vector<1xi32>
      %squeeze3A_1109 = vector.extract %slice3A_1108[0] : i32 from vector<1xi32>
      %dma_start3A_1110 = arith.constant 13 : i32
      %dma_start3A_1111 = arith.constant 0 : i32
      %dma_start3A_1112 = tpu.memref_slice %arg16[%dma_start3A_1110, %dma_start3A_1111] : memref<16x64xf32, #tpu.memory_space<vmem>> -> memref<1x64xf32, #tpu.memory_space<vmem>>
      %dma_start3A_1113 = arith.constant 0 : i32
      %dma_start3A_1114 = tpu.memref_slice %arg5[%squeeze3A_1109, %dma_start3A_1113] : memref<1000000x64xf32, #tpu.memory_space<hbm>> -> memref<1x64xf32, #tpu.memory_space<hbm>>
      %dma_start3A_1115 = arith.constant 13 : i32
      %dma_start3A_1116 = arith.constant 0 : i32
      %dma_start3A_1117 = tpu.memref_slice %arg16[%dma_start3A_1115, %dma_start3A_1116] : memref<16x64xf32, #tpu.memory_space<vmem>> -> memref<1x64xf32, #tpu.memory_space<vmem>>
      %dma_start3A_1118 = arith.constant 0 : i32
      %dma_start3A_1119 = tpu.memref_slice %arg5[%squeeze3A_1109, %dma_start3A_1118] : memref<1000000x64xf32, #tpu.memory_space<hbm>> -> memref<1x64xf32, #tpu.memory_space<hbm>>
      tpu.enqueue_dma source(%dma_start3A_1119 : memref<1x64xf32, #tpu.memory_space<hbm>>) target(%dma_start3A_1117 : memref<1x64xf32, #tpu.memory_space<vmem>>) target_semaphore(%arg19 : memref<!tpu.dma_semaphore, #tpu.memory_space<semaphore_mem>>)
      %slice3A_1120 = vector.extract_strided_slice %get3A_611 {offsets = [14], sizes = [1], strides = [1]} : vector<16xi32> to vector<1xi32>
      %squeeze3A_1121 = vector.extract %slice3A_1120[0] : i32 from vector<1xi32>
      %dma_start3A_1122 = arith.constant 14 : i32
      %dma_start3A_1123 = arith.constant 0 : i32
      %dma_start3A_1124 = tpu.memref_slice %arg14[%dma_start3A_1122, %dma_start3A_1123] : memref<16x64xf32, #tpu.memory_space<vmem>> -> memref<1x64xf32, #tpu.memory_space<vmem>>
      %dma_start3A_1125 = arith.constant 0 : i32
      %dma_start3A_1126 = tpu.memref_slice %arg5[%squeeze3A_1121, %dma_start3A_1125] : memref<1000000x64xf32, #tpu.memory_space<hbm>> -> memref<1x64xf32, #tpu.memory_space<hbm>>
      %dma_start3A_1127 = arith.constant 14 : i32
      %dma_start3A_1128 = arith.constant 0 : i32
      %dma_start3A_1129 = tpu.memref_slice %arg14[%dma_start3A_1127, %dma_start3A_1128] : memref<16x64xf32, #tpu.memory_space<vmem>> -> memref<1x64xf32, #tpu.memory_space<vmem>>
      %dma_start3A_1130 = arith.constant 0 : i32
      %dma_start3A_1131 = tpu.memref_slice %arg5[%squeeze3A_1121, %dma_start3A_1130] : memref<1000000x64xf32, #tpu.memory_space<hbm>> -> memref<1x64xf32, #tpu.memory_space<hbm>>
      tpu.enqueue_dma source(%dma_start3A_1131 : memref<1x64xf32, #tpu.memory_space<hbm>>) target(%dma_start3A_1129 : memref<1x64xf32, #tpu.memory_space<vmem>>) target_semaphore(%arg19 : memref<!tpu.dma_semaphore, #tpu.memory_space<semaphore_mem>>)
      %slice3A_1132 = vector.extract_strided_slice %get3A_613 {offsets = [14], sizes = [1], strides = [1]} : vector<16xi32> to vector<1xi32>
      %squeeze3A_1133 = vector.extract %slice3A_1132[0] : i32 from vector<1xi32>
      %dma_start3A_1134 = arith.constant 14 : i32
      %dma_start3A_1135 = arith.constant 0 : i32
      %dma_start3A_1136 = tpu.memref_slice %arg15[%dma_start3A_1134, %dma_start3A_1135] : memref<16x64xf32, #tpu.memory_space<vmem>> -> memref<1x64xf32, #tpu.memory_space<vmem>>
      %dma_start3A_1137 = arith.constant 0 : i32
      %dma_start3A_1138 = tpu.memref_slice %arg6[%squeeze3A_1133, %dma_start3A_1137] : memref<1000x64xf32, #tpu.memory_space<hbm>> -> memref<1x64xf32, #tpu.memory_space<hbm>>
      %dma_start3A_1139 = arith.constant 14 : i32
      %dma_start3A_1140 = arith.constant 0 : i32
      %dma_start3A_1141 = tpu.memref_slice %arg15[%dma_start3A_1139, %dma_start3A_1140] : memref<16x64xf32, #tpu.memory_space<vmem>> -> memref<1x64xf32, #tpu.memory_space<vmem>>
      %dma_start3A_1142 = arith.constant 0 : i32
      %dma_start3A_1143 = tpu.memref_slice %arg6[%squeeze3A_1133, %dma_start3A_1142] : memref<1000x64xf32, #tpu.memory_space<hbm>> -> memref<1x64xf32, #tpu.memory_space<hbm>>
      tpu.enqueue_dma source(%dma_start3A_1143 : memref<1x64xf32, #tpu.memory_space<hbm>>) target(%dma_start3A_1141 : memref<1x64xf32, #tpu.memory_space<vmem>>) target_semaphore(%arg19 : memref<!tpu.dma_semaphore, #tpu.memory_space<semaphore_mem>>)
      %slice3A_1144 = vector.extract_strided_slice %get3A_615 {offsets = [14], sizes = [1], strides = [1]} : vector<16xi32> to vector<1xi32>
      %squeeze3A_1145 = vector.extract %slice3A_1144[0] : i32 from vector<1xi32>
      %dma_start3A_1146 = arith.constant 14 : i32
      %dma_start3A_1147 = arith.constant 0 : i32
      %dma_start3A_1148 = tpu.memref_slice %arg16[%dma_start3A_1146, %dma_start3A_1147] : memref<16x64xf32, #tpu.memory_space<vmem>> -> memref<1x64xf32, #tpu.memory_space<vmem>>
      %dma_start3A_1149 = arith.constant 0 : i32
      %dma_start3A_1150 = tpu.memref_slice %arg5[%squeeze3A_1145, %dma_start3A_1149] : memref<1000000x64xf32, #tpu.memory_space<hbm>> -> memref<1x64xf32, #tpu.memory_space<hbm>>
      %dma_start3A_1151 = arith.constant 14 : i32
      %dma_start3A_1152 = arith.constant 0 : i32
      %dma_start3A_1153 = tpu.memref_slice %arg16[%dma_start3A_1151, %dma_start3A_1152] : memref<16x64xf32, #tpu.memory_space<vmem>> -> memref<1x64xf32, #tpu.memory_space<vmem>>
      %dma_start3A_1154 = arith.constant 0 : i32
      %dma_start3A_1155 = tpu.memref_slice %arg5[%squeeze3A_1145, %dma_start3A_1154] : memref<1000000x64xf32, #tpu.memory_space<hbm>> -> memref<1x64xf32, #tpu.memory_space<hbm>>
      tpu.enqueue_dma source(%dma_start3A_1155 : memref<1x64xf32, #tpu.memory_space<hbm>>) target(%dma_start3A_1153 : memref<1x64xf32, #tpu.memory_space<vmem>>) target_semaphore(%arg19 : memref<!tpu.dma_semaphore, #tpu.memory_space<semaphore_mem>>)
      %slice3A_1156 = vector.extract_strided_slice %get3A_611 {offsets = [15], sizes = [1], strides = [1]} : vector<16xi32> to vector<1xi32>
      %squeeze3A_1157 = vector.extract %slice3A_1156[0] : i32 from vector<1xi32>
      %dma_start3A_1158 = arith.constant 15 : i32
      %dma_start3A_1159 = arith.constant 0 : i32
      %dma_start3A_1160 = tpu.memref_slice %arg14[%dma_start3A_1158, %dma_start3A_1159] : memref<16x64xf32, #tpu.memory_space<vmem>> -> memref<1x64xf32, #tpu.memory_space<vmem>>
      %dma_start3A_1161 = arith.constant 0 : i32
      %dma_start3A_1162 = tpu.memref_slice %arg5[%squeeze3A_1157, %dma_start3A_1161] : memref<1000000x64xf32, #tpu.memory_space<hbm>> -> memref<1x64xf32, #tpu.memory_space<hbm>>
      %dma_start3A_1163 = arith.constant 15 : i32
      %dma_start3A_1164 = arith.constant 0 : i32
      %dma_start3A_1165 = tpu.memref_slice %arg14[%dma_start3A_1163, %dma_start3A_1164] : memref<16x64xf32, #tpu.memory_space<vmem>> -> memref<1x64xf32, #tpu.memory_space<vmem>>
      %dma_start3A_1166 = arith.constant 0 : i32
      %dma_start3A_1167 = tpu.memref_slice %arg5[%squeeze3A_1157, %dma_start3A_1166] : memref<1000000x64xf32, #tpu.memory_space<hbm>> -> memref<1x64xf32, #tpu.memory_space<hbm>>
      tpu.enqueue_dma source(%dma_start3A_1167 : memref<1x64xf32, #tpu.memory_space<hbm>>) target(%dma_start3A_1165 : memref<1x64xf32, #tpu.memory_space<vmem>>) target_semaphore(%arg19 : memref<!tpu.dma_semaphore, #tpu.memory_space<semaphore_mem>>)
      %slice3A_1168 = vector.extract_strided_slice %get3A_613 {offsets = [15], sizes = [1], strides = [1]} : vector<16xi32> to vector<1xi32>
      %squeeze3A_1169 = vector.extract %slice3A_1168[0] : i32 from vector<1xi32>
      %dma_start3A_1170 = arith.constant 15 : i32
      %dma_start3A_1171 = arith.constant 0 : i32
      %dma_start3A_1172 = tpu.memref_slice %arg15[%dma_start3A_1170, %dma_start3A_1171] : memref<16x64xf32, #tpu.memory_space<vmem>> -> memref<1x64xf32, #tpu.memory_space<vmem>>
      %dma_start3A_1173 = arith.constant 0 : i32
      %dma_start3A_1174 = tpu.memref_slice %arg6[%squeeze3A_1169, %dma_start3A_1173] : memref<1000x64xf32, #tpu.memory_space<hbm>> -> memref<1x64xf32, #tpu.memory_space<hbm>>
      %dma_start3A_1175 = arith.constant 15 : i32
      %dma_start3A_1176 = arith.constant 0 : i32
      %dma_start3A_1177 = tpu.memref_slice %arg15[%dma_start3A_1175, %dma_start3A_1176] : memref<16x64xf32, #tpu.memory_space<vmem>> -> memref<1x64xf32, #tpu.memory_space<vmem>>
      %dma_start3A_1178 = arith.constant 0 : i32
      %dma_start3A_1179 = tpu.memref_slice %arg6[%squeeze3A_1169, %dma_start3A_1178] : memref<1000x64xf32, #tpu.memory_space<hbm>> -> memref<1x64xf32, #tpu.memory_space<hbm>>
      tpu.enqueue_dma source(%dma_start3A_1179 : memref<1x64xf32, #tpu.memory_space<hbm>>) target(%dma_start3A_1177 : memref<1x64xf32, #tpu.memory_space<vmem>>) target_semaphore(%arg19 : memref<!tpu.dma_semaphore, #tpu.memory_space<semaphore_mem>>)
      %slice3A_1180 = vector.extract_strided_slice %get3A_615 {offsets = [15], sizes = [1], strides = [1]} : vector<16xi32> to vector<1xi32>
      %squeeze3A_1181 = vector.extract %slice3A_1180[0] : i32 from vector<1xi32>
      %dma_start3A_1182 = arith.constant 15 : i32
      %dma_start3A_1183 = arith.constant 0 : i32
      %dma_start3A_1184 = tpu.memref_slice %arg16[%dma_start3A_1182, %dma_start3A_1183] : memref<16x64xf32, #tpu.memory_space<vmem>> -> memref<1x64xf32, #tpu.memory_space<vmem>>
      %dma_start3A_1185 = arith.constant 0 : i32
      %dma_start3A_1186 = tpu.memref_slice %arg5[%squeeze3A_1181, %dma_start3A_1185] : memref<1000000x64xf32, #tpu.memory_space<hbm>> -> memref<1x64xf32, #tpu.memory_space<hbm>>
      %dma_start3A_1187 = arith.constant 15 : i32
      %dma_start3A_1188 = arith.constant 0 : i32
      %dma_start3A_1189 = tpu.memref_slice %arg16[%dma_start3A_1187, %dma_start3A_1188] : memref<16x64xf32, #tpu.memory_space<vmem>> -> memref<1x64xf32, #tpu.memory_space<vmem>>
      %dma_start3A_1190 = arith.constant 0 : i32
      %dma_start3A_1191 = tpu.memref_slice %arg5[%squeeze3A_1181, %dma_start3A_1190] : memref<1000000x64xf32, #tpu.memory_space<hbm>> -> memref<1x64xf32, #tpu.memory_space<hbm>>
      tpu.enqueue_dma source(%dma_start3A_1191 : memref<1x64xf32, #tpu.memory_space<hbm>>) target(%dma_start3A_1189 : memref<1x64xf32, #tpu.memory_space<vmem>>) target_semaphore(%arg19 : memref<!tpu.dma_semaphore, #tpu.memory_space<semaphore_mem>>)
      %dma_wait3A_1192 = arith.constant 0 : i32
      %dma_wait3A_1193 = arith.constant 0 : i32
      %dma_wait3A_1194 = tpu.memref_slice %arg5[%dma_wait3A_1192, %dma_wait3A_1193] : memref<1000000x64xf32, #tpu.memory_space<hbm>> -> memref<16x64xf32, #tpu.memory_space<hbm>>
      %dma_wait3A_1195 = arith.constant 0 : i32
      %dma_wait3A_1196 = arith.constant 0 : i32
      %dma_wait3A_1197 = tpu.memref_slice %arg5[%dma_wait3A_1195, %dma_wait3A_1196] : memref<1000000x64xf32, #tpu.memory_space<hbm>> -> memref<16x64xf32, #tpu.memory_space<hbm>>
      tpu.wait_dma2 semaphore(%arg18 : memref<!tpu.dma_semaphore, #tpu.memory_space<semaphore_mem>>) src(%dma_wait3A_1197 : memref<16x64xf32, #tpu.memory_space<hbm>>) dst(%arg11 : memref<16x64xf32, #tpu.memory_space<vmem>>)
      %dma_wait3A_1198 = arith.constant 0 : i32
      %dma_wait3A_1199 = arith.constant 0 : i32
      %dma_wait3A_1200 = tpu.memref_slice %arg5[%dma_wait3A_1198, %dma_wait3A_1199] : memref<1000000x64xf32, #tpu.memory_space<hbm>> -> memref<16x64xf32, #tpu.memory_space<hbm>>
      %dma_wait3A_1201 = arith.constant 0 : i32
      %dma_wait3A_1202 = arith.constant 0 : i32
      %dma_wait3A_1203 = tpu.memref_slice %arg5[%dma_wait3A_1201, %dma_wait3A_1202] : memref<1000000x64xf32, #tpu.memory_space<hbm>> -> memref<16x64xf32, #tpu.memory_space<hbm>>
      tpu.wait_dma2 semaphore(%arg18 : memref<!tpu.dma_semaphore, #tpu.memory_space<semaphore_mem>>) src(%dma_wait3A_1203 : memref<16x64xf32, #tpu.memory_space<hbm>>) dst(%arg12 : memref<16x64xf32, #tpu.memory_space<vmem>>)
      %dma_wait3A_1204 = arith.constant 0 : i32
      %dma_wait3A_1205 = arith.constant 0 : i32
      %dma_wait3A_1206 = tpu.memref_slice %arg5[%dma_wait3A_1204, %dma_wait3A_1205] : memref<1000000x64xf32, #tpu.memory_space<hbm>> -> memref<16x64xf32, #tpu.memory_space<hbm>>
      %dma_wait3A_1207 = arith.constant 0 : i32
      %dma_wait3A_1208 = arith.constant 0 : i32
      %dma_wait3A_1209 = tpu.memref_slice %arg5[%dma_wait3A_1207, %dma_wait3A_1208] : memref<1000000x64xf32, #tpu.memory_space<hbm>> -> memref<16x64xf32, #tpu.memory_space<hbm>>
      tpu.wait_dma2 semaphore(%arg18 : memref<!tpu.dma_semaphore, #tpu.memory_space<semaphore_mem>>) src(%dma_wait3A_1209 : memref<16x64xf32, #tpu.memory_space<hbm>>) dst(%arg13 : memref<16x64xf32, #tpu.memory_space<vmem>>)
      %mul3A_1210 = arith.constant 16 : i32
      %mul3A_1211 = arith.muli %mul3A_605, %mul3A_1210 : i32
      %broadcast_in_dim3A = arith.constant 0.000000e+00 : f32
      %broadcast_in_dim3A_1212 = vector.broadcast %broadcast_in_dim3A : f32 to vector<16xf32>
      %broadcast_in_dim3A_1213 = arith.constant 0.000000e+00 : f32
      %broadcast_in_dim3A_1214 = vector.broadcast %broadcast_in_dim3A_1213 : f32 to vector<16xf32>
      %get3A_1215 = arith.constant 0 : i32
      %get3A_1216 = arith.index_cast %get3A_1215 : i32 to index
      %get3A_1217 = arith.constant 0 : index
      %get3A_1218 = tpu.vector_load %arg11[%get3A_1216, %get3A_1217] {strides = array<i32>} : memref<16x64xf32, #tpu.memory_space<vmem>>, vector<16xf32>,
      %get3A_1219 = arith.constant 0 : i32
      %get3A_1220 = arith.index_cast %get3A_1219 : i32 to index
      %get3A_1221 = arith.constant 0 : index
      %get3A_1222 = tpu.vector_load %arg12[%get3A_1220, %get3A_1221] {strides = array<i32>} : memref<16x64xf32, #tpu.memory_space<vmem>>, vector<16xf32>,
      %add3A_1223 = arith.addf %get3A_1218, %get3A_1222 : vector<16xf32>
      %get3A_1224 = arith.constant 0 : i32
      %get3A_1225 = arith.index_cast %get3A_1224 : i32 to index
      %get3A_1226 = arith.constant 0 : index
      %get3A_1227 = tpu.vector_load %arg13[%get3A_1225, %get3A_1226] {strides = array<i32>} : memref<16x64xf32, #tpu.memory_space<vmem>>, vector<16xf32>,
      %sub3A = arith.subf %add3A_1223, %get3A_1227 : vector<16xf32>
      %mul3A_1228 = arith.mulf %sub3A, %sub3A : vector<16xf32>
      %add3A_1229 = arith.addf %broadcast_in_dim3A_1214, %mul3A_1228 : vector<16xf32>
      %get3A_1230 = arith.constant 0 : i32
      %get3A_1231 = arith.index_cast %get3A_1230 : i32 to index
      %get3A_1232 = arith.constant 16 : index
      %get3A_1233 = tpu.vector_load %arg11[%get3A_1231, %get3A_1232] {strides = array<i32>} : memref<16x64xf32, #tpu.memory_space<vmem>>, vector<16xf32>,
      %get3A_1234 = arith.constant 0 : i32
      %get3A_1235 = arith.index_cast %get3A_1234 : i32 to index
      %get3A_1236 = arith.constant 16 : index
      %get3A_1237 = tpu.vector_load %arg12[%get3A_1235, %get3A_1236] {strides = array<i32>} : memref<16x64xf32, #tpu.memory_space<vmem>>, vector<16xf32>,
      %add3A_1238 = arith.addf %get3A_1233, %get3A_1237 : vector<16xf32>
      %get3A_1239 = arith.constant 0 : i32
      %get3A_1240 = arith.index_cast %get3A_1239 : i32 to index
      %get3A_1241 = arith.constant 16 : index
      %get3A_1242 = tpu.vector_load %arg13[%get3A_1240, %get3A_1241] {strides = array<i32>} : memref<16x64xf32, #tpu.memory_space<vmem>>, vector<16xf32>,
      %sub3A_1243 = arith.subf %add3A_1238, %get3A_1242 : vector<16xf32>
      %mul3A_1244 = arith.mulf %sub3A_1243, %sub3A_1243 : vector<16xf32>
      %add3A_1245 = arith.addf %add3A_1229, %mul3A_1244 : vector<16xf32>
      %get3A_1246 = arith.constant 0 : i32
      %get3A_1247 = arith.index_cast %get3A_1246 : i32 to index
      %get3A_1248 = arith.constant 32 : index
      %get3A_1249 = tpu.vector_load %arg11[%get3A_1247, %get3A_1248] {strides = array<i32>} : memref<16x64xf32, #tpu.memory_space<vmem>>, vector<16xf32>,
      %get3A_1250 = arith.constant 0 : i32
      %get3A_1251 = arith.index_cast %get3A_1250 : i32 to index
      %get3A_1252 = arith.constant 32 : index
      %get3A_1253 = tpu.vector_load %arg12[%get3A_1251, %get3A_1252] {strides = array<i32>} : memref<16x64xf32, #tpu.memory_space<vmem>>, vector<16xf32>,
      %add3A_1254 = arith.addf %get3A_1249, %get3A_1253 : vector<16xf32>
      %get3A_1255 = arith.constant 0 : i32
      %get3A_1256 = arith.index_cast %get3A_1255 : i32 to index
      %get3A_1257 = arith.constant 32 : index
      %get3A_1258 = tpu.vector_load %arg13[%get3A_1256, %get3A_1257] {strides = array<i32>} : memref<16x64xf32, #tpu.memory_space<vmem>>, vector<16xf32>,
      %sub3A_1259 = arith.subf %add3A_1254, %get3A_1258 : vector<16xf32>
      %mul3A_1260 = arith.mulf %sub3A_1259, %sub3A_1259 : vector<16xf32>
      %add3A_1261 = arith.addf %add3A_1245, %mul3A_1260 : vector<16xf32>
      %get3A_1262 = arith.constant 0 : i32
      %get3A_1263 = arith.index_cast %get3A_1262 : i32 to index
      %get3A_1264 = arith.constant 48 : index
      %get3A_1265 = tpu.vector_load %arg11[%get3A_1263, %get3A_1264] {strides = array<i32>} : memref<16x64xf32, #tpu.memory_space<vmem>>, vector<16xf32>,
      %get3A_1266 = arith.constant 0 : i32
      %get3A_1267 = arith.index_cast %get3A_1266 : i32 to index
      %get3A_1268 = arith.constant 48 : index
      %get3A_1269 = tpu.vector_load %arg12[%get3A_1267, %get3A_1268] {strides = array<i32>} : memref<16x64xf32, #tpu.memory_space<vmem>>, vector<16xf32>,
      %add3A_1270 = arith.addf %get3A_1265, %get3A_1269 : vector<16xf32>
      %get3A_1271 = arith.constant 0 : i32
      %get3A_1272 = arith.index_cast %get3A_1271 : i32 to index
      %get3A_1273 = arith.constant 48 : index
      %get3A_1274 = tpu.vector_load %arg13[%get3A_1272, %get3A_1273] {strides = array<i32>} : memref<16x64xf32, #tpu.memory_space<vmem>>, vector<16xf32>,
      %sub3A_1275 = arith.subf %add3A_1270, %get3A_1274 : vector<16xf32>
      %mul3A_1276 = arith.mulf %sub3A_1275, %sub3A_1275 : vector<16xf32>
      %add3A_1277 = arith.addf %add3A_1261, %mul3A_1276 : vector<16xf32>
      %eq3A = arith.constant 0 : i32
      %eq3A_1278 = vector.broadcast %eq3A : i32 to vector<16xi32>
      %eq3A_1279 = arith.cmpi eq, %iota3A, %eq3A_1278 : vector<16xi32>
      %reduce_sum3A = arith.constant true
      %reduce_sum3A_1280 = vector.broadcast %reduce_sum3A : i1 to vector<16xi1>
      %reduce_sum3A_1281 = tpu.scan <sum>, %add3A_1277 masked %reduce_sum3A_1280 : vector<16xf32>, vector<16xi1> -> vector<16xf32>
      %reduce_sum3A_1282 = vector.extract %reduce_sum3A_1281[15] : f32 from vector<16xf32>
      %broadcast_in_dim3A_1283 = vector.broadcast %reduce_sum3A_1282 : f32 to vector<16xf32>
      %select_n3A = arith.select %eq3A_1279, %broadcast_in_dim3A_1283, %broadcast_in_dim3A_1212 : vector<16xi1>, vector<16xf32>
      %broadcast_in_dim3A_1284 = arith.constant 0.000000e+00 : f32
      %broadcast_in_dim3A_1285 = vector.broadcast %broadcast_in_dim3A_1284 : f32 to vector<16xf32>
      %get3A_1286 = arith.constant 1 : i32
      %get3A_1287 = arith.index_cast %get3A_1286 : i32 to index
      %get3A_1288 = arith.constant 0 : index
      %get3A_1289 = tpu.vector_load %arg11[%get3A_1287, %get3A_1288] {strides = array<i32>} : memref<16x64xf32, #tpu.memory_space<vmem>>, vector<16xf32>,
      %get3A_1290 = arith.constant 1 : i32
      %get3A_1291 = arith.index_cast %get3A_1290 : i32 to index
      %get3A_1292 = arith.constant 0 : index
      %get3A_1293 = tpu.vector_load %arg12[%get3A_1291, %get3A_1292] {strides = array<i32>} : memref<16x64xf32, #tpu.memory_space<vmem>>, vector<16xf32>,
      %add3A_1294 = arith.addf %get3A_1289, %get3A_1293 : vector<16xf32>
      %get3A_1295 = arith.constant 1 : i32
      %get3A_1296 = arith.index_cast %get3A_1295 : i32 to index
      %get3A_1297 = arith.constant 0 : index
      %get3A_1298 = tpu.vector_load %arg13[%get3A_1296, %get3A_1297] {strides = array<i32>} : memref<16x64xf32, #tpu.memory_space<vmem>>, vector<16xf32>,
      %sub3A_1299 = arith.subf %add3A_1294, %get3A_1298 : vector<16xf32>
      %mul3A_1300 = arith.mulf %sub3A_1299, %sub3A_1299 : vector<16xf32>
      %add3A_1301 = arith.addf %broadcast_in_dim3A_1285, %mul3A_1300 : vector<16xf32>
      %get3A_1302 = arith.constant 1 : i32
      %get3A_1303 = arith.index_cast %get3A_1302 : i32 to index
      %get3A_1304 = arith.constant 16 : index
      %get3A_1305 = tpu.vector_load %arg11[%get3A_1303, %get3A_1304] {strides = array<i32>} : memref<16x64xf32, #tpu.memory_space<vmem>>, vector<16xf32>,
      %get3A_1306 = arith.constant 1 : i32
      %get3A_1307 = arith.index_cast %get3A_1306 : i32 to index
      %get3A_1308 = arith.constant 16 : index
      %get3A_1309 = tpu.vector_load %arg12[%get3A_1307, %get3A_1308] {strides = array<i32>} : memref<16x64xf32, #tpu.memory_space<vmem>>, vector<16xf32>,
      %add3A_1310 = arith.addf %get3A_1305, %get3A_1309 : vector<16xf32>
      %get3A_1311 = arith.constant 1 : i32
      %get3A_1312 = arith.index_cast %get3A_1311 : i32 to index
      %get3A_1313 = arith.constant 16 : index
      %get3A_1314 = tpu.vector_load %arg13[%get3A_1312, %get3A_1313] {strides = array<i32>} : memref<16x64xf32, #tpu.memory_space<vmem>>, vector<16xf32>,
      %sub3A_1315 = arith.subf %add3A_1310, %get3A_1314 : vector<16xf32>
      %mul3A_1316 = arith.mulf %sub3A_1315, %sub3A_1315 : vector<16xf32>
      %add3A_1317 = arith.addf %add3A_1301, %mul3A_1316 : vector<16xf32>
      %get3A_1318 = arith.constant 1 : i32
      %get3A_1319 = arith.index_cast %get3A_1318 : i32 to index
      %get3A_1320 = arith.constant 32 : index
      %get3A_1321 = tpu.vector_load %arg11[%get3A_1319, %get3A_1320] {strides = array<i32>} : memref<16x64xf32, #tpu.memory_space<vmem>>, vector<16xf32>,
      %get3A_1322 = arith.constant 1 : i32
      %get3A_1323 = arith.index_cast %get3A_1322 : i32 to index
      %get3A_1324 = arith.constant 32 : index
      %get3A_1325 = tpu.vector_load %arg12[%get3A_1323, %get3A_1324] {strides = array<i32>} : memref<16x64xf32, #tpu.memory_space<vmem>>, vector<16xf32>,
      %add3A_1326 = arith.addf %get3A_1321, %get3A_1325 : vector<16xf32>
      %get3A_1327 = arith.constant 1 : i32
      %get3A_1328 = arith.index_cast %get3A_1327 : i32 to index
      %get3A_1329 = arith.constant 32 : index
      %get3A_1330 = tpu.vector_load %arg13[%get3A_1328, %get3A_1329] {strides = array<i32>} : memref<16x64xf32, #tpu.memory_space<vmem>>, vector<16xf32>,
      %sub3A_1331 = arith.subf %add3A_1326, %get3A_1330 : vector<16xf32>
      %mul3A_1332 = arith.mulf %sub3A_1331, %sub3A_1331 : vector<16xf32>
      %add3A_1333 = arith.addf %add3A_1317, %mul3A_1332 : vector<16xf32>
      %get3A_1334 = arith.constant 1 : i32
      %get3A_1335 = arith.index_cast %get3A_1334 : i32 to index
      %get3A_1336 = arith.constant 48 : index
      %get3A_1337 = tpu.vector_load %arg11[%get3A_1335, %get3A_1336] {strides = array<i32>} : memref<16x64xf32, #tpu.memory_space<vmem>>, vector<16xf32>,
      %get3A_1338 = arith.constant 1 : i32
      %get3A_1339 = arith.index_cast %get3A_1338 : i32 to index
      %get3A_1340 = arith.constant 48 : index
      %get3A_1341 = tpu.vector_load %arg12[%get3A_1339, %get3A_1340] {strides = array<i32>} : memref<16x64xf32, #tpu.memory_space<vmem>>, vector<16xf32>,
      %add3A_1342 = arith.addf %get3A_1337, %get3A_1341 : vector<16xf32>
      %get3A_1343 = arith.constant 1 : i32
      %get3A_1344 = arith.index_cast %get3A_1343 : i32 to index
      %get3A_1345 = arith.constant 48 : index
      %get3A_1346 = tpu.vector_load %arg13[%get3A_1344, %get3A_1345] {strides = array<i32>} : memref<16x64xf32, #tpu.memory_space<vmem>>, vector<16xf32>,
      %sub3A_1347 = arith.subf %add3A_1342, %get3A_1346 : vector<16xf32>
      %mul3A_1348 = arith.mulf %sub3A_1347, %sub3A_1347 : vector<16xf32>
      %add3A_1349 = arith.addf %add3A_1333, %mul3A_1348 : vector<16xf32>
      %eq3A_1350 = arith.constant 1 : i32
      %eq3A_1351 = vector.broadcast %eq3A_1350 : i32 to vector<16xi32>
      %eq3A_1352 = arith.cmpi eq, %iota3A, %eq3A_1351 : vector<16xi32>
      %reduce_sum3A_1353 = arith.constant true
      %reduce_sum3A_1354 = vector.broadcast %reduce_sum3A_1353 : i1 to vector<16xi1>
      %reduce_sum3A_1355 = tpu.scan <sum>, %add3A_1349 masked %reduce_sum3A_1354 : vector<16xf32>, vector<16xi1> -> vector<16xf32>
      %reduce_sum3A_1356 = vector.extract %reduce_sum3A_1355[15] : f32 from vector<16xf32>
      %broadcast_in_dim3A_1357 = vector.broadcast %reduce_sum3A_1356 : f32 to vector<16xf32>
      %select_n3A_1358 = arith.select %eq3A_1352, %broadcast_in_dim3A_1357, %select_n3A : vector<16xi1>, vector<16xf32>
      %broadcast_in_dim3A_1359 = arith.constant 0.000000e+00 : f32
      %broadcast_in_dim3A_1360 = vector.broadcast %broadcast_in_dim3A_1359 : f32 to vector<16xf32>
      %get3A_1361 = arith.constant 2 : i32
      %get3A_1362 = arith.index_cast %get3A_1361 : i32 to index
      %get3A_1363 = arith.constant 0 : index
      %get3A_1364 = tpu.vector_load %arg11[%get3A_1362, %get3A_1363] {strides = array<i32>} : memref<16x64xf32, #tpu.memory_space<vmem>>, vector<16xf32>,
      %get3A_1365 = arith.constant 2 : i32
      %get3A_1366 = arith.index_cast %get3A_1365 : i32 to index
      %get3A_1367 = arith.constant 0 : index
      %get3A_1368 = tpu.vector_load %arg12[%get3A_1366, %get3A_1367] {strides = array<i32>} : memref<16x64xf32, #tpu.memory_space<vmem>>, vector<16xf32>,
      %add3A_1369 = arith.addf %get3A_1364, %get3A_1368 : vector<16xf32>
      %get3A_1370 = arith.constant 2 : i32
      %get3A_1371 = arith.index_cast %get3A_1370 : i32 to index
      %get3A_1372 = arith.constant 0 : index
      %get3A_1373 = tpu.vector_load %arg13[%get3A_1371, %get3A_1372] {strides = array<i32>} : memref<16x64xf32, #tpu.memory_space<vmem>>, vector<16xf32>,
      %sub3A_1374 = arith.subf %add3A_1369, %get3A_1373 : vector<16xf32>
      %mul3A_1375 = arith.mulf %sub3A_1374, %sub3A_1374 : vector<16xf32>
      %add3A_1376 = arith.addf %broadcast_in_dim3A_1360, %mul3A_1375 : vector<16xf32>
      %get3A_1377 = arith.constant 2 : i32
      %get3A_1378 = arith.index_cast %get3A_1377 : i32 to index
      %get3A_1379 = arith.constant 16 : index
      %get3A_1380 = tpu.vector_load %arg11[%get3A_1378, %get3A_1379] {strides = array<i32>} : memref<16x64xf32, #tpu.memory_space<vmem>>, vector<16xf32>,
      %get3A_1381 = arith.constant 2 : i32
      %get3A_1382 = arith.index_cast %get3A_1381 : i32 to index
      %get3A_1383 = arith.constant 16 : index
      %get3A_1384 = tpu.vector_load %arg12[%get3A_1382, %get3A_1383] {strides = array<i32>} : memref<16x64xf32, #tpu.memory_space<vmem>>, vector<16xf32>,
      %add3A_1385 = arith.addf %get3A_1380, %get3A_1384 : vector<16xf32>
      %get3A_1386 = arith.constant 2 : i32
      %get3A_1387 = arith.index_cast %get3A_1386 : i32 to index
      %get3A_1388 = arith.constant 16 : index
      %get3A_1389 = tpu.vector_load %arg13[%get3A_1387, %get3A_1388] {strides = array<i32>} : memref<16x64xf32, #tpu.memory_space<vmem>>, vector<16xf32>,
      %sub3A_1390 = arith.subf %add3A_1385, %get3A_1389 : vector<16xf32>
      %mul3A_1391 = arith.mulf %sub3A_1390, %sub3A_1390 : vector<16xf32>
      %add3A_1392 = arith.addf %add3A_1376, %mul3A_1391 : vector<16xf32>
      %get3A_1393 = arith.constant 2 : i32
      %get3A_1394 = arith.index_cast %get3A_1393 : i32 to index
      %get3A_1395 = arith.constant 32 : index
      %get3A_1396 = tpu.vector_load %arg11[%get3A_1394, %get3A_1395] {strides = array<i32>} : memref<16x64xf32, #tpu.memory_space<vmem>>, vector<16xf32>,
      %get3A_1397 = arith.constant 2 : i32
      %get3A_1398 = arith.index_cast %get3A_1397 : i32 to index
      %get3A_1399 = arith.constant 32 : index
      %get3A_1400 = tpu.vector_load %arg12[%get3A_1398, %get3A_1399] {strides = array<i32>} : memref<16x64xf32, #tpu.memory_space<vmem>>, vector<16xf32>,
      %add3A_1401 = arith.addf %get3A_1396, %get3A_1400 : vector<16xf32>
      %get3A_1402 = arith.constant 2 : i32
      %get3A_1403 = arith.index_cast %get3A_1402 : i32 to index
      %get3A_1404 = arith.constant 32 : index
      %get3A_1405 = tpu.vector_load %arg13[%get3A_1403, %get3A_1404] {strides = array<i32>} : memref<16x64xf32, #tpu.memory_space<vmem>>, vector<16xf32>,
      %sub3A_1406 = arith.subf %add3A_1401, %get3A_1405 : vector<16xf32>
      %mul3A_1407 = arith.mulf %sub3A_1406, %sub3A_1406 : vector<16xf32>
      %add3A_1408 = arith.addf %add3A_1392, %mul3A_1407 : vector<16xf32>
      %get3A_1409 = arith.constant 2 : i32
      %get3A_1410 = arith.index_cast %get3A_1409 : i32 to index
      %get3A_1411 = arith.constant 48 : index
      %get3A_1412 = tpu.vector_load %arg11[%get3A_1410, %get3A_1411] {strides = array<i32>} : memref<16x64xf32, #tpu.memory_space<vmem>>, vector<16xf32>,
      %get3A_1413 = arith.constant 2 : i32
      %get3A_1414 = arith.index_cast %get3A_1413 : i32 to index
      %get3A_1415 = arith.constant 48 : index
      %get3A_1416 = tpu.vector_load %arg12[%get3A_1414, %get3A_1415] {strides = array<i32>} : memref<16x64xf32, #tpu.memory_space<vmem>>, vector<16xf32>,
      %add3A_1417 = arith.addf %get3A_1412, %get3A_1416 : vector<16xf32>
      %get3A_1418 = arith.constant 2 : i32
      %get3A_1419 = arith.index_cast %get3A_1418 : i32 to index
      %get3A_1420 = arith.constant 48 : index
      %get3A_1421 = tpu.vector_load %arg13[%get3A_1419, %get3A_1420] {strides = array<i32>} : memref<16x64xf32, #tpu.memory_space<vmem>>, vector<16xf32>,
      %sub3A_1422 = arith.subf %add3A_1417, %get3A_1421 : vector<16xf32>
      %mul3A_1423 = arith.mulf %sub3A_1422, %sub3A_1422 : vector<16xf32>
      %add3A_1424 = arith.addf %add3A_1408, %mul3A_1423 : vector<16xf32>
      %eq3A_1425 = arith.constant 2 : i32
      %eq3A_1426 = vector.broadcast %eq3A_1425 : i32 to vector<16xi32>
      %eq3A_1427 = arith.cmpi eq, %iota3A, %eq3A_1426 : vector<16xi32>
      %reduce_sum3A_1428 = arith.constant true
      %reduce_sum3A_1429 = vector.broadcast %reduce_sum3A_1428 : i1 to vector<16xi1>
      %reduce_sum3A_1430 = tpu.scan <sum>, %add3A_1424 masked %reduce_sum3A_1429 : vector<16xf32>, vector<16xi1> -> vector<16xf32>
      %reduce_sum3A_1431 = vector.extract %reduce_sum3A_1430[15] : f32 from vector<16xf32>
      %broadcast_in_dim3A_1432 = vector.broadcast %reduce_sum3A_1431 : f32 to vector<16xf32>
      %select_n3A_1433 = arith.select %eq3A_1427, %broadcast_in_dim3A_1432, %select_n3A_1358 : vector<16xi1>, vector<16xf32>
      %broadcast_in_dim3A_1434 = arith.constant 0.000000e+00 : f32
      %broadcast_in_dim3A_1435 = vector.broadcast %broadcast_in_dim3A_1434 : f32 to vector<16xf32>
      %get3A_1436 = arith.constant 3 : i32
      %get3A_1437 = arith.index_cast %get3A_1436 : i32 to index
      %get3A_1438 = arith.constant 0 : index
      %get3A_1439 = tpu.vector_load %arg11[%get3A_1437, %get3A_1438] {strides = array<i32>} : memref<16x64xf32, #tpu.memory_space<vmem>>, vector<16xf32>,
      %get3A_1440 = arith.constant 3 : i32
      %get3A_1441 = arith.index_cast %get3A_1440 : i32 to index
      %get3A_1442 = arith.constant 0 : index
      %get3A_1443 = tpu.vector_load %arg12[%get3A_1441, %get3A_1442] {strides = array<i32>} : memref<16x64xf32, #tpu.memory_space<vmem>>, vector<16xf32>,
      %add3A_1444 = arith.addf %get3A_1439, %get3A_1443 : vector<16xf32>
      %get3A_1445 = arith.constant 3 : i32
      %get3A_1446 = arith.index_cast %get3A_1445 : i32 to index
      %get3A_1447 = arith.constant 0 : index
      %get3A_1448 = tpu.vector_load %arg13[%get3A_1446, %get3A_1447] {strides = array<i32>} : memref<16x64xf32, #tpu.memory_space<vmem>>, vector<16xf32>,
      %sub3A_1449 = arith.subf %add3A_1444, %get3A_1448 : vector<16xf32>
      %mul3A_1450 = arith.mulf %sub3A_1449, %sub3A_1449 : vector<16xf32>
      %add3A_1451 = arith.addf %broadcast_in_dim3A_1435, %mul3A_1450 : vector<16xf32>
      %get3A_1452 = arith.constant 3 : i32
      %get3A_1453 = arith.index_cast %get3A_1452 : i32 to index
      %get3A_1454 = arith.constant 16 : index
      %get3A_1455 = tpu.vector_load %arg11[%get3A_1453, %get3A_1454] {strides = array<i32>} : memref<16x64xf32, #tpu.memory_space<vmem>>, vector<16xf32>,
      %get3A_1456 = arith.constant 3 : i32
      %get3A_1457 = arith.index_cast %get3A_1456 : i32 to index
      %get3A_1458 = arith.constant 16 : index
      %get3A_1459 = tpu.vector_load %arg12[%get3A_1457, %get3A_1458] {strides = array<i32>} : memref<16x64xf32, #tpu.memory_space<vmem>>, vector<16xf32>,
      %add3A_1460 = arith.addf %get3A_1455, %get3A_1459 : vector<16xf32>
      %get3A_1461 = arith.constant 3 : i32
      %get3A_1462 = arith.index_cast %get3A_1461 : i32 to index
      %get3A_1463 = arith.constant 16 : index
      %get3A_1464 = tpu.vector_load %arg13[%get3A_1462, %get3A_1463] {strides = array<i32>} : memref<16x64xf32, #tpu.memory_space<vmem>>, vector<16xf32>,
      %sub3A_1465 = arith.subf %add3A_1460, %get3A_1464 : vector<16xf32>
      %mul3A_1466 = arith.mulf %sub3A_1465, %sub3A_1465 : vector<16xf32>
      %add3A_1467 = arith.addf %add3A_1451, %mul3A_1466 : vector<16xf32>
      %get3A_1468 = arith.constant 3 : i32
      %get3A_1469 = arith.index_cast %get3A_1468 : i32 to index
      %get3A_1470 = arith.constant 32 : index
      %get3A_1471 = tpu.vector_load %arg11[%get3A_1469, %get3A_1470] {strides = array<i32>} : memref<16x64xf32, #tpu.memory_space<vmem>>, vector<16xf32>,
      %get3A_1472 = arith.constant 3 : i32
      %get3A_1473 = arith.index_cast %get3A_1472 : i32 to index
      %get3A_1474 = arith.constant 32 : index
      %get3A_1475 = tpu.vector_load %arg12[%get3A_1473, %get3A_1474] {strides = array<i32>} : memref<16x64xf32, #tpu.memory_space<vmem>>, vector<16xf32>,
      %add3A_1476 = arith.addf %get3A_1471, %get3A_1475 : vector<16xf32>
      %get3A_1477 = arith.constant 3 : i32
      %get3A_1478 = arith.index_cast %get3A_1477 : i32 to index
      %get3A_1479 = arith.constant 32 : index
      %get3A_1480 = tpu.vector_load %arg13[%get3A_1478, %get3A_1479] {strides = array<i32>} : memref<16x64xf32, #tpu.memory_space<vmem>>, vector<16xf32>,
      %sub3A_1481 = arith.subf %add3A_1476, %get3A_1480 : vector<16xf32>
      %mul3A_1482 = arith.mulf %sub3A_1481, %sub3A_1481 : vector<16xf32>
      %add3A_1483 = arith.addf %add3A_1467, %mul3A_1482 : vector<16xf32>
      %get3A_1484 = arith.constant 3 : i32
      %get3A_1485 = arith.index_cast %get3A_1484 : i32 to index
      %get3A_1486 = arith.constant 48 : index
      %get3A_1487 = tpu.vector_load %arg11[%get3A_1485, %get3A_1486] {strides = array<i32>} : memref<16x64xf32, #tpu.memory_space<vmem>>, vector<16xf32>,
      %get3A_1488 = arith.constant 3 : i32
      %get3A_1489 = arith.index_cast %get3A_1488 : i32 to index
      %get3A_1490 = arith.constant 48 : index
      %get3A_1491 = tpu.vector_load %arg12[%get3A_1489, %get3A_1490] {strides = array<i32>} : memref<16x64xf32, #tpu.memory_space<vmem>>, vector<16xf32>,
      %add3A_1492 = arith.addf %get3A_1487, %get3A_1491 : vector<16xf32>
      %get3A_1493 = arith.constant 3 : i32
      %get3A_1494 = arith.index_cast %get3A_1493 : i32 to index
      %get3A_1495 = arith.constant 48 : index
      %get3A_1496 = tpu.vector_load %arg13[%get3A_1494, %get3A_1495] {strides = array<i32>} : memref<16x64xf32, #tpu.memory_space<vmem>>, vector<16xf32>,
      %sub3A_1497 = arith.subf %add3A_1492, %get3A_1496 : vector<16xf32>
      %mul3A_1498 = arith.mulf %sub3A_1497, %sub3A_1497 : vector<16xf32>
      %add3A_1499 = arith.addf %add3A_1483, %mul3A_1498 : vector<16xf32>
      %eq3A_1500 = arith.constant 3 : i32
      %eq3A_1501 = vector.broadcast %eq3A_1500 : i32 to vector<16xi32>
      %eq3A_1502 = arith.cmpi eq, %iota3A, %eq3A_1501 : vector<16xi32>
      %reduce_sum3A_1503 = arith.constant true
      %reduce_sum3A_1504 = vector.broadcast %reduce_sum3A_1503 : i1 to vector<16xi1>
      %reduce_sum3A_1505 = tpu.scan <sum>, %add3A_1499 masked %reduce_sum3A_1504 : vector<16xf32>, vector<16xi1> -> vector<16xf32>
      %reduce_sum3A_1506 = vector.extract %reduce_sum3A_1505[15] : f32 from vector<16xf32>
      %broadcast_in_dim3A_1507 = vector.broadcast %reduce_sum3A_1506 : f32 to vector<16xf32>
      %select_n3A_1508 = arith.select %eq3A_1502, %broadcast_in_dim3A_1507, %select_n3A_1433 : vector<16xi1>, vector<16xf32>
      %broadcast_in_dim3A_1509 = arith.constant 0.000000e+00 : f32
      %broadcast_in_dim3A_1510 = vector.broadcast %broadcast_in_dim3A_1509 : f32 to vector<16xf32>
      %get3A_1511 = arith.constant 4 : i32
      %get3A_1512 = arith.index_cast %get3A_1511 : i32 to index
      %get3A_1513 = arith.constant 0 : index
      %get3A_1514 = tpu.vector_load %arg11[%get3A_1512, %get3A_1513] {strides = array<i32>} : memref<16x64xf32, #tpu.memory_space<vmem>>, vector<16xf32>,
      %get3A_1515 = arith.constant 4 : i32
      %get3A_1516 = arith.index_cast %get3A_1515 : i32 to index
      %get3A_1517 = arith.constant 0 : index
      %get3A_1518 = tpu.vector_load %arg12[%get3A_1516, %get3A_1517] {strides = array<i32>} : memref<16x64xf32, #tpu.memory_space<vmem>>, vector<16xf32>,
      %add3A_1519 = arith.addf %get3A_1514, %get3A_1518 : vector<16xf32>
      %get3A_1520 = arith.constant 4 : i32
      %get3A_1521 = arith.index_cast %get3A_1520 : i32 to index
      %get3A_1522 = arith.constant 0 : index
      %get3A_1523 = tpu.vector_load %arg13[%get3A_1521, %get3A_1522] {strides = array<i32>} : memref<16x64xf32, #tpu.memory_space<vmem>>, vector<16xf32>,
      %sub3A_1524 = arith.subf %add3A_1519, %get3A_1523 : vector<16xf32>
      %mul3A_1525 = arith.mulf %sub3A_1524, %sub3A_1524 : vector<16xf32>
      %add3A_1526 = arith.addf %broadcast_in_dim3A_1510, %mul3A_1525 : vector<16xf32>
      %get3A_1527 = arith.constant 4 : i32
      %get3A_1528 = arith.index_cast %get3A_1527 : i32 to index
      %get3A_1529 = arith.constant 16 : index
      %get3A_1530 = tpu.vector_load %arg11[%get3A_1528, %get3A_1529] {strides = array<i32>} : memref<16x64xf32, #tpu.memory_space<vmem>>, vector<16xf32>,
      %get3A_1531 = arith.constant 4 : i32
      %get3A_1532 = arith.index_cast %get3A_1531 : i32 to index
      %get3A_1533 = arith.constant 16 : index
      %get3A_1534 = tpu.vector_load %arg12[%get3A_1532, %get3A_1533] {strides = array<i32>} : memref<16x64xf32, #tpu.memory_space<vmem>>, vector<16xf32>,
      %add3A_1535 = arith.addf %get3A_1530, %get3A_1534 : vector<16xf32>
      %get3A_1536 = arith.constant 4 : i32
      %get3A_1537 = arith.index_cast %get3A_1536 : i32 to index
      %get3A_1538 = arith.constant 16 : index
      %get3A_1539 = tpu.vector_load %arg13[%get3A_1537, %get3A_1538] {strides = array<i32>} : memref<16x64xf32, #tpu.memory_space<vmem>>, vector<16xf32>,
      %sub3A_1540 = arith.subf %add3A_1535, %get3A_1539 : vector<16xf32>
      %mul3A_1541 = arith.mulf %sub3A_1540, %sub3A_1540 : vector<16xf32>
      %add3A_1542 = arith.addf %add3A_1526, %mul3A_1541 : vector<16xf32>
      %get3A_1543 = arith.constant 4 : i32
      %get3A_1544 = arith.index_cast %get3A_1543 : i32 to index
      %get3A_1545 = arith.constant 32 : index
      %get3A_1546 = tpu.vector_load %arg11[%get3A_1544, %get3A_1545] {strides = array<i32>} : memref<16x64xf32, #tpu.memory_space<vmem>>, vector<16xf32>,
      %get3A_1547 = arith.constant 4 : i32
      %get3A_1548 = arith.index_cast %get3A_1547 : i32 to index
      %get3A_1549 = arith.constant 32 : index
      %get3A_1550 = tpu.vector_load %arg12[%get3A_1548, %get3A_1549] {strides = array<i32>} : memref<16x64xf32, #tpu.memory_space<vmem>>, vector<16xf32>,
      %add3A_1551 = arith.addf %get3A_1546, %get3A_1550 : vector<16xf32>
      %get3A_1552 = arith.constant 4 : i32
      %get3A_1553 = arith.index_cast %get3A_1552 : i32 to index
      %get3A_1554 = arith.constant 32 : index
      %get3A_1555 = tpu.vector_load %arg13[%get3A_1553, %get3A_1554] {strides = array<i32>} : memref<16x64xf32, #tpu.memory_space<vmem>>, vector<16xf32>,
      %sub3A_1556 = arith.subf %add3A_1551, %get3A_1555 : vector<16xf32>
      %mul3A_1557 = arith.mulf %sub3A_1556, %sub3A_1556 : vector<16xf32>
      %add3A_1558 = arith.addf %add3A_1542, %mul3A_1557 : vector<16xf32>
      %get3A_1559 = arith.constant 4 : i32
      %get3A_1560 = arith.index_cast %get3A_1559 : i32 to index
      %get3A_1561 = arith.constant 48 : index
      %get3A_1562 = tpu.vector_load %arg11[%get3A_1560, %get3A_1561] {strides = array<i32>} : memref<16x64xf32, #tpu.memory_space<vmem>>, vector<16xf32>,
      %get3A_1563 = arith.constant 4 : i32
      %get3A_1564 = arith.index_cast %get3A_1563 : i32 to index
      %get3A_1565 = arith.constant 48 : index
      %get3A_1566 = tpu.vector_load %arg12[%get3A_1564, %get3A_1565] {strides = array<i32>} : memref<16x64xf32, #tpu.memory_space<vmem>>, vector<16xf32>,
      %add3A_1567 = arith.addf %get3A_1562, %get3A_1566 : vector<16xf32>
      %get3A_1568 = arith.constant 4 : i32
      %get3A_1569 = arith.index_cast %get3A_1568 : i32 to index
      %get3A_1570 = arith.constant 48 : index
      %get3A_1571 = tpu.vector_load %arg13[%get3A_1569, %get3A_1570] {strides = array<i32>} : memref<16x64xf32, #tpu.memory_space<vmem>>, vector<16xf32>,
      %sub3A_1572 = arith.subf %add3A_1567, %get3A_1571 : vector<16xf32>
      %mul3A_1573 = arith.mulf %sub3A_1572, %sub3A_1572 : vector<16xf32>
      %add3A_1574 = arith.addf %add3A_1558, %mul3A_1573 : vector<16xf32>
      %eq3A_1575 = arith.constant 4 : i32
      %eq3A_1576 = vector.broadcast %eq3A_1575 : i32 to vector<16xi32>
      %eq3A_1577 = arith.cmpi eq, %iota3A, %eq3A_1576 : vector<16xi32>
      %reduce_sum3A_1578 = arith.constant true
      %reduce_sum3A_1579 = vector.broadcast %reduce_sum3A_1578 : i1 to vector<16xi1>
      %reduce_sum3A_1580 = tpu.scan <sum>, %add3A_1574 masked %reduce_sum3A_1579 : vector<16xf32>, vector<16xi1> -> vector<16xf32>
      %reduce_sum3A_1581 = vector.extract %reduce_sum3A_1580[15] : f32 from vector<16xf32>
      %broadcast_in_dim3A_1582 = vector.broadcast %reduce_sum3A_1581 : f32 to vector<16xf32>
      %select_n3A_1583 = arith.select %eq3A_1577, %broadcast_in_dim3A_1582, %select_n3A_1508 : vector<16xi1>, vector<16xf32>
      %broadcast_in_dim3A_1584 = arith.constant 0.000000e+00 : f32
      %broadcast_in_dim3A_1585 = vector.broadcast %broadcast_in_dim3A_1584 : f32 to vector<16xf32>
      %get3A_1586 = arith.constant 5 : i32
      %get3A_1587 = arith.index_cast %get3A_1586 : i32 to index
      %get3A_1588 = arith.constant 0 : index
      %get3A_1589 = tpu.vector_load %arg11[%get3A_1587, %get3A_1588] {strides = array<i32>} : memref<16x64xf32, #tpu.memory_space<vmem>>, vector<16xf32>,
      %get3A_1590 = arith.constant 5 : i32
      %get3A_1591 = arith.index_cast %get3A_1590 : i32 to index
      %get3A_1592 = arith.constant 0 : index
      %get3A_1593 = tpu.vector_load %arg12[%get3A_1591, %get3A_1592] {strides = array<i32>} : memref<16x64xf32, #tpu.memory_space<vmem>>, vector<16xf32>,
      %add3A_1594 = arith.addf %get3A_1589, %get3A_1593 : vector<16xf32>
      %get3A_1595 = arith.constant 5 : i32
      %get3A_1596 = arith.index_cast %get3A_1595 : i32 to index
      %get3A_1597 = arith.constant 0 : index
      %get3A_1598 = tpu.vector_load %arg13[%get3A_1596, %get3A_1597] {strides = array<i32>} : memref<16x64xf32, #tpu.memory_space<vmem>>, vector<16xf32>,
      %sub3A_1599 = arith.subf %add3A_1594, %get3A_1598 : vector<16xf32>
      %mul3A_1600 = arith.mulf %sub3A_1599, %sub3A_1599 : vector<16xf32>
      %add3A_1601 = arith.addf %broadcast_in_dim3A_1585, %mul3A_1600 : vector<16xf32>
      %get3A_1602 = arith.constant 5 : i32
      %get3A_1603 = arith.index_cast %get3A_1602 : i32 to index
      %get3A_1604 = arith.constant 16 : index
      %get3A_1605 = tpu.vector_load %arg11[%get3A_1603, %get3A_1604] {strides = array<i32>} : memref<16x64xf32, #tpu.memory_space<vmem>>, vector<16xf32>,
      %get3A_1606 = arith.constant 5 : i32
      %get3A_1607 = arith.index_cast %get3A_1606 : i32 to index
      %get3A_1608 = arith.constant 16 : index
      %get3A_1609 = tpu.vector_load %arg12[%get3A_1607, %get3A_1608] {strides = array<i32>} : memref<16x64xf32, #tpu.memory_space<vmem>>, vector<16xf32>,
      %add3A_1610 = arith.addf %get3A_1605, %get3A_1609 : vector<16xf32>
      %get3A_1611 = arith.constant 5 : i32
      %get3A_1612 = arith.index_cast %get3A_1611 : i32 to index
      %get3A_1613 = arith.constant 16 : index
      %get3A_1614 = tpu.vector_load %arg13[%get3A_1612, %get3A_1613] {strides = array<i32>} : memref<16x64xf32, #tpu.memory_space<vmem>>, vector<16xf32>,
      %sub3A_1615 = arith.subf %add3A_1610, %get3A_1614 : vector<16xf32>
      %mul3A_1616 = arith.mulf %sub3A_1615, %sub3A_1615 : vector<16xf32>
      %add3A_1617 = arith.addf %add3A_1601, %mul3A_1616 : vector<16xf32>
      %get3A_1618 = arith.constant 5 : i32
      %get3A_1619 = arith.index_cast %get3A_1618 : i32 to index
      %get3A_1620 = arith.constant 32 : index
      %get3A_1621 = tpu.vector_load %arg11[%get3A_1619, %get3A_1620] {strides = array<i32>} : memref<16x64xf32, #tpu.memory_space<vmem>>, vector<16xf32>,
      %get3A_1622 = arith.constant 5 : i32
      %get3A_1623 = arith.index_cast %get3A_1622 : i32 to index
      %get3A_1624 = arith.constant 32 : index
      %get3A_1625 = tpu.vector_load %arg12[%get3A_1623, %get3A_1624] {strides = array<i32>} : memref<16x64xf32, #tpu.memory_space<vmem>>, vector<16xf32>,
      %add3A_1626 = arith.addf %get3A_1621, %get3A_1625 : vector<16xf32>
      %get3A_1627 = arith.constant 5 : i32
      %get3A_1628 = arith.index_cast %get3A_1627 : i32 to index
      %get3A_1629 = arith.constant 32 : index
      %get3A_1630 = tpu.vector_load %arg13[%get3A_1628, %get3A_1629] {strides = array<i32>} : memref<16x64xf32, #tpu.memory_space<vmem>>, vector<16xf32>,
      %sub3A_1631 = arith.subf %add3A_1626, %get3A_1630 : vector<16xf32>
      %mul3A_1632 = arith.mulf %sub3A_1631, %sub3A_1631 : vector<16xf32>
      %add3A_1633 = arith.addf %add3A_1617, %mul3A_1632 : vector<16xf32>
      %get3A_1634 = arith.constant 5 : i32
      %get3A_1635 = arith.index_cast %get3A_1634 : i32 to index
      %get3A_1636 = arith.constant 48 : index
      %get3A_1637 = tpu.vector_load %arg11[%get3A_1635, %get3A_1636] {strides = array<i32>} : memref<16x64xf32, #tpu.memory_space<vmem>>, vector<16xf32>,
      %get3A_1638 = arith.constant 5 : i32
      %get3A_1639 = arith.index_cast %get3A_1638 : i32 to index
      %get3A_1640 = arith.constant 48 : index
      %get3A_1641 = tpu.vector_load %arg12[%get3A_1639, %get3A_1640] {strides = array<i32>} : memref<16x64xf32, #tpu.memory_space<vmem>>, vector<16xf32>,
      %add3A_1642 = arith.addf %get3A_1637, %get3A_1641 : vector<16xf32>
      %get3A_1643 = arith.constant 5 : i32
      %get3A_1644 = arith.index_cast %get3A_1643 : i32 to index
      %get3A_1645 = arith.constant 48 : index
      %get3A_1646 = tpu.vector_load %arg13[%get3A_1644, %get3A_1645] {strides = array<i32>} : memref<16x64xf32, #tpu.memory_space<vmem>>, vector<16xf32>,
      %sub3A_1647 = arith.subf %add3A_1642, %get3A_1646 : vector<16xf32>
      %mul3A_1648 = arith.mulf %sub3A_1647, %sub3A_1647 : vector<16xf32>
      %add3A_1649 = arith.addf %add3A_1633, %mul3A_1648 : vector<16xf32>
      %eq3A_1650 = arith.constant 5 : i32
      %eq3A_1651 = vector.broadcast %eq3A_1650 : i32 to vector<16xi32>
      %eq3A_1652 = arith.cmpi eq, %iota3A, %eq3A_1651 : vector<16xi32>
      %reduce_sum3A_1653 = arith.constant true
      %reduce_sum3A_1654 = vector.broadcast %reduce_sum3A_1653 : i1 to vector<16xi1>
      %reduce_sum3A_1655 = tpu.scan <sum>, %add3A_1649 masked %reduce_sum3A_1654 : vector<16xf32>, vector<16xi1> -> vector<16xf32>
      %reduce_sum3A_1656 = vector.extract %reduce_sum3A_1655[15] : f32 from vector<16xf32>
      %broadcast_in_dim3A_1657 = vector.broadcast %reduce_sum3A_1656 : f32 to vector<16xf32>
      %select_n3A_1658 = arith.select %eq3A_1652, %broadcast_in_dim3A_1657, %select_n3A_1583 : vector<16xi1>, vector<16xf32>
      %broadcast_in_dim3A_1659 = arith.constant 0.000000e+00 : f32
      %broadcast_in_dim3A_1660 = vector.broadcast %broadcast_in_dim3A_1659 : f32 to vector<16xf32>
      %get3A_1661 = arith.constant 6 : i32
      %get3A_1662 = arith.index_cast %get3A_1661 : i32 to index
      %get3A_1663 = arith.constant 0 : index
      %get3A_1664 = tpu.vector_load %arg11[%get3A_1662, %get3A_1663] {strides = array<i32>} : memref<16x64xf32, #tpu.memory_space<vmem>>, vector<16xf32>,
      %get3A_1665 = arith.constant 6 : i32
      %get3A_1666 = arith.index_cast %get3A_1665 : i32 to index
      %get3A_1667 = arith.constant 0 : index
      %get3A_1668 = tpu.vector_load %arg12[%get3A_1666, %get3A_1667] {strides = array<i32>} : memref<16x64xf32, #tpu.memory_space<vmem>>, vector<16xf32>,
      %add3A_1669 = arith.addf %get3A_1664, %get3A_1668 : vector<16xf32>
      %get3A_1670 = arith.constant 6 : i32
      %get3A_1671 = arith.index_cast %get3A_1670 : i32 to index
      %get3A_1672 = arith.constant 0 : index
      %get3A_1673 = tpu.vector_load %arg13[%get3A_1671, %get3A_1672] {strides = array<i32>} : memref<16x64xf32, #tpu.memory_space<vmem>>, vector<16xf32>,
      %sub3A_1674 = arith.subf %add3A_1669, %get3A_1673 : vector<16xf32>
      %mul3A_1675 = arith.mulf %sub3A_1674, %sub3A_1674 : vector<16xf32>
      %add3A_1676 = arith.addf %broadcast_in_dim3A_1660, %mul3A_1675 : vector<16xf32>
      %get3A_1677 = arith.constant 6 : i32
      %get3A_1678 = arith.index_cast %get3A_1677 : i32 to index
      %get3A_1679 = arith.constant 16 : index
      %get3A_1680 = tpu.vector_load %arg11[%get3A_1678, %get3A_1679] {strides = array<i32>} : memref<16x64xf32, #tpu.memory_space<vmem>>, vector<16xf32>,
      %get3A_1681 = arith.constant 6 : i32
      %get3A_1682 = arith.index_cast %get3A_1681 : i32 to index
      %get3A_1683 = arith.constant 16 : index
      %get3A_1684 = tpu.vector_load %arg12[%get3A_1682, %get3A_1683] {strides = array<i32>} : memref<16x64xf32, #tpu.memory_space<vmem>>, vector<16xf32>,
      %add3A_1685 = arith.addf %get3A_1680, %get3A_1684 : vector<16xf32>
      %get3A_1686 = arith.constant 6 : i32
      %get3A_1687 = arith.index_cast %get3A_1686 : i32 to index
      %get3A_1688 = arith.constant 16 : index
      %get3A_1689 = tpu.vector_load %arg13[%get3A_1687, %get3A_1688] {strides = array<i32>} : memref<16x64xf32, #tpu.memory_space<vmem>>, vector<16xf32>,
      %sub3A_1690 = arith.subf %add3A_1685, %get3A_1689 : vector<16xf32>
      %mul3A_1691 = arith.mulf %sub3A_1690, %sub3A_1690 : vector<16xf32>
      %add3A_1692 = arith.addf %add3A_1676, %mul3A_1691 : vector<16xf32>
      %get3A_1693 = arith.constant 6 : i32
      %get3A_1694 = arith.index_cast %get3A_1693 : i32 to index
      %get3A_1695 = arith.constant 32 : index
      %get3A_1696 = tpu.vector_load %arg11[%get3A_1694, %get3A_1695] {strides = array<i32>} : memref<16x64xf32, #tpu.memory_space<vmem>>, vector<16xf32>,
      %get3A_1697 = arith.constant 6 : i32
      %get3A_1698 = arith.index_cast %get3A_1697 : i32 to index
      %get3A_1699 = arith.constant 32 : index
      %get3A_1700 = tpu.vector_load %arg12[%get3A_1698, %get3A_1699] {strides = array<i32>} : memref<16x64xf32, #tpu.memory_space<vmem>>, vector<16xf32>,
      %add3A_1701 = arith.addf %get3A_1696, %get3A_1700 : vector<16xf32>
      %get3A_1702 = arith.constant 6 : i32
      %get3A_1703 = arith.index_cast %get3A_1702 : i32 to index
      %get3A_1704 = arith.constant 32 : index
      %get3A_1705 = tpu.vector_load %arg13[%get3A_1703, %get3A_1704] {strides = array<i32>} : memref<16x64xf32, #tpu.memory_space<vmem>>, vector<16xf32>,
      %sub3A_1706 = arith.subf %add3A_1701, %get3A_1705 : vector<16xf32>
      %mul3A_1707 = arith.mulf %sub3A_1706, %sub3A_1706 : vector<16xf32>
      %add3A_1708 = arith.addf %add3A_1692, %mul3A_1707 : vector<16xf32>
      %get3A_1709 = arith.constant 6 : i32
      %get3A_1710 = arith.index_cast %get3A_1709 : i32 to index
      %get3A_1711 = arith.constant 48 : index
      %get3A_1712 = tpu.vector_load %arg11[%get3A_1710, %get3A_1711] {strides = array<i32>} : memref<16x64xf32, #tpu.memory_space<vmem>>, vector<16xf32>,
      %get3A_1713 = arith.constant 6 : i32
      %get3A_1714 = arith.index_cast %get3A_1713 : i32 to index
      %get3A_1715 = arith.constant 48 : index
      %get3A_1716 = tpu.vector_load %arg12[%get3A_1714, %get3A_1715] {strides = array<i32>} : memref<16x64xf32, #tpu.memory_space<vmem>>, vector<16xf32>,
      %add3A_1717 = arith.addf %get3A_1712, %get3A_1716 : vector<16xf32>
      %get3A_1718 = arith.constant 6 : i32
      %get3A_1719 = arith.index_cast %get3A_1718 : i32 to index
      %get3A_1720 = arith.constant 48 : index
      %get3A_1721 = tpu.vector_load %arg13[%get3A_1719, %get3A_1720] {strides = array<i32>} : memref<16x64xf32, #tpu.memory_space<vmem>>, vector<16xf32>,
      %sub3A_1722 = arith.subf %add3A_1717, %get3A_1721 : vector<16xf32>
      %mul3A_1723 = arith.mulf %sub3A_1722, %sub3A_1722 : vector<16xf32>
      %add3A_1724 = arith.addf %add3A_1708, %mul3A_1723 : vector<16xf32>
      %eq3A_1725 = arith.constant 6 : i32
      %eq3A_1726 = vector.broadcast %eq3A_1725 : i32 to vector<16xi32>
      %eq3A_1727 = arith.cmpi eq, %iota3A, %eq3A_1726 : vector<16xi32>
      %reduce_sum3A_1728 = arith.constant true
      %reduce_sum3A_1729 = vector.broadcast %reduce_sum3A_1728 : i1 to vector<16xi1>
      %reduce_sum3A_1730 = tpu.scan <sum>, %add3A_1724 masked %reduce_sum3A_1729 : vector<16xf32>, vector<16xi1> -> vector<16xf32>
      %reduce_sum3A_1731 = vector.extract %reduce_sum3A_1730[15] : f32 from vector<16xf32>
      %broadcast_in_dim3A_1732 = vector.broadcast %reduce_sum3A_1731 : f32 to vector<16xf32>
      %select_n3A_1733 = arith.select %eq3A_1727, %broadcast_in_dim3A_1732, %select_n3A_1658 : vector<16xi1>, vector<16xf32>
      %broadcast_in_dim3A_1734 = arith.constant 0.000000e+00 : f32
      %broadcast_in_dim3A_1735 = vector.broadcast %broadcast_in_dim3A_1734 : f32 to vector<16xf32>
      %get3A_1736 = arith.constant 7 : i32
      %get3A_1737 = arith.index_cast %get3A_1736 : i32 to index
      %get3A_1738 = arith.constant 0 : index
      %get3A_1739 = tpu.vector_load %arg11[%get3A_1737, %get3A_1738] {strides = array<i32>} : memref<16x64xf32, #tpu.memory_space<vmem>>, vector<16xf32>,
      %get3A_1740 = arith.constant 7 : i32
      %get3A_1741 = arith.index_cast %get3A_1740 : i32 to index
      %get3A_1742 = arith.constant 0 : index
      %get3A_1743 = tpu.vector_load %arg12[%get3A_1741, %get3A_1742] {strides = array<i32>} : memref<16x64xf32, #tpu.memory_space<vmem>>, vector<16xf32>,
      %add3A_1744 = arith.addf %get3A_1739, %get3A_1743 : vector<16xf32>
      %get3A_1745 = arith.constant 7 : i32
      %get3A_1746 = arith.index_cast %get3A_1745 : i32 to index
      %get3A_1747 = arith.constant 0 : index
      %get3A_1748 = tpu.vector_load %arg13[%get3A_1746, %get3A_1747] {strides = array<i32>} : memref<16x64xf32, #tpu.memory_space<vmem>>, vector<16xf32>,
      %sub3A_1749 = arith.subf %add3A_1744, %get3A_1748 : vector<16xf32>
      %mul3A_1750 = arith.mulf %sub3A_1749, %sub3A_1749 : vector<16xf32>
      %add3A_1751 = arith.addf %broadcast_in_dim3A_1735, %mul3A_1750 : vector<16xf32>
      %get3A_1752 = arith.constant 7 : i32
      %get3A_1753 = arith.index_cast %get3A_1752 : i32 to index
      %get3A_1754 = arith.constant 16 : index
      %get3A_1755 = tpu.vector_load %arg11[%get3A_1753, %get3A_1754] {strides = array<i32>} : memref<16x64xf32, #tpu.memory_space<vmem>>, vector<16xf32>,
      %get3A_1756 = arith.constant 7 : i32
      %get3A_1757 = arith.index_cast %get3A_1756 : i32 to index
      %get3A_1758 = arith.constant 16 : index
      %get3A_1759 = tpu.vector_load %arg12[%get3A_1757, %get3A_1758] {strides = array<i32>} : memref<16x64xf32, #tpu.memory_space<vmem>>, vector<16xf32>,
      %add3A_1760 = arith.addf %get3A_1755, %get3A_1759 : vector<16xf32>
      %get3A_1761 = arith.constant 7 : i32
      %get3A_1762 = arith.index_cast %get3A_1761 : i32 to index
      %get3A_1763 = arith.constant 16 : index
      %get3A_1764 = tpu.vector_load %arg13[%get3A_1762, %get3A_1763] {strides = array<i32>} : memref<16x64xf32, #tpu.memory_space<vmem>>, vector<16xf32>,
      %sub3A_1765 = arith.subf %add3A_1760, %get3A_1764 : vector<16xf32>
      %mul3A_1766 = arith.mulf %sub3A_1765, %sub3A_1765 : vector<16xf32>
      %add3A_1767 = arith.addf %add3A_1751, %mul3A_1766 : vector<16xf32>
      %get3A_1768 = arith.constant 7 : i32
      %get3A_1769 = arith.index_cast %get3A_1768 : i32 to index
      %get3A_1770 = arith.constant 32 : index
      %get3A_1771 = tpu.vector_load %arg11[%get3A_1769, %get3A_1770] {strides = array<i32>} : memref<16x64xf32, #tpu.memory_space<vmem>>, vector<16xf32>,
      %get3A_1772 = arith.constant 7 : i32
      %get3A_1773 = arith.index_cast %get3A_1772 : i32 to index
      %get3A_1774 = arith.constant 32 : index
      %get3A_1775 = tpu.vector_load %arg12[%get3A_1773, %get3A_1774] {strides = array<i32>} : memref<16x64xf32, #tpu.memory_space<vmem>>, vector<16xf32>,
      %add3A_1776 = arith.addf %get3A_1771, %get3A_1775 : vector<16xf32>
      %get3A_1777 = arith.constant 7 : i32
      %get3A_1778 = arith.index_cast %get3A_1777 : i32 to index
      %get3A_1779 = arith.constant 32 : index
      %get3A_1780 = tpu.vector_load %arg13[%get3A_1778, %get3A_1779] {strides = array<i32>} : memref<16x64xf32, #tpu.memory_space<vmem>>, vector<16xf32>,
      %sub3A_1781 = arith.subf %add3A_1776, %get3A_1780 : vector<16xf32>
      %mul3A_1782 = arith.mulf %sub3A_1781, %sub3A_1781 : vector<16xf32>
      %add3A_1783 = arith.addf %add3A_1767, %mul3A_1782 : vector<16xf32>
      %get3A_1784 = arith.constant 7 : i32
      %get3A_1785 = arith.index_cast %get3A_1784 : i32 to index
      %get3A_1786 = arith.constant 48 : index
      %get3A_1787 = tpu.vector_load %arg11[%get3A_1785, %get3A_1786] {strides = array<i32>} : memref<16x64xf32, #tpu.memory_space<vmem>>, vector<16xf32>,
      %get3A_1788 = arith.constant 7 : i32
      %get3A_1789 = arith.index_cast %get3A_1788 : i32 to index
      %get3A_1790 = arith.constant 48 : index
      %get3A_1791 = tpu.vector_load %arg12[%get3A_1789, %get3A_1790] {strides = array<i32>} : memref<16x64xf32, #tpu.memory_space<vmem>>, vector<16xf32>,
      %add3A_1792 = arith.addf %get3A_1787, %get3A_1791 : vector<16xf32>
      %get3A_1793 = arith.constant 7 : i32
      %get3A_1794 = arith.index_cast %get3A_1793 : i32 to index
      %get3A_1795 = arith.constant 48 : index
      %get3A_1796 = tpu.vector_load %arg13[%get3A_1794, %get3A_1795] {strides = array<i32>} : memref<16x64xf32, #tpu.memory_space<vmem>>, vector<16xf32>,
      %sub3A_1797 = arith.subf %add3A_1792, %get3A_1796 : vector<16xf32>
      %mul3A_1798 = arith.mulf %sub3A_1797, %sub3A_1797 : vector<16xf32>
      %add3A_1799 = arith.addf %add3A_1783, %mul3A_1798 : vector<16xf32>
      %eq3A_1800 = arith.constant 7 : i32
      %eq3A_1801 = vector.broadcast %eq3A_1800 : i32 to vector<16xi32>
      %eq3A_1802 = arith.cmpi eq, %iota3A, %eq3A_1801 : vector<16xi32>
      %reduce_sum3A_1803 = arith.constant true
      %reduce_sum3A_1804 = vector.broadcast %reduce_sum3A_1803 : i1 to vector<16xi1>
      %reduce_sum3A_1805 = tpu.scan <sum>, %add3A_1799 masked %reduce_sum3A_1804 : vector<16xf32>, vector<16xi1> -> vector<16xf32>
      %reduce_sum3A_1806 = vector.extract %reduce_sum3A_1805[15] : f32 from vector<16xf32>
      %broadcast_in_dim3A_1807 = vector.broadcast %reduce_sum3A_1806 : f32 to vector<16xf32>
      %select_n3A_1808 = arith.select %eq3A_1802, %broadcast_in_dim3A_1807, %select_n3A_1733 : vector<16xi1>, vector<16xf32>
      %broadcast_in_dim3A_1809 = arith.constant 0.000000e+00 : f32
      %broadcast_in_dim3A_1810 = vector.broadcast %broadcast_in_dim3A_1809 : f32 to vector<16xf32>
      %get3A_1811 = arith.constant 8 : i32
      %get3A_1812 = arith.index_cast %get3A_1811 : i32 to index
      %get3A_1813 = arith.constant 0 : index
      %get3A_1814 = tpu.vector_load %arg11[%get3A_1812, %get3A_1813] {strides = array<i32>} : memref<16x64xf32, #tpu.memory_space<vmem>>, vector<16xf32>,
      %get3A_1815 = arith.constant 8 : i32
      %get3A_1816 = arith.index_cast %get3A_1815 : i32 to index
      %get3A_1817 = arith.constant 0 : index
      %get3A_1818 = tpu.vector_load %arg12[%get3A_1816, %get3A_1817] {strides = array<i32>} : memref<16x64xf32, #tpu.memory_space<vmem>>, vector<16xf32>,
      %add3A_1819 = arith.addf %get3A_1814, %get3A_1818 : vector<16xf32>
      %get3A_1820 = arith.constant 8 : i32
      %get3A_1821 = arith.index_cast %get3A_1820 : i32 to index
      %get3A_1822 = arith.constant 0 : index
      %get3A_1823 = tpu.vector_load %arg13[%get3A_1821, %get3A_1822] {strides = array<i32>} : memref<16x64xf32, #tpu.memory_space<vmem>>, vector<16xf32>,
      %sub3A_1824 = arith.subf %add3A_1819, %get3A_1823 : vector<16xf32>
      %mul3A_1825 = arith.mulf %sub3A_1824, %sub3A_1824 : vector<16xf32>
      %add3A_1826 = arith.addf %broadcast_in_dim3A_1810, %mul3A_1825 : vector<16xf32>
      %get3A_1827 = arith.constant 8 : i32
      %get3A_1828 = arith.index_cast %get3A_1827 : i32 to index
      %get3A_1829 = arith.constant 16 : index
      %get3A_1830 = tpu.vector_load %arg11[%get3A_1828, %get3A_1829] {strides = array<i32>} : memref<16x64xf32, #tpu.memory_space<vmem>>, vector<16xf32>,
      %get3A_1831 = arith.constant 8 : i32
      %get3A_1832 = arith.index_cast %get3A_1831 : i32 to index
      %get3A_1833 = arith.constant 16 : index
      %get3A_1834 = tpu.vector_load %arg12[%get3A_1832, %get3A_1833] {strides = array<i32>} : memref<16x64xf32, #tpu.memory_space<vmem>>, vector<16xf32>,
      %add3A_1835 = arith.addf %get3A_1830, %get3A_1834 : vector<16xf32>
      %get3A_1836 = arith.constant 8 : i32
      %get3A_1837 = arith.index_cast %get3A_1836 : i32 to index
      %get3A_1838 = arith.constant 16 : index
      %get3A_1839 = tpu.vector_load %arg13[%get3A_1837, %get3A_1838] {strides = array<i32>} : memref<16x64xf32, #tpu.memory_space<vmem>>, vector<16xf32>,
      %sub3A_1840 = arith.subf %add3A_1835, %get3A_1839 : vector<16xf32>
      %mul3A_1841 = arith.mulf %sub3A_1840, %sub3A_1840 : vector<16xf32>
      %add3A_1842 = arith.addf %add3A_1826, %mul3A_1841 : vector<16xf32>
      %get3A_1843 = arith.constant 8 : i32
      %get3A_1844 = arith.index_cast %get3A_1843 : i32 to index
      %get3A_1845 = arith.constant 32 : index
      %get3A_1846 = tpu.vector_load %arg11[%get3A_1844, %get3A_1845] {strides = array<i32>} : memref<16x64xf32, #tpu.memory_space<vmem>>, vector<16xf32>,
      %get3A_1847 = arith.constant 8 : i32
      %get3A_1848 = arith.index_cast %get3A_1847 : i32 to index
      %get3A_1849 = arith.constant 32 : index
      %get3A_1850 = tpu.vector_load %arg12[%get3A_1848, %get3A_1849] {strides = array<i32>} : memref<16x64xf32, #tpu.memory_space<vmem>>, vector<16xf32>,
      %add3A_1851 = arith.addf %get3A_1846, %get3A_1850 : vector<16xf32>
      %get3A_1852 = arith.constant 8 : i32
      %get3A_1853 = arith.index_cast %get3A_1852 : i32 to index
      %get3A_1854 = arith.constant 32 : index
      %get3A_1855 = tpu.vector_load %arg13[%get3A_1853, %get3A_1854] {strides = array<i32>} : memref<16x64xf32, #tpu.memory_space<vmem>>, vector<16xf32>,
      %sub3A_1856 = arith.subf %add3A_1851, %get3A_1855 : vector<16xf32>
      %mul3A_1857 = arith.mulf %sub3A_1856, %sub3A_1856 : vector<16xf32>
      %add3A_1858 = arith.addf %add3A_1842, %mul3A_1857 : vector<16xf32>
      %get3A_1859 = arith.constant 8 : i32
      %get3A_1860 = arith.index_cast %get3A_1859 : i32 to index
      %get3A_1861 = arith.constant 48 : index
      %get3A_1862 = tpu.vector_load %arg11[%get3A_1860, %get3A_1861] {strides = array<i32>} : memref<16x64xf32, #tpu.memory_space<vmem>>, vector<16xf32>,
      %get3A_1863 = arith.constant 8 : i32
      %get3A_1864 = arith.index_cast %get3A_1863 : i32 to index
      %get3A_1865 = arith.constant 48 : index
      %get3A_1866 = tpu.vector_load %arg12[%get3A_1864, %get3A_1865] {strides = array<i32>} : memref<16x64xf32, #tpu.memory_space<vmem>>, vector<16xf32>,
      %add3A_1867 = arith.addf %get3A_1862, %get3A_1866 : vector<16xf32>
      %get3A_1868 = arith.constant 8 : i32
      %get3A_1869 = arith.index_cast %get3A_1868 : i32 to index
      %get3A_1870 = arith.constant 48 : index
      %get3A_1871 = tpu.vector_load %arg13[%get3A_1869, %get3A_1870] {strides = array<i32>} : memref<16x64xf32, #tpu.memory_space<vmem>>, vector<16xf32>,
      %sub3A_1872 = arith.subf %add3A_1867, %get3A_1871 : vector<16xf32>
      %mul3A_1873 = arith.mulf %sub3A_1872, %sub3A_1872 : vector<16xf32>
      %add3A_1874 = arith.addf %add3A_1858, %mul3A_1873 : vector<16xf32>
      %eq3A_1875 = arith.constant 8 : i32
      %eq3A_1876 = vector.broadcast %eq3A_1875 : i32 to vector<16xi32>
      %eq3A_1877 = arith.cmpi eq, %iota3A, %eq3A_1876 : vector<16xi32>
      %reduce_sum3A_1878 = arith.constant true
      %reduce_sum3A_1879 = vector.broadcast %reduce_sum3A_1878 : i1 to vector<16xi1>
      %reduce_sum3A_1880 = tpu.scan <sum>, %add3A_1874 masked %reduce_sum3A_1879 : vector<16xf32>, vector<16xi1> -> vector<16xf32>
      %reduce_sum3A_1881 = vector.extract %reduce_sum3A_1880[15] : f32 from vector<16xf32>
      %broadcast_in_dim3A_1882 = vector.broadcast %reduce_sum3A_1881 : f32 to vector<16xf32>
      %select_n3A_1883 = arith.select %eq3A_1877, %broadcast_in_dim3A_1882, %select_n3A_1808 : vector<16xi1>, vector<16xf32>
      %broadcast_in_dim3A_1884 = arith.constant 0.000000e+00 : f32
      %broadcast_in_dim3A_1885 = vector.broadcast %broadcast_in_dim3A_1884 : f32 to vector<16xf32>
      %get3A_1886 = arith.constant 9 : i32
      %get3A_1887 = arith.index_cast %get3A_1886 : i32 to index
      %get3A_1888 = arith.constant 0 : index
      %get3A_1889 = tpu.vector_load %arg11[%get3A_1887, %get3A_1888] {strides = array<i32>} : memref<16x64xf32, #tpu.memory_space<vmem>>, vector<16xf32>,
      %get3A_1890 = arith.constant 9 : i32
      %get3A_1891 = arith.index_cast %get3A_1890 : i32 to index
      %get3A_1892 = arith.constant 0 : index
      %get3A_1893 = tpu.vector_load %arg12[%get3A_1891, %get3A_1892] {strides = array<i32>} : memref<16x64xf32, #tpu.memory_space<vmem>>, vector<16xf32>,
      %add3A_1894 = arith.addf %get3A_1889, %get3A_1893 : vector<16xf32>
      %get3A_1895 = arith.constant 9 : i32
      %get3A_1896 = arith.index_cast %get3A_1895 : i32 to index
      %get3A_1897 = arith.constant 0 : index
      %get3A_1898 = tpu.vector_load %arg13[%get3A_1896, %get3A_1897] {strides = array<i32>} : memref<16x64xf32, #tpu.memory_space<vmem>>, vector<16xf32>,
      %sub3A_1899 = arith.subf %add3A_1894, %get3A_1898 : vector<16xf32>
      %mul3A_1900 = arith.mulf %sub3A_1899, %sub3A_1899 : vector<16xf32>
      %add3A_1901 = arith.addf %broadcast_in_dim3A_1885, %mul3A_1900 : vector<16xf32>
      %get3A_1902 = arith.constant 9 : i32
      %get3A_1903 = arith.index_cast %get3A_1902 : i32 to index
      %get3A_1904 = arith.constant 16 : index
      %get3A_1905 = tpu.vector_load %arg11[%get3A_1903, %get3A_1904] {strides = array<i32>} : memref<16x64xf32, #tpu.memory_space<vmem>>, vector<16xf32>,
      %get3A_1906 = arith.constant 9 : i32
      %get3A_1907 = arith.index_cast %get3A_1906 : i32 to index
      %get3A_1908 = arith.constant 16 : index
      %get3A_1909 = tpu.vector_load %arg12[%get3A_1907, %get3A_1908] {strides = array<i32>} : memref<16x64xf32, #tpu.memory_space<vmem>>, vector<16xf32>,
      %add3A_1910 = arith.addf %get3A_1905, %get3A_1909 : vector<16xf32>
      %get3A_1911 = arith.constant 9 : i32
      %get3A_1912 = arith.index_cast %get3A_1911 : i32 to index
      %get3A_1913 = arith.constant 16 : index
      %get3A_1914 = tpu.vector_load %arg13[%get3A_1912, %get3A_1913] {strides = array<i32>} : memref<16x64xf32, #tpu.memory_space<vmem>>, vector<16xf32>,
      %sub3A_1915 = arith.subf %add3A_1910, %get3A_1914 : vector<16xf32>
      %mul3A_1916 = arith.mulf %sub3A_1915, %sub3A_1915 : vector<16xf32>
      %add3A_1917 = arith.addf %add3A_1901, %mul3A_1916 : vector<16xf32>
      %get3A_1918 = arith.constant 9 : i32
      %get3A_1919 = arith.index_cast %get3A_1918 : i32 to index
      %get3A_1920 = arith.constant 32 : index
      %get3A_1921 = tpu.vector_load %arg11[%get3A_1919, %get3A_1920] {strides = array<i32>} : memref<16x64xf32, #tpu.memory_space<vmem>>, vector<16xf32>,
      %get3A_1922 = arith.constant 9 : i32
      %get3A_1923 = arith.index_cast %get3A_1922 : i32 to index
      %get3A_1924 = arith.constant 32 : index
      %get3A_1925 = tpu.vector_load %arg12[%get3A_1923, %get3A_1924] {strides = array<i32>} : memref<16x64xf32, #tpu.memory_space<vmem>>, vector<16xf32>,
      %add3A_1926 = arith.addf %get3A_1921, %get3A_1925 : vector<16xf32>
      %get3A_1927 = arith.constant 9 : i32
      %get3A_1928 = arith.index_cast %get3A_1927 : i32 to index
      %get3A_1929 = arith.constant 32 : index
      %get3A_1930 = tpu.vector_load %arg13[%get3A_1928, %get3A_1929] {strides = array<i32>} : memref<16x64xf32, #tpu.memory_space<vmem>>, vector<16xf32>,
      %sub3A_1931 = arith.subf %add3A_1926, %get3A_1930 : vector<16xf32>
      %mul3A_1932 = arith.mulf %sub3A_1931, %sub3A_1931 : vector<16xf32>
      %add3A_1933 = arith.addf %add3A_1917, %mul3A_1932 : vector<16xf32>
      %get3A_1934 = arith.constant 9 : i32
      %get3A_1935 = arith.index_cast %get3A_1934 : i32 to index
      %get3A_1936 = arith.constant 48 : index
      %get3A_1937 = tpu.vector_load %arg11[%get3A_1935, %get3A_1936] {strides = array<i32>} : memref<16x64xf32, #tpu.memory_space<vmem>>, vector<16xf32>,
      %get3A_1938 = arith.constant 9 : i32
      %get3A_1939 = arith.index_cast %get3A_1938 : i32 to index
      %get3A_1940 = arith.constant 48 : index
      %get3A_1941 = tpu.vector_load %arg12[%get3A_1939, %get3A_1940] {strides = array<i32>} : memref<16x64xf32, #tpu.memory_space<vmem>>, vector<16xf32>,
      %add3A_1942 = arith.addf %get3A_1937, %get3A_1941 : vector<16xf32>
      %get3A_1943 = arith.constant 9 : i32
      %get3A_1944 = arith.index_cast %get3A_1943 : i32 to index
      %get3A_1945 = arith.constant 48 : index
      %get3A_1946 = tpu.vector_load %arg13[%get3A_1944, %get3A_1945] {strides = array<i32>} : memref<16x64xf32, #tpu.memory_space<vmem>>, vector<16xf32>,
      %sub3A_1947 = arith.subf %add3A_1942, %get3A_1946 : vector<16xf32>
      %mul3A_1948 = arith.mulf %sub3A_1947, %sub3A_1947 : vector<16xf32>
      %add3A_1949 = arith.addf %add3A_1933, %mul3A_1948 : vector<16xf32>
      %eq3A_1950 = arith.constant 9 : i32
      %eq3A_1951 = vector.broadcast %eq3A_1950 : i32 to vector<16xi32>
      %eq3A_1952 = arith.cmpi eq, %iota3A, %eq3A_1951 : vector<16xi32>
      %reduce_sum3A_1953 = arith.constant true
      %reduce_sum3A_1954 = vector.broadcast %reduce_sum3A_1953 : i1 to vector<16xi1>
      %reduce_sum3A_1955 = tpu.scan <sum>, %add3A_1949 masked %reduce_sum3A_1954 : vector<16xf32>, vector<16xi1> -> vector<16xf32>
      %reduce_sum3A_1956 = vector.extract %reduce_sum3A_1955[15] : f32 from vector<16xf32>
      %broadcast_in_dim3A_1957 = vector.broadcast %reduce_sum3A_1956 : f32 to vector<16xf32>
      %select_n3A_1958 = arith.select %eq3A_1952, %broadcast_in_dim3A_1957, %select_n3A_1883 : vector<16xi1>, vector<16xf32>
      %broadcast_in_dim3A_1959 = arith.constant 0.000000e+00 : f32
      %broadcast_in_dim3A_1960 = vector.broadcast %broadcast_in_dim3A_1959 : f32 to vector<16xf32>
      %get3A_1961 = arith.constant 10 : i32
      %get3A_1962 = arith.index_cast %get3A_1961 : i32 to index
      %get3A_1963 = arith.constant 0 : index
      %get3A_1964 = tpu.vector_load %arg11[%get3A_1962, %get3A_1963] {strides = array<i32>} : memref<16x64xf32, #tpu.memory_space<vmem>>, vector<16xf32>,
      %get3A_1965 = arith.constant 10 : i32
      %get3A_1966 = arith.index_cast %get3A_1965 : i32 to index
      %get3A_1967 = arith.constant 0 : index
      %get3A_1968 = tpu.vector_load %arg12[%get3A_1966, %get3A_1967] {strides = array<i32>} : memref<16x64xf32, #tpu.memory_space<vmem>>, vector<16xf32>,
      %add3A_1969 = arith.addf %get3A_1964, %get3A_1968 : vector<16xf32>
      %get3A_1970 = arith.constant 10 : i32
      %get3A_1971 = arith.index_cast %get3A_1970 : i32 to index
      %get3A_1972 = arith.constant 0 : index
      %get3A_1973 = tpu.vector_load %arg13[%get3A_1971, %get3A_1972] {strides = array<i32>} : memref<16x64xf32, #tpu.memory_space<vmem>>, vector<16xf32>,
      %sub3A_1974 = arith.subf %add3A_1969, %get3A_1973 : vector<16xf32>
      %mul3A_1975 = arith.mulf %sub3A_1974, %sub3A_1974 : vector<16xf32>
      %add3A_1976 = arith.addf %broadcast_in_dim3A_1960, %mul3A_1975 : vector<16xf32>
      %get3A_1977 = arith.constant 10 : i32
      %get3A_1978 = arith.index_cast %get3A_1977 : i32 to index
      %get3A_1979 = arith.constant 16 : index
      %get3A_1980 = tpu.vector_load %arg11[%get3A_1978, %get3A_1979] {strides = array<i32>} : memref<16x64xf32, #tpu.memory_space<vmem>>, vector<16xf32>,
      %get3A_1981 = arith.constant 10 : i32
      %get3A_1982 = arith.index_cast %get3A_1981 : i32 to index
      %get3A_1983 = arith.constant 16 : index
      %get3A_1984 = tpu.vector_load %arg12[%get3A_1982, %get3A_1983] {strides = array<i32>} : memref<16x64xf32, #tpu.memory_space<vmem>>, vector<16xf32>,
      %add3A_1985 = arith.addf %get3A_1980, %get3A_1984 : vector<16xf32>
      %get3A_1986 = arith.constant 10 : i32
      %get3A_1987 = arith.index_cast %get3A_1986 : i32 to index
      %get3A_1988 = arith.constant 16 : index
      %get3A_1989 = tpu.vector_load %arg13[%get3A_1987, %get3A_1988] {strides = array<i32>} : memref<16x64xf32, #tpu.memory_space<vmem>>, vector<16xf32>,
      %sub3A_1990 = arith.subf %add3A_1985, %get3A_1989 : vector<16xf32>
      %mul3A_1991 = arith.mulf %sub3A_1990, %sub3A_1990 : vector<16xf32>
      %add3A_1992 = arith.addf %add3A_1976, %mul3A_1991 : vector<16xf32>
      %get3A_1993 = arith.constant 10 : i32
      %get3A_1994 = arith.index_cast %get3A_1993 : i32 to index
      %get3A_1995 = arith.constant 32 : index
      %get3A_1996 = tpu.vector_load %arg11[%get3A_1994, %get3A_1995] {strides = array<i32>} : memref<16x64xf32, #tpu.memory_space<vmem>>, vector<16xf32>,
      %get3A_1997 = arith.constant 10 : i32
      %get3A_1998 = arith.index_cast %get3A_1997 : i32 to index
      %get3A_1999 = arith.constant 32 : index
      %get3A_2000 = tpu.vector_load %arg12[%get3A_1998, %get3A_1999] {strides = array<i32>} : memref<16x64xf32, #tpu.memory_space<vmem>>, vector<16xf32>,
      %add3A_2001 = arith.addf %get3A_1996, %get3A_2000 : vector<16xf32>
      %get3A_2002 = arith.constant 10 : i32
      %get3A_2003 = arith.index_cast %get3A_2002 : i32 to index
      %get3A_2004 = arith.constant 32 : index
      %get3A_2005 = tpu.vector_load %arg13[%get3A_2003, %get3A_2004] {strides = array<i32>} : memref<16x64xf32, #tpu.memory_space<vmem>>, vector<16xf32>,
      %sub3A_2006 = arith.subf %add3A_2001, %get3A_2005 : vector<16xf32>
      %mul3A_2007 = arith.mulf %sub3A_2006, %sub3A_2006 : vector<16xf32>
      %add3A_2008 = arith.addf %add3A_1992, %mul3A_2007 : vector<16xf32>
      %get3A_2009 = arith.constant 10 : i32
      %get3A_2010 = arith.index_cast %get3A_2009 : i32 to index
      %get3A_2011 = arith.constant 48 : index
      %get3A_2012 = tpu.vector_load %arg11[%get3A_2010, %get3A_2011] {strides = array<i32>} : memref<16x64xf32, #tpu.memory_space<vmem>>, vector<16xf32>,
      %get3A_2013 = arith.constant 10 : i32
      %get3A_2014 = arith.index_cast %get3A_2013 : i32 to index
      %get3A_2015 = arith.constant 48 : index
      %get3A_2016 = tpu.vector_load %arg12[%get3A_2014, %get3A_2015] {strides = array<i32>} : memref<16x64xf32, #tpu.memory_space<vmem>>, vector<16xf32>,
      %add3A_2017 = arith.addf %get3A_2012, %get3A_2016 : vector<16xf32>
      %get3A_2018 = arith.constant 10 : i32
      %get3A_2019 = arith.index_cast %get3A_2018 : i32 to index
      %get3A_2020 = arith.constant 48 : index
      %get3A_2021 = tpu.vector_load %arg13[%get3A_2019, %get3A_2020] {strides = array<i32>} : memref<16x64xf32, #tpu.memory_space<vmem>>, vector<16xf32>,
      %sub3A_2022 = arith.subf %add3A_2017, %get3A_2021 : vector<16xf32>
      %mul3A_2023 = arith.mulf %sub3A_2022, %sub3A_2022 : vector<16xf32>
      %add3A_2024 = arith.addf %add3A_2008, %mul3A_2023 : vector<16xf32>
      %eq3A_2025 = arith.constant 10 : i32
      %eq3A_2026 = vector.broadcast %eq3A_2025 : i32 to vector<16xi32>
      %eq3A_2027 = arith.cmpi eq, %iota3A, %eq3A_2026 : vector<16xi32>
      %reduce_sum3A_2028 = arith.constant true
      %reduce_sum3A_2029 = vector.broadcast %reduce_sum3A_2028 : i1 to vector<16xi1>
      %reduce_sum3A_2030 = tpu.scan <sum>, %add3A_2024 masked %reduce_sum3A_2029 : vector<16xf32>, vector<16xi1> -> vector<16xf32>
      %reduce_sum3A_2031 = vector.extract %reduce_sum3A_2030[15] : f32 from vector<16xf32>
      %broadcast_in_dim3A_2032 = vector.broadcast %reduce_sum3A_2031 : f32 to vector<16xf32>
      %select_n3A_2033 = arith.select %eq3A_2027, %broadcast_in_dim3A_2032, %select_n3A_1958 : vector<16xi1>, vector<16xf32>
      %broadcast_in_dim3A_2034 = arith.constant 0.000000e+00 : f32
      %broadcast_in_dim3A_2035 = vector.broadcast %broadcast_in_dim3A_2034 : f32 to vector<16xf32>
      %get3A_2036 = arith.constant 11 : i32
      %get3A_2037 = arith.index_cast %get3A_2036 : i32 to index
      %get3A_2038 = arith.constant 0 : index
      %get3A_2039 = tpu.vector_load %arg11[%get3A_2037, %get3A_2038] {strides = array<i32>} : memref<16x64xf32, #tpu.memory_space<vmem>>, vector<16xf32>,
      %get3A_2040 = arith.constant 11 : i32
      %get3A_2041 = arith.index_cast %get3A_2040 : i32 to index
      %get3A_2042 = arith.constant 0 : index
      %get3A_2043 = tpu.vector_load %arg12[%get3A_2041, %get3A_2042] {strides = array<i32>} : memref<16x64xf32, #tpu.memory_space<vmem>>, vector<16xf32>,
      %add3A_2044 = arith.addf %get3A_2039, %get3A_2043 : vector<16xf32>
      %get3A_2045 = arith.constant 11 : i32
      %get3A_2046 = arith.index_cast %get3A_2045 : i32 to index
      %get3A_2047 = arith.constant 0 : index
      %get3A_2048 = tpu.vector_load %arg13[%get3A_2046, %get3A_2047] {strides = array<i32>} : memref<16x64xf32, #tpu.memory_space<vmem>>, vector<16xf32>,
      %sub3A_2049 = arith.subf %add3A_2044, %get3A_2048 : vector<16xf32>
      %mul3A_2050 = arith.mulf %sub3A_2049, %sub3A_2049 : vector<16xf32>
      %add3A_2051 = arith.addf %broadcast_in_dim3A_2035, %mul3A_2050 : vector<16xf32>
      %get3A_2052 = arith.constant 11 : i32
      %get3A_2053 = arith.index_cast %get3A_2052 : i32 to index
      %get3A_2054 = arith.constant 16 : index
      %get3A_2055 = tpu.vector_load %arg11[%get3A_2053, %get3A_2054] {strides = array<i32>} : memref<16x64xf32, #tpu.memory_space<vmem>>, vector<16xf32>,
      %get3A_2056 = arith.constant 11 : i32
      %get3A_2057 = arith.index_cast %get3A_2056 : i32 to index
      %get3A_2058 = arith.constant 16 : index
      %get3A_2059 = tpu.vector_load %arg12[%get3A_2057, %get3A_2058] {strides = array<i32>} : memref<16x64xf32, #tpu.memory_space<vmem>>, vector<16xf32>,
      %add3A_2060 = arith.addf %get3A_2055, %get3A_2059 : vector<16xf32>
      %get3A_2061 = arith.constant 11 : i32
      %get3A_2062 = arith.index_cast %get3A_2061 : i32 to index
      %get3A_2063 = arith.constant 16 : index
      %get3A_2064 = tpu.vector_load %arg13[%get3A_2062, %get3A_2063] {strides = array<i32>} : memref<16x64xf32, #tpu.memory_space<vmem>>, vector<16xf32>,
      %sub3A_2065 = arith.subf %add3A_2060, %get3A_2064 : vector<16xf32>
      %mul3A_2066 = arith.mulf %sub3A_2065, %sub3A_2065 : vector<16xf32>
      %add3A_2067 = arith.addf %add3A_2051, %mul3A_2066 : vector<16xf32>
      %get3A_2068 = arith.constant 11 : i32
      %get3A_2069 = arith.index_cast %get3A_2068 : i32 to index
      %get3A_2070 = arith.constant 32 : index
      %get3A_2071 = tpu.vector_load %arg11[%get3A_2069, %get3A_2070] {strides = array<i32>} : memref<16x64xf32, #tpu.memory_space<vmem>>, vector<16xf32>,
      %get3A_2072 = arith.constant 11 : i32
      %get3A_2073 = arith.index_cast %get3A_2072 : i32 to index
      %get3A_2074 = arith.constant 32 : index
      %get3A_2075 = tpu.vector_load %arg12[%get3A_2073, %get3A_2074] {strides = array<i32>} : memref<16x64xf32, #tpu.memory_space<vmem>>, vector<16xf32>,
      %add3A_2076 = arith.addf %get3A_2071, %get3A_2075 : vector<16xf32>
      %get3A_2077 = arith.constant 11 : i32
      %get3A_2078 = arith.index_cast %get3A_2077 : i32 to index
      %get3A_2079 = arith.constant 32 : index
      %get3A_2080 = tpu.vector_load %arg13[%get3A_2078, %get3A_2079] {strides = array<i32>} : memref<16x64xf32, #tpu.memory_space<vmem>>, vector<16xf32>,
      %sub3A_2081 = arith.subf %add3A_2076, %get3A_2080 : vector<16xf32>
      %mul3A_2082 = arith.mulf %sub3A_2081, %sub3A_2081 : vector<16xf32>
      %add3A_2083 = arith.addf %add3A_2067, %mul3A_2082 : vector<16xf32>
      %get3A_2084 = arith.constant 11 : i32
      %get3A_2085 = arith.index_cast %get3A_2084 : i32 to index
      %get3A_2086 = arith.constant 48 : index
      %get3A_2087 = tpu.vector_load %arg11[%get3A_2085, %get3A_2086] {strides = array<i32>} : memref<16x64xf32, #tpu.memory_space<vmem>>, vector<16xf32>,
      %get3A_2088 = arith.constant 11 : i32
      %get3A_2089 = arith.index_cast %get3A_2088 : i32 to index
      %get3A_2090 = arith.constant 48 : index
      %get3A_2091 = tpu.vector_load %arg12[%get3A_2089, %get3A_2090] {strides = array<i32>} : memref<16x64xf32, #tpu.memory_space<vmem>>, vector<16xf32>,
      %add3A_2092 = arith.addf %get3A_2087, %get3A_2091 : vector<16xf32>
      %get3A_2093 = arith.constant 11 : i32
      %get3A_2094 = arith.index_cast %get3A_2093 : i32 to index
      %get3A_2095 = arith.constant 48 : index
      %get3A_2096 = tpu.vector_load %arg13[%get3A_2094, %get3A_2095] {strides = array<i32>} : memref<16x64xf32, #tpu.memory_space<vmem>>, vector<16xf32>,
      %sub3A_2097 = arith.subf %add3A_2092, %get3A_2096 : vector<16xf32>
      %mul3A_2098 = arith.mulf %sub3A_2097, %sub3A_2097 : vector<16xf32>
      %add3A_2099 = arith.addf %add3A_2083, %mul3A_2098 : vector<16xf32>
      %eq3A_2100 = arith.constant 11 : i32
      %eq3A_2101 = vector.broadcast %eq3A_2100 : i32 to vector<16xi32>
      %eq3A_2102 = arith.cmpi eq, %iota3A, %eq3A_2101 : vector<16xi32>
      %reduce_sum3A_2103 = arith.constant true
      %reduce_sum3A_2104 = vector.broadcast %reduce_sum3A_2103 : i1 to vector<16xi1>
      %reduce_sum3A_2105 = tpu.scan <sum>, %add3A_2099 masked %reduce_sum3A_2104 : vector<16xf32>, vector<16xi1> -> vector<16xf32>
      %reduce_sum3A_2106 = vector.extract %reduce_sum3A_2105[15] : f32 from vector<16xf32>
      %broadcast_in_dim3A_2107 = vector.broadcast %reduce_sum3A_2106 : f32 to vector<16xf32>
      %select_n3A_2108 = arith.select %eq3A_2102, %broadcast_in_dim3A_2107, %select_n3A_2033 : vector<16xi1>, vector<16xf32>
      %broadcast_in_dim3A_2109 = arith.constant 0.000000e+00 : f32
      %broadcast_in_dim3A_2110 = vector.broadcast %broadcast_in_dim3A_2109 : f32 to vector<16xf32>
      %get3A_2111 = arith.constant 12 : i32
      %get3A_2112 = arith.index_cast %get3A_2111 : i32 to index
      %get3A_2113 = arith.constant 0 : index
      %get3A_2114 = tpu.vector_load %arg11[%get3A_2112, %get3A_2113] {strides = array<i32>} : memref<16x64xf32, #tpu.memory_space<vmem>>, vector<16xf32>,
      %get3A_2115 = arith.constant 12 : i32
      %get3A_2116 = arith.index_cast %get3A_2115 : i32 to index
      %get3A_2117 = arith.constant 0 : index
      %get3A_2118 = tpu.vector_load %arg12[%get3A_2116, %get3A_2117] {strides = array<i32>} : memref<16x64xf32, #tpu.memory_space<vmem>>, vector<16xf32>,
      %add3A_2119 = arith.addf %get3A_2114, %get3A_2118 : vector<16xf32>
      %get3A_2120 = arith.constant 12 : i32
      %get3A_2121 = arith.index_cast %get3A_2120 : i32 to index
      %get3A_2122 = arith.constant 0 : index
      %get3A_2123 = tpu.vector_load %arg13[%get3A_2121, %get3A_2122] {strides = array<i32>} : memref<16x64xf32, #tpu.memory_space<vmem>>, vector<16xf32>,
      %sub3A_2124 = arith.subf %add3A_2119, %get3A_2123 : vector<16xf32>
      %mul3A_2125 = arith.mulf %sub3A_2124, %sub3A_2124 : vector<16xf32>
      %add3A_2126 = arith.addf %broadcast_in_dim3A_2110, %mul3A_2125 : vector<16xf32>
      %get3A_2127 = arith.constant 12 : i32
      %get3A_2128 = arith.index_cast %get3A_2127 : i32 to index
      %get3A_2129 = arith.constant 16 : index
      %get3A_2130 = tpu.vector_load %arg11[%get3A_2128, %get3A_2129] {strides = array<i32>} : memref<16x64xf32, #tpu.memory_space<vmem>>, vector<16xf32>,
      %get3A_2131 = arith.constant 12 : i32
      %get3A_2132 = arith.index_cast %get3A_2131 : i32 to index
      %get3A_2133 = arith.constant 16 : index
      %get3A_2134 = tpu.vector_load %arg12[%get3A_2132, %get3A_2133] {strides = array<i32>} : memref<16x64xf32, #tpu.memory_space<vmem>>, vector<16xf32>,
      %add3A_2135 = arith.addf %get3A_2130, %get3A_2134 : vector<16xf32>
      %get3A_2136 = arith.constant 12 : i32
      %get3A_2137 = arith.index_cast %get3A_2136 : i32 to index
      %get3A_2138 = arith.constant 16 : index
      %get3A_2139 = tpu.vector_load %arg13[%get3A_2137, %get3A_2138] {strides = array<i32>} : memref<16x64xf32, #tpu.memory_space<vmem>>, vector<16xf32>,
      %sub3A_2140 = arith.subf %add3A_2135, %get3A_2139 : vector<16xf32>
      %mul3A_2141 = arith.mulf %sub3A_2140, %sub3A_2140 : vector<16xf32>
      %add3A_2142 = arith.addf %add3A_2126, %mul3A_2141 : vector<16xf32>
      %get3A_2143 = arith.constant 12 : i32
      %get3A_2144 = arith.index_cast %get3A_2143 : i32 to index
      %get3A_2145 = arith.constant 32 : index
      %get3A_2146 = tpu.vector_load %arg11[%get3A_2144, %get3A_2145] {strides = array<i32>} : memref<16x64xf32, #tpu.memory_space<vmem>>, vector<16xf32>,
      %get3A_2147 = arith.constant 12 : i32
      %get3A_2148 = arith.index_cast %get3A_2147 : i32 to index
      %get3A_2149 = arith.constant 32 : index
      %get3A_2150 = tpu.vector_load %arg12[%get3A_2148, %get3A_2149] {strides = array<i32>} : memref<16x64xf32, #tpu.memory_space<vmem>>, vector<16xf32>,
      %add3A_2151 = arith.addf %get3A_2146, %get3A_2150 : vector<16xf32>
      %get3A_2152 = arith.constant 12 : i32
      %get3A_2153 = arith.index_cast %get3A_2152 : i32 to index
      %get3A_2154 = arith.constant 32 : index
      %get3A_2155 = tpu.vector_load %arg13[%get3A_2153, %get3A_2154] {strides = array<i32>} : memref<16x64xf32, #tpu.memory_space<vmem>>, vector<16xf32>,
      %sub3A_2156 = arith.subf %add3A_2151, %get3A_2155 : vector<16xf32>
      %mul3A_2157 = arith.mulf %sub3A_2156, %sub3A_2156 : vector<16xf32>
      %add3A_2158 = arith.addf %add3A_2142, %mul3A_2157 : vector<16xf32>
      %get3A_2159 = arith.constant 12 : i32
      %get3A_2160 = arith.index_cast %get3A_2159 : i32 to index
      %get3A_2161 = arith.constant 48 : index
      %get3A_2162 = tpu.vector_load %arg11[%get3A_2160, %get3A_2161] {strides = array<i32>} : memref<16x64xf32, #tpu.memory_space<vmem>>, vector<16xf32>,
      %get3A_2163 = arith.constant 12 : i32
      %get3A_2164 = arith.index_cast %get3A_2163 : i32 to index
      %get3A_2165 = arith.constant 48 : index
      %get3A_2166 = tpu.vector_load %arg12[%get3A_2164, %get3A_2165] {strides = array<i32>} : memref<16x64xf32, #tpu.memory_space<vmem>>, vector<16xf32>,
      %add3A_2167 = arith.addf %get3A_2162, %get3A_2166 : vector<16xf32>
      %get3A_2168 = arith.constant 12 : i32
      %get3A_2169 = arith.index_cast %get3A_2168 : i32 to index
      %get3A_2170 = arith.constant 48 : index
      %get3A_2171 = tpu.vector_load %arg13[%get3A_2169, %get3A_2170] {strides = array<i32>} : memref<16x64xf32, #tpu.memory_space<vmem>>, vector<16xf32>,
      %sub3A_2172 = arith.subf %add3A_2167, %get3A_2171 : vector<16xf32>
      %mul3A_2173 = arith.mulf %sub3A_2172, %sub3A_2172 : vector<16xf32>
      %add3A_2174 = arith.addf %add3A_2158, %mul3A_2173 : vector<16xf32>
      %eq3A_2175 = arith.constant 12 : i32
      %eq3A_2176 = vector.broadcast %eq3A_2175 : i32 to vector<16xi32>
      %eq3A_2177 = arith.cmpi eq, %iota3A, %eq3A_2176 : vector<16xi32>
      %reduce_sum3A_2178 = arith.constant true
      %reduce_sum3A_2179 = vector.broadcast %reduce_sum3A_2178 : i1 to vector<16xi1>
      %reduce_sum3A_2180 = tpu.scan <sum>, %add3A_2174 masked %reduce_sum3A_2179 : vector<16xf32>, vector<16xi1> -> vector<16xf32>
      %reduce_sum3A_2181 = vector.extract %reduce_sum3A_2180[15] : f32 from vector<16xf32>
      %broadcast_in_dim3A_2182 = vector.broadcast %reduce_sum3A_2181 : f32 to vector<16xf32>
      %select_n3A_2183 = arith.select %eq3A_2177, %broadcast_in_dim3A_2182, %select_n3A_2108 : vector<16xi1>, vector<16xf32>
      %broadcast_in_dim3A_2184 = arith.constant 0.000000e+00 : f32
      %broadcast_in_dim3A_2185 = vector.broadcast %broadcast_in_dim3A_2184 : f32 to vector<16xf32>
      %get3A_2186 = arith.constant 13 : i32
      %get3A_2187 = arith.index_cast %get3A_2186 : i32 to index
      %get3A_2188 = arith.constant 0 : index
      %get3A_2189 = tpu.vector_load %arg11[%get3A_2187, %get3A_2188] {strides = array<i32>} : memref<16x64xf32, #tpu.memory_space<vmem>>, vector<16xf32>,
      %get3A_2190 = arith.constant 13 : i32
      %get3A_2191 = arith.index_cast %get3A_2190 : i32 to index
      %get3A_2192 = arith.constant 0 : index
      %get3A_2193 = tpu.vector_load %arg12[%get3A_2191, %get3A_2192] {strides = array<i32>} : memref<16x64xf32, #tpu.memory_space<vmem>>, vector<16xf32>,
      %add3A_2194 = arith.addf %get3A_2189, %get3A_2193 : vector<16xf32>
      %get3A_2195 = arith.constant 13 : i32
      %get3A_2196 = arith.index_cast %get3A_2195 : i32 to index
      %get3A_2197 = arith.constant 0 : index
      %get3A_2198 = tpu.vector_load %arg13[%get3A_2196, %get3A_2197] {strides = array<i32>} : memref<16x64xf32, #tpu.memory_space<vmem>>, vector<16xf32>,
      %sub3A_2199 = arith.subf %add3A_2194, %get3A_2198 : vector<16xf32>
      %mul3A_2200 = arith.mulf %sub3A_2199, %sub3A_2199 : vector<16xf32>
      %add3A_2201 = arith.addf %broadcast_in_dim3A_2185, %mul3A_2200 : vector<16xf32>
      %get3A_2202 = arith.constant 13 : i32
      %get3A_2203 = arith.index_cast %get3A_2202 : i32 to index
      %get3A_2204 = arith.constant 16 : index
      %get3A_2205 = tpu.vector_load %arg11[%get3A_2203, %get3A_2204] {strides = array<i32>} : memref<16x64xf32, #tpu.memory_space<vmem>>, vector<16xf32>,
      %get3A_2206 = arith.constant 13 : i32
      %get3A_2207 = arith.index_cast %get3A_2206 : i32 to index
      %get3A_2208 = arith.constant 16 : index
      %get3A_2209 = tpu.vector_load %arg12[%get3A_2207, %get3A_2208] {strides = array<i32>} : memref<16x64xf32, #tpu.memory_space<vmem>>, vector<16xf32>,
      %add3A_2210 = arith.addf %get3A_2205, %get3A_2209 : vector<16xf32>
      %get3A_2211 = arith.constant 13 : i32
      %get3A_2212 = arith.index_cast %get3A_2211 : i32 to index
      %get3A_2213 = arith.constant 16 : index
      %get3A_2214 = tpu.vector_load %arg13[%get3A_2212, %get3A_2213] {strides = array<i32>} : memref<16x64xf32, #tpu.memory_space<vmem>>, vector<16xf32>,
      %sub3A_2215 = arith.subf %add3A_2210, %get3A_2214 : vector<16xf32>
      %mul3A_2216 = arith.mulf %sub3A_2215, %sub3A_2215 : vector<16xf32>
      %add3A_2217 = arith.addf %add3A_2201, %mul3A_2216 : vector<16xf32>
      %get3A_2218 = arith.constant 13 : i32
      %get3A_2219 = arith.index_cast %get3A_2218 : i32 to index
      %get3A_2220 = arith.constant 32 : index
      %get3A_2221 = tpu.vector_load %arg11[%get3A_2219, %get3A_2220] {strides = array<i32>} : memref<16x64xf32, #tpu.memory_space<vmem>>, vector<16xf32>,
      %get3A_2222 = arith.constant 13 : i32
      %get3A_2223 = arith.index_cast %get3A_2222 : i32 to index
      %get3A_2224 = arith.constant 32 : index
      %get3A_2225 = tpu.vector_load %arg12[%get3A_2223, %get3A_2224] {strides = array<i32>} : memref<16x64xf32, #tpu.memory_space<vmem>>, vector<16xf32>,
      %add3A_2226 = arith.addf %get3A_2221, %get3A_2225 : vector<16xf32>
      %get3A_2227 = arith.constant 13 : i32
      %get3A_2228 = arith.index_cast %get3A_2227 : i32 to index
      %get3A_2229 = arith.constant 32 : index
      %get3A_2230 = tpu.vector_load %arg13[%get3A_2228, %get3A_2229] {strides = array<i32>} : memref<16x64xf32, #tpu.memory_space<vmem>>, vector<16xf32>,
      %sub3A_2231 = arith.subf %add3A_2226, %get3A_2230 : vector<16xf32>
      %mul3A_2232 = arith.mulf %sub3A_2231, %sub3A_2231 : vector<16xf32>
      %add3A_2233 = arith.addf %add3A_2217, %mul3A_2232 : vector<16xf32>
      %get3A_2234 = arith.constant 13 : i32
      %get3A_2235 = arith.index_cast %get3A_2234 : i32 to index
      %get3A_2236 = arith.constant 48 : index
      %get3A_2237 = tpu.vector_load %arg11[%get3A_2235, %get3A_2236] {strides = array<i32>} : memref<16x64xf32, #tpu.memory_space<vmem>>, vector<16xf32>,
      %get3A_2238 = arith.constant 13 : i32
      %get3A_2239 = arith.index_cast %get3A_2238 : i32 to index
      %get3A_2240 = arith.constant 48 : index
      %get3A_2241 = tpu.vector_load %arg12[%get3A_2239, %get3A_2240] {strides = array<i32>} : memref<16x64xf32, #tpu.memory_space<vmem>>, vector<16xf32>,
      %add3A_2242 = arith.addf %get3A_2237, %get3A_2241 : vector<16xf32>
      %get3A_2243 = arith.constant 13 : i32
      %get3A_2244 = arith.index_cast %get3A_2243 : i32 to index
      %get3A_2245 = arith.constant 48 : index
      %get3A_2246 = tpu.vector_load %arg13[%get3A_2244, %get3A_2245] {strides = array<i32>} : memref<16x64xf32, #tpu.memory_space<vmem>>, vector<16xf32>,
      %sub3A_2247 = arith.subf %add3A_2242, %get3A_2246 : vector<16xf32>
      %mul3A_2248 = arith.mulf %sub3A_2247, %sub3A_2247 : vector<16xf32>
      %add3A_2249 = arith.addf %add3A_2233, %mul3A_2248 : vector<16xf32>
      %eq3A_2250 = arith.constant 13 : i32
      %eq3A_2251 = vector.broadcast %eq3A_2250 : i32 to vector<16xi32>
      %eq3A_2252 = arith.cmpi eq, %iota3A, %eq3A_2251 : vector<16xi32>
      %reduce_sum3A_2253 = arith.constant true
      %reduce_sum3A_2254 = vector.broadcast %reduce_sum3A_2253 : i1 to vector<16xi1>
      %reduce_sum3A_2255 = tpu.scan <sum>, %add3A_2249 masked %reduce_sum3A_2254 : vector<16xf32>, vector<16xi1> -> vector<16xf32>
      %reduce_sum3A_2256 = vector.extract %reduce_sum3A_2255[15] : f32 from vector<16xf32>
      %broadcast_in_dim3A_2257 = vector.broadcast %reduce_sum3A_2256 : f32 to vector<16xf32>
      %select_n3A_2258 = arith.select %eq3A_2252, %broadcast_in_dim3A_2257, %select_n3A_2183 : vector<16xi1>, vector<16xf32>
      %broadcast_in_dim3A_2259 = arith.constant 0.000000e+00 : f32
      %broadcast_in_dim3A_2260 = vector.broadcast %broadcast_in_dim3A_2259 : f32 to vector<16xf32>
      %get3A_2261 = arith.constant 14 : i32
      %get3A_2262 = arith.index_cast %get3A_2261 : i32 to index
      %get3A_2263 = arith.constant 0 : index
      %get3A_2264 = tpu.vector_load %arg11[%get3A_2262, %get3A_2263] {strides = array<i32>} : memref<16x64xf32, #tpu.memory_space<vmem>>, vector<16xf32>,
      %get3A_2265 = arith.constant 14 : i32
      %get3A_2266 = arith.index_cast %get3A_2265 : i32 to index
      %get3A_2267 = arith.constant 0 : index
      %get3A_2268 = tpu.vector_load %arg12[%get3A_2266, %get3A_2267] {strides = array<i32>} : memref<16x64xf32, #tpu.memory_space<vmem>>, vector<16xf32>,
      %add3A_2269 = arith.addf %get3A_2264, %get3A_2268 : vector<16xf32>
      %get3A_2270 = arith.constant 14 : i32
      %get3A_2271 = arith.index_cast %get3A_2270 : i32 to index
      %get3A_2272 = arith.constant 0 : index
      %get3A_2273 = tpu.vector_load %arg13[%get3A_2271, %get3A_2272] {strides = array<i32>} : memref<16x64xf32, #tpu.memory_space<vmem>>, vector<16xf32>,
      %sub3A_2274 = arith.subf %add3A_2269, %get3A_2273 : vector<16xf32>
      %mul3A_2275 = arith.mulf %sub3A_2274, %sub3A_2274 : vector<16xf32>
      %add3A_2276 = arith.addf %broadcast_in_dim3A_2260, %mul3A_2275 : vector<16xf32>
      %get3A_2277 = arith.constant 14 : i32
      %get3A_2278 = arith.index_cast %get3A_2277 : i32 to index
      %get3A_2279 = arith.constant 16 : index
      %get3A_2280 = tpu.vector_load %arg11[%get3A_2278, %get3A_2279] {strides = array<i32>} : memref<16x64xf32, #tpu.memory_space<vmem>>, vector<16xf32>,
      %get3A_2281 = arith.constant 14 : i32
      %get3A_2282 = arith.index_cast %get3A_2281 : i32 to index
      %get3A_2283 = arith.constant 16 : index
      %get3A_2284 = tpu.vector_load %arg12[%get3A_2282, %get3A_2283] {strides = array<i32>} : memref<16x64xf32, #tpu.memory_space<vmem>>, vector<16xf32>,
      %add3A_2285 = arith.addf %get3A_2280, %get3A_2284 : vector<16xf32>
      %get3A_2286 = arith.constant 14 : i32
      %get3A_2287 = arith.index_cast %get3A_2286 : i32 to index
      %get3A_2288 = arith.constant 16 : index
      %get3A_2289 = tpu.vector_load %arg13[%get3A_2287, %get3A_2288] {strides = array<i32>} : memref<16x64xf32, #tpu.memory_space<vmem>>, vector<16xf32>,
      %sub3A_2290 = arith.subf %add3A_2285, %get3A_2289 : vector<16xf32>
      %mul3A_2291 = arith.mulf %sub3A_2290, %sub3A_2290 : vector<16xf32>
      %add3A_2292 = arith.addf %add3A_2276, %mul3A_2291 : vector<16xf32>
      %get3A_2293 = arith.constant 14 : i32
      %get3A_2294 = arith.index_cast %get3A_2293 : i32 to index
      %get3A_2295 = arith.constant 32 : index
      %get3A_2296 = tpu.vector_load %arg11[%get3A_2294, %get3A_2295] {strides = array<i32>} : memref<16x64xf32, #tpu.memory_space<vmem>>, vector<16xf32>,
      %get3A_2297 = arith.constant 14 : i32
      %get3A_2298 = arith.index_cast %get3A_2297 : i32 to index
      %get3A_2299 = arith.constant 32 : index
      %get3A_2300 = tpu.vector_load %arg12[%get3A_2298, %get3A_2299] {strides = array<i32>} : memref<16x64xf32, #tpu.memory_space<vmem>>, vector<16xf32>,
      %add3A_2301 = arith.addf %get3A_2296, %get3A_2300 : vector<16xf32>
      %get3A_2302 = arith.constant 14 : i32
      %get3A_2303 = arith.index_cast %get3A_2302 : i32 to index
      %get3A_2304 = arith.constant 32 : index
      %get3A_2305 = tpu.vector_load %arg13[%get3A_2303, %get3A_2304] {strides = array<i32>} : memref<16x64xf32, #tpu.memory_space<vmem>>, vector<16xf32>,
      %sub3A_2306 = arith.subf %add3A_2301, %get3A_2305 : vector<16xf32>
      %mul3A_2307 = arith.mulf %sub3A_2306, %sub3A_2306 : vector<16xf32>
      %add3A_2308 = arith.addf %add3A_2292, %mul3A_2307 : vector<16xf32>
      %get3A_2309 = arith.constant 14 : i32
      %get3A_2310 = arith.index_cast %get3A_2309 : i32 to index
      %get3A_2311 = arith.constant 48 : index
      %get3A_2312 = tpu.vector_load %arg11[%get3A_2310, %get3A_2311] {strides = array<i32>} : memref<16x64xf32, #tpu.memory_space<vmem>>, vector<16xf32>,
      %get3A_2313 = arith.constant 14 : i32
      %get3A_2314 = arith.index_cast %get3A_2313 : i32 to index
      %get3A_2315 = arith.constant 48 : index
      %get3A_2316 = tpu.vector_load %arg12[%get3A_2314, %get3A_2315] {strides = array<i32>} : memref<16x64xf32, #tpu.memory_space<vmem>>, vector<16xf32>,
      %add3A_2317 = arith.addf %get3A_2312, %get3A_2316 : vector<16xf32>
      %get3A_2318 = arith.constant 14 : i32
      %get3A_2319 = arith.index_cast %get3A_2318 : i32 to index
      %get3A_2320 = arith.constant 48 : index
      %get3A_2321 = tpu.vector_load %arg13[%get3A_2319, %get3A_2320] {strides = array<i32>} : memref<16x64xf32, #tpu.memory_space<vmem>>, vector<16xf32>,
      %sub3A_2322 = arith.subf %add3A_2317, %get3A_2321 : vector<16xf32>
      %mul3A_2323 = arith.mulf %sub3A_2322, %sub3A_2322 : vector<16xf32>
      %add3A_2324 = arith.addf %add3A_2308, %mul3A_2323 : vector<16xf32>
      %eq3A_2325 = arith.constant 14 : i32
      %eq3A_2326 = vector.broadcast %eq3A_2325 : i32 to vector<16xi32>
      %eq3A_2327 = arith.cmpi eq, %iota3A, %eq3A_2326 : vector<16xi32>
      %reduce_sum3A_2328 = arith.constant true
      %reduce_sum3A_2329 = vector.broadcast %reduce_sum3A_2328 : i1 to vector<16xi1>
      %reduce_sum3A_2330 = tpu.scan <sum>, %add3A_2324 masked %reduce_sum3A_2329 : vector<16xf32>, vector<16xi1> -> vector<16xf32>
      %reduce_sum3A_2331 = vector.extract %reduce_sum3A_2330[15] : f32 from vector<16xf32>
      %broadcast_in_dim3A_2332 = vector.broadcast %reduce_sum3A_2331 : f32 to vector<16xf32>
      %select_n3A_2333 = arith.select %eq3A_2327, %broadcast_in_dim3A_2332, %select_n3A_2258 : vector<16xi1>, vector<16xf32>
      %broadcast_in_dim3A_2334 = arith.constant 0.000000e+00 : f32
      %broadcast_in_dim3A_2335 = vector.broadcast %broadcast_in_dim3A_2334 : f32 to vector<16xf32>
      %get3A_2336 = arith.constant 15 : i32
      %get3A_2337 = arith.index_cast %get3A_2336 : i32 to index
      %get3A_2338 = arith.constant 0 : index
      %get3A_2339 = tpu.vector_load %arg11[%get3A_2337, %get3A_2338] {strides = array<i32>} : memref<16x64xf32, #tpu.memory_space<vmem>>, vector<16xf32>,
      %get3A_2340 = arith.constant 15 : i32
      %get3A_2341 = arith.index_cast %get3A_2340 : i32 to index
      %get3A_2342 = arith.constant 0 : index
      %get3A_2343 = tpu.vector_load %arg12[%get3A_2341, %get3A_2342] {strides = array<i32>} : memref<16x64xf32, #tpu.memory_space<vmem>>, vector<16xf32>,
      %add3A_2344 = arith.addf %get3A_2339, %get3A_2343 : vector<16xf32>
      %get3A_2345 = arith.constant 15 : i32
      %get3A_2346 = arith.index_cast %get3A_2345 : i32 to index
      %get3A_2347 = arith.constant 0 : index
      %get3A_2348 = tpu.vector_load %arg13[%get3A_2346, %get3A_2347] {strides = array<i32>} : memref<16x64xf32, #tpu.memory_space<vmem>>, vector<16xf32>,
      %sub3A_2349 = arith.subf %add3A_2344, %get3A_2348 : vector<16xf32>
      %mul3A_2350 = arith.mulf %sub3A_2349, %sub3A_2349 : vector<16xf32>
      %add3A_2351 = arith.addf %broadcast_in_dim3A_2335, %mul3A_2350 : vector<16xf32>
      %get3A_2352 = arith.constant 15 : i32
      %get3A_2353 = arith.index_cast %get3A_2352 : i32 to index
      %get3A_2354 = arith.constant 16 : index
      %get3A_2355 = tpu.vector_load %arg11[%get3A_2353, %get3A_2354] {strides = array<i32>} : memref<16x64xf32, #tpu.memory_space<vmem>>, vector<16xf32>,
      %get3A_2356 = arith.constant 15 : i32
      %get3A_2357 = arith.index_cast %get3A_2356 : i32 to index
      %get3A_2358 = arith.constant 16 : index
      %get3A_2359 = tpu.vector_load %arg12[%get3A_2357, %get3A_2358] {strides = array<i32>} : memref<16x64xf32, #tpu.memory_space<vmem>>, vector<16xf32>,
      %add3A_2360 = arith.addf %get3A_2355, %get3A_2359 : vector<16xf32>
      %get3A_2361 = arith.constant 15 : i32
      %get3A_2362 = arith.index_cast %get3A_2361 : i32 to index
      %get3A_2363 = arith.constant 16 : index
      %get3A_2364 = tpu.vector_load %arg13[%get3A_2362, %get3A_2363] {strides = array<i32>} : memref<16x64xf32, #tpu.memory_space<vmem>>, vector<16xf32>,
      %sub3A_2365 = arith.subf %add3A_2360, %get3A_2364 : vector<16xf32>
      %mul3A_2366 = arith.mulf %sub3A_2365, %sub3A_2365 : vector<16xf32>
      %add3A_2367 = arith.addf %add3A_2351, %mul3A_2366 : vector<16xf32>
      %get3A_2368 = arith.constant 15 : i32
      %get3A_2369 = arith.index_cast %get3A_2368 : i32 to index
      %get3A_2370 = arith.constant 32 : index
      %get3A_2371 = tpu.vector_load %arg11[%get3A_2369, %get3A_2370] {strides = array<i32>} : memref<16x64xf32, #tpu.memory_space<vmem>>, vector<16xf32>,
      %get3A_2372 = arith.constant 15 : i32
      %get3A_2373 = arith.index_cast %get3A_2372 : i32 to index
      %get3A_2374 = arith.constant 32 : index
      %get3A_2375 = tpu.vector_load %arg12[%get3A_2373, %get3A_2374] {strides = array<i32>} : memref<16x64xf32, #tpu.memory_space<vmem>>, vector<16xf32>,
      %add3A_2376 = arith.addf %get3A_2371, %get3A_2375 : vector<16xf32>
      %get3A_2377 = arith.constant 15 : i32
      %get3A_2378 = arith.index_cast %get3A_2377 : i32 to index
      %get3A_2379 = arith.constant 32 : index
      %get3A_2380 = tpu.vector_load %arg13[%get3A_2378, %get3A_2379] {strides = array<i32>} : memref<16x64xf32, #tpu.memory_space<vmem>>, vector<16xf32>,
      %sub3A_2381 = arith.subf %add3A_2376, %get3A_2380 : vector<16xf32>
      %mul3A_2382 = arith.mulf %sub3A_2381, %sub3A_2381 : vector<16xf32>
      %add3A_2383 = arith.addf %add3A_2367, %mul3A_2382 : vector<16xf32>
      %get3A_2384 = arith.constant 15 : i32
      %get3A_2385 = arith.index_cast %get3A_2384 : i32 to index
      %get3A_2386 = arith.constant 48 : index
      %get3A_2387 = tpu.vector_load %arg11[%get3A_2385, %get3A_2386] {strides = array<i32>} : memref<16x64xf32, #tpu.memory_space<vmem>>, vector<16xf32>,
      %get3A_2388 = arith.constant 15 : i32
      %get3A_2389 = arith.index_cast %get3A_2388 : i32 to index
      %get3A_2390 = arith.constant 48 : index
      %get3A_2391 = tpu.vector_load %arg12[%get3A_2389, %get3A_2390] {strides = array<i32>} : memref<16x64xf32, #tpu.memory_space<vmem>>, vector<16xf32>,
      %add3A_2392 = arith.addf %get3A_2387, %get3A_2391 : vector<16xf32>
      %get3A_2393 = arith.constant 15 : i32
      %get3A_2394 = arith.index_cast %get3A_2393 : i32 to index
      %get3A_2395 = arith.constant 48 : index
      %get3A_2396 = tpu.vector_load %arg13[%get3A_2394, %get3A_2395] {strides = array<i32>} : memref<16x64xf32, #tpu.memory_space<vmem>>, vector<16xf32>,
      %sub3A_2397 = arith.subf %add3A_2392, %get3A_2396 : vector<16xf32>
      %mul3A_2398 = arith.mulf %sub3A_2397, %sub3A_2397 : vector<16xf32>
      %add3A_2399 = arith.addf %add3A_2383, %mul3A_2398 : vector<16xf32>
      %eq3A_2400 = arith.constant 15 : i32
      %eq3A_2401 = vector.broadcast %eq3A_2400 : i32 to vector<16xi32>
      %eq3A_2402 = arith.cmpi eq, %iota3A, %eq3A_2401 : vector<16xi32>
      %reduce_sum3A_2403 = arith.constant true
      %reduce_sum3A_2404 = vector.broadcast %reduce_sum3A_2403 : i1 to vector<16xi1>
      %reduce_sum3A_2405 = tpu.scan <sum>, %add3A_2399 masked %reduce_sum3A_2404 : vector<16xf32>, vector<16xi1> -> vector<16xf32>
      %reduce_sum3A_2406 = vector.extract %reduce_sum3A_2405[15] : f32 from vector<16xf32>
      %broadcast_in_dim3A_2407 = vector.broadcast %reduce_sum3A_2406 : f32 to vector<16xf32>
      %select_n3A_2408 = arith.select %eq3A_2402, %broadcast_in_dim3A_2407, %select_n3A_2333 : vector<16xi1>, vector<16xf32>
      %bitcast_convert_type3A = tpu.bitcast %select_n3A_2408 : vector<16xf32> -> vector<16xi32>
      %shift_right_logical3A = arith.constant 1 : i32
      %shift_right_logical3A_2409 = vector.broadcast %shift_right_logical3A : i32 to vector<16xi32>
      %shift_right_logical3A_2410 = arith.shrui %bitcast_convert_type3A, %shift_right_logical3A_2409 : vector<16xi32>
      %add3A_2411 = arith.constant 532487669 : i32
      %add3A_2412 = vector.broadcast %add3A_2411 : i32 to vector<16xi32>
      %add3A_2413 = arith.addi %add3A_2412, %shift_right_logical3A_2410 : vector<16xi32>
      %bitcast_convert_type3A_2414 = tpu.bitcast %add3A_2413 : vector<16xi32> -> vector<16xf32>
      %div3A = arith.divf %select_n3A_2408, %bitcast_convert_type3A_2414 : vector<16xf32>
      %add3A_2415 = arith.addf %bitcast_convert_type3A_2414, %div3A : vector<16xf32>
      %mul3A_2416 = arith.constant 5.000000e-01 : f32
      %mul3A_2417 = vector.broadcast %mul3A_2416 : f32 to vector<16xf32>
      %mul3A_2418 = arith.mulf %mul3A_2417, %add3A_2415 : vector<16xf32>
      %div3A_2419 = arith.divf %select_n3A_2408, %mul3A_2418 : vector<16xf32>
      %add3A_2420 = arith.addf %mul3A_2418, %div3A_2419 : vector<16xf32>
      %mul3A_2421 = arith.constant 5.000000e-01 : f32
      %mul3A_2422 = vector.broadcast %mul3A_2421 : f32 to vector<16xf32>
      %mul3A_2423 = arith.mulf %mul3A_2422, %add3A_2420 : vector<16xf32>
      %div3A_2424 = arith.divf %select_n3A_2408, %mul3A_2423 : vector<16xf32>
      %add3A_2425 = arith.addf %mul3A_2423, %div3A_2424 : vector<16xf32>
      %mul3A_2426 = arith.constant 5.000000e-01 : f32
      %mul3A_2427 = vector.broadcast %mul3A_2426 : f32 to vector<16xf32>
      %mul3A_2428 = arith.mulf %mul3A_2427, %add3A_2425 : vector<16xf32>
      %swap3A = arith.index_cast %mul3A_1211 : i32 to index
      %swap3A_2429 = tpu.vector_load %arg17[%swap3A] {strides = array<i32>} : memref<512xf32, #tpu.memory_space<vmem>>, vector<16xf32>,
      tpu.vector_store %arg17[%swap3A], %mul3A_2428 {strides = array<i32>} : memref<512xf32, #tpu.memory_space<vmem>>, vector<16xf32>,
      %add3A_2430 = arith.constant 2 : i32
      %add3A_2431 = arith.addi %mul3A_605, %add3A_2430 : i32
      %lt3A = arith.constant 32 : i32
      %lt3A_2432 = arith.cmpi slt, %add3A_2431, %lt3A : i32
      %add3A_2433 = arith.constant 2 : i32
      %add3A_2434 = arith.addi %mul3A_605, %add3A_2433 : i32
      %jit3A = arith.constant 0 : i32
      %select_n3A_2435 = arith.select %lt3A_2432, %add3A_2434, %jit3A : i32
      %mul3A_2436 = arith.constant 16 : i32
      %mul3A_2437 = arith.muli %select_n3A_2435, %mul3A_2436 : i32
      %get3A_2438 = arith.index_cast %mul3A_2437 : i32 to index
      %get3A_2439 = tpu.vector_load %arg8[%get3A_2438] {strides = array<i32>} : memref<512xi32, #tpu.memory_space<vmem>>, vector<16xi32>,
      %get3A_2440 = arith.index_cast %mul3A_2437 : i32 to index
      %get3A_2441 = tpu.vector_load %arg9[%get3A_2440] {strides = array<i32>} : memref<512xi32, #tpu.memory_space<vmem>>, vector<16xi32>,
      %get3A_2442 = arith.index_cast %mul3A_2437 : i32 to index
      %get3A_2443 = tpu.vector_load %arg10[%get3A_2442] {strides = array<i32>} : memref<512xi32, #tpu.memory_space<vmem>>, vector<16xi32>,
      %slice3A_2444 = vector.extract_strided_slice %get3A_2439 {offsets = [0], sizes = [1], strides = [1]} : vector<16xi32> to vector<1xi32>
      %squeeze3A_2445 = vector.extract %slice3A_2444[0] : i32 from vector<1xi32>
      %dma_start3A_2446 = arith.constant 0 : i32
      %dma_start3A_2447 = arith.constant 0 : i32
      %dma_start3A_2448 = tpu.memref_slice %arg11[%dma_start3A_2446, %dma_start3A_2447] : memref<16x64xf32, #tpu.memory_space<vmem>> -> memref<1x64xf32, #tpu.memory_space<vmem>>
      %dma_start3A_2449 = arith.constant 0 : i32
      %dma_start3A_2450 = tpu.memref_slice %arg5[%squeeze3A_2445, %dma_start3A_2449] : memref<1000000x64xf32, #tpu.memory_space<hbm>> -> memref<1x64xf32, #tpu.memory_space<hbm>>
      %dma_start3A_2451 = arith.constant 0 : i32
      %dma_start3A_2452 = arith.constant 0 : i32
      %dma_start3A_2453 = tpu.memref_slice %arg11[%dma_start3A_2451, %dma_start3A_2452] : memref<16x64xf32, #tpu.memory_space<vmem>> -> memref<1x64xf32, #tpu.memory_space<vmem>>
      %dma_start3A_2454 = arith.constant 0 : i32
      %dma_start3A_2455 = tpu.memref_slice %arg5[%squeeze3A_2445, %dma_start3A_2454] : memref<1000000x64xf32, #tpu.memory_space<hbm>> -> memref<1x64xf32, #tpu.memory_space<hbm>>
      tpu.enqueue_dma source(%dma_start3A_2455 : memref<1x64xf32, #tpu.memory_space<hbm>>) target(%dma_start3A_2453 : memref<1x64xf32, #tpu.memory_space<vmem>>) target_semaphore(%arg18 : memref<!tpu.dma_semaphore, #tpu.memory_space<semaphore_mem>>)
      %slice3A_2456 = vector.extract_strided_slice %get3A_2441 {offsets = [0], sizes = [1], strides = [1]} : vector<16xi32> to vector<1xi32>
      %squeeze3A_2457 = vector.extract %slice3A_2456[0] : i32 from vector<1xi32>
      %dma_start3A_2458 = arith.constant 0 : i32
      %dma_start3A_2459 = arith.constant 0 : i32
      %dma_start3A_2460 = tpu.memref_slice %arg12[%dma_start3A_2458, %dma_start3A_2459] : memref<16x64xf32, #tpu.memory_space<vmem>> -> memref<1x64xf32, #tpu.memory_space<vmem>>
      %dma_start3A_2461 = arith.constant 0 : i32
      %dma_start3A_2462 = tpu.memref_slice %arg6[%squeeze3A_2457, %dma_start3A_2461] : memref<1000x64xf32, #tpu.memory_space<hbm>> -> memref<1x64xf32, #tpu.memory_space<hbm>>
      %dma_start3A_2463 = arith.constant 0 : i32
      %dma_start3A_2464 = arith.constant 0 : i32
      %dma_start3A_2465 = tpu.memref_slice %arg12[%dma_start3A_2463, %dma_start3A_2464] : memref<16x64xf32, #tpu.memory_space<vmem>> -> memref<1x64xf32, #tpu.memory_space<vmem>>
      %dma_start3A_2466 = arith.constant 0 : i32
      %dma_start3A_2467 = tpu.memref_slice %arg6[%squeeze3A_2457, %dma_start3A_2466] : memref<1000x64xf32, #tpu.memory_space<hbm>> -> memref<1x64xf32, #tpu.memory_space<hbm>>
      tpu.enqueue_dma source(%dma_start3A_2467 : memref<1x64xf32, #tpu.memory_space<hbm>>) target(%dma_start3A_2465 : memref<1x64xf32, #tpu.memory_space<vmem>>) target_semaphore(%arg18 : memref<!tpu.dma_semaphore, #tpu.memory_space<semaphore_mem>>)
      %slice3A_2468 = vector.extract_strided_slice %get3A_2443 {offsets = [0], sizes = [1], strides = [1]} : vector<16xi32> to vector<1xi32>
      %squeeze3A_2469 = vector.extract %slice3A_2468[0] : i32 from vector<1xi32>
      %dma_start3A_2470 = arith.constant 0 : i32
      %dma_start3A_2471 = arith.constant 0 : i32
      %dma_start3A_2472 = tpu.memref_slice %arg13[%dma_start3A_2470, %dma_start3A_2471] : memref<16x64xf32, #tpu.memory_space<vmem>> -> memref<1x64xf32, #tpu.memory_space<vmem>>
      %dma_start3A_2473 = arith.constant 0 : i32
      %dma_start3A_2474 = tpu.memref_slice %arg5[%squeeze3A_2469, %dma_start3A_2473] : memref<1000000x64xf32, #tpu.memory_space<hbm>> -> memref<1x64xf32, #tpu.memory_space<hbm>>
      %dma_start3A_2475 = arith.constant 0 : i32
      %dma_start3A_2476 = arith.constant 0 : i32
      %dma_start3A_2477 = tpu.memref_slice %arg13[%dma_start3A_2475, %dma_start3A_2476] : memref<16x64xf32, #tpu.memory_space<vmem>> -> memref<1x64xf32, #tpu.memory_space<vmem>>
      %dma_start3A_2478 = arith.constant 0 : i32
      %dma_start3A_2479 = tpu.memref_slice %arg5[%squeeze3A_2469, %dma_start3A_2478] : memref<1000000x64xf32, #tpu.memory_space<hbm>> -> memref<1x64xf32, #tpu.memory_space<hbm>>
      tpu.enqueue_dma source(%dma_start3A_2479 : memref<1x64xf32, #tpu.memory_space<hbm>>) target(%dma_start3A_2477 : memref<1x64xf32, #tpu.memory_space<vmem>>) target_semaphore(%arg18 : memref<!tpu.dma_semaphore, #tpu.memory_space<semaphore_mem>>)
      %slice3A_2480 = vector.extract_strided_slice %get3A_2439 {offsets = [1], sizes = [1], strides = [1]} : vector<16xi32> to vector<1xi32>
      %squeeze3A_2481 = vector.extract %slice3A_2480[0] : i32 from vector<1xi32>
      %dma_start3A_2482 = arith.constant 1 : i32
      %dma_start3A_2483 = arith.constant 0 : i32
      %dma_start3A_2484 = tpu.memref_slice %arg11[%dma_start3A_2482, %dma_start3A_2483] : memref<16x64xf32, #tpu.memory_space<vmem>> -> memref<1x64xf32, #tpu.memory_space<vmem>>
      %dma_start3A_2485 = arith.constant 0 : i32
      %dma_start3A_2486 = tpu.memref_slice %arg5[%squeeze3A_2481, %dma_start3A_2485] : memref<1000000x64xf32, #tpu.memory_space<hbm>> -> memref<1x64xf32, #tpu.memory_space<hbm>>
      %dma_start3A_2487 = arith.constant 1 : i32
      %dma_start3A_2488 = arith.constant 0 : i32
      %dma_start3A_2489 = tpu.memref_slice %arg11[%dma_start3A_2487, %dma_start3A_2488] : memref<16x64xf32, #tpu.memory_space<vmem>> -> memref<1x64xf32, #tpu.memory_space<vmem>>
      %dma_start3A_2490 = arith.constant 0 : i32
      %dma_start3A_2491 = tpu.memref_slice %arg5[%squeeze3A_2481, %dma_start3A_2490] : memref<1000000x64xf32, #tpu.memory_space<hbm>> -> memref<1x64xf32, #tpu.memory_space<hbm>>
      tpu.enqueue_dma source(%dma_start3A_2491 : memref<1x64xf32, #tpu.memory_space<hbm>>) target(%dma_start3A_2489 : memref<1x64xf32, #tpu.memory_space<vmem>>) target_semaphore(%arg18 : memref<!tpu.dma_semaphore, #tpu.memory_space<semaphore_mem>>)
      %slice3A_2492 = vector.extract_strided_slice %get3A_2441 {offsets = [1], sizes = [1], strides = [1]} : vector<16xi32> to vector<1xi32>
      %squeeze3A_2493 = vector.extract %slice3A_2492[0] : i32 from vector<1xi32>
      %dma_start3A_2494 = arith.constant 1 : i32
      %dma_start3A_2495 = arith.constant 0 : i32
      %dma_start3A_2496 = tpu.memref_slice %arg12[%dma_start3A_2494, %dma_start3A_2495] : memref<16x64xf32, #tpu.memory_space<vmem>> -> memref<1x64xf32, #tpu.memory_space<vmem>>
      %dma_start3A_2497 = arith.constant 0 : i32
      %dma_start3A_2498 = tpu.memref_slice %arg6[%squeeze3A_2493, %dma_start3A_2497] : memref<1000x64xf32, #tpu.memory_space<hbm>> -> memref<1x64xf32, #tpu.memory_space<hbm>>
      %dma_start3A_2499 = arith.constant 1 : i32
      %dma_start3A_2500 = arith.constant 0 : i32
      %dma_start3A_2501 = tpu.memref_slice %arg12[%dma_start3A_2499, %dma_start3A_2500] : memref<16x64xf32, #tpu.memory_space<vmem>> -> memref<1x64xf32, #tpu.memory_space<vmem>>
      %dma_start3A_2502 = arith.constant 0 : i32
      %dma_start3A_2503 = tpu.memref_slice %arg6[%squeeze3A_2493, %dma_start3A_2502] : memref<1000x64xf32, #tpu.memory_space<hbm>> -> memref<1x64xf32, #tpu.memory_space<hbm>>
      tpu.enqueue_dma source(%dma_start3A_2503 : memref<1x64xf32, #tpu.memory_space<hbm>>) target(%dma_start3A_2501 : memref<1x64xf32, #tpu.memory_space<vmem>>) target_semaphore(%arg18 : memref<!tpu.dma_semaphore, #tpu.memory_space<semaphore_mem>>)
      %slice3A_2504 = vector.extract_strided_slice %get3A_2443 {offsets = [1], sizes = [1], strides = [1]} : vector<16xi32> to vector<1xi32>
      %squeeze3A_2505 = vector.extract %slice3A_2504[0] : i32 from vector<1xi32>
      %dma_start3A_2506 = arith.constant 1 : i32
      %dma_start3A_2507 = arith.constant 0 : i32
      %dma_start3A_2508 = tpu.memref_slice %arg13[%dma_start3A_2506, %dma_start3A_2507] : memref<16x64xf32, #tpu.memory_space<vmem>> -> memref<1x64xf32, #tpu.memory_space<vmem>>
      %dma_start3A_2509 = arith.constant 0 : i32
      %dma_start3A_2510 = tpu.memref_slice %arg5[%squeeze3A_2505, %dma_start3A_2509] : memref<1000000x64xf32, #tpu.memory_space<hbm>> -> memref<1x64xf32, #tpu.memory_space<hbm>>
      %dma_start3A_2511 = arith.constant 1 : i32
      %dma_start3A_2512 = arith.constant 0 : i32
      %dma_start3A_2513 = tpu.memref_slice %arg13[%dma_start3A_2511, %dma_start3A_2512] : memref<16x64xf32, #tpu.memory_space<vmem>> -> memref<1x64xf32, #tpu.memory_space<vmem>>
      %dma_start3A_2514 = arith.constant 0 : i32
      %dma_start3A_2515 = tpu.memref_slice %arg5[%squeeze3A_2505, %dma_start3A_2514] : memref<1000000x64xf32, #tpu.memory_space<hbm>> -> memref<1x64xf32, #tpu.memory_space<hbm>>
      tpu.enqueue_dma source(%dma_start3A_2515 : memref<1x64xf32, #tpu.memory_space<hbm>>) target(%dma_start3A_2513 : memref<1x64xf32, #tpu.memory_space<vmem>>) target_semaphore(%arg18 : memref<!tpu.dma_semaphore, #tpu.memory_space<semaphore_mem>>)
      %slice3A_2516 = vector.extract_strided_slice %get3A_2439 {offsets = [2], sizes = [1], strides = [1]} : vector<16xi32> to vector<1xi32>
      %squeeze3A_2517 = vector.extract %slice3A_2516[0] : i32 from vector<1xi32>
      %dma_start3A_2518 = arith.constant 2 : i32
      %dma_start3A_2519 = arith.constant 0 : i32
      %dma_start3A_2520 = tpu.memref_slice %arg11[%dma_start3A_2518, %dma_start3A_2519] : memref<16x64xf32, #tpu.memory_space<vmem>> -> memref<1x64xf32, #tpu.memory_space<vmem>>
      %dma_start3A_2521 = arith.constant 0 : i32
      %dma_start3A_2522 = tpu.memref_slice %arg5[%squeeze3A_2517, %dma_start3A_2521] : memref<1000000x64xf32, #tpu.memory_space<hbm>> -> memref<1x64xf32, #tpu.memory_space<hbm>>
      %dma_start3A_2523 = arith.constant 2 : i32
      %dma_start3A_2524 = arith.constant 0 : i32
      %dma_start3A_2525 = tpu.memref_slice %arg11[%dma_start3A_2523, %dma_start3A_2524] : memref<16x64xf32, #tpu.memory_space<vmem>> -> memref<1x64xf32, #tpu.memory_space<vmem>>
      %dma_start3A_2526 = arith.constant 0 : i32
      %dma_start3A_2527 = tpu.memref_slice %arg5[%squeeze3A_2517, %dma_start3A_2526] : memref<1000000x64xf32, #tpu.memory_space<hbm>> -> memref<1x64xf32, #tpu.memory_space<hbm>>
      tpu.enqueue_dma source(%dma_start3A_2527 : memref<1x64xf32, #tpu.memory_space<hbm>>) target(%dma_start3A_2525 : memref<1x64xf32, #tpu.memory_space<vmem>>) target_semaphore(%arg18 : memref<!tpu.dma_semaphore, #tpu.memory_space<semaphore_mem>>)
      %slice3A_2528 = vector.extract_strided_slice %get3A_2441 {offsets = [2], sizes = [1], strides = [1]} : vector<16xi32> to vector<1xi32>
      %squeeze3A_2529 = vector.extract %slice3A_2528[0] : i32 from vector<1xi32>
      %dma_start3A_2530 = arith.constant 2 : i32
      %dma_start3A_2531 = arith.constant 0 : i32
      %dma_start3A_2532 = tpu.memref_slice %arg12[%dma_start3A_2530, %dma_start3A_2531] : memref<16x64xf32, #tpu.memory_space<vmem>> -> memref<1x64xf32, #tpu.memory_space<vmem>>
      %dma_start3A_2533 = arith.constant 0 : i32
      %dma_start3A_2534 = tpu.memref_slice %arg6[%squeeze3A_2529, %dma_start3A_2533] : memref<1000x64xf32, #tpu.memory_space<hbm>> -> memref<1x64xf32, #tpu.memory_space<hbm>>
      %dma_start3A_2535 = arith.constant 2 : i32
      %dma_start3A_2536 = arith.constant 0 : i32
      %dma_start3A_2537 = tpu.memref_slice %arg12[%dma_start3A_2535, %dma_start3A_2536] : memref<16x64xf32, #tpu.memory_space<vmem>> -> memref<1x64xf32, #tpu.memory_space<vmem>>
      %dma_start3A_2538 = arith.constant 0 : i32
      %dma_start3A_2539 = tpu.memref_slice %arg6[%squeeze3A_2529, %dma_start3A_2538] : memref<1000x64xf32, #tpu.memory_space<hbm>> -> memref<1x64xf32, #tpu.memory_space<hbm>>
      tpu.enqueue_dma source(%dma_start3A_2539 : memref<1x64xf32, #tpu.memory_space<hbm>>) target(%dma_start3A_2537 : memref<1x64xf32, #tpu.memory_space<vmem>>) target_semaphore(%arg18 : memref<!tpu.dma_semaphore, #tpu.memory_space<semaphore_mem>>)
      %slice3A_2540 = vector.extract_strided_slice %get3A_2443 {offsets = [2], sizes = [1], strides = [1]} : vector<16xi32> to vector<1xi32>
      %squeeze3A_2541 = vector.extract %slice3A_2540[0] : i32 from vector<1xi32>
      %dma_start3A_2542 = arith.constant 2 : i32
      %dma_start3A_2543 = arith.constant 0 : i32
      %dma_start3A_2544 = tpu.memref_slice %arg13[%dma_start3A_2542, %dma_start3A_2543] : memref<16x64xf32, #tpu.memory_space<vmem>> -> memref<1x64xf32, #tpu.memory_space<vmem>>
      %dma_start3A_2545 = arith.constant 0 : i32
      %dma_start3A_2546 = tpu.memref_slice %arg5[%squeeze3A_2541, %dma_start3A_2545] : memref<1000000x64xf32, #tpu.memory_space<hbm>> -> memref<1x64xf32, #tpu.memory_space<hbm>>
      %dma_start3A_2547 = arith.constant 2 : i32
      %dma_start3A_2548 = arith.constant 0 : i32
      %dma_start3A_2549 = tpu.memref_slice %arg13[%dma_start3A_2547, %dma_start3A_2548] : memref<16x64xf32, #tpu.memory_space<vmem>> -> memref<1x64xf32, #tpu.memory_space<vmem>>
      %dma_start3A_2550 = arith.constant 0 : i32
      %dma_start3A_2551 = tpu.memref_slice %arg5[%squeeze3A_2541, %dma_start3A_2550] : memref<1000000x64xf32, #tpu.memory_space<hbm>> -> memref<1x64xf32, #tpu.memory_space<hbm>>
      tpu.enqueue_dma source(%dma_start3A_2551 : memref<1x64xf32, #tpu.memory_space<hbm>>) target(%dma_start3A_2549 : memref<1x64xf32, #tpu.memory_space<vmem>>) target_semaphore(%arg18 : memref<!tpu.dma_semaphore, #tpu.memory_space<semaphore_mem>>)
      %slice3A_2552 = vector.extract_strided_slice %get3A_2439 {offsets = [3], sizes = [1], strides = [1]} : vector<16xi32> to vector<1xi32>
      %squeeze3A_2553 = vector.extract %slice3A_2552[0] : i32 from vector<1xi32>
      %dma_start3A_2554 = arith.constant 3 : i32
      %dma_start3A_2555 = arith.constant 0 : i32
      %dma_start3A_2556 = tpu.memref_slice %arg11[%dma_start3A_2554, %dma_start3A_2555] : memref<16x64xf32, #tpu.memory_space<vmem>> -> memref<1x64xf32, #tpu.memory_space<vmem>>
      %dma_start3A_2557 = arith.constant 0 : i32
      %dma_start3A_2558 = tpu.memref_slice %arg5[%squeeze3A_2553, %dma_start3A_2557] : memref<1000000x64xf32, #tpu.memory_space<hbm>> -> memref<1x64xf32, #tpu.memory_space<hbm>>
      %dma_start3A_2559 = arith.constant 3 : i32
      %dma_start3A_2560 = arith.constant 0 : i32
      %dma_start3A_2561 = tpu.memref_slice %arg11[%dma_start3A_2559, %dma_start3A_2560] : memref<16x64xf32, #tpu.memory_space<vmem>> -> memref<1x64xf32, #tpu.memory_space<vmem>>
      %dma_start3A_2562 = arith.constant 0 : i32
      %dma_start3A_2563 = tpu.memref_slice %arg5[%squeeze3A_2553, %dma_start3A_2562] : memref<1000000x64xf32, #tpu.memory_space<hbm>> -> memref<1x64xf32, #tpu.memory_space<hbm>>
      tpu.enqueue_dma source(%dma_start3A_2563 : memref<1x64xf32, #tpu.memory_space<hbm>>) target(%dma_start3A_2561 : memref<1x64xf32, #tpu.memory_space<vmem>>) target_semaphore(%arg18 : memref<!tpu.dma_semaphore, #tpu.memory_space<semaphore_mem>>)
      %slice3A_2564 = vector.extract_strided_slice %get3A_2441 {offsets = [3], sizes = [1], strides = [1]} : vector<16xi32> to vector<1xi32>
      %squeeze3A_2565 = vector.extract %slice3A_2564[0] : i32 from vector<1xi32>
      %dma_start3A_2566 = arith.constant 3 : i32
      %dma_start3A_2567 = arith.constant 0 : i32
      %dma_start3A_2568 = tpu.memref_slice %arg12[%dma_start3A_2566, %dma_start3A_2567] : memref<16x64xf32, #tpu.memory_space<vmem>> -> memref<1x64xf32, #tpu.memory_space<vmem>>
      %dma_start3A_2569 = arith.constant 0 : i32
      %dma_start3A_2570 = tpu.memref_slice %arg6[%squeeze3A_2565, %dma_start3A_2569] : memref<1000x64xf32, #tpu.memory_space<hbm>> -> memref<1x64xf32, #tpu.memory_space<hbm>>
      %dma_start3A_2571 = arith.constant 3 : i32
      %dma_start3A_2572 = arith.constant 0 : i32
      %dma_start3A_2573 = tpu.memref_slice %arg12[%dma_start3A_2571, %dma_start3A_2572] : memref<16x64xf32, #tpu.memory_space<vmem>> -> memref<1x64xf32, #tpu.memory_space<vmem>>
      %dma_start3A_2574 = arith.constant 0 : i32
      %dma_start3A_2575 = tpu.memref_slice %arg6[%squeeze3A_2565, %dma_start3A_2574] : memref<1000x64xf32, #tpu.memory_space<hbm>> -> memref<1x64xf32, #tpu.memory_space<hbm>>
      tpu.enqueue_dma source(%dma_start3A_2575 : memref<1x64xf32, #tpu.memory_space<hbm>>) target(%dma_start3A_2573 : memref<1x64xf32, #tpu.memory_space<vmem>>) target_semaphore(%arg18 : memref<!tpu.dma_semaphore, #tpu.memory_space<semaphore_mem>>)
      %slice3A_2576 = vector.extract_strided_slice %get3A_2443 {offsets = [3], sizes = [1], strides = [1]} : vector<16xi32> to vector<1xi32>
      %squeeze3A_2577 = vector.extract %slice3A_2576[0] : i32 from vector<1xi32>
      %dma_start3A_2578 = arith.constant 3 : i32
      %dma_start3A_2579 = arith.constant 0 : i32
      %dma_start3A_2580 = tpu.memref_slice %arg13[%dma_start3A_2578, %dma_start3A_2579] : memref<16x64xf32, #tpu.memory_space<vmem>> -> memref<1x64xf32, #tpu.memory_space<vmem>>
      %dma_start3A_2581 = arith.constant 0 : i32
      %dma_start3A_2582 = tpu.memref_slice %arg5[%squeeze3A_2577, %dma_start3A_2581] : memref<1000000x64xf32, #tpu.memory_space<hbm>> -> memref<1x64xf32, #tpu.memory_space<hbm>>
      %dma_start3A_2583 = arith.constant 3 : i32
      %dma_start3A_2584 = arith.constant 0 : i32
      %dma_start3A_2585 = tpu.memref_slice %arg13[%dma_start3A_2583, %dma_start3A_2584] : memref<16x64xf32, #tpu.memory_space<vmem>> -> memref<1x64xf32, #tpu.memory_space<vmem>>
      %dma_start3A_2586 = arith.constant 0 : i32
      %dma_start3A_2587 = tpu.memref_slice %arg5[%squeeze3A_2577, %dma_start3A_2586] : memref<1000000x64xf32, #tpu.memory_space<hbm>> -> memref<1x64xf32, #tpu.memory_space<hbm>>
      tpu.enqueue_dma source(%dma_start3A_2587 : memref<1x64xf32, #tpu.memory_space<hbm>>) target(%dma_start3A_2585 : memref<1x64xf32, #tpu.memory_space<vmem>>) target_semaphore(%arg18 : memref<!tpu.dma_semaphore, #tpu.memory_space<semaphore_mem>>)
      %slice3A_2588 = vector.extract_strided_slice %get3A_2439 {offsets = [4], sizes = [1], strides = [1]} : vector<16xi32> to vector<1xi32>
      %squeeze3A_2589 = vector.extract %slice3A_2588[0] : i32 from vector<1xi32>
      %dma_start3A_2590 = arith.constant 4 : i32
      %dma_start3A_2591 = arith.constant 0 : i32
      %dma_start3A_2592 = tpu.memref_slice %arg11[%dma_start3A_2590, %dma_start3A_2591] : memref<16x64xf32, #tpu.memory_space<vmem>> -> memref<1x64xf32, #tpu.memory_space<vmem>>
      %dma_start3A_2593 = arith.constant 0 : i32
      %dma_start3A_2594 = tpu.memref_slice %arg5[%squeeze3A_2589, %dma_start3A_2593] : memref<1000000x64xf32, #tpu.memory_space<hbm>> -> memref<1x64xf32, #tpu.memory_space<hbm>>
      %dma_start3A_2595 = arith.constant 4 : i32
      %dma_start3A_2596 = arith.constant 0 : i32
      %dma_start3A_2597 = tpu.memref_slice %arg11[%dma_start3A_2595, %dma_start3A_2596] : memref<16x64xf32, #tpu.memory_space<vmem>> -> memref<1x64xf32, #tpu.memory_space<vmem>>
      %dma_start3A_2598 = arith.constant 0 : i32
      %dma_start3A_2599 = tpu.memref_slice %arg5[%squeeze3A_2589, %dma_start3A_2598] : memref<1000000x64xf32, #tpu.memory_space<hbm>> -> memref<1x64xf32, #tpu.memory_space<hbm>>
      tpu.enqueue_dma source(%dma_start3A_2599 : memref<1x64xf32, #tpu.memory_space<hbm>>) target(%dma_start3A_2597 : memref<1x64xf32, #tpu.memory_space<vmem>>) target_semaphore(%arg18 : memref<!tpu.dma_semaphore, #tpu.memory_space<semaphore_mem>>)
      %slice3A_2600 = vector.extract_strided_slice %get3A_2441 {offsets = [4], sizes = [1], strides = [1]} : vector<16xi32> to vector<1xi32>
      %squeeze3A_2601 = vector.extract %slice3A_2600[0] : i32 from vector<1xi32>
      %dma_start3A_2602 = arith.constant 4 : i32
      %dma_start3A_2603 = arith.constant 0 : i32
      %dma_start3A_2604 = tpu.memref_slice %arg12[%dma_start3A_2602, %dma_start3A_2603] : memref<16x64xf32, #tpu.memory_space<vmem>> -> memref<1x64xf32, #tpu.memory_space<vmem>>
      %dma_start3A_2605 = arith.constant 0 : i32
      %dma_start3A_2606 = tpu.memref_slice %arg6[%squeeze3A_2601, %dma_start3A_2605] : memref<1000x64xf32, #tpu.memory_space<hbm>> -> memref<1x64xf32, #tpu.memory_space<hbm>>
      %dma_start3A_2607 = arith.constant 4 : i32
      %dma_start3A_2608 = arith.constant 0 : i32
      %dma_start3A_2609 = tpu.memref_slice %arg12[%dma_start3A_2607, %dma_start3A_2608] : memref<16x64xf32, #tpu.memory_space<vmem>> -> memref<1x64xf32, #tpu.memory_space<vmem>>
      %dma_start3A_2610 = arith.constant 0 : i32
      %dma_start3A_2611 = tpu.memref_slice %arg6[%squeeze3A_2601, %dma_start3A_2610] : memref<1000x64xf32, #tpu.memory_space<hbm>> -> memref<1x64xf32, #tpu.memory_space<hbm>>
      tpu.enqueue_dma source(%dma_start3A_2611 : memref<1x64xf32, #tpu.memory_space<hbm>>) target(%dma_start3A_2609 : memref<1x64xf32, #tpu.memory_space<vmem>>) target_semaphore(%arg18 : memref<!tpu.dma_semaphore, #tpu.memory_space<semaphore_mem>>)
      %slice3A_2612 = vector.extract_strided_slice %get3A_2443 {offsets = [4], sizes = [1], strides = [1]} : vector<16xi32> to vector<1xi32>
      %squeeze3A_2613 = vector.extract %slice3A_2612[0] : i32 from vector<1xi32>
      %dma_start3A_2614 = arith.constant 4 : i32
      %dma_start3A_2615 = arith.constant 0 : i32
      %dma_start3A_2616 = tpu.memref_slice %arg13[%dma_start3A_2614, %dma_start3A_2615] : memref<16x64xf32, #tpu.memory_space<vmem>> -> memref<1x64xf32, #tpu.memory_space<vmem>>
      %dma_start3A_2617 = arith.constant 0 : i32
      %dma_start3A_2618 = tpu.memref_slice %arg5[%squeeze3A_2613, %dma_start3A_2617] : memref<1000000x64xf32, #tpu.memory_space<hbm>> -> memref<1x64xf32, #tpu.memory_space<hbm>>
      %dma_start3A_2619 = arith.constant 4 : i32
      %dma_start3A_2620 = arith.constant 0 : i32
      %dma_start3A_2621 = tpu.memref_slice %arg13[%dma_start3A_2619, %dma_start3A_2620] : memref<16x64xf32, #tpu.memory_space<vmem>> -> memref<1x64xf32, #tpu.memory_space<vmem>>
      %dma_start3A_2622 = arith.constant 0 : i32
      %dma_start3A_2623 = tpu.memref_slice %arg5[%squeeze3A_2613, %dma_start3A_2622] : memref<1000000x64xf32, #tpu.memory_space<hbm>> -> memref<1x64xf32, #tpu.memory_space<hbm>>
      tpu.enqueue_dma source(%dma_start3A_2623 : memref<1x64xf32, #tpu.memory_space<hbm>>) target(%dma_start3A_2621 : memref<1x64xf32, #tpu.memory_space<vmem>>) target_semaphore(%arg18 : memref<!tpu.dma_semaphore, #tpu.memory_space<semaphore_mem>>)
      %slice3A_2624 = vector.extract_strided_slice %get3A_2439 {offsets = [5], sizes = [1], strides = [1]} : vector<16xi32> to vector<1xi32>
      %squeeze3A_2625 = vector.extract %slice3A_2624[0] : i32 from vector<1xi32>
      %dma_start3A_2626 = arith.constant 5 : i32
      %dma_start3A_2627 = arith.constant 0 : i32
      %dma_start3A_2628 = tpu.memref_slice %arg11[%dma_start3A_2626, %dma_start3A_2627] : memref<16x64xf32, #tpu.memory_space<vmem>> -> memref<1x64xf32, #tpu.memory_space<vmem>>
      %dma_start3A_2629 = arith.constant 0 : i32
      %dma_start3A_2630 = tpu.memref_slice %arg5[%squeeze3A_2625, %dma_start3A_2629] : memref<1000000x64xf32, #tpu.memory_space<hbm>> -> memref<1x64xf32, #tpu.memory_space<hbm>>
      %dma_start3A_2631 = arith.constant 5 : i32
      %dma_start3A_2632 = arith.constant 0 : i32
      %dma_start3A_2633 = tpu.memref_slice %arg11[%dma_start3A_2631, %dma_start3A_2632] : memref<16x64xf32, #tpu.memory_space<vmem>> -> memref<1x64xf32, #tpu.memory_space<vmem>>
      %dma_start3A_2634 = arith.constant 0 : i32
      %dma_start3A_2635 = tpu.memref_slice %arg5[%squeeze3A_2625, %dma_start3A_2634] : memref<1000000x64xf32, #tpu.memory_space<hbm>> -> memref<1x64xf32, #tpu.memory_space<hbm>>
      tpu.enqueue_dma source(%dma_start3A_2635 : memref<1x64xf32, #tpu.memory_space<hbm>>) target(%dma_start3A_2633 : memref<1x64xf32, #tpu.memory_space<vmem>>) target_semaphore(%arg18 : memref<!tpu.dma_semaphore, #tpu.memory_space<semaphore_mem>>)
      %slice3A_2636 = vector.extract_strided_slice %get3A_2441 {offsets = [5], sizes = [1], strides = [1]} : vector<16xi32> to vector<1xi32>
      %squeeze3A_2637 = vector.extract %slice3A_2636[0] : i32 from vector<1xi32>
      %dma_start3A_2638 = arith.constant 5 : i32
      %dma_start3A_2639 = arith.constant 0 : i32
      %dma_start3A_2640 = tpu.memref_slice %arg12[%dma_start3A_2638, %dma_start3A_2639] : memref<16x64xf32, #tpu.memory_space<vmem>> -> memref<1x64xf32, #tpu.memory_space<vmem>>
      %dma_start3A_2641 = arith.constant 0 : i32
      %dma_start3A_2642 = tpu.memref_slice %arg6[%squeeze3A_2637, %dma_start3A_2641] : memref<1000x64xf32, #tpu.memory_space<hbm>> -> memref<1x64xf32, #tpu.memory_space<hbm>>
      %dma_start3A_2643 = arith.constant 5 : i32
      %dma_start3A_2644 = arith.constant 0 : i32
      %dma_start3A_2645 = tpu.memref_slice %arg12[%dma_start3A_2643, %dma_start3A_2644] : memref<16x64xf32, #tpu.memory_space<vmem>> -> memref<1x64xf32, #tpu.memory_space<vmem>>
      %dma_start3A_2646 = arith.constant 0 : i32
      %dma_start3A_2647 = tpu.memref_slice %arg6[%squeeze3A_2637, %dma_start3A_2646] : memref<1000x64xf32, #tpu.memory_space<hbm>> -> memref<1x64xf32, #tpu.memory_space<hbm>>
      tpu.enqueue_dma source(%dma_start3A_2647 : memref<1x64xf32, #tpu.memory_space<hbm>>) target(%dma_start3A_2645 : memref<1x64xf32, #tpu.memory_space<vmem>>) target_semaphore(%arg18 : memref<!tpu.dma_semaphore, #tpu.memory_space<semaphore_mem>>)
      %slice3A_2648 = vector.extract_strided_slice %get3A_2443 {offsets = [5], sizes = [1], strides = [1]} : vector<16xi32> to vector<1xi32>
      %squeeze3A_2649 = vector.extract %slice3A_2648[0] : i32 from vector<1xi32>
      %dma_start3A_2650 = arith.constant 5 : i32
      %dma_start3A_2651 = arith.constant 0 : i32
      %dma_start3A_2652 = tpu.memref_slice %arg13[%dma_start3A_2650, %dma_start3A_2651] : memref<16x64xf32, #tpu.memory_space<vmem>> -> memref<1x64xf32, #tpu.memory_space<vmem>>
      %dma_start3A_2653 = arith.constant 0 : i32
      %dma_start3A_2654 = tpu.memref_slice %arg5[%squeeze3A_2649, %dma_start3A_2653] : memref<1000000x64xf32, #tpu.memory_space<hbm>> -> memref<1x64xf32, #tpu.memory_space<hbm>>
      %dma_start3A_2655 = arith.constant 5 : i32
      %dma_start3A_2656 = arith.constant 0 : i32
      %dma_start3A_2657 = tpu.memref_slice %arg13[%dma_start3A_2655, %dma_start3A_2656] : memref<16x64xf32, #tpu.memory_space<vmem>> -> memref<1x64xf32, #tpu.memory_space<vmem>>
      %dma_start3A_2658 = arith.constant 0 : i32
      %dma_start3A_2659 = tpu.memref_slice %arg5[%squeeze3A_2649, %dma_start3A_2658] : memref<1000000x64xf32, #tpu.memory_space<hbm>> -> memref<1x64xf32, #tpu.memory_space<hbm>>
      tpu.enqueue_dma source(%dma_start3A_2659 : memref<1x64xf32, #tpu.memory_space<hbm>>) target(%dma_start3A_2657 : memref<1x64xf32, #tpu.memory_space<vmem>>) target_semaphore(%arg18 : memref<!tpu.dma_semaphore, #tpu.memory_space<semaphore_mem>>)
      %slice3A_2660 = vector.extract_strided_slice %get3A_2439 {offsets = [6], sizes = [1], strides = [1]} : vector<16xi32> to vector<1xi32>
      %squeeze3A_2661 = vector.extract %slice3A_2660[0] : i32 from vector<1xi32>
      %dma_start3A_2662 = arith.constant 6 : i32
      %dma_start3A_2663 = arith.constant 0 : i32
      %dma_start3A_2664 = tpu.memref_slice %arg11[%dma_start3A_2662, %dma_start3A_2663] : memref<16x64xf32, #tpu.memory_space<vmem>> -> memref<1x64xf32, #tpu.memory_space<vmem>>
      %dma_start3A_2665 = arith.constant 0 : i32
      %dma_start3A_2666 = tpu.memref_slice %arg5[%squeeze3A_2661, %dma_start3A_2665] : memref<1000000x64xf32, #tpu.memory_space<hbm>> -> memref<1x64xf32, #tpu.memory_space<hbm>>
      %dma_start3A_2667 = arith.constant 6 : i32
      %dma_start3A_2668 = arith.constant 0 : i32
      %dma_start3A_2669 = tpu.memref_slice %arg11[%dma_start3A_2667, %dma_start3A_2668] : memref<16x64xf32, #tpu.memory_space<vmem>> -> memref<1x64xf32, #tpu.memory_space<vmem>>
      %dma_start3A_2670 = arith.constant 0 : i32
      %dma_start3A_2671 = tpu.memref_slice %arg5[%squeeze3A_2661, %dma_start3A_2670] : memref<1000000x64xf32, #tpu.memory_space<hbm>> -> memref<1x64xf32, #tpu.memory_space<hbm>>
      tpu.enqueue_dma source(%dma_start3A_2671 : memref<1x64xf32, #tpu.memory_space<hbm>>) target(%dma_start3A_2669 : memref<1x64xf32, #tpu.memory_space<vmem>>) target_semaphore(%arg18 : memref<!tpu.dma_semaphore, #tpu.memory_space<semaphore_mem>>)
      %slice3A_2672 = vector.extract_strided_slice %get3A_2441 {offsets = [6], sizes = [1], strides = [1]} : vector<16xi32> to vector<1xi32>
      %squeeze3A_2673 = vector.extract %slice3A_2672[0] : i32 from vector<1xi32>
      %dma_start3A_2674 = arith.constant 6 : i32
      %dma_start3A_2675 = arith.constant 0 : i32
      %dma_start3A_2676 = tpu.memref_slice %arg12[%dma_start3A_2674, %dma_start3A_2675] : memref<16x64xf32, #tpu.memory_space<vmem>> -> memref<1x64xf32, #tpu.memory_space<vmem>>
      %dma_start3A_2677 = arith.constant 0 : i32
      %dma_start3A_2678 = tpu.memref_slice %arg6[%squeeze3A_2673, %dma_start3A_2677] : memref<1000x64xf32, #tpu.memory_space<hbm>> -> memref<1x64xf32, #tpu.memory_space<hbm>>
      %dma_start3A_2679 = arith.constant 6 : i32
      %dma_start3A_2680 = arith.constant 0 : i32
      %dma_start3A_2681 = tpu.memref_slice %arg12[%dma_start3A_2679, %dma_start3A_2680] : memref<16x64xf32, #tpu.memory_space<vmem>> -> memref<1x64xf32, #tpu.memory_space<vmem>>
      %dma_start3A_2682 = arith.constant 0 : i32
      %dma_start3A_2683 = tpu.memref_slice %arg6[%squeeze3A_2673, %dma_start3A_2682] : memref<1000x64xf32, #tpu.memory_space<hbm>> -> memref<1x64xf32, #tpu.memory_space<hbm>>
      tpu.enqueue_dma source(%dma_start3A_2683 : memref<1x64xf32, #tpu.memory_space<hbm>>) target(%dma_start3A_2681 : memref<1x64xf32, #tpu.memory_space<vmem>>) target_semaphore(%arg18 : memref<!tpu.dma_semaphore, #tpu.memory_space<semaphore_mem>>)
      %slice3A_2684 = vector.extract_strided_slice %get3A_2443 {offsets = [6], sizes = [1], strides = [1]} : vector<16xi32> to vector<1xi32>
      %squeeze3A_2685 = vector.extract %slice3A_2684[0] : i32 from vector<1xi32>
      %dma_start3A_2686 = arith.constant 6 : i32
      %dma_start3A_2687 = arith.constant 0 : i32
      %dma_start3A_2688 = tpu.memref_slice %arg13[%dma_start3A_2686, %dma_start3A_2687] : memref<16x64xf32, #tpu.memory_space<vmem>> -> memref<1x64xf32, #tpu.memory_space<vmem>>
      %dma_start3A_2689 = arith.constant 0 : i32
      %dma_start3A_2690 = tpu.memref_slice %arg5[%squeeze3A_2685, %dma_start3A_2689] : memref<1000000x64xf32, #tpu.memory_space<hbm>> -> memref<1x64xf32, #tpu.memory_space<hbm>>
      %dma_start3A_2691 = arith.constant 6 : i32
      %dma_start3A_2692 = arith.constant 0 : i32
      %dma_start3A_2693 = tpu.memref_slice %arg13[%dma_start3A_2691, %dma_start3A_2692] : memref<16x64xf32, #tpu.memory_space<vmem>> -> memref<1x64xf32, #tpu.memory_space<vmem>>
      %dma_start3A_2694 = arith.constant 0 : i32
      %dma_start3A_2695 = tpu.memref_slice %arg5[%squeeze3A_2685, %dma_start3A_2694] : memref<1000000x64xf32, #tpu.memory_space<hbm>> -> memref<1x64xf32, #tpu.memory_space<hbm>>
      tpu.enqueue_dma source(%dma_start3A_2695 : memref<1x64xf32, #tpu.memory_space<hbm>>) target(%dma_start3A_2693 : memref<1x64xf32, #tpu.memory_space<vmem>>) target_semaphore(%arg18 : memref<!tpu.dma_semaphore, #tpu.memory_space<semaphore_mem>>)
      %slice3A_2696 = vector.extract_strided_slice %get3A_2439 {offsets = [7], sizes = [1], strides = [1]} : vector<16xi32> to vector<1xi32>
      %squeeze3A_2697 = vector.extract %slice3A_2696[0] : i32 from vector<1xi32>
      %dma_start3A_2698 = arith.constant 7 : i32
      %dma_start3A_2699 = arith.constant 0 : i32
      %dma_start3A_2700 = tpu.memref_slice %arg11[%dma_start3A_2698, %dma_start3A_2699] : memref<16x64xf32, #tpu.memory_space<vmem>> -> memref<1x64xf32, #tpu.memory_space<vmem>>
      %dma_start3A_2701 = arith.constant 0 : i32
      %dma_start3A_2702 = tpu.memref_slice %arg5[%squeeze3A_2697, %dma_start3A_2701] : memref<1000000x64xf32, #tpu.memory_space<hbm>> -> memref<1x64xf32, #tpu.memory_space<hbm>>
      %dma_start3A_2703 = arith.constant 7 : i32
      %dma_start3A_2704 = arith.constant 0 : i32
      %dma_start3A_2705 = tpu.memref_slice %arg11[%dma_start3A_2703, %dma_start3A_2704] : memref<16x64xf32, #tpu.memory_space<vmem>> -> memref<1x64xf32, #tpu.memory_space<vmem>>
      %dma_start3A_2706 = arith.constant 0 : i32
      %dma_start3A_2707 = tpu.memref_slice %arg5[%squeeze3A_2697, %dma_start3A_2706] : memref<1000000x64xf32, #tpu.memory_space<hbm>> -> memref<1x64xf32, #tpu.memory_space<hbm>>
      tpu.enqueue_dma source(%dma_start3A_2707 : memref<1x64xf32, #tpu.memory_space<hbm>>) target(%dma_start3A_2705 : memref<1x64xf32, #tpu.memory_space<vmem>>) target_semaphore(%arg18 : memref<!tpu.dma_semaphore, #tpu.memory_space<semaphore_mem>>)
      %slice3A_2708 = vector.extract_strided_slice %get3A_2441 {offsets = [7], sizes = [1], strides = [1]} : vector<16xi32> to vector<1xi32>
      %squeeze3A_2709 = vector.extract %slice3A_2708[0] : i32 from vector<1xi32>
      %dma_start3A_2710 = arith.constant 7 : i32
      %dma_start3A_2711 = arith.constant 0 : i32
      %dma_start3A_2712 = tpu.memref_slice %arg12[%dma_start3A_2710, %dma_start3A_2711] : memref<16x64xf32, #tpu.memory_space<vmem>> -> memref<1x64xf32, #tpu.memory_space<vmem>>
      %dma_start3A_2713 = arith.constant 0 : i32
      %dma_start3A_2714 = tpu.memref_slice %arg6[%squeeze3A_2709, %dma_start3A_2713] : memref<1000x64xf32, #tpu.memory_space<hbm>> -> memref<1x64xf32, #tpu.memory_space<hbm>>
      %dma_start3A_2715 = arith.constant 7 : i32
      %dma_start3A_2716 = arith.constant 0 : i32
      %dma_start3A_2717 = tpu.memref_slice %arg12[%dma_start3A_2715, %dma_start3A_2716] : memref<16x64xf32, #tpu.memory_space<vmem>> -> memref<1x64xf32, #tpu.memory_space<vmem>>
      %dma_start3A_2718 = arith.constant 0 : i32
      %dma_start3A_2719 = tpu.memref_slice %arg6[%squeeze3A_2709, %dma_start3A_2718] : memref<1000x64xf32, #tpu.memory_space<hbm>> -> memref<1x64xf32, #tpu.memory_space<hbm>>
      tpu.enqueue_dma source(%dma_start3A_2719 : memref<1x64xf32, #tpu.memory_space<hbm>>) target(%dma_start3A_2717 : memref<1x64xf32, #tpu.memory_space<vmem>>) target_semaphore(%arg18 : memref<!tpu.dma_semaphore, #tpu.memory_space<semaphore_mem>>)
      %slice3A_2720 = vector.extract_strided_slice %get3A_2443 {offsets = [7], sizes = [1], strides = [1]} : vector<16xi32> to vector<1xi32>
      %squeeze3A_2721 = vector.extract %slice3A_2720[0] : i32 from vector<1xi32>
      %dma_start3A_2722 = arith.constant 7 : i32
      %dma_start3A_2723 = arith.constant 0 : i32
      %dma_start3A_2724 = tpu.memref_slice %arg13[%dma_start3A_2722, %dma_start3A_2723] : memref<16x64xf32, #tpu.memory_space<vmem>> -> memref<1x64xf32, #tpu.memory_space<vmem>>
      %dma_start3A_2725 = arith.constant 0 : i32
      %dma_start3A_2726 = tpu.memref_slice %arg5[%squeeze3A_2721, %dma_start3A_2725] : memref<1000000x64xf32, #tpu.memory_space<hbm>> -> memref<1x64xf32, #tpu.memory_space<hbm>>
      %dma_start3A_2727 = arith.constant 7 : i32
      %dma_start3A_2728 = arith.constant 0 : i32
      %dma_start3A_2729 = tpu.memref_slice %arg13[%dma_start3A_2727, %dma_start3A_2728] : memref<16x64xf32, #tpu.memory_space<vmem>> -> memref<1x64xf32, #tpu.memory_space<vmem>>
      %dma_start3A_2730 = arith.constant 0 : i32
      %dma_start3A_2731 = tpu.memref_slice %arg5[%squeeze3A_2721, %dma_start3A_2730] : memref<1000000x64xf32, #tpu.memory_space<hbm>> -> memref<1x64xf32, #tpu.memory_space<hbm>>
      tpu.enqueue_dma source(%dma_start3A_2731 : memref<1x64xf32, #tpu.memory_space<hbm>>) target(%dma_start3A_2729 : memref<1x64xf32, #tpu.memory_space<vmem>>) target_semaphore(%arg18 : memref<!tpu.dma_semaphore, #tpu.memory_space<semaphore_mem>>)
      %slice3A_2732 = vector.extract_strided_slice %get3A_2439 {offsets = [8], sizes = [1], strides = [1]} : vector<16xi32> to vector<1xi32>
      %squeeze3A_2733 = vector.extract %slice3A_2732[0] : i32 from vector<1xi32>
      %dma_start3A_2734 = arith.constant 8 : i32
      %dma_start3A_2735 = arith.constant 0 : i32
      %dma_start3A_2736 = tpu.memref_slice %arg11[%dma_start3A_2734, %dma_start3A_2735] : memref<16x64xf32, #tpu.memory_space<vmem>> -> memref<1x64xf32, #tpu.memory_space<vmem>>
      %dma_start3A_2737 = arith.constant 0 : i32
      %dma_start3A_2738 = tpu.memref_slice %arg5[%squeeze3A_2733, %dma_start3A_2737] : memref<1000000x64xf32, #tpu.memory_space<hbm>> -> memref<1x64xf32, #tpu.memory_space<hbm>>
      %dma_start3A_2739 = arith.constant 8 : i32
      %dma_start3A_2740 = arith.constant 0 : i32
      %dma_start3A_2741 = tpu.memref_slice %arg11[%dma_start3A_2739, %dma_start3A_2740] : memref<16x64xf32, #tpu.memory_space<vmem>> -> memref<1x64xf32, #tpu.memory_space<vmem>>
      %dma_start3A_2742 = arith.constant 0 : i32
      %dma_start3A_2743 = tpu.memref_slice %arg5[%squeeze3A_2733, %dma_start3A_2742] : memref<1000000x64xf32, #tpu.memory_space<hbm>> -> memref<1x64xf32, #tpu.memory_space<hbm>>
      tpu.enqueue_dma source(%dma_start3A_2743 : memref<1x64xf32, #tpu.memory_space<hbm>>) target(%dma_start3A_2741 : memref<1x64xf32, #tpu.memory_space<vmem>>) target_semaphore(%arg18 : memref<!tpu.dma_semaphore, #tpu.memory_space<semaphore_mem>>)
      %slice3A_2744 = vector.extract_strided_slice %get3A_2441 {offsets = [8], sizes = [1], strides = [1]} : vector<16xi32> to vector<1xi32>
      %squeeze3A_2745 = vector.extract %slice3A_2744[0] : i32 from vector<1xi32>
      %dma_start3A_2746 = arith.constant 8 : i32
      %dma_start3A_2747 = arith.constant 0 : i32
      %dma_start3A_2748 = tpu.memref_slice %arg12[%dma_start3A_2746, %dma_start3A_2747] : memref<16x64xf32, #tpu.memory_space<vmem>> -> memref<1x64xf32, #tpu.memory_space<vmem>>
      %dma_start3A_2749 = arith.constant 0 : i32
      %dma_start3A_2750 = tpu.memref_slice %arg6[%squeeze3A_2745, %dma_start3A_2749] : memref<1000x64xf32, #tpu.memory_space<hbm>> -> memref<1x64xf32, #tpu.memory_space<hbm>>
      %dma_start3A_2751 = arith.constant 8 : i32
      %dma_start3A_2752 = arith.constant 0 : i32
      %dma_start3A_2753 = tpu.memref_slice %arg12[%dma_start3A_2751, %dma_start3A_2752] : memref<16x64xf32, #tpu.memory_space<vmem>> -> memref<1x64xf32, #tpu.memory_space<vmem>>
      %dma_start3A_2754 = arith.constant 0 : i32
      %dma_start3A_2755 = tpu.memref_slice %arg6[%squeeze3A_2745, %dma_start3A_2754] : memref<1000x64xf32, #tpu.memory_space<hbm>> -> memref<1x64xf32, #tpu.memory_space<hbm>>
      tpu.enqueue_dma source(%dma_start3A_2755 : memref<1x64xf32, #tpu.memory_space<hbm>>) target(%dma_start3A_2753 : memref<1x64xf32, #tpu.memory_space<vmem>>) target_semaphore(%arg18 : memref<!tpu.dma_semaphore, #tpu.memory_space<semaphore_mem>>)
      %slice3A_2756 = vector.extract_strided_slice %get3A_2443 {offsets = [8], sizes = [1], strides = [1]} : vector<16xi32> to vector<1xi32>
      %squeeze3A_2757 = vector.extract %slice3A_2756[0] : i32 from vector<1xi32>
      %dma_start3A_2758 = arith.constant 8 : i32
      %dma_start3A_2759 = arith.constant 0 : i32
      %dma_start3A_2760 = tpu.memref_slice %arg13[%dma_start3A_2758, %dma_start3A_2759] : memref<16x64xf32, #tpu.memory_space<vmem>> -> memref<1x64xf32, #tpu.memory_space<vmem>>
      %dma_start3A_2761 = arith.constant 0 : i32
      %dma_start3A_2762 = tpu.memref_slice %arg5[%squeeze3A_2757, %dma_start3A_2761] : memref<1000000x64xf32, #tpu.memory_space<hbm>> -> memref<1x64xf32, #tpu.memory_space<hbm>>
      %dma_start3A_2763 = arith.constant 8 : i32
      %dma_start3A_2764 = arith.constant 0 : i32
      %dma_start3A_2765 = tpu.memref_slice %arg13[%dma_start3A_2763, %dma_start3A_2764] : memref<16x64xf32, #tpu.memory_space<vmem>> -> memref<1x64xf32, #tpu.memory_space<vmem>>
      %dma_start3A_2766 = arith.constant 0 : i32
      %dma_start3A_2767 = tpu.memref_slice %arg5[%squeeze3A_2757, %dma_start3A_2766] : memref<1000000x64xf32, #tpu.memory_space<hbm>> -> memref<1x64xf32, #tpu.memory_space<hbm>>
      tpu.enqueue_dma source(%dma_start3A_2767 : memref<1x64xf32, #tpu.memory_space<hbm>>) target(%dma_start3A_2765 : memref<1x64xf32, #tpu.memory_space<vmem>>) target_semaphore(%arg18 : memref<!tpu.dma_semaphore, #tpu.memory_space<semaphore_mem>>)
      %slice3A_2768 = vector.extract_strided_slice %get3A_2439 {offsets = [9], sizes = [1], strides = [1]} : vector<16xi32> to vector<1xi32>
      %squeeze3A_2769 = vector.extract %slice3A_2768[0] : i32 from vector<1xi32>
      %dma_start3A_2770 = arith.constant 9 : i32
      %dma_start3A_2771 = arith.constant 0 : i32
      %dma_start3A_2772 = tpu.memref_slice %arg11[%dma_start3A_2770, %dma_start3A_2771] : memref<16x64xf32, #tpu.memory_space<vmem>> -> memref<1x64xf32, #tpu.memory_space<vmem>>
      %dma_start3A_2773 = arith.constant 0 : i32
      %dma_start3A_2774 = tpu.memref_slice %arg5[%squeeze3A_2769, %dma_start3A_2773] : memref<1000000x64xf32, #tpu.memory_space<hbm>> -> memref<1x64xf32, #tpu.memory_space<hbm>>
      %dma_start3A_2775 = arith.constant 9 : i32
      %dma_start3A_2776 = arith.constant 0 : i32
      %dma_start3A_2777 = tpu.memref_slice %arg11[%dma_start3A_2775, %dma_start3A_2776] : memref<16x64xf32, #tpu.memory_space<vmem>> -> memref<1x64xf32, #tpu.memory_space<vmem>>
      %dma_start3A_2778 = arith.constant 0 : i32
      %dma_start3A_2779 = tpu.memref_slice %arg5[%squeeze3A_2769, %dma_start3A_2778] : memref<1000000x64xf32, #tpu.memory_space<hbm>> -> memref<1x64xf32, #tpu.memory_space<hbm>>
      tpu.enqueue_dma source(%dma_start3A_2779 : memref<1x64xf32, #tpu.memory_space<hbm>>) target(%dma_start3A_2777 : memref<1x64xf32, #tpu.memory_space<vmem>>) target_semaphore(%arg18 : memref<!tpu.dma_semaphore, #tpu.memory_space<semaphore_mem>>)
      %slice3A_2780 = vector.extract_strided_slice %get3A_2441 {offsets = [9], sizes = [1], strides = [1]} : vector<16xi32> to vector<1xi32>
      %squeeze3A_2781 = vector.extract %slice3A_2780[0] : i32 from vector<1xi32>
      %dma_start3A_2782 = arith.constant 9 : i32
      %dma_start3A_2783 = arith.constant 0 : i32
      %dma_start3A_2784 = tpu.memref_slice %arg12[%dma_start3A_2782, %dma_start3A_2783] : memref<16x64xf32, #tpu.memory_space<vmem>> -> memref<1x64xf32, #tpu.memory_space<vmem>>
      %dma_start3A_2785 = arith.constant 0 : i32
      %dma_start3A_2786 = tpu.memref_slice %arg6[%squeeze3A_2781, %dma_start3A_2785] : memref<1000x64xf32, #tpu.memory_space<hbm>> -> memref<1x64xf32, #tpu.memory_space<hbm>>
      %dma_start3A_2787 = arith.constant 9 : i32
      %dma_start3A_2788 = arith.constant 0 : i32
      %dma_start3A_2789 = tpu.memref_slice %arg12[%dma_start3A_2787, %dma_start3A_2788] : memref<16x64xf32, #tpu.memory_space<vmem>> -> memref<1x64xf32, #tpu.memory_space<vmem>>
      %dma_start3A_2790 = arith.constant 0 : i32
      %dma_start3A_2791 = tpu.memref_slice %arg6[%squeeze3A_2781, %dma_start3A_2790] : memref<1000x64xf32, #tpu.memory_space<hbm>> -> memref<1x64xf32, #tpu.memory_space<hbm>>
      tpu.enqueue_dma source(%dma_start3A_2791 : memref<1x64xf32, #tpu.memory_space<hbm>>) target(%dma_start3A_2789 : memref<1x64xf32, #tpu.memory_space<vmem>>) target_semaphore(%arg18 : memref<!tpu.dma_semaphore, #tpu.memory_space<semaphore_mem>>)
      %slice3A_2792 = vector.extract_strided_slice %get3A_2443 {offsets = [9], sizes = [1], strides = [1]} : vector<16xi32> to vector<1xi32>
      %squeeze3A_2793 = vector.extract %slice3A_2792[0] : i32 from vector<1xi32>
      %dma_start3A_2794 = arith.constant 9 : i32
      %dma_start3A_2795 = arith.constant 0 : i32
      %dma_start3A_2796 = tpu.memref_slice %arg13[%dma_start3A_2794, %dma_start3A_2795] : memref<16x64xf32, #tpu.memory_space<vmem>> -> memref<1x64xf32, #tpu.memory_space<vmem>>
      %dma_start3A_2797 = arith.constant 0 : i32
      %dma_start3A_2798 = tpu.memref_slice %arg5[%squeeze3A_2793, %dma_start3A_2797] : memref<1000000x64xf32, #tpu.memory_space<hbm>> -> memref<1x64xf32, #tpu.memory_space<hbm>>
      %dma_start3A_2799 = arith.constant 9 : i32
      %dma_start3A_2800 = arith.constant 0 : i32
      %dma_start3A_2801 = tpu.memref_slice %arg13[%dma_start3A_2799, %dma_start3A_2800] : memref<16x64xf32, #tpu.memory_space<vmem>> -> memref<1x64xf32, #tpu.memory_space<vmem>>
      %dma_start3A_2802 = arith.constant 0 : i32
      %dma_start3A_2803 = tpu.memref_slice %arg5[%squeeze3A_2793, %dma_start3A_2802] : memref<1000000x64xf32, #tpu.memory_space<hbm>> -> memref<1x64xf32, #tpu.memory_space<hbm>>
      tpu.enqueue_dma source(%dma_start3A_2803 : memref<1x64xf32, #tpu.memory_space<hbm>>) target(%dma_start3A_2801 : memref<1x64xf32, #tpu.memory_space<vmem>>) target_semaphore(%arg18 : memref<!tpu.dma_semaphore, #tpu.memory_space<semaphore_mem>>)
      %slice3A_2804 = vector.extract_strided_slice %get3A_2439 {offsets = [10], sizes = [1], strides = [1]} : vector<16xi32> to vector<1xi32>
      %squeeze3A_2805 = vector.extract %slice3A_2804[0] : i32 from vector<1xi32>
      %dma_start3A_2806 = arith.constant 10 : i32
      %dma_start3A_2807 = arith.constant 0 : i32
      %dma_start3A_2808 = tpu.memref_slice %arg11[%dma_start3A_2806, %dma_start3A_2807] : memref<16x64xf32, #tpu.memory_space<vmem>> -> memref<1x64xf32, #tpu.memory_space<vmem>>
      %dma_start3A_2809 = arith.constant 0 : i32
      %dma_start3A_2810 = tpu.memref_slice %arg5[%squeeze3A_2805, %dma_start3A_2809] : memref<1000000x64xf32, #tpu.memory_space<hbm>> -> memref<1x64xf32, #tpu.memory_space<hbm>>
      %dma_start3A_2811 = arith.constant 10 : i32
      %dma_start3A_2812 = arith.constant 0 : i32
      %dma_start3A_2813 = tpu.memref_slice %arg11[%dma_start3A_2811, %dma_start3A_2812] : memref<16x64xf32, #tpu.memory_space<vmem>> -> memref<1x64xf32, #tpu.memory_space<vmem>>
      %dma_start3A_2814 = arith.constant 0 : i32
      %dma_start3A_2815 = tpu.memref_slice %arg5[%squeeze3A_2805, %dma_start3A_2814] : memref<1000000x64xf32, #tpu.memory_space<hbm>> -> memref<1x64xf32, #tpu.memory_space<hbm>>
      tpu.enqueue_dma source(%dma_start3A_2815 : memref<1x64xf32, #tpu.memory_space<hbm>>) target(%dma_start3A_2813 : memref<1x64xf32, #tpu.memory_space<vmem>>) target_semaphore(%arg18 : memref<!tpu.dma_semaphore, #tpu.memory_space<semaphore_mem>>)
      %slice3A_2816 = vector.extract_strided_slice %get3A_2441 {offsets = [10], sizes = [1], strides = [1]} : vector<16xi32> to vector<1xi32>
      %squeeze3A_2817 = vector.extract %slice3A_2816[0] : i32 from vector<1xi32>
      %dma_start3A_2818 = arith.constant 10 : i32
      %dma_start3A_2819 = arith.constant 0 : i32
      %dma_start3A_2820 = tpu.memref_slice %arg12[%dma_start3A_2818, %dma_start3A_2819] : memref<16x64xf32, #tpu.memory_space<vmem>> -> memref<1x64xf32, #tpu.memory_space<vmem>>
      %dma_start3A_2821 = arith.constant 0 : i32
      %dma_start3A_2822 = tpu.memref_slice %arg6[%squeeze3A_2817, %dma_start3A_2821] : memref<1000x64xf32, #tpu.memory_space<hbm>> -> memref<1x64xf32, #tpu.memory_space<hbm>>
      %dma_start3A_2823 = arith.constant 10 : i32
      %dma_start3A_2824 = arith.constant 0 : i32
      %dma_start3A_2825 = tpu.memref_slice %arg12[%dma_start3A_2823, %dma_start3A_2824] : memref<16x64xf32, #tpu.memory_space<vmem>> -> memref<1x64xf32, #tpu.memory_space<vmem>>
      %dma_start3A_2826 = arith.constant 0 : i32
      %dma_start3A_2827 = tpu.memref_slice %arg6[%squeeze3A_2817, %dma_start3A_2826] : memref<1000x64xf32, #tpu.memory_space<hbm>> -> memref<1x64xf32, #tpu.memory_space<hbm>>
      tpu.enqueue_dma source(%dma_start3A_2827 : memref<1x64xf32, #tpu.memory_space<hbm>>) target(%dma_start3A_2825 : memref<1x64xf32, #tpu.memory_space<vmem>>) target_semaphore(%arg18 : memref<!tpu.dma_semaphore, #tpu.memory_space<semaphore_mem>>)
      %slice3A_2828 = vector.extract_strided_slice %get3A_2443 {offsets = [10], sizes = [1], strides = [1]} : vector<16xi32> to vector<1xi32>
      %squeeze3A_2829 = vector.extract %slice3A_2828[0] : i32 from vector<1xi32>
      %dma_start3A_2830 = arith.constant 10 : i32
      %dma_start3A_2831 = arith.constant 0 : i32
      %dma_start3A_2832 = tpu.memref_slice %arg13[%dma_start3A_2830, %dma_start3A_2831] : memref<16x64xf32, #tpu.memory_space<vmem>> -> memref<1x64xf32, #tpu.memory_space<vmem>>
      %dma_start3A_2833 = arith.constant 0 : i32
      %dma_start3A_2834 = tpu.memref_slice %arg5[%squeeze3A_2829, %dma_start3A_2833] : memref<1000000x64xf32, #tpu.memory_space<hbm>> -> memref<1x64xf32, #tpu.memory_space<hbm>>
      %dma_start3A_2835 = arith.constant 10 : i32
      %dma_start3A_2836 = arith.constant 0 : i32
      %dma_start3A_2837 = tpu.memref_slice %arg13[%dma_start3A_2835, %dma_start3A_2836] : memref<16x64xf32, #tpu.memory_space<vmem>> -> memref<1x64xf32, #tpu.memory_space<vmem>>
      %dma_start3A_2838 = arith.constant 0 : i32
      %dma_start3A_2839 = tpu.memref_slice %arg5[%squeeze3A_2829, %dma_start3A_2838] : memref<1000000x64xf32, #tpu.memory_space<hbm>> -> memref<1x64xf32, #tpu.memory_space<hbm>>
      tpu.enqueue_dma source(%dma_start3A_2839 : memref<1x64xf32, #tpu.memory_space<hbm>>) target(%dma_start3A_2837 : memref<1x64xf32, #tpu.memory_space<vmem>>) target_semaphore(%arg18 : memref<!tpu.dma_semaphore, #tpu.memory_space<semaphore_mem>>)
      %slice3A_2840 = vector.extract_strided_slice %get3A_2439 {offsets = [11], sizes = [1], strides = [1]} : vector<16xi32> to vector<1xi32>
      %squeeze3A_2841 = vector.extract %slice3A_2840[0] : i32 from vector<1xi32>
      %dma_start3A_2842 = arith.constant 11 : i32
      %dma_start3A_2843 = arith.constant 0 : i32
      %dma_start3A_2844 = tpu.memref_slice %arg11[%dma_start3A_2842, %dma_start3A_2843] : memref<16x64xf32, #tpu.memory_space<vmem>> -> memref<1x64xf32, #tpu.memory_space<vmem>>
      %dma_start3A_2845 = arith.constant 0 : i32
      %dma_start3A_2846 = tpu.memref_slice %arg5[%squeeze3A_2841, %dma_start3A_2845] : memref<1000000x64xf32, #tpu.memory_space<hbm>> -> memref<1x64xf32, #tpu.memory_space<hbm>>
      %dma_start3A_2847 = arith.constant 11 : i32
      %dma_start3A_2848 = arith.constant 0 : i32
      %dma_start3A_2849 = tpu.memref_slice %arg11[%dma_start3A_2847, %dma_start3A_2848] : memref<16x64xf32, #tpu.memory_space<vmem>> -> memref<1x64xf32, #tpu.memory_space<vmem>>
      %dma_start3A_2850 = arith.constant 0 : i32
      %dma_start3A_2851 = tpu.memref_slice %arg5[%squeeze3A_2841, %dma_start3A_2850] : memref<1000000x64xf32, #tpu.memory_space<hbm>> -> memref<1x64xf32, #tpu.memory_space<hbm>>
      tpu.enqueue_dma source(%dma_start3A_2851 : memref<1x64xf32, #tpu.memory_space<hbm>>) target(%dma_start3A_2849 : memref<1x64xf32, #tpu.memory_space<vmem>>) target_semaphore(%arg18 : memref<!tpu.dma_semaphore, #tpu.memory_space<semaphore_mem>>)
      %slice3A_2852 = vector.extract_strided_slice %get3A_2441 {offsets = [11], sizes = [1], strides = [1]} : vector<16xi32> to vector<1xi32>
      %squeeze3A_2853 = vector.extract %slice3A_2852[0] : i32 from vector<1xi32>
      %dma_start3A_2854 = arith.constant 11 : i32
      %dma_start3A_2855 = arith.constant 0 : i32
      %dma_start3A_2856 = tpu.memref_slice %arg12[%dma_start3A_2854, %dma_start3A_2855] : memref<16x64xf32, #tpu.memory_space<vmem>> -> memref<1x64xf32, #tpu.memory_space<vmem>>
      %dma_start3A_2857 = arith.constant 0 : i32
      %dma_start3A_2858 = tpu.memref_slice %arg6[%squeeze3A_2853, %dma_start3A_2857] : memref<1000x64xf32, #tpu.memory_space<hbm>> -> memref<1x64xf32, #tpu.memory_space<hbm>>
      %dma_start3A_2859 = arith.constant 11 : i32
      %dma_start3A_2860 = arith.constant 0 : i32
      %dma_start3A_2861 = tpu.memref_slice %arg12[%dma_start3A_2859, %dma_start3A_2860] : memref<16x64xf32, #tpu.memory_space<vmem>> -> memref<1x64xf32, #tpu.memory_space<vmem>>
      %dma_start3A_2862 = arith.constant 0 : i32
      %dma_start3A_2863 = tpu.memref_slice %arg6[%squeeze3A_2853, %dma_start3A_2862] : memref<1000x64xf32, #tpu.memory_space<hbm>> -> memref<1x64xf32, #tpu.memory_space<hbm>>
      tpu.enqueue_dma source(%dma_start3A_2863 : memref<1x64xf32, #tpu.memory_space<hbm>>) target(%dma_start3A_2861 : memref<1x64xf32, #tpu.memory_space<vmem>>) target_semaphore(%arg18 : memref<!tpu.dma_semaphore, #tpu.memory_space<semaphore_mem>>)
      %slice3A_2864 = vector.extract_strided_slice %get3A_2443 {offsets = [11], sizes = [1], strides = [1]} : vector<16xi32> to vector<1xi32>
      %squeeze3A_2865 = vector.extract %slice3A_2864[0] : i32 from vector<1xi32>
      %dma_start3A_2866 = arith.constant 11 : i32
      %dma_start3A_2867 = arith.constant 0 : i32
      %dma_start3A_2868 = tpu.memref_slice %arg13[%dma_start3A_2866, %dma_start3A_2867] : memref<16x64xf32, #tpu.memory_space<vmem>> -> memref<1x64xf32, #tpu.memory_space<vmem>>
      %dma_start3A_2869 = arith.constant 0 : i32
      %dma_start3A_2870 = tpu.memref_slice %arg5[%squeeze3A_2865, %dma_start3A_2869] : memref<1000000x64xf32, #tpu.memory_space<hbm>> -> memref<1x64xf32, #tpu.memory_space<hbm>>
      %dma_start3A_2871 = arith.constant 11 : i32
      %dma_start3A_2872 = arith.constant 0 : i32
      %dma_start3A_2873 = tpu.memref_slice %arg13[%dma_start3A_2871, %dma_start3A_2872] : memref<16x64xf32, #tpu.memory_space<vmem>> -> memref<1x64xf32, #tpu.memory_space<vmem>>
      %dma_start3A_2874 = arith.constant 0 : i32
      %dma_start3A_2875 = tpu.memref_slice %arg5[%squeeze3A_2865, %dma_start3A_2874] : memref<1000000x64xf32, #tpu.memory_space<hbm>> -> memref<1x64xf32, #tpu.memory_space<hbm>>
      tpu.enqueue_dma source(%dma_start3A_2875 : memref<1x64xf32, #tpu.memory_space<hbm>>) target(%dma_start3A_2873 : memref<1x64xf32, #tpu.memory_space<vmem>>) target_semaphore(%arg18 : memref<!tpu.dma_semaphore, #tpu.memory_space<semaphore_mem>>)
      %slice3A_2876 = vector.extract_strided_slice %get3A_2439 {offsets = [12], sizes = [1], strides = [1]} : vector<16xi32> to vector<1xi32>
      %squeeze3A_2877 = vector.extract %slice3A_2876[0] : i32 from vector<1xi32>
      %dma_start3A_2878 = arith.constant 12 : i32
      %dma_start3A_2879 = arith.constant 0 : i32
      %dma_start3A_2880 = tpu.memref_slice %arg11[%dma_start3A_2878, %dma_start3A_2879] : memref<16x64xf32, #tpu.memory_space<vmem>> -> memref<1x64xf32, #tpu.memory_space<vmem>>
      %dma_start3A_2881 = arith.constant 0 : i32
      %dma_start3A_2882 = tpu.memref_slice %arg5[%squeeze3A_2877, %dma_start3A_2881] : memref<1000000x64xf32, #tpu.memory_space<hbm>> -> memref<1x64xf32, #tpu.memory_space<hbm>>
      %dma_start3A_2883 = arith.constant 12 : i32
      %dma_start3A_2884 = arith.constant 0 : i32
      %dma_start3A_2885 = tpu.memref_slice %arg11[%dma_start3A_2883, %dma_start3A_2884] : memref<16x64xf32, #tpu.memory_space<vmem>> -> memref<1x64xf32, #tpu.memory_space<vmem>>
      %dma_start3A_2886 = arith.constant 0 : i32
      %dma_start3A_2887 = tpu.memref_slice %arg5[%squeeze3A_2877, %dma_start3A_2886] : memref<1000000x64xf32, #tpu.memory_space<hbm>> -> memref<1x64xf32, #tpu.memory_space<hbm>>
      tpu.enqueue_dma source(%dma_start3A_2887 : memref<1x64xf32, #tpu.memory_space<hbm>>) target(%dma_start3A_2885 : memref<1x64xf32, #tpu.memory_space<vmem>>) target_semaphore(%arg18 : memref<!tpu.dma_semaphore, #tpu.memory_space<semaphore_mem>>)
      %slice3A_2888 = vector.extract_strided_slice %get3A_2441 {offsets = [12], sizes = [1], strides = [1]} : vector<16xi32> to vector<1xi32>
      %squeeze3A_2889 = vector.extract %slice3A_2888[0] : i32 from vector<1xi32>
      %dma_start3A_2890 = arith.constant 12 : i32
      %dma_start3A_2891 = arith.constant 0 : i32
      %dma_start3A_2892 = tpu.memref_slice %arg12[%dma_start3A_2890, %dma_start3A_2891] : memref<16x64xf32, #tpu.memory_space<vmem>> -> memref<1x64xf32, #tpu.memory_space<vmem>>
      %dma_start3A_2893 = arith.constant 0 : i32
      %dma_start3A_2894 = tpu.memref_slice %arg6[%squeeze3A_2889, %dma_start3A_2893] : memref<1000x64xf32, #tpu.memory_space<hbm>> -> memref<1x64xf32, #tpu.memory_space<hbm>>
      %dma_start3A_2895 = arith.constant 12 : i32
      %dma_start3A_2896 = arith.constant 0 : i32
      %dma_start3A_2897 = tpu.memref_slice %arg12[%dma_start3A_2895, %dma_start3A_2896] : memref<16x64xf32, #tpu.memory_space<vmem>> -> memref<1x64xf32, #tpu.memory_space<vmem>>
      %dma_start3A_2898 = arith.constant 0 : i32
      %dma_start3A_2899 = tpu.memref_slice %arg6[%squeeze3A_2889, %dma_start3A_2898] : memref<1000x64xf32, #tpu.memory_space<hbm>> -> memref<1x64xf32, #tpu.memory_space<hbm>>
      tpu.enqueue_dma source(%dma_start3A_2899 : memref<1x64xf32, #tpu.memory_space<hbm>>) target(%dma_start3A_2897 : memref<1x64xf32, #tpu.memory_space<vmem>>) target_semaphore(%arg18 : memref<!tpu.dma_semaphore, #tpu.memory_space<semaphore_mem>>)
      %slice3A_2900 = vector.extract_strided_slice %get3A_2443 {offsets = [12], sizes = [1], strides = [1]} : vector<16xi32> to vector<1xi32>
      %squeeze3A_2901 = vector.extract %slice3A_2900[0] : i32 from vector<1xi32>
      %dma_start3A_2902 = arith.constant 12 : i32
      %dma_start3A_2903 = arith.constant 0 : i32
      %dma_start3A_2904 = tpu.memref_slice %arg13[%dma_start3A_2902, %dma_start3A_2903] : memref<16x64xf32, #tpu.memory_space<vmem>> -> memref<1x64xf32, #tpu.memory_space<vmem>>
      %dma_start3A_2905 = arith.constant 0 : i32
      %dma_start3A_2906 = tpu.memref_slice %arg5[%squeeze3A_2901, %dma_start3A_2905] : memref<1000000x64xf32, #tpu.memory_space<hbm>> -> memref<1x64xf32, #tpu.memory_space<hbm>>
      %dma_start3A_2907 = arith.constant 12 : i32
      %dma_start3A_2908 = arith.constant 0 : i32
      %dma_start3A_2909 = tpu.memref_slice %arg13[%dma_start3A_2907, %dma_start3A_2908] : memref<16x64xf32, #tpu.memory_space<vmem>> -> memref<1x64xf32, #tpu.memory_space<vmem>>
      %dma_start3A_2910 = arith.constant 0 : i32
      %dma_start3A_2911 = tpu.memref_slice %arg5[%squeeze3A_2901, %dma_start3A_2910] : memref<1000000x64xf32, #tpu.memory_space<hbm>> -> memref<1x64xf32, #tpu.memory_space<hbm>>
      tpu.enqueue_dma source(%dma_start3A_2911 : memref<1x64xf32, #tpu.memory_space<hbm>>) target(%dma_start3A_2909 : memref<1x64xf32, #tpu.memory_space<vmem>>) target_semaphore(%arg18 : memref<!tpu.dma_semaphore, #tpu.memory_space<semaphore_mem>>)
      %slice3A_2912 = vector.extract_strided_slice %get3A_2439 {offsets = [13], sizes = [1], strides = [1]} : vector<16xi32> to vector<1xi32>
      %squeeze3A_2913 = vector.extract %slice3A_2912[0] : i32 from vector<1xi32>
      %dma_start3A_2914 = arith.constant 13 : i32
      %dma_start3A_2915 = arith.constant 0 : i32
      %dma_start3A_2916 = tpu.memref_slice %arg11[%dma_start3A_2914, %dma_start3A_2915] : memref<16x64xf32, #tpu.memory_space<vmem>> -> memref<1x64xf32, #tpu.memory_space<vmem>>
      %dma_start3A_2917 = arith.constant 0 : i32
      %dma_start3A_2918 = tpu.memref_slice %arg5[%squeeze3A_2913, %dma_start3A_2917] : memref<1000000x64xf32, #tpu.memory_space<hbm>> -> memref<1x64xf32, #tpu.memory_space<hbm>>
      %dma_start3A_2919 = arith.constant 13 : i32
      %dma_start3A_2920 = arith.constant 0 : i32
      %dma_start3A_2921 = tpu.memref_slice %arg11[%dma_start3A_2919, %dma_start3A_2920] : memref<16x64xf32, #tpu.memory_space<vmem>> -> memref<1x64xf32, #tpu.memory_space<vmem>>
      %dma_start3A_2922 = arith.constant 0 : i32
      %dma_start3A_2923 = tpu.memref_slice %arg5[%squeeze3A_2913, %dma_start3A_2922] : memref<1000000x64xf32, #tpu.memory_space<hbm>> -> memref<1x64xf32, #tpu.memory_space<hbm>>
      tpu.enqueue_dma source(%dma_start3A_2923 : memref<1x64xf32, #tpu.memory_space<hbm>>) target(%dma_start3A_2921 : memref<1x64xf32, #tpu.memory_space<vmem>>) target_semaphore(%arg18 : memref<!tpu.dma_semaphore, #tpu.memory_space<semaphore_mem>>)
      %slice3A_2924 = vector.extract_strided_slice %get3A_2441 {offsets = [13], sizes = [1], strides = [1]} : vector<16xi32> to vector<1xi32>
      %squeeze3A_2925 = vector.extract %slice3A_2924[0] : i32 from vector<1xi32>
      %dma_start3A_2926 = arith.constant 13 : i32
      %dma_start3A_2927 = arith.constant 0 : i32
      %dma_start3A_2928 = tpu.memref_slice %arg12[%dma_start3A_2926, %dma_start3A_2927] : memref<16x64xf32, #tpu.memory_space<vmem>> -> memref<1x64xf32, #tpu.memory_space<vmem>>
      %dma_start3A_2929 = arith.constant 0 : i32
      %dma_start3A_2930 = tpu.memref_slice %arg6[%squeeze3A_2925, %dma_start3A_2929] : memref<1000x64xf32, #tpu.memory_space<hbm>> -> memref<1x64xf32, #tpu.memory_space<hbm>>
      %dma_start3A_2931 = arith.constant 13 : i32
      %dma_start3A_2932 = arith.constant 0 : i32
      %dma_start3A_2933 = tpu.memref_slice %arg12[%dma_start3A_2931, %dma_start3A_2932] : memref<16x64xf32, #tpu.memory_space<vmem>> -> memref<1x64xf32, #tpu.memory_space<vmem>>
      %dma_start3A_2934 = arith.constant 0 : i32
      %dma_start3A_2935 = tpu.memref_slice %arg6[%squeeze3A_2925, %dma_start3A_2934] : memref<1000x64xf32, #tpu.memory_space<hbm>> -> memref<1x64xf32, #tpu.memory_space<hbm>>
      tpu.enqueue_dma source(%dma_start3A_2935 : memref<1x64xf32, #tpu.memory_space<hbm>>) target(%dma_start3A_2933 : memref<1x64xf32, #tpu.memory_space<vmem>>) target_semaphore(%arg18 : memref<!tpu.dma_semaphore, #tpu.memory_space<semaphore_mem>>)
      %slice3A_2936 = vector.extract_strided_slice %get3A_2443 {offsets = [13], sizes = [1], strides = [1]} : vector<16xi32> to vector<1xi32>
      %squeeze3A_2937 = vector.extract %slice3A_2936[0] : i32 from vector<1xi32>
      %dma_start3A_2938 = arith.constant 13 : i32
      %dma_start3A_2939 = arith.constant 0 : i32
      %dma_start3A_2940 = tpu.memref_slice %arg13[%dma_start3A_2938, %dma_start3A_2939] : memref<16x64xf32, #tpu.memory_space<vmem>> -> memref<1x64xf32, #tpu.memory_space<vmem>>
      %dma_start3A_2941 = arith.constant 0 : i32
      %dma_start3A_2942 = tpu.memref_slice %arg5[%squeeze3A_2937, %dma_start3A_2941] : memref<1000000x64xf32, #tpu.memory_space<hbm>> -> memref<1x64xf32, #tpu.memory_space<hbm>>
      %dma_start3A_2943 = arith.constant 13 : i32
      %dma_start3A_2944 = arith.constant 0 : i32
      %dma_start3A_2945 = tpu.memref_slice %arg13[%dma_start3A_2943, %dma_start3A_2944] : memref<16x64xf32, #tpu.memory_space<vmem>> -> memref<1x64xf32, #tpu.memory_space<vmem>>
      %dma_start3A_2946 = arith.constant 0 : i32
      %dma_start3A_2947 = tpu.memref_slice %arg5[%squeeze3A_2937, %dma_start3A_2946] : memref<1000000x64xf32, #tpu.memory_space<hbm>> -> memref<1x64xf32, #tpu.memory_space<hbm>>
      tpu.enqueue_dma source(%dma_start3A_2947 : memref<1x64xf32, #tpu.memory_space<hbm>>) target(%dma_start3A_2945 : memref<1x64xf32, #tpu.memory_space<vmem>>) target_semaphore(%arg18 : memref<!tpu.dma_semaphore, #tpu.memory_space<semaphore_mem>>)
      %slice3A_2948 = vector.extract_strided_slice %get3A_2439 {offsets = [14], sizes = [1], strides = [1]} : vector<16xi32> to vector<1xi32>
      %squeeze3A_2949 = vector.extract %slice3A_2948[0] : i32 from vector<1xi32>
      %dma_start3A_2950 = arith.constant 14 : i32
      %dma_start3A_2951 = arith.constant 0 : i32
      %dma_start3A_2952 = tpu.memref_slice %arg11[%dma_start3A_2950, %dma_start3A_2951] : memref<16x64xf32, #tpu.memory_space<vmem>> -> memref<1x64xf32, #tpu.memory_space<vmem>>
      %dma_start3A_2953 = arith.constant 0 : i32
      %dma_start3A_2954 = tpu.memref_slice %arg5[%squeeze3A_2949, %dma_start3A_2953] : memref<1000000x64xf32, #tpu.memory_space<hbm>> -> memref<1x64xf32, #tpu.memory_space<hbm>>
      %dma_start3A_2955 = arith.constant 14 : i32
      %dma_start3A_2956 = arith.constant 0 : i32
      %dma_start3A_2957 = tpu.memref_slice %arg11[%dma_start3A_2955, %dma_start3A_2956] : memref<16x64xf32, #tpu.memory_space<vmem>> -> memref<1x64xf32, #tpu.memory_space<vmem>>
      %dma_start3A_2958 = arith.constant 0 : i32
      %dma_start3A_2959 = tpu.memref_slice %arg5[%squeeze3A_2949, %dma_start3A_2958] : memref<1000000x64xf32, #tpu.memory_space<hbm>> -> memref<1x64xf32, #tpu.memory_space<hbm>>
      tpu.enqueue_dma source(%dma_start3A_2959 : memref<1x64xf32, #tpu.memory_space<hbm>>) target(%dma_start3A_2957 : memref<1x64xf32, #tpu.memory_space<vmem>>) target_semaphore(%arg18 : memref<!tpu.dma_semaphore, #tpu.memory_space<semaphore_mem>>)
      %slice3A_2960 = vector.extract_strided_slice %get3A_2441 {offsets = [14], sizes = [1], strides = [1]} : vector<16xi32> to vector<1xi32>
      %squeeze3A_2961 = vector.extract %slice3A_2960[0] : i32 from vector<1xi32>
      %dma_start3A_2962 = arith.constant 14 : i32
      %dma_start3A_2963 = arith.constant 0 : i32
      %dma_start3A_2964 = tpu.memref_slice %arg12[%dma_start3A_2962, %dma_start3A_2963] : memref<16x64xf32, #tpu.memory_space<vmem>> -> memref<1x64xf32, #tpu.memory_space<vmem>>
      %dma_start3A_2965 = arith.constant 0 : i32
      %dma_start3A_2966 = tpu.memref_slice %arg6[%squeeze3A_2961, %dma_start3A_2965] : memref<1000x64xf32, #tpu.memory_space<hbm>> -> memref<1x64xf32, #tpu.memory_space<hbm>>
      %dma_start3A_2967 = arith.constant 14 : i32
      %dma_start3A_2968 = arith.constant 0 : i32
      %dma_start3A_2969 = tpu.memref_slice %arg12[%dma_start3A_2967, %dma_start3A_2968] : memref<16x64xf32, #tpu.memory_space<vmem>> -> memref<1x64xf32, #tpu.memory_space<vmem>>
      %dma_start3A_2970 = arith.constant 0 : i32
      %dma_start3A_2971 = tpu.memref_slice %arg6[%squeeze3A_2961, %dma_start3A_2970] : memref<1000x64xf32, #tpu.memory_space<hbm>> -> memref<1x64xf32, #tpu.memory_space<hbm>>
      tpu.enqueue_dma source(%dma_start3A_2971 : memref<1x64xf32, #tpu.memory_space<hbm>>) target(%dma_start3A_2969 : memref<1x64xf32, #tpu.memory_space<vmem>>) target_semaphore(%arg18 : memref<!tpu.dma_semaphore, #tpu.memory_space<semaphore_mem>>)
      %slice3A_2972 = vector.extract_strided_slice %get3A_2443 {offsets = [14], sizes = [1], strides = [1]} : vector<16xi32> to vector<1xi32>
      %squeeze3A_2973 = vector.extract %slice3A_2972[0] : i32 from vector<1xi32>
      %dma_start3A_2974 = arith.constant 14 : i32
      %dma_start3A_2975 = arith.constant 0 : i32
      %dma_start3A_2976 = tpu.memref_slice %arg13[%dma_start3A_2974, %dma_start3A_2975] : memref<16x64xf32, #tpu.memory_space<vmem>> -> memref<1x64xf32, #tpu.memory_space<vmem>>
      %dma_start3A_2977 = arith.constant 0 : i32
      %dma_start3A_2978 = tpu.memref_slice %arg5[%squeeze3A_2973, %dma_start3A_2977] : memref<1000000x64xf32, #tpu.memory_space<hbm>> -> memref<1x64xf32, #tpu.memory_space<hbm>>
      %dma_start3A_2979 = arith.constant 14 : i32
      %dma_start3A_2980 = arith.constant 0 : i32
      %dma_start3A_2981 = tpu.memref_slice %arg13[%dma_start3A_2979, %dma_start3A_2980] : memref<16x64xf32, #tpu.memory_space<vmem>> -> memref<1x64xf32, #tpu.memory_space<vmem>>
      %dma_start3A_2982 = arith.constant 0 : i32
      %dma_start3A_2983 = tpu.memref_slice %arg5[%squeeze3A_2973, %dma_start3A_2982] : memref<1000000x64xf32, #tpu.memory_space<hbm>> -> memref<1x64xf32, #tpu.memory_space<hbm>>
      tpu.enqueue_dma source(%dma_start3A_2983 : memref<1x64xf32, #tpu.memory_space<hbm>>) target(%dma_start3A_2981 : memref<1x64xf32, #tpu.memory_space<vmem>>) target_semaphore(%arg18 : memref<!tpu.dma_semaphore, #tpu.memory_space<semaphore_mem>>)
      %slice3A_2984 = vector.extract_strided_slice %get3A_2439 {offsets = [15], sizes = [1], strides = [1]} : vector<16xi32> to vector<1xi32>
      %squeeze3A_2985 = vector.extract %slice3A_2984[0] : i32 from vector<1xi32>
      %dma_start3A_2986 = arith.constant 15 : i32
      %dma_start3A_2987 = arith.constant 0 : i32
      %dma_start3A_2988 = tpu.memref_slice %arg11[%dma_start3A_2986, %dma_start3A_2987] : memref<16x64xf32, #tpu.memory_space<vmem>> -> memref<1x64xf32, #tpu.memory_space<vmem>>
      %dma_start3A_2989 = arith.constant 0 : i32
      %dma_start3A_2990 = tpu.memref_slice %arg5[%squeeze3A_2985, %dma_start3A_2989] : memref<1000000x64xf32, #tpu.memory_space<hbm>> -> memref<1x64xf32, #tpu.memory_space<hbm>>
      %dma_start3A_2991 = arith.constant 15 : i32
      %dma_start3A_2992 = arith.constant 0 : i32
      %dma_start3A_2993 = tpu.memref_slice %arg11[%dma_start3A_2991, %dma_start3A_2992] : memref<16x64xf32, #tpu.memory_space<vmem>> -> memref<1x64xf32, #tpu.memory_space<vmem>>
      %dma_start3A_2994 = arith.constant 0 : i32
      %dma_start3A_2995 = tpu.memref_slice %arg5[%squeeze3A_2985, %dma_start3A_2994] : memref<1000000x64xf32, #tpu.memory_space<hbm>> -> memref<1x64xf32, #tpu.memory_space<hbm>>
      tpu.enqueue_dma source(%dma_start3A_2995 : memref<1x64xf32, #tpu.memory_space<hbm>>) target(%dma_start3A_2993 : memref<1x64xf32, #tpu.memory_space<vmem>>) target_semaphore(%arg18 : memref<!tpu.dma_semaphore, #tpu.memory_space<semaphore_mem>>)
      %slice3A_2996 = vector.extract_strided_slice %get3A_2441 {offsets = [15], sizes = [1], strides = [1]} : vector<16xi32> to vector<1xi32>
      %squeeze3A_2997 = vector.extract %slice3A_2996[0] : i32 from vector<1xi32>
      %dma_start3A_2998 = arith.constant 15 : i32
      %dma_start3A_2999 = arith.constant 0 : i32
      %dma_start3A_3000 = tpu.memref_slice %arg12[%dma_start3A_2998, %dma_start3A_2999] : memref<16x64xf32, #tpu.memory_space<vmem>> -> memref<1x64xf32, #tpu.memory_space<vmem>>
      %dma_start3A_3001 = arith.constant 0 : i32
      %dma_start3A_3002 = tpu.memref_slice %arg6[%squeeze3A_2997, %dma_start3A_3001] : memref<1000x64xf32, #tpu.memory_space<hbm>> -> memref<1x64xf32, #tpu.memory_space<hbm>>
      %dma_start3A_3003 = arith.constant 15 : i32
      %dma_start3A_3004 = arith.constant 0 : i32
      %dma_start3A_3005 = tpu.memref_slice %arg12[%dma_start3A_3003, %dma_start3A_3004] : memref<16x64xf32, #tpu.memory_space<vmem>> -> memref<1x64xf32, #tpu.memory_space<vmem>>
      %dma_start3A_3006 = arith.constant 0 : i32
      %dma_start3A_3007 = tpu.memref_slice %arg6[%squeeze3A_2997, %dma_start3A_3006] : memref<1000x64xf32, #tpu.memory_space<hbm>> -> memref<1x64xf32, #tpu.memory_space<hbm>>
      tpu.enqueue_dma source(%dma_start3A_3007 : memref<1x64xf32, #tpu.memory_space<hbm>>) target(%dma_start3A_3005 : memref<1x64xf32, #tpu.memory_space<vmem>>) target_semaphore(%arg18 : memref<!tpu.dma_semaphore, #tpu.memory_space<semaphore_mem>>)
      %slice3A_3008 = vector.extract_strided_slice %get3A_2443 {offsets = [15], sizes = [1], strides = [1]} : vector<16xi32> to vector<1xi32>
      %squeeze3A_3009 = vector.extract %slice3A_3008[0] : i32 from vector<1xi32>
      %dma_start3A_3010 = arith.constant 15 : i32
      %dma_start3A_3011 = arith.constant 0 : i32
      %dma_start3A_3012 = tpu.memref_slice %arg13[%dma_start3A_3010, %dma_start3A_3011] : memref<16x64xf32, #tpu.memory_space<vmem>> -> memref<1x64xf32, #tpu.memory_space<vmem>>
      %dma_start3A_3013 = arith.constant 0 : i32
      %dma_start3A_3014 = tpu.memref_slice %arg5[%squeeze3A_3009, %dma_start3A_3013] : memref<1000000x64xf32, #tpu.memory_space<hbm>> -> memref<1x64xf32, #tpu.memory_space<hbm>>
      %dma_start3A_3015 = arith.constant 15 : i32
      %dma_start3A_3016 = arith.constant 0 : i32
      %dma_start3A_3017 = tpu.memref_slice %arg13[%dma_start3A_3015, %dma_start3A_3016] : memref<16x64xf32, #tpu.memory_space<vmem>> -> memref<1x64xf32, #tpu.memory_space<vmem>>
      %dma_start3A_3018 = arith.constant 0 : i32
      %dma_start3A_3019 = tpu.memref_slice %arg5[%squeeze3A_3009, %dma_start3A_3018] : memref<1000000x64xf32, #tpu.memory_space<hbm>> -> memref<1x64xf32, #tpu.memory_space<hbm>>
      tpu.enqueue_dma source(%dma_start3A_3019 : memref<1x64xf32, #tpu.memory_space<hbm>>) target(%dma_start3A_3017 : memref<1x64xf32, #tpu.memory_space<vmem>>) target_semaphore(%arg18 : memref<!tpu.dma_semaphore, #tpu.memory_space<semaphore_mem>>)
      %dma_wait3A_3020 = arith.constant 0 : i32
      %dma_wait3A_3021 = arith.constant 0 : i32
      %dma_wait3A_3022 = tpu.memref_slice %arg5[%dma_wait3A_3020, %dma_wait3A_3021] : memref<1000000x64xf32, #tpu.memory_space<hbm>> -> memref<16x64xf32, #tpu.memory_space<hbm>>
      %dma_wait3A_3023 = arith.constant 0 : i32
      %dma_wait3A_3024 = arith.constant 0 : i32
      %dma_wait3A_3025 = tpu.memref_slice %arg5[%dma_wait3A_3023, %dma_wait3A_3024] : memref<1000000x64xf32, #tpu.memory_space<hbm>> -> memref<16x64xf32, #tpu.memory_space<hbm>>
      tpu.wait_dma2 semaphore(%arg19 : memref<!tpu.dma_semaphore, #tpu.memory_space<semaphore_mem>>) src(%dma_wait3A_3025 : memref<16x64xf32, #tpu.memory_space<hbm>>) dst(%arg14 : memref<16x64xf32, #tpu.memory_space<vmem>>)
      %dma_wait3A_3026 = arith.constant 0 : i32
      %dma_wait3A_3027 = arith.constant 0 : i32
      %dma_wait3A_3028 = tpu.memref_slice %arg5[%dma_wait3A_3026, %dma_wait3A_3027] : memref<1000000x64xf32, #tpu.memory_space<hbm>> -> memref<16x64xf32, #tpu.memory_space<hbm>>
      %dma_wait3A_3029 = arith.constant 0 : i32
      %dma_wait3A_3030 = arith.constant 0 : i32
      %dma_wait3A_3031 = tpu.memref_slice %arg5[%dma_wait3A_3029, %dma_wait3A_3030] : memref<1000000x64xf32, #tpu.memory_space<hbm>> -> memref<16x64xf32, #tpu.memory_space<hbm>>
      tpu.wait_dma2 semaphore(%arg19 : memref<!tpu.dma_semaphore, #tpu.memory_space<semaphore_mem>>) src(%dma_wait3A_3031 : memref<16x64xf32, #tpu.memory_space<hbm>>) dst(%arg15 : memref<16x64xf32, #tpu.memory_space<vmem>>)
      %dma_wait3A_3032 = arith.constant 0 : i32
      %dma_wait3A_3033 = arith.constant 0 : i32
      %dma_wait3A_3034 = tpu.memref_slice %arg5[%dma_wait3A_3032, %dma_wait3A_3033] : memref<1000000x64xf32, #tpu.memory_space<hbm>> -> memref<16x64xf32, #tpu.memory_space<hbm>>
      %dma_wait3A_3035 = arith.constant 0 : i32
      %dma_wait3A_3036 = arith.constant 0 : i32
      %dma_wait3A_3037 = tpu.memref_slice %arg5[%dma_wait3A_3035, %dma_wait3A_3036] : memref<1000000x64xf32, #tpu.memory_space<hbm>> -> memref<16x64xf32, #tpu.memory_space<hbm>>
      tpu.wait_dma2 semaphore(%arg19 : memref<!tpu.dma_semaphore, #tpu.memory_space<semaphore_mem>>) src(%dma_wait3A_3037 : memref<16x64xf32, #tpu.memory_space<hbm>>) dst(%arg16 : memref<16x64xf32, #tpu.memory_space<vmem>>)
      %add3A_3038 = arith.constant 1 : i32
      %add3A_3039 = arith.addi %mul3A_605, %add3A_3038 : i32
      %mul3A_3040 = arith.constant 16 : i32
      %mul3A_3041 = arith.muli %add3A_3039, %mul3A_3040 : i32
      %broadcast_in_dim3A_3042 = arith.constant 0.000000e+00 : f32
      %broadcast_in_dim3A_3043 = vector.broadcast %broadcast_in_dim3A_3042 : f32 to vector<16xf32>
      %broadcast_in_dim3A_3044 = arith.constant 0.000000e+00 : f32
      %broadcast_in_dim3A_3045 = vector.broadcast %broadcast_in_dim3A_3044 : f32 to vector<16xf32>
      %get3A_3046 = arith.constant 0 : i32
      %get3A_3047 = arith.index_cast %get3A_3046 : i32 to index
      %get3A_3048 = arith.constant 0 : index
      %get3A_3049 = tpu.vector_load %arg14[%get3A_3047, %get3A_3048] {strides = array<i32>} : memref<16x64xf32, #tpu.memory_space<vmem>>, vector<16xf32>,
      %get3A_3050 = arith.constant 0 : i32
      %get3A_3051 = arith.index_cast %get3A_3050 : i32 to index
      %get3A_3052 = arith.constant 0 : index
      %get3A_3053 = tpu.vector_load %arg15[%get3A_3051, %get3A_3052] {strides = array<i32>} : memref<16x64xf32, #tpu.memory_space<vmem>>, vector<16xf32>,
      %add3A_3054 = arith.addf %get3A_3049, %get3A_3053 : vector<16xf32>
      %get3A_3055 = arith.constant 0 : i32
      %get3A_3056 = arith.index_cast %get3A_3055 : i32 to index
      %get3A_3057 = arith.constant 0 : index
      %get3A_3058 = tpu.vector_load %arg16[%get3A_3056, %get3A_3057] {strides = array<i32>} : memref<16x64xf32, #tpu.memory_space<vmem>>, vector<16xf32>,
      %sub3A_3059 = arith.subf %add3A_3054, %get3A_3058 : vector<16xf32>
      %mul3A_3060 = arith.mulf %sub3A_3059, %sub3A_3059 : vector<16xf32>
      %add3A_3061 = arith.addf %broadcast_in_dim3A_3045, %mul3A_3060 : vector<16xf32>
      %get3A_3062 = arith.constant 0 : i32
      %get3A_3063 = arith.index_cast %get3A_3062 : i32 to index
      %get3A_3064 = arith.constant 16 : index
      %get3A_3065 = tpu.vector_load %arg14[%get3A_3063, %get3A_3064] {strides = array<i32>} : memref<16x64xf32, #tpu.memory_space<vmem>>, vector<16xf32>,
      %get3A_3066 = arith.constant 0 : i32
      %get3A_3067 = arith.index_cast %get3A_3066 : i32 to index
      %get3A_3068 = arith.constant 16 : index
      %get3A_3069 = tpu.vector_load %arg15[%get3A_3067, %get3A_3068] {strides = array<i32>} : memref<16x64xf32, #tpu.memory_space<vmem>>, vector<16xf32>,
      %add3A_3070 = arith.addf %get3A_3065, %get3A_3069 : vector<16xf32>
      %get3A_3071 = arith.constant 0 : i32
      %get3A_3072 = arith.index_cast %get3A_3071 : i32 to index
      %get3A_3073 = arith.constant 16 : index
      %get3A_3074 = tpu.vector_load %arg16[%get3A_3072, %get3A_3073] {strides = array<i32>} : memref<16x64xf32, #tpu.memory_space<vmem>>, vector<16xf32>,
      %sub3A_3075 = arith.subf %add3A_3070, %get3A_3074 : vector<16xf32>
      %mul3A_3076 = arith.mulf %sub3A_3075, %sub3A_3075 : vector<16xf32>
      %add3A_3077 = arith.addf %add3A_3061, %mul3A_3076 : vector<16xf32>
      %get3A_3078 = arith.constant 0 : i32
      %get3A_3079 = arith.index_cast %get3A_3078 : i32 to index
      %get3A_3080 = arith.constant 32 : index
      %get3A_3081 = tpu.vector_load %arg14[%get3A_3079, %get3A_3080] {strides = array<i32>} : memref<16x64xf32, #tpu.memory_space<vmem>>, vector<16xf32>,
      %get3A_3082 = arith.constant 0 : i32
      %get3A_3083 = arith.index_cast %get3A_3082 : i32 to index
      %get3A_3084 = arith.constant 32 : index
      %get3A_3085 = tpu.vector_load %arg15[%get3A_3083, %get3A_3084] {strides = array<i32>} : memref<16x64xf32, #tpu.memory_space<vmem>>, vector<16xf32>,
      %add3A_3086 = arith.addf %get3A_3081, %get3A_3085 : vector<16xf32>
      %get3A_3087 = arith.constant 0 : i32
      %get3A_3088 = arith.index_cast %get3A_3087 : i32 to index
      %get3A_3089 = arith.constant 32 : index
      %get3A_3090 = tpu.vector_load %arg16[%get3A_3088, %get3A_3089] {strides = array<i32>} : memref<16x64xf32, #tpu.memory_space<vmem>>, vector<16xf32>,
      %sub3A_3091 = arith.subf %add3A_3086, %get3A_3090 : vector<16xf32>
      %mul3A_3092 = arith.mulf %sub3A_3091, %sub3A_3091 : vector<16xf32>
      %add3A_3093 = arith.addf %add3A_3077, %mul3A_3092 : vector<16xf32>
      %get3A_3094 = arith.constant 0 : i32
      %get3A_3095 = arith.index_cast %get3A_3094 : i32 to index
      %get3A_3096 = arith.constant 48 : index
      %get3A_3097 = tpu.vector_load %arg14[%get3A_3095, %get3A_3096] {strides = array<i32>} : memref<16x64xf32, #tpu.memory_space<vmem>>, vector<16xf32>,
      %get3A_3098 = arith.constant 0 : i32
      %get3A_3099 = arith.index_cast %get3A_3098 : i32 to index
      %get3A_3100 = arith.constant 48 : index
      %get3A_3101 = tpu.vector_load %arg15[%get3A_3099, %get3A_3100] {strides = array<i32>} : memref<16x64xf32, #tpu.memory_space<vmem>>, vector<16xf32>,
      %add3A_3102 = arith.addf %get3A_3097, %get3A_3101 : vector<16xf32>
      %get3A_3103 = arith.constant 0 : i32
      %get3A_3104 = arith.index_cast %get3A_3103 : i32 to index
      %get3A_3105 = arith.constant 48 : index
      %get3A_3106 = tpu.vector_load %arg16[%get3A_3104, %get3A_3105] {strides = array<i32>} : memref<16x64xf32, #tpu.memory_space<vmem>>, vector<16xf32>,
      %sub3A_3107 = arith.subf %add3A_3102, %get3A_3106 : vector<16xf32>
      %mul3A_3108 = arith.mulf %sub3A_3107, %sub3A_3107 : vector<16xf32>
      %add3A_3109 = arith.addf %add3A_3093, %mul3A_3108 : vector<16xf32>
      %eq3A_3110 = arith.constant 0 : i32
      %eq3A_3111 = vector.broadcast %eq3A_3110 : i32 to vector<16xi32>
      %eq3A_3112 = arith.cmpi eq, %iota3A, %eq3A_3111 : vector<16xi32>
      %reduce_sum3A_3113 = arith.constant true
      %reduce_sum3A_3114 = vector.broadcast %reduce_sum3A_3113 : i1 to vector<16xi1>
      %reduce_sum3A_3115 = tpu.scan <sum>, %add3A_3109 masked %reduce_sum3A_3114 : vector<16xf32>, vector<16xi1> -> vector<16xf32>
      %reduce_sum3A_3116 = vector.extract %reduce_sum3A_3115[15] : f32 from vector<16xf32>
      %broadcast_in_dim3A_3117 = vector.broadcast %reduce_sum3A_3116 : f32 to vector<16xf32>
      %select_n3A_3118 = arith.select %eq3A_3112, %broadcast_in_dim3A_3117, %broadcast_in_dim3A_3043 : vector<16xi1>, vector<16xf32>
      %broadcast_in_dim3A_3119 = arith.constant 0.000000e+00 : f32
      %broadcast_in_dim3A_3120 = vector.broadcast %broadcast_in_dim3A_3119 : f32 to vector<16xf32>
      %get3A_3121 = arith.constant 1 : i32
      %get3A_3122 = arith.index_cast %get3A_3121 : i32 to index
      %get3A_3123 = arith.constant 0 : index
      %get3A_3124 = tpu.vector_load %arg14[%get3A_3122, %get3A_3123] {strides = array<i32>} : memref<16x64xf32, #tpu.memory_space<vmem>>, vector<16xf32>,
      %get3A_3125 = arith.constant 1 : i32
      %get3A_3126 = arith.index_cast %get3A_3125 : i32 to index
      %get3A_3127 = arith.constant 0 : index
      %get3A_3128 = tpu.vector_load %arg15[%get3A_3126, %get3A_3127] {strides = array<i32>} : memref<16x64xf32, #tpu.memory_space<vmem>>, vector<16xf32>,
      %add3A_3129 = arith.addf %get3A_3124, %get3A_3128 : vector<16xf32>
      %get3A_3130 = arith.constant 1 : i32
      %get3A_3131 = arith.index_cast %get3A_3130 : i32 to index
      %get3A_3132 = arith.constant 0 : index
      %get3A_3133 = tpu.vector_load %arg16[%get3A_3131, %get3A_3132] {strides = array<i32>} : memref<16x64xf32, #tpu.memory_space<vmem>>, vector<16xf32>,
      %sub3A_3134 = arith.subf %add3A_3129, %get3A_3133 : vector<16xf32>
      %mul3A_3135 = arith.mulf %sub3A_3134, %sub3A_3134 : vector<16xf32>
      %add3A_3136 = arith.addf %broadcast_in_dim3A_3120, %mul3A_3135 : vector<16xf32>
      %get3A_3137 = arith.constant 1 : i32
      %get3A_3138 = arith.index_cast %get3A_3137 : i32 to index
      %get3A_3139 = arith.constant 16 : index
      %get3A_3140 = tpu.vector_load %arg14[%get3A_3138, %get3A_3139] {strides = array<i32>} : memref<16x64xf32, #tpu.memory_space<vmem>>, vector<16xf32>,
      %get3A_3141 = arith.constant 1 : i32
      %get3A_3142 = arith.index_cast %get3A_3141 : i32 to index
      %get3A_3143 = arith.constant 16 : index
      %get3A_3144 = tpu.vector_load %arg15[%get3A_3142, %get3A_3143] {strides = array<i32>} : memref<16x64xf32, #tpu.memory_space<vmem>>, vector<16xf32>,
      %add3A_3145 = arith.addf %get3A_3140, %get3A_3144 : vector<16xf32>
      %get3A_3146 = arith.constant 1 : i32
      %get3A_3147 = arith.index_cast %get3A_3146 : i32 to index
      %get3A_3148 = arith.constant 16 : index
      %get3A_3149 = tpu.vector_load %arg16[%get3A_3147, %get3A_3148] {strides = array<i32>} : memref<16x64xf32, #tpu.memory_space<vmem>>, vector<16xf32>,
      %sub3A_3150 = arith.subf %add3A_3145, %get3A_3149 : vector<16xf32>
      %mul3A_3151 = arith.mulf %sub3A_3150, %sub3A_3150 : vector<16xf32>
      %add3A_3152 = arith.addf %add3A_3136, %mul3A_3151 : vector<16xf32>
      %get3A_3153 = arith.constant 1 : i32
      %get3A_3154 = arith.index_cast %get3A_3153 : i32 to index
      %get3A_3155 = arith.constant 32 : index
      %get3A_3156 = tpu.vector_load %arg14[%get3A_3154, %get3A_3155] {strides = array<i32>} : memref<16x64xf32, #tpu.memory_space<vmem>>, vector<16xf32>,
      %get3A_3157 = arith.constant 1 : i32
      %get3A_3158 = arith.index_cast %get3A_3157 : i32 to index
      %get3A_3159 = arith.constant 32 : index
      %get3A_3160 = tpu.vector_load %arg15[%get3A_3158, %get3A_3159] {strides = array<i32>} : memref<16x64xf32, #tpu.memory_space<vmem>>, vector<16xf32>,
      %add3A_3161 = arith.addf %get3A_3156, %get3A_3160 : vector<16xf32>
      %get3A_3162 = arith.constant 1 : i32
      %get3A_3163 = arith.index_cast %get3A_3162 : i32 to index
      %get3A_3164 = arith.constant 32 : index
      %get3A_3165 = tpu.vector_load %arg16[%get3A_3163, %get3A_3164] {strides = array<i32>} : memref<16x64xf32, #tpu.memory_space<vmem>>, vector<16xf32>,
      %sub3A_3166 = arith.subf %add3A_3161, %get3A_3165 : vector<16xf32>
      %mul3A_3167 = arith.mulf %sub3A_3166, %sub3A_3166 : vector<16xf32>
      %add3A_3168 = arith.addf %add3A_3152, %mul3A_3167 : vector<16xf32>
      %get3A_3169 = arith.constant 1 : i32
      %get3A_3170 = arith.index_cast %get3A_3169 : i32 to index
      %get3A_3171 = arith.constant 48 : index
      %get3A_3172 = tpu.vector_load %arg14[%get3A_3170, %get3A_3171] {strides = array<i32>} : memref<16x64xf32, #tpu.memory_space<vmem>>, vector<16xf32>,
      %get3A_3173 = arith.constant 1 : i32
      %get3A_3174 = arith.index_cast %get3A_3173 : i32 to index
      %get3A_3175 = arith.constant 48 : index
      %get3A_3176 = tpu.vector_load %arg15[%get3A_3174, %get3A_3175] {strides = array<i32>} : memref<16x64xf32, #tpu.memory_space<vmem>>, vector<16xf32>,
      %add3A_3177 = arith.addf %get3A_3172, %get3A_3176 : vector<16xf32>
      %get3A_3178 = arith.constant 1 : i32
      %get3A_3179 = arith.index_cast %get3A_3178 : i32 to index
      %get3A_3180 = arith.constant 48 : index
      %get3A_3181 = tpu.vector_load %arg16[%get3A_3179, %get3A_3180] {strides = array<i32>} : memref<16x64xf32, #tpu.memory_space<vmem>>, vector<16xf32>,
      %sub3A_3182 = arith.subf %add3A_3177, %get3A_3181 : vector<16xf32>
      %mul3A_3183 = arith.mulf %sub3A_3182, %sub3A_3182 : vector<16xf32>
      %add3A_3184 = arith.addf %add3A_3168, %mul3A_3183 : vector<16xf32>
      %eq3A_3185 = arith.constant 1 : i32
      %eq3A_3186 = vector.broadcast %eq3A_3185 : i32 to vector<16xi32>
      %eq3A_3187 = arith.cmpi eq, %iota3A, %eq3A_3186 : vector<16xi32>
      %reduce_sum3A_3188 = arith.constant true
      %reduce_sum3A_3189 = vector.broadcast %reduce_sum3A_3188 : i1 to vector<16xi1>
      %reduce_sum3A_3190 = tpu.scan <sum>, %add3A_3184 masked %reduce_sum3A_3189 : vector<16xf32>, vector<16xi1> -> vector<16xf32>
      %reduce_sum3A_3191 = vector.extract %reduce_sum3A_3190[15] : f32 from vector<16xf32>
      %broadcast_in_dim3A_3192 = vector.broadcast %reduce_sum3A_3191 : f32 to vector<16xf32>
      %select_n3A_3193 = arith.select %eq3A_3187, %broadcast_in_dim3A_3192, %select_n3A_3118 : vector<16xi1>, vector<16xf32>
      %broadcast_in_dim3A_3194 = arith.constant 0.000000e+00 : f32
      %broadcast_in_dim3A_3195 = vector.broadcast %broadcast_in_dim3A_3194 : f32 to vector<16xf32>
      %get3A_3196 = arith.constant 2 : i32
      %get3A_3197 = arith.index_cast %get3A_3196 : i32 to index
      %get3A_3198 = arith.constant 0 : index
      %get3A_3199 = tpu.vector_load %arg14[%get3A_3197, %get3A_3198] {strides = array<i32>} : memref<16x64xf32, #tpu.memory_space<vmem>>, vector<16xf32>,
      %get3A_3200 = arith.constant 2 : i32
      %get3A_3201 = arith.index_cast %get3A_3200 : i32 to index
      %get3A_3202 = arith.constant 0 : index
      %get3A_3203 = tpu.vector_load %arg15[%get3A_3201, %get3A_3202] {strides = array<i32>} : memref<16x64xf32, #tpu.memory_space<vmem>>, vector<16xf32>,
      %add3A_3204 = arith.addf %get3A_3199, %get3A_3203 : vector<16xf32>
      %get3A_3205 = arith.constant 2 : i32
      %get3A_3206 = arith.index_cast %get3A_3205 : i32 to index
      %get3A_3207 = arith.constant 0 : index
      %get3A_3208 = tpu.vector_load %arg16[%get3A_3206, %get3A_3207] {strides = array<i32>} : memref<16x64xf32, #tpu.memory_space<vmem>>, vector<16xf32>,
      %sub3A_3209 = arith.subf %add3A_3204, %get3A_3208 : vector<16xf32>
      %mul3A_3210 = arith.mulf %sub3A_3209, %sub3A_3209 : vector<16xf32>
      %add3A_3211 = arith.addf %broadcast_in_dim3A_3195, %mul3A_3210 : vector<16xf32>
      %get3A_3212 = arith.constant 2 : i32
      %get3A_3213 = arith.index_cast %get3A_3212 : i32 to index
      %get3A_3214 = arith.constant 16 : index
      %get3A_3215 = tpu.vector_load %arg14[%get3A_3213, %get3A_3214] {strides = array<i32>} : memref<16x64xf32, #tpu.memory_space<vmem>>, vector<16xf32>,
      %get3A_3216 = arith.constant 2 : i32
      %get3A_3217 = arith.index_cast %get3A_3216 : i32 to index
      %get3A_3218 = arith.constant 16 : index
      %get3A_3219 = tpu.vector_load %arg15[%get3A_3217, %get3A_3218] {strides = array<i32>} : memref<16x64xf32, #tpu.memory_space<vmem>>, vector<16xf32>,
      %add3A_3220 = arith.addf %get3A_3215, %get3A_3219 : vector<16xf32>
      %get3A_3221 = arith.constant 2 : i32
      %get3A_3222 = arith.index_cast %get3A_3221 : i32 to index
      %get3A_3223 = arith.constant 16 : index
      %get3A_3224 = tpu.vector_load %arg16[%get3A_3222, %get3A_3223] {strides = array<i32>} : memref<16x64xf32, #tpu.memory_space<vmem>>, vector<16xf32>,
      %sub3A_3225 = arith.subf %add3A_3220, %get3A_3224 : vector<16xf32>
      %mul3A_3226 = arith.mulf %sub3A_3225, %sub3A_3225 : vector<16xf32>
      %add3A_3227 = arith.addf %add3A_3211, %mul3A_3226 : vector<16xf32>
      %get3A_3228 = arith.constant 2 : i32
      %get3A_3229 = arith.index_cast %get3A_3228 : i32 to index
      %get3A_3230 = arith.constant 32 : index
      %get3A_3231 = tpu.vector_load %arg14[%get3A_3229, %get3A_3230] {strides = array<i32>} : memref<16x64xf32, #tpu.memory_space<vmem>>, vector<16xf32>,
      %get3A_3232 = arith.constant 2 : i32
      %get3A_3233 = arith.index_cast %get3A_3232 : i32 to index
      %get3A_3234 = arith.constant 32 : index
      %get3A_3235 = tpu.vector_load %arg15[%get3A_3233, %get3A_3234] {strides = array<i32>} : memref<16x64xf32, #tpu.memory_space<vmem>>, vector<16xf32>,
      %add3A_3236 = arith.addf %get3A_3231, %get3A_3235 : vector<16xf32>
      %get3A_3237 = arith.constant 2 : i32
      %get3A_3238 = arith.index_cast %get3A_3237 : i32 to index
      %get3A_3239 = arith.constant 32 : index
      %get3A_3240 = tpu.vector_load %arg16[%get3A_3238, %get3A_3239] {strides = array<i32>} : memref<16x64xf32, #tpu.memory_space<vmem>>, vector<16xf32>,
      %sub3A_3241 = arith.subf %add3A_3236, %get3A_3240 : vector<16xf32>
      %mul3A_3242 = arith.mulf %sub3A_3241, %sub3A_3241 : vector<16xf32>
      %add3A_3243 = arith.addf %add3A_3227, %mul3A_3242 : vector<16xf32>
      %get3A_3244 = arith.constant 2 : i32
      %get3A_3245 = arith.index_cast %get3A_3244 : i32 to index
      %get3A_3246 = arith.constant 48 : index
      %get3A_3247 = tpu.vector_load %arg14[%get3A_3245, %get3A_3246] {strides = array<i32>} : memref<16x64xf32, #tpu.memory_space<vmem>>, vector<16xf32>,
      %get3A_3248 = arith.constant 2 : i32
      %get3A_3249 = arith.index_cast %get3A_3248 : i32 to index
      %get3A_3250 = arith.constant 48 : index
      %get3A_3251 = tpu.vector_load %arg15[%get3A_3249, %get3A_3250] {strides = array<i32>} : memref<16x64xf32, #tpu.memory_space<vmem>>, vector<16xf32>,
      %add3A_3252 = arith.addf %get3A_3247, %get3A_3251 : vector<16xf32>
      %get3A_3253 = arith.constant 2 : i32
      %get3A_3254 = arith.index_cast %get3A_3253 : i32 to index
      %get3A_3255 = arith.constant 48 : index
      %get3A_3256 = tpu.vector_load %arg16[%get3A_3254, %get3A_3255] {strides = array<i32>} : memref<16x64xf32, #tpu.memory_space<vmem>>, vector<16xf32>,
      %sub3A_3257 = arith.subf %add3A_3252, %get3A_3256 : vector<16xf32>
      %mul3A_3258 = arith.mulf %sub3A_3257, %sub3A_3257 : vector<16xf32>
      %add3A_3259 = arith.addf %add3A_3243, %mul3A_3258 : vector<16xf32>
      %eq3A_3260 = arith.constant 2 : i32
      %eq3A_3261 = vector.broadcast %eq3A_3260 : i32 to vector<16xi32>
      %eq3A_3262 = arith.cmpi eq, %iota3A, %eq3A_3261 : vector<16xi32>
      %reduce_sum3A_3263 = arith.constant true
      %reduce_sum3A_3264 = vector.broadcast %reduce_sum3A_3263 : i1 to vector<16xi1>
      %reduce_sum3A_3265 = tpu.scan <sum>, %add3A_3259 masked %reduce_sum3A_3264 : vector<16xf32>, vector<16xi1> -> vector<16xf32>
      %reduce_sum3A_3266 = vector.extract %reduce_sum3A_3265[15] : f32 from vector<16xf32>
      %broadcast_in_dim3A_3267 = vector.broadcast %reduce_sum3A_3266 : f32 to vector<16xf32>
      %select_n3A_3268 = arith.select %eq3A_3262, %broadcast_in_dim3A_3267, %select_n3A_3193 : vector<16xi1>, vector<16xf32>
      %broadcast_in_dim3A_3269 = arith.constant 0.000000e+00 : f32
      %broadcast_in_dim3A_3270 = vector.broadcast %broadcast_in_dim3A_3269 : f32 to vector<16xf32>
      %get3A_3271 = arith.constant 3 : i32
      %get3A_3272 = arith.index_cast %get3A_3271 : i32 to index
      %get3A_3273 = arith.constant 0 : index
      %get3A_3274 = tpu.vector_load %arg14[%get3A_3272, %get3A_3273] {strides = array<i32>} : memref<16x64xf32, #tpu.memory_space<vmem>>, vector<16xf32>,
      %get3A_3275 = arith.constant 3 : i32
      %get3A_3276 = arith.index_cast %get3A_3275 : i32 to index
      %get3A_3277 = arith.constant 0 : index
      %get3A_3278 = tpu.vector_load %arg15[%get3A_3276, %get3A_3277] {strides = array<i32>} : memref<16x64xf32, #tpu.memory_space<vmem>>, vector<16xf32>,
      %add3A_3279 = arith.addf %get3A_3274, %get3A_3278 : vector<16xf32>
      %get3A_3280 = arith.constant 3 : i32
      %get3A_3281 = arith.index_cast %get3A_3280 : i32 to index
      %get3A_3282 = arith.constant 0 : index
      %get3A_3283 = tpu.vector_load %arg16[%get3A_3281, %get3A_3282] {strides = array<i32>} : memref<16x64xf32, #tpu.memory_space<vmem>>, vector<16xf32>,
      %sub3A_3284 = arith.subf %add3A_3279, %get3A_3283 : vector<16xf32>
      %mul3A_3285 = arith.mulf %sub3A_3284, %sub3A_3284 : vector<16xf32>
      %add3A_3286 = arith.addf %broadcast_in_dim3A_3270, %mul3A_3285 : vector<16xf32>
      %get3A_3287 = arith.constant 3 : i32
      %get3A_3288 = arith.index_cast %get3A_3287 : i32 to index
      %get3A_3289 = arith.constant 16 : index
      %get3A_3290 = tpu.vector_load %arg14[%get3A_3288, %get3A_3289] {strides = array<i32>} : memref<16x64xf32, #tpu.memory_space<vmem>>, vector<16xf32>,
      %get3A_3291 = arith.constant 3 : i32
      %get3A_3292 = arith.index_cast %get3A_3291 : i32 to index
      %get3A_3293 = arith.constant 16 : index
      %get3A_3294 = tpu.vector_load %arg15[%get3A_3292, %get3A_3293] {strides = array<i32>} : memref<16x64xf32, #tpu.memory_space<vmem>>, vector<16xf32>,
      %add3A_3295 = arith.addf %get3A_3290, %get3A_3294 : vector<16xf32>
      %get3A_3296 = arith.constant 3 : i32
      %get3A_3297 = arith.index_cast %get3A_3296 : i32 to index
      %get3A_3298 = arith.constant 16 : index
      %get3A_3299 = tpu.vector_load %arg16[%get3A_3297, %get3A_3298] {strides = array<i32>} : memref<16x64xf32, #tpu.memory_space<vmem>>, vector<16xf32>,
      %sub3A_3300 = arith.subf %add3A_3295, %get3A_3299 : vector<16xf32>
      %mul3A_3301 = arith.mulf %sub3A_3300, %sub3A_3300 : vector<16xf32>
      %add3A_3302 = arith.addf %add3A_3286, %mul3A_3301 : vector<16xf32>
      %get3A_3303 = arith.constant 3 : i32
      %get3A_3304 = arith.index_cast %get3A_3303 : i32 to index
      %get3A_3305 = arith.constant 32 : index
      %get3A_3306 = tpu.vector_load %arg14[%get3A_3304, %get3A_3305] {strides = array<i32>} : memref<16x64xf32, #tpu.memory_space<vmem>>, vector<16xf32>,
      %get3A_3307 = arith.constant 3 : i32
      %get3A_3308 = arith.index_cast %get3A_3307 : i32 to index
      %get3A_3309 = arith.constant 32 : index
      %get3A_3310 = tpu.vector_load %arg15[%get3A_3308, %get3A_3309] {strides = array<i32>} : memref<16x64xf32, #tpu.memory_space<vmem>>, vector<16xf32>,
      %add3A_3311 = arith.addf %get3A_3306, %get3A_3310 : vector<16xf32>
      %get3A_3312 = arith.constant 3 : i32
      %get3A_3313 = arith.index_cast %get3A_3312 : i32 to index
      %get3A_3314 = arith.constant 32 : index
      %get3A_3315 = tpu.vector_load %arg16[%get3A_3313, %get3A_3314] {strides = array<i32>} : memref<16x64xf32, #tpu.memory_space<vmem>>, vector<16xf32>,
      %sub3A_3316 = arith.subf %add3A_3311, %get3A_3315 : vector<16xf32>
      %mul3A_3317 = arith.mulf %sub3A_3316, %sub3A_3316 : vector<16xf32>
      %add3A_3318 = arith.addf %add3A_3302, %mul3A_3317 : vector<16xf32>
      %get3A_3319 = arith.constant 3 : i32
      %get3A_3320 = arith.index_cast %get3A_3319 : i32 to index
      %get3A_3321 = arith.constant 48 : index
      %get3A_3322 = tpu.vector_load %arg14[%get3A_3320, %get3A_3321] {strides = array<i32>} : memref<16x64xf32, #tpu.memory_space<vmem>>, vector<16xf32>,
      %get3A_3323 = arith.constant 3 : i32
      %get3A_3324 = arith.index_cast %get3A_3323 : i32 to index
      %get3A_3325 = arith.constant 48 : index
      %get3A_3326 = tpu.vector_load %arg15[%get3A_3324, %get3A_3325] {strides = array<i32>} : memref<16x64xf32, #tpu.memory_space<vmem>>, vector<16xf32>,
      %add3A_3327 = arith.addf %get3A_3322, %get3A_3326 : vector<16xf32>
      %get3A_3328 = arith.constant 3 : i32
      %get3A_3329 = arith.index_cast %get3A_3328 : i32 to index
      %get3A_3330 = arith.constant 48 : index
      %get3A_3331 = tpu.vector_load %arg16[%get3A_3329, %get3A_3330] {strides = array<i32>} : memref<16x64xf32, #tpu.memory_space<vmem>>, vector<16xf32>,
      %sub3A_3332 = arith.subf %add3A_3327, %get3A_3331 : vector<16xf32>
      %mul3A_3333 = arith.mulf %sub3A_3332, %sub3A_3332 : vector<16xf32>
      %add3A_3334 = arith.addf %add3A_3318, %mul3A_3333 : vector<16xf32>
      %eq3A_3335 = arith.constant 3 : i32
      %eq3A_3336 = vector.broadcast %eq3A_3335 : i32 to vector<16xi32>
      %eq3A_3337 = arith.cmpi eq, %iota3A, %eq3A_3336 : vector<16xi32>
      %reduce_sum3A_3338 = arith.constant true
      %reduce_sum3A_3339 = vector.broadcast %reduce_sum3A_3338 : i1 to vector<16xi1>
      %reduce_sum3A_3340 = tpu.scan <sum>, %add3A_3334 masked %reduce_sum3A_3339 : vector<16xf32>, vector<16xi1> -> vector<16xf32>
      %reduce_sum3A_3341 = vector.extract %reduce_sum3A_3340[15] : f32 from vector<16xf32>
      %broadcast_in_dim3A_3342 = vector.broadcast %reduce_sum3A_3341 : f32 to vector<16xf32>
      %select_n3A_3343 = arith.select %eq3A_3337, %broadcast_in_dim3A_3342, %select_n3A_3268 : vector<16xi1>, vector<16xf32>
      %broadcast_in_dim3A_3344 = arith.constant 0.000000e+00 : f32
      %broadcast_in_dim3A_3345 = vector.broadcast %broadcast_in_dim3A_3344 : f32 to vector<16xf32>
      %get3A_3346 = arith.constant 4 : i32
      %get3A_3347 = arith.index_cast %get3A_3346 : i32 to index
      %get3A_3348 = arith.constant 0 : index
      %get3A_3349 = tpu.vector_load %arg14[%get3A_3347, %get3A_3348] {strides = array<i32>} : memref<16x64xf32, #tpu.memory_space<vmem>>, vector<16xf32>,
      %get3A_3350 = arith.constant 4 : i32
      %get3A_3351 = arith.index_cast %get3A_3350 : i32 to index
      %get3A_3352 = arith.constant 0 : index
      %get3A_3353 = tpu.vector_load %arg15[%get3A_3351, %get3A_3352] {strides = array<i32>} : memref<16x64xf32, #tpu.memory_space<vmem>>, vector<16xf32>,
      %add3A_3354 = arith.addf %get3A_3349, %get3A_3353 : vector<16xf32>
      %get3A_3355 = arith.constant 4 : i32
      %get3A_3356 = arith.index_cast %get3A_3355 : i32 to index
      %get3A_3357 = arith.constant 0 : index
      %get3A_3358 = tpu.vector_load %arg16[%get3A_3356, %get3A_3357] {strides = array<i32>} : memref<16x64xf32, #tpu.memory_space<vmem>>, vector<16xf32>,
      %sub3A_3359 = arith.subf %add3A_3354, %get3A_3358 : vector<16xf32>
      %mul3A_3360 = arith.mulf %sub3A_3359, %sub3A_3359 : vector<16xf32>
      %add3A_3361 = arith.addf %broadcast_in_dim3A_3345, %mul3A_3360 : vector<16xf32>
      %get3A_3362 = arith.constant 4 : i32
      %get3A_3363 = arith.index_cast %get3A_3362 : i32 to index
      %get3A_3364 = arith.constant 16 : index
      %get3A_3365 = tpu.vector_load %arg14[%get3A_3363, %get3A_3364] {strides = array<i32>} : memref<16x64xf32, #tpu.memory_space<vmem>>, vector<16xf32>,
      %get3A_3366 = arith.constant 4 : i32
      %get3A_3367 = arith.index_cast %get3A_3366 : i32 to index
      %get3A_3368 = arith.constant 16 : index
      %get3A_3369 = tpu.vector_load %arg15[%get3A_3367, %get3A_3368] {strides = array<i32>} : memref<16x64xf32, #tpu.memory_space<vmem>>, vector<16xf32>,
      %add3A_3370 = arith.addf %get3A_3365, %get3A_3369 : vector<16xf32>
      %get3A_3371 = arith.constant 4 : i32
      %get3A_3372 = arith.index_cast %get3A_3371 : i32 to index
      %get3A_3373 = arith.constant 16 : index
      %get3A_3374 = tpu.vector_load %arg16[%get3A_3372, %get3A_3373] {strides = array<i32>} : memref<16x64xf32, #tpu.memory_space<vmem>>, vector<16xf32>,
      %sub3A_3375 = arith.subf %add3A_3370, %get3A_3374 : vector<16xf32>
      %mul3A_3376 = arith.mulf %sub3A_3375, %sub3A_3375 : vector<16xf32>
      %add3A_3377 = arith.addf %add3A_3361, %mul3A_3376 : vector<16xf32>
      %get3A_3378 = arith.constant 4 : i32
      %get3A_3379 = arith.index_cast %get3A_3378 : i32 to index
      %get3A_3380 = arith.constant 32 : index
      %get3A_3381 = tpu.vector_load %arg14[%get3A_3379, %get3A_3380] {strides = array<i32>} : memref<16x64xf32, #tpu.memory_space<vmem>>, vector<16xf32>,
      %get3A_3382 = arith.constant 4 : i32
      %get3A_3383 = arith.index_cast %get3A_3382 : i32 to index
      %get3A_3384 = arith.constant 32 : index
      %get3A_3385 = tpu.vector_load %arg15[%get3A_3383, %get3A_3384] {strides = array<i32>} : memref<16x64xf32, #tpu.memory_space<vmem>>, vector<16xf32>,
      %add3A_3386 = arith.addf %get3A_3381, %get3A_3385 : vector<16xf32>
      %get3A_3387 = arith.constant 4 : i32
      %get3A_3388 = arith.index_cast %get3A_3387 : i32 to index
      %get3A_3389 = arith.constant 32 : index
      %get3A_3390 = tpu.vector_load %arg16[%get3A_3388, %get3A_3389] {strides = array<i32>} : memref<16x64xf32, #tpu.memory_space<vmem>>, vector<16xf32>,
      %sub3A_3391 = arith.subf %add3A_3386, %get3A_3390 : vector<16xf32>
      %mul3A_3392 = arith.mulf %sub3A_3391, %sub3A_3391 : vector<16xf32>
      %add3A_3393 = arith.addf %add3A_3377, %mul3A_3392 : vector<16xf32>
      %get3A_3394 = arith.constant 4 : i32
      %get3A_3395 = arith.index_cast %get3A_3394 : i32 to index
      %get3A_3396 = arith.constant 48 : index
      %get3A_3397 = tpu.vector_load %arg14[%get3A_3395, %get3A_3396] {strides = array<i32>} : memref<16x64xf32, #tpu.memory_space<vmem>>, vector<16xf32>,
      %get3A_3398 = arith.constant 4 : i32
      %get3A_3399 = arith.index_cast %get3A_3398 : i32 to index
      %get3A_3400 = arith.constant 48 : index
      %get3A_3401 = tpu.vector_load %arg15[%get3A_3399, %get3A_3400] {strides = array<i32>} : memref<16x64xf32, #tpu.memory_space<vmem>>, vector<16xf32>,
      %add3A_3402 = arith.addf %get3A_3397, %get3A_3401 : vector<16xf32>
      %get3A_3403 = arith.constant 4 : i32
      %get3A_3404 = arith.index_cast %get3A_3403 : i32 to index
      %get3A_3405 = arith.constant 48 : index
      %get3A_3406 = tpu.vector_load %arg16[%get3A_3404, %get3A_3405] {strides = array<i32>} : memref<16x64xf32, #tpu.memory_space<vmem>>, vector<16xf32>,
      %sub3A_3407 = arith.subf %add3A_3402, %get3A_3406 : vector<16xf32>
      %mul3A_3408 = arith.mulf %sub3A_3407, %sub3A_3407 : vector<16xf32>
      %add3A_3409 = arith.addf %add3A_3393, %mul3A_3408 : vector<16xf32>
      %eq3A_3410 = arith.constant 4 : i32
      %eq3A_3411 = vector.broadcast %eq3A_3410 : i32 to vector<16xi32>
      %eq3A_3412 = arith.cmpi eq, %iota3A, %eq3A_3411 : vector<16xi32>
      %reduce_sum3A_3413 = arith.constant true
      %reduce_sum3A_3414 = vector.broadcast %reduce_sum3A_3413 : i1 to vector<16xi1>
      %reduce_sum3A_3415 = tpu.scan <sum>, %add3A_3409 masked %reduce_sum3A_3414 : vector<16xf32>, vector<16xi1> -> vector<16xf32>
      %reduce_sum3A_3416 = vector.extract %reduce_sum3A_3415[15] : f32 from vector<16xf32>
      %broadcast_in_dim3A_3417 = vector.broadcast %reduce_sum3A_3416 : f32 to vector<16xf32>
      %select_n3A_3418 = arith.select %eq3A_3412, %broadcast_in_dim3A_3417, %select_n3A_3343 : vector<16xi1>, vector<16xf32>
      %broadcast_in_dim3A_3419 = arith.constant 0.000000e+00 : f32
      %broadcast_in_dim3A_3420 = vector.broadcast %broadcast_in_dim3A_3419 : f32 to vector<16xf32>
      %get3A_3421 = arith.constant 5 : i32
      %get3A_3422 = arith.index_cast %get3A_3421 : i32 to index
      %get3A_3423 = arith.constant 0 : index
      %get3A_3424 = tpu.vector_load %arg14[%get3A_3422, %get3A_3423] {strides = array<i32>} : memref<16x64xf32, #tpu.memory_space<vmem>>, vector<16xf32>,
      %get3A_3425 = arith.constant 5 : i32
      %get3A_3426 = arith.index_cast %get3A_3425 : i32 to index
      %get3A_3427 = arith.constant 0 : index
      %get3A_3428 = tpu.vector_load %arg15[%get3A_3426, %get3A_3427] {strides = array<i32>} : memref<16x64xf32, #tpu.memory_space<vmem>>, vector<16xf32>,
      %add3A_3429 = arith.addf %get3A_3424, %get3A_3428 : vector<16xf32>
      %get3A_3430 = arith.constant 5 : i32
      %get3A_3431 = arith.index_cast %get3A_3430 : i32 to index
      %get3A_3432 = arith.constant 0 : index
      %get3A_3433 = tpu.vector_load %arg16[%get3A_3431, %get3A_3432] {strides = array<i32>} : memref<16x64xf32, #tpu.memory_space<vmem>>, vector<16xf32>,
      %sub3A_3434 = arith.subf %add3A_3429, %get3A_3433 : vector<16xf32>
      %mul3A_3435 = arith.mulf %sub3A_3434, %sub3A_3434 : vector<16xf32>
      %add3A_3436 = arith.addf %broadcast_in_dim3A_3420, %mul3A_3435 : vector<16xf32>
      %get3A_3437 = arith.constant 5 : i32
      %get3A_3438 = arith.index_cast %get3A_3437 : i32 to index
      %get3A_3439 = arith.constant 16 : index
      %get3A_3440 = tpu.vector_load %arg14[%get3A_3438, %get3A_3439] {strides = array<i32>} : memref<16x64xf32, #tpu.memory_space<vmem>>, vector<16xf32>,
      %get3A_3441 = arith.constant 5 : i32
      %get3A_3442 = arith.index_cast %get3A_3441 : i32 to index
      %get3A_3443 = arith.constant 16 : index
      %get3A_3444 = tpu.vector_load %arg15[%get3A_3442, %get3A_3443] {strides = array<i32>} : memref<16x64xf32, #tpu.memory_space<vmem>>, vector<16xf32>,
      %add3A_3445 = arith.addf %get3A_3440, %get3A_3444 : vector<16xf32>
      %get3A_3446 = arith.constant 5 : i32
      %get3A_3447 = arith.index_cast %get3A_3446 : i32 to index
      %get3A_3448 = arith.constant 16 : index
      %get3A_3449 = tpu.vector_load %arg16[%get3A_3447, %get3A_3448] {strides = array<i32>} : memref<16x64xf32, #tpu.memory_space<vmem>>, vector<16xf32>,
      %sub3A_3450 = arith.subf %add3A_3445, %get3A_3449 : vector<16xf32>
      %mul3A_3451 = arith.mulf %sub3A_3450, %sub3A_3450 : vector<16xf32>
      %add3A_3452 = arith.addf %add3A_3436, %mul3A_3451 : vector<16xf32>
      %get3A_3453 = arith.constant 5 : i32
      %get3A_3454 = arith.index_cast %get3A_3453 : i32 to index
      %get3A_3455 = arith.constant 32 : index
      %get3A_3456 = tpu.vector_load %arg14[%get3A_3454, %get3A_3455] {strides = array<i32>} : memref<16x64xf32, #tpu.memory_space<vmem>>, vector<16xf32>,
      %get3A_3457 = arith.constant 5 : i32
      %get3A_3458 = arith.index_cast %get3A_3457 : i32 to index
      %get3A_3459 = arith.constant 32 : index
      %get3A_3460 = tpu.vector_load %arg15[%get3A_3458, %get3A_3459] {strides = array<i32>} : memref<16x64xf32, #tpu.memory_space<vmem>>, vector<16xf32>,
      %add3A_3461 = arith.addf %get3A_3456, %get3A_3460 : vector<16xf32>
      %get3A_3462 = arith.constant 5 : i32
      %get3A_3463 = arith.index_cast %get3A_3462 : i32 to index
      %get3A_3464 = arith.constant 32 : index
      %get3A_3465 = tpu.vector_load %arg16[%get3A_3463, %get3A_3464] {strides = array<i32>} : memref<16x64xf32, #tpu.memory_space<vmem>>, vector<16xf32>,
      %sub3A_3466 = arith.subf %add3A_3461, %get3A_3465 : vector<16xf32>
      %mul3A_3467 = arith.mulf %sub3A_3466, %sub3A_3466 : vector<16xf32>
      %add3A_3468 = arith.addf %add3A_3452, %mul3A_3467 : vector<16xf32>
      %get3A_3469 = arith.constant 5 : i32
      %get3A_3470 = arith.index_cast %get3A_3469 : i32 to index
      %get3A_3471 = arith.constant 48 : index
      %get3A_3472 = tpu.vector_load %arg14[%get3A_3470, %get3A_3471] {strides = array<i32>} : memref<16x64xf32, #tpu.memory_space<vmem>>, vector<16xf32>,
      %get3A_3473 = arith.constant 5 : i32
      %get3A_3474 = arith.index_cast %get3A_3473 : i32 to index
      %get3A_3475 = arith.constant 48 : index
      %get3A_3476 = tpu.vector_load %arg15[%get3A_3474, %get3A_3475] {strides = array<i32>} : memref<16x64xf32, #tpu.memory_space<vmem>>, vector<16xf32>,
      %add3A_3477 = arith.addf %get3A_3472, %get3A_3476 : vector<16xf32>
      %get3A_3478 = arith.constant 5 : i32
      %get3A_3479 = arith.index_cast %get3A_3478 : i32 to index
      %get3A_3480 = arith.constant 48 : index
      %get3A_3481 = tpu.vector_load %arg16[%get3A_3479, %get3A_3480] {strides = array<i32>} : memref<16x64xf32, #tpu.memory_space<vmem>>, vector<16xf32>,
      %sub3A_3482 = arith.subf %add3A_3477, %get3A_3481 : vector<16xf32>
      %mul3A_3483 = arith.mulf %sub3A_3482, %sub3A_3482 : vector<16xf32>
      %add3A_3484 = arith.addf %add3A_3468, %mul3A_3483 : vector<16xf32>
      %eq3A_3485 = arith.constant 5 : i32
      %eq3A_3486 = vector.broadcast %eq3A_3485 : i32 to vector<16xi32>
      %eq3A_3487 = arith.cmpi eq, %iota3A, %eq3A_3486 : vector<16xi32>
      %reduce_sum3A_3488 = arith.constant true
      %reduce_sum3A_3489 = vector.broadcast %reduce_sum3A_3488 : i1 to vector<16xi1>
      %reduce_sum3A_3490 = tpu.scan <sum>, %add3A_3484 masked %reduce_sum3A_3489 : vector<16xf32>, vector<16xi1> -> vector<16xf32>
      %reduce_sum3A_3491 = vector.extract %reduce_sum3A_3490[15] : f32 from vector<16xf32>
      %broadcast_in_dim3A_3492 = vector.broadcast %reduce_sum3A_3491 : f32 to vector<16xf32>
      %select_n3A_3493 = arith.select %eq3A_3487, %broadcast_in_dim3A_3492, %select_n3A_3418 : vector<16xi1>, vector<16xf32>
      %broadcast_in_dim3A_3494 = arith.constant 0.000000e+00 : f32
      %broadcast_in_dim3A_3495 = vector.broadcast %broadcast_in_dim3A_3494 : f32 to vector<16xf32>
      %get3A_3496 = arith.constant 6 : i32
      %get3A_3497 = arith.index_cast %get3A_3496 : i32 to index
      %get3A_3498 = arith.constant 0 : index
      %get3A_3499 = tpu.vector_load %arg14[%get3A_3497, %get3A_3498] {strides = array<i32>} : memref<16x64xf32, #tpu.memory_space<vmem>>, vector<16xf32>,
      %get3A_3500 = arith.constant 6 : i32
      %get3A_3501 = arith.index_cast %get3A_3500 : i32 to index
      %get3A_3502 = arith.constant 0 : index
      %get3A_3503 = tpu.vector_load %arg15[%get3A_3501, %get3A_3502] {strides = array<i32>} : memref<16x64xf32, #tpu.memory_space<vmem>>, vector<16xf32>,
      %add3A_3504 = arith.addf %get3A_3499, %get3A_3503 : vector<16xf32>
      %get3A_3505 = arith.constant 6 : i32
      %get3A_3506 = arith.index_cast %get3A_3505 : i32 to index
      %get3A_3507 = arith.constant 0 : index
      %get3A_3508 = tpu.vector_load %arg16[%get3A_3506, %get3A_3507] {strides = array<i32>} : memref<16x64xf32, #tpu.memory_space<vmem>>, vector<16xf32>,
      %sub3A_3509 = arith.subf %add3A_3504, %get3A_3508 : vector<16xf32>
      %mul3A_3510 = arith.mulf %sub3A_3509, %sub3A_3509 : vector<16xf32>
      %add3A_3511 = arith.addf %broadcast_in_dim3A_3495, %mul3A_3510 : vector<16xf32>
      %get3A_3512 = arith.constant 6 : i32
      %get3A_3513 = arith.index_cast %get3A_3512 : i32 to index
      %get3A_3514 = arith.constant 16 : index
      %get3A_3515 = tpu.vector_load %arg14[%get3A_3513, %get3A_3514] {strides = array<i32>} : memref<16x64xf32, #tpu.memory_space<vmem>>, vector<16xf32>,
      %get3A_3516 = arith.constant 6 : i32
      %get3A_3517 = arith.index_cast %get3A_3516 : i32 to index
      %get3A_3518 = arith.constant 16 : index
      %get3A_3519 = tpu.vector_load %arg15[%get3A_3517, %get3A_3518] {strides = array<i32>} : memref<16x64xf32, #tpu.memory_space<vmem>>, vector<16xf32>,
      %add3A_3520 = arith.addf %get3A_3515, %get3A_3519 : vector<16xf32>
      %get3A_3521 = arith.constant 6 : i32
      %get3A_3522 = arith.index_cast %get3A_3521 : i32 to index
      %get3A_3523 = arith.constant 16 : index
      %get3A_3524 = tpu.vector_load %arg16[%get3A_3522, %get3A_3523] {strides = array<i32>} : memref<16x64xf32, #tpu.memory_space<vmem>>, vector<16xf32>,
      %sub3A_3525 = arith.subf %add3A_3520, %get3A_3524 : vector<16xf32>
      %mul3A_3526 = arith.mulf %sub3A_3525, %sub3A_3525 : vector<16xf32>
      %add3A_3527 = arith.addf %add3A_3511, %mul3A_3526 : vector<16xf32>
      %get3A_3528 = arith.constant 6 : i32
      %get3A_3529 = arith.index_cast %get3A_3528 : i32 to index
      %get3A_3530 = arith.constant 32 : index
      %get3A_3531 = tpu.vector_load %arg14[%get3A_3529, %get3A_3530] {strides = array<i32>} : memref<16x64xf32, #tpu.memory_space<vmem>>, vector<16xf32>,
      %get3A_3532 = arith.constant 6 : i32
      %get3A_3533 = arith.index_cast %get3A_3532 : i32 to index
      %get3A_3534 = arith.constant 32 : index
      %get3A_3535 = tpu.vector_load %arg15[%get3A_3533, %get3A_3534] {strides = array<i32>} : memref<16x64xf32, #tpu.memory_space<vmem>>, vector<16xf32>,
      %add3A_3536 = arith.addf %get3A_3531, %get3A_3535 : vector<16xf32>
      %get3A_3537 = arith.constant 6 : i32
      %get3A_3538 = arith.index_cast %get3A_3537 : i32 to index
      %get3A_3539 = arith.constant 32 : index
      %get3A_3540 = tpu.vector_load %arg16[%get3A_3538, %get3A_3539] {strides = array<i32>} : memref<16x64xf32, #tpu.memory_space<vmem>>, vector<16xf32>,
      %sub3A_3541 = arith.subf %add3A_3536, %get3A_3540 : vector<16xf32>
      %mul3A_3542 = arith.mulf %sub3A_3541, %sub3A_3541 : vector<16xf32>
      %add3A_3543 = arith.addf %add3A_3527, %mul3A_3542 : vector<16xf32>
      %get3A_3544 = arith.constant 6 : i32
      %get3A_3545 = arith.index_cast %get3A_3544 : i32 to index
      %get3A_3546 = arith.constant 48 : index
      %get3A_3547 = tpu.vector_load %arg14[%get3A_3545, %get3A_3546] {strides = array<i32>} : memref<16x64xf32, #tpu.memory_space<vmem>>, vector<16xf32>,
      %get3A_3548 = arith.constant 6 : i32
      %get3A_3549 = arith.index_cast %get3A_3548 : i32 to index
      %get3A_3550 = arith.constant 48 : index
      %get3A_3551 = tpu.vector_load %arg15[%get3A_3549, %get3A_3550] {strides = array<i32>} : memref<16x64xf32, #tpu.memory_space<vmem>>, vector<16xf32>,
      %add3A_3552 = arith.addf %get3A_3547, %get3A_3551 : vector<16xf32>
      %get3A_3553 = arith.constant 6 : i32
      %get3A_3554 = arith.index_cast %get3A_3553 : i32 to index
      %get3A_3555 = arith.constant 48 : index
      %get3A_3556 = tpu.vector_load %arg16[%get3A_3554, %get3A_3555] {strides = array<i32>} : memref<16x64xf32, #tpu.memory_space<vmem>>, vector<16xf32>,
      %sub3A_3557 = arith.subf %add3A_3552, %get3A_3556 : vector<16xf32>
      %mul3A_3558 = arith.mulf %sub3A_3557, %sub3A_3557 : vector<16xf32>
      %add3A_3559 = arith.addf %add3A_3543, %mul3A_3558 : vector<16xf32>
      %eq3A_3560 = arith.constant 6 : i32
      %eq3A_3561 = vector.broadcast %eq3A_3560 : i32 to vector<16xi32>
      %eq3A_3562 = arith.cmpi eq, %iota3A, %eq3A_3561 : vector<16xi32>
      %reduce_sum3A_3563 = arith.constant true
      %reduce_sum3A_3564 = vector.broadcast %reduce_sum3A_3563 : i1 to vector<16xi1>
      %reduce_sum3A_3565 = tpu.scan <sum>, %add3A_3559 masked %reduce_sum3A_3564 : vector<16xf32>, vector<16xi1> -> vector<16xf32>
      %reduce_sum3A_3566 = vector.extract %reduce_sum3A_3565[15] : f32 from vector<16xf32>
      %broadcast_in_dim3A_3567 = vector.broadcast %reduce_sum3A_3566 : f32 to vector<16xf32>
      %select_n3A_3568 = arith.select %eq3A_3562, %broadcast_in_dim3A_3567, %select_n3A_3493 : vector<16xi1>, vector<16xf32>
      %broadcast_in_dim3A_3569 = arith.constant 0.000000e+00 : f32
      %broadcast_in_dim3A_3570 = vector.broadcast %broadcast_in_dim3A_3569 : f32 to vector<16xf32>
      %get3A_3571 = arith.constant 7 : i32
      %get3A_3572 = arith.index_cast %get3A_3571 : i32 to index
      %get3A_3573 = arith.constant 0 : index
      %get3A_3574 = tpu.vector_load %arg14[%get3A_3572, %get3A_3573] {strides = array<i32>} : memref<16x64xf32, #tpu.memory_space<vmem>>, vector<16xf32>,
      %get3A_3575 = arith.constant 7 : i32
      %get3A_3576 = arith.index_cast %get3A_3575 : i32 to index
      %get3A_3577 = arith.constant 0 : index
      %get3A_3578 = tpu.vector_load %arg15[%get3A_3576, %get3A_3577] {strides = array<i32>} : memref<16x64xf32, #tpu.memory_space<vmem>>, vector<16xf32>,
      %add3A_3579 = arith.addf %get3A_3574, %get3A_3578 : vector<16xf32>
      %get3A_3580 = arith.constant 7 : i32
      %get3A_3581 = arith.index_cast %get3A_3580 : i32 to index
      %get3A_3582 = arith.constant 0 : index
      %get3A_3583 = tpu.vector_load %arg16[%get3A_3581, %get3A_3582] {strides = array<i32>} : memref<16x64xf32, #tpu.memory_space<vmem>>, vector<16xf32>,
      %sub3A_3584 = arith.subf %add3A_3579, %get3A_3583 : vector<16xf32>
      %mul3A_3585 = arith.mulf %sub3A_3584, %sub3A_3584 : vector<16xf32>
      %add3A_3586 = arith.addf %broadcast_in_dim3A_3570, %mul3A_3585 : vector<16xf32>
      %get3A_3587 = arith.constant 7 : i32
      %get3A_3588 = arith.index_cast %get3A_3587 : i32 to index
      %get3A_3589 = arith.constant 16 : index
      %get3A_3590 = tpu.vector_load %arg14[%get3A_3588, %get3A_3589] {strides = array<i32>} : memref<16x64xf32, #tpu.memory_space<vmem>>, vector<16xf32>,
      %get3A_3591 = arith.constant 7 : i32
      %get3A_3592 = arith.index_cast %get3A_3591 : i32 to index
      %get3A_3593 = arith.constant 16 : index
      %get3A_3594 = tpu.vector_load %arg15[%get3A_3592, %get3A_3593] {strides = array<i32>} : memref<16x64xf32, #tpu.memory_space<vmem>>, vector<16xf32>,
      %add3A_3595 = arith.addf %get3A_3590, %get3A_3594 : vector<16xf32>
      %get3A_3596 = arith.constant 7 : i32
      %get3A_3597 = arith.index_cast %get3A_3596 : i32 to index
      %get3A_3598 = arith.constant 16 : index
      %get3A_3599 = tpu.vector_load %arg16[%get3A_3597, %get3A_3598] {strides = array<i32>} : memref<16x64xf32, #tpu.memory_space<vmem>>, vector<16xf32>,
      %sub3A_3600 = arith.subf %add3A_3595, %get3A_3599 : vector<16xf32>
      %mul3A_3601 = arith.mulf %sub3A_3600, %sub3A_3600 : vector<16xf32>
      %add3A_3602 = arith.addf %add3A_3586, %mul3A_3601 : vector<16xf32>
      %get3A_3603 = arith.constant 7 : i32
      %get3A_3604 = arith.index_cast %get3A_3603 : i32 to index
      %get3A_3605 = arith.constant 32 : index
      %get3A_3606 = tpu.vector_load %arg14[%get3A_3604, %get3A_3605] {strides = array<i32>} : memref<16x64xf32, #tpu.memory_space<vmem>>, vector<16xf32>,
      %get3A_3607 = arith.constant 7 : i32
      %get3A_3608 = arith.index_cast %get3A_3607 : i32 to index
      %get3A_3609 = arith.constant 32 : index
      %get3A_3610 = tpu.vector_load %arg15[%get3A_3608, %get3A_3609] {strides = array<i32>} : memref<16x64xf32, #tpu.memory_space<vmem>>, vector<16xf32>,
      %add3A_3611 = arith.addf %get3A_3606, %get3A_3610 : vector<16xf32>
      %get3A_3612 = arith.constant 7 : i32
      %get3A_3613 = arith.index_cast %get3A_3612 : i32 to index
      %get3A_3614 = arith.constant 32 : index
      %get3A_3615 = tpu.vector_load %arg16[%get3A_3613, %get3A_3614] {strides = array<i32>} : memref<16x64xf32, #tpu.memory_space<vmem>>, vector<16xf32>,
      %sub3A_3616 = arith.subf %add3A_3611, %get3A_3615 : vector<16xf32>
      %mul3A_3617 = arith.mulf %sub3A_3616, %sub3A_3616 : vector<16xf32>
      %add3A_3618 = arith.addf %add3A_3602, %mul3A_3617 : vector<16xf32>
      %get3A_3619 = arith.constant 7 : i32
      %get3A_3620 = arith.index_cast %get3A_3619 : i32 to index
      %get3A_3621 = arith.constant 48 : index
      %get3A_3622 = tpu.vector_load %arg14[%get3A_3620, %get3A_3621] {strides = array<i32>} : memref<16x64xf32, #tpu.memory_space<vmem>>, vector<16xf32>,
      %get3A_3623 = arith.constant 7 : i32
      %get3A_3624 = arith.index_cast %get3A_3623 : i32 to index
      %get3A_3625 = arith.constant 48 : index
      %get3A_3626 = tpu.vector_load %arg15[%get3A_3624, %get3A_3625] {strides = array<i32>} : memref<16x64xf32, #tpu.memory_space<vmem>>, vector<16xf32>,
      %add3A_3627 = arith.addf %get3A_3622, %get3A_3626 : vector<16xf32>
      %get3A_3628 = arith.constant 7 : i32
      %get3A_3629 = arith.index_cast %get3A_3628 : i32 to index
      %get3A_3630 = arith.constant 48 : index
      %get3A_3631 = tpu.vector_load %arg16[%get3A_3629, %get3A_3630] {strides = array<i32>} : memref<16x64xf32, #tpu.memory_space<vmem>>, vector<16xf32>,
      %sub3A_3632 = arith.subf %add3A_3627, %get3A_3631 : vector<16xf32>
      %mul3A_3633 = arith.mulf %sub3A_3632, %sub3A_3632 : vector<16xf32>
      %add3A_3634 = arith.addf %add3A_3618, %mul3A_3633 : vector<16xf32>
      %eq3A_3635 = arith.constant 7 : i32
      %eq3A_3636 = vector.broadcast %eq3A_3635 : i32 to vector<16xi32>
      %eq3A_3637 = arith.cmpi eq, %iota3A, %eq3A_3636 : vector<16xi32>
      %reduce_sum3A_3638 = arith.constant true
      %reduce_sum3A_3639 = vector.broadcast %reduce_sum3A_3638 : i1 to vector<16xi1>
      %reduce_sum3A_3640 = tpu.scan <sum>, %add3A_3634 masked %reduce_sum3A_3639 : vector<16xf32>, vector<16xi1> -> vector<16xf32>
      %reduce_sum3A_3641 = vector.extract %reduce_sum3A_3640[15] : f32 from vector<16xf32>
      %broadcast_in_dim3A_3642 = vector.broadcast %reduce_sum3A_3641 : f32 to vector<16xf32>
      %select_n3A_3643 = arith.select %eq3A_3637, %broadcast_in_dim3A_3642, %select_n3A_3568 : vector<16xi1>, vector<16xf32>
      %broadcast_in_dim3A_3644 = arith.constant 0.000000e+00 : f32
      %broadcast_in_dim3A_3645 = vector.broadcast %broadcast_in_dim3A_3644 : f32 to vector<16xf32>
      %get3A_3646 = arith.constant 8 : i32
      %get3A_3647 = arith.index_cast %get3A_3646 : i32 to index
      %get3A_3648 = arith.constant 0 : index
      %get3A_3649 = tpu.vector_load %arg14[%get3A_3647, %get3A_3648] {strides = array<i32>} : memref<16x64xf32, #tpu.memory_space<vmem>>, vector<16xf32>,
      %get3A_3650 = arith.constant 8 : i32
      %get3A_3651 = arith.index_cast %get3A_3650 : i32 to index
      %get3A_3652 = arith.constant 0 : index
      %get3A_3653 = tpu.vector_load %arg15[%get3A_3651, %get3A_3652] {strides = array<i32>} : memref<16x64xf32, #tpu.memory_space<vmem>>, vector<16xf32>,
      %add3A_3654 = arith.addf %get3A_3649, %get3A_3653 : vector<16xf32>
      %get3A_3655 = arith.constant 8 : i32
      %get3A_3656 = arith.index_cast %get3A_3655 : i32 to index
      %get3A_3657 = arith.constant 0 : index
      %get3A_3658 = tpu.vector_load %arg16[%get3A_3656, %get3A_3657] {strides = array<i32>} : memref<16x64xf32, #tpu.memory_space<vmem>>, vector<16xf32>,
      %sub3A_3659 = arith.subf %add3A_3654, %get3A_3658 : vector<16xf32>
      %mul3A_3660 = arith.mulf %sub3A_3659, %sub3A_3659 : vector<16xf32>
      %add3A_3661 = arith.addf %broadcast_in_dim3A_3645, %mul3A_3660 : vector<16xf32>
      %get3A_3662 = arith.constant 8 : i32
      %get3A_3663 = arith.index_cast %get3A_3662 : i32 to index
      %get3A_3664 = arith.constant 16 : index
      %get3A_3665 = tpu.vector_load %arg14[%get3A_3663, %get3A_3664] {strides = array<i32>} : memref<16x64xf32, #tpu.memory_space<vmem>>, vector<16xf32>,
      %get3A_3666 = arith.constant 8 : i32
      %get3A_3667 = arith.index_cast %get3A_3666 : i32 to index
      %get3A_3668 = arith.constant 16 : index
      %get3A_3669 = tpu.vector_load %arg15[%get3A_3667, %get3A_3668] {strides = array<i32>} : memref<16x64xf32, #tpu.memory_space<vmem>>, vector<16xf32>,
      %add3A_3670 = arith.addf %get3A_3665, %get3A_3669 : vector<16xf32>
      %get3A_3671 = arith.constant 8 : i32
      %get3A_3672 = arith.index_cast %get3A_3671 : i32 to index
      %get3A_3673 = arith.constant 16 : index
      %get3A_3674 = tpu.vector_load %arg16[%get3A_3672, %get3A_3673] {strides = array<i32>} : memref<16x64xf32, #tpu.memory_space<vmem>>, vector<16xf32>,
      %sub3A_3675 = arith.subf %add3A_3670, %get3A_3674 : vector<16xf32>
      %mul3A_3676 = arith.mulf %sub3A_3675, %sub3A_3675 : vector<16xf32>
      %add3A_3677 = arith.addf %add3A_3661, %mul3A_3676 : vector<16xf32>
      %get3A_3678 = arith.constant 8 : i32
      %get3A_3679 = arith.index_cast %get3A_3678 : i32 to index
      %get3A_3680 = arith.constant 32 : index
      %get3A_3681 = tpu.vector_load %arg14[%get3A_3679, %get3A_3680] {strides = array<i32>} : memref<16x64xf32, #tpu.memory_space<vmem>>, vector<16xf32>,
      %get3A_3682 = arith.constant 8 : i32
      %get3A_3683 = arith.index_cast %get3A_3682 : i32 to index
      %get3A_3684 = arith.constant 32 : index
      %get3A_3685 = tpu.vector_load %arg15[%get3A_3683, %get3A_3684] {strides = array<i32>} : memref<16x64xf32, #tpu.memory_space<vmem>>, vector<16xf32>,
      %add3A_3686 = arith.addf %get3A_3681, %get3A_3685 : vector<16xf32>
      %get3A_3687 = arith.constant 8 : i32
      %get3A_3688 = arith.index_cast %get3A_3687 : i32 to index
      %get3A_3689 = arith.constant 32 : index
      %get3A_3690 = tpu.vector_load %arg16[%get3A_3688, %get3A_3689] {strides = array<i32>} : memref<16x64xf32, #tpu.memory_space<vmem>>, vector<16xf32>,
      %sub3A_3691 = arith.subf %add3A_3686, %get3A_3690 : vector<16xf32>
      %mul3A_3692 = arith.mulf %sub3A_3691, %sub3A_3691 : vector<16xf32>
      %add3A_3693 = arith.addf %add3A_3677, %mul3A_3692 : vector<16xf32>
      %get3A_3694 = arith.constant 8 : i32
      %get3A_3695 = arith.index_cast %get3A_3694 : i32 to index
      %get3A_3696 = arith.constant 48 : index
      %get3A_3697 = tpu.vector_load %arg14[%get3A_3695, %get3A_3696] {strides = array<i32>} : memref<16x64xf32, #tpu.memory_space<vmem>>, vector<16xf32>,
      %get3A_3698 = arith.constant 8 : i32
      %get3A_3699 = arith.index_cast %get3A_3698 : i32 to index
      %get3A_3700 = arith.constant 48 : index
      %get3A_3701 = tpu.vector_load %arg15[%get3A_3699, %get3A_3700] {strides = array<i32>} : memref<16x64xf32, #tpu.memory_space<vmem>>, vector<16xf32>,
      %add3A_3702 = arith.addf %get3A_3697, %get3A_3701 : vector<16xf32>
      %get3A_3703 = arith.constant 8 : i32
      %get3A_3704 = arith.index_cast %get3A_3703 : i32 to index
      %get3A_3705 = arith.constant 48 : index
      %get3A_3706 = tpu.vector_load %arg16[%get3A_3704, %get3A_3705] {strides = array<i32>} : memref<16x64xf32, #tpu.memory_space<vmem>>, vector<16xf32>,
      %sub3A_3707 = arith.subf %add3A_3702, %get3A_3706 : vector<16xf32>
      %mul3A_3708 = arith.mulf %sub3A_3707, %sub3A_3707 : vector<16xf32>
      %add3A_3709 = arith.addf %add3A_3693, %mul3A_3708 : vector<16xf32>
      %eq3A_3710 = arith.constant 8 : i32
      %eq3A_3711 = vector.broadcast %eq3A_3710 : i32 to vector<16xi32>
      %eq3A_3712 = arith.cmpi eq, %iota3A, %eq3A_3711 : vector<16xi32>
      %reduce_sum3A_3713 = arith.constant true
      %reduce_sum3A_3714 = vector.broadcast %reduce_sum3A_3713 : i1 to vector<16xi1>
      %reduce_sum3A_3715 = tpu.scan <sum>, %add3A_3709 masked %reduce_sum3A_3714 : vector<16xf32>, vector<16xi1> -> vector<16xf32>
      %reduce_sum3A_3716 = vector.extract %reduce_sum3A_3715[15] : f32 from vector<16xf32>
      %broadcast_in_dim3A_3717 = vector.broadcast %reduce_sum3A_3716 : f32 to vector<16xf32>
      %select_n3A_3718 = arith.select %eq3A_3712, %broadcast_in_dim3A_3717, %select_n3A_3643 : vector<16xi1>, vector<16xf32>
      %broadcast_in_dim3A_3719 = arith.constant 0.000000e+00 : f32
      %broadcast_in_dim3A_3720 = vector.broadcast %broadcast_in_dim3A_3719 : f32 to vector<16xf32>
      %get3A_3721 = arith.constant 9 : i32
      %get3A_3722 = arith.index_cast %get3A_3721 : i32 to index
      %get3A_3723 = arith.constant 0 : index
      %get3A_3724 = tpu.vector_load %arg14[%get3A_3722, %get3A_3723] {strides = array<i32>} : memref<16x64xf32, #tpu.memory_space<vmem>>, vector<16xf32>,
      %get3A_3725 = arith.constant 9 : i32
      %get3A_3726 = arith.index_cast %get3A_3725 : i32 to index
      %get3A_3727 = arith.constant 0 : index
      %get3A_3728 = tpu.vector_load %arg15[%get3A_3726, %get3A_3727] {strides = array<i32>} : memref<16x64xf32, #tpu.memory_space<vmem>>, vector<16xf32>,
      %add3A_3729 = arith.addf %get3A_3724, %get3A_3728 : vector<16xf32>
      %get3A_3730 = arith.constant 9 : i32
      %get3A_3731 = arith.index_cast %get3A_3730 : i32 to index
      %get3A_3732 = arith.constant 0 : index
      %get3A_3733 = tpu.vector_load %arg16[%get3A_3731, %get3A_3732] {strides = array<i32>} : memref<16x64xf32, #tpu.memory_space<vmem>>, vector<16xf32>,
      %sub3A_3734 = arith.subf %add3A_3729, %get3A_3733 : vector<16xf32>
      %mul3A_3735 = arith.mulf %sub3A_3734, %sub3A_3734 : vector<16xf32>
      %add3A_3736 = arith.addf %broadcast_in_dim3A_3720, %mul3A_3735 : vector<16xf32>
      %get3A_3737 = arith.constant 9 : i32
      %get3A_3738 = arith.index_cast %get3A_3737 : i32 to index
      %get3A_3739 = arith.constant 16 : index
      %get3A_3740 = tpu.vector_load %arg14[%get3A_3738, %get3A_3739] {strides = array<i32>} : memref<16x64xf32, #tpu.memory_space<vmem>>, vector<16xf32>,
      %get3A_3741 = arith.constant 9 : i32
      %get3A_3742 = arith.index_cast %get3A_3741 : i32 to index
      %get3A_3743 = arith.constant 16 : index
      %get3A_3744 = tpu.vector_load %arg15[%get3A_3742, %get3A_3743] {strides = array<i32>} : memref<16x64xf32, #tpu.memory_space<vmem>>, vector<16xf32>,
      %add3A_3745 = arith.addf %get3A_3740, %get3A_3744 : vector<16xf32>
      %get3A_3746 = arith.constant 9 : i32
      %get3A_3747 = arith.index_cast %get3A_3746 : i32 to index
      %get3A_3748 = arith.constant 16 : index
      %get3A_3749 = tpu.vector_load %arg16[%get3A_3747, %get3A_3748] {strides = array<i32>} : memref<16x64xf32, #tpu.memory_space<vmem>>, vector<16xf32>,
      %sub3A_3750 = arith.subf %add3A_3745, %get3A_3749 : vector<16xf32>
      %mul3A_3751 = arith.mulf %sub3A_3750, %sub3A_3750 : vector<16xf32>
      %add3A_3752 = arith.addf %add3A_3736, %mul3A_3751 : vector<16xf32>
      %get3A_3753 = arith.constant 9 : i32
      %get3A_3754 = arith.index_cast %get3A_3753 : i32 to index
      %get3A_3755 = arith.constant 32 : index
      %get3A_3756 = tpu.vector_load %arg14[%get3A_3754, %get3A_3755] {strides = array<i32>} : memref<16x64xf32, #tpu.memory_space<vmem>>, vector<16xf32>,
      %get3A_3757 = arith.constant 9 : i32
      %get3A_3758 = arith.index_cast %get3A_3757 : i32 to index
      %get3A_3759 = arith.constant 32 : index
      %get3A_3760 = tpu.vector_load %arg15[%get3A_3758, %get3A_3759] {strides = array<i32>} : memref<16x64xf32, #tpu.memory_space<vmem>>, vector<16xf32>,
      %add3A_3761 = arith.addf %get3A_3756, %get3A_3760 : vector<16xf32>
      %get3A_3762 = arith.constant 9 : i32
      %get3A_3763 = arith.index_cast %get3A_3762 : i32 to index
      %get3A_3764 = arith.constant 32 : index
      %get3A_3765 = tpu.vector_load %arg16[%get3A_3763, %get3A_3764] {strides = array<i32>} : memref<16x64xf32, #tpu.memory_space<vmem>>, vector<16xf32>,
      %sub3A_3766 = arith.subf %add3A_3761, %get3A_3765 : vector<16xf32>
      %mul3A_3767 = arith.mulf %sub3A_3766, %sub3A_3766 : vector<16xf32>
      %add3A_3768 = arith.addf %add3A_3752, %mul3A_3767 : vector<16xf32>
      %get3A_3769 = arith.constant 9 : i32
      %get3A_3770 = arith.index_cast %get3A_3769 : i32 to index
      %get3A_3771 = arith.constant 48 : index
      %get3A_3772 = tpu.vector_load %arg14[%get3A_3770, %get3A_3771] {strides = array<i32>} : memref<16x64xf32, #tpu.memory_space<vmem>>, vector<16xf32>,
      %get3A_3773 = arith.constant 9 : i32
      %get3A_3774 = arith.index_cast %get3A_3773 : i32 to index
      %get3A_3775 = arith.constant 48 : index
      %get3A_3776 = tpu.vector_load %arg15[%get3A_3774, %get3A_3775] {strides = array<i32>} : memref<16x64xf32, #tpu.memory_space<vmem>>, vector<16xf32>,
      %add3A_3777 = arith.addf %get3A_3772, %get3A_3776 : vector<16xf32>
      %get3A_3778 = arith.constant 9 : i32
      %get3A_3779 = arith.index_cast %get3A_3778 : i32 to index
      %get3A_3780 = arith.constant 48 : index
      %get3A_3781 = tpu.vector_load %arg16[%get3A_3779, %get3A_3780] {strides = array<i32>} : memref<16x64xf32, #tpu.memory_space<vmem>>, vector<16xf32>,
      %sub3A_3782 = arith.subf %add3A_3777, %get3A_3781 : vector<16xf32>
      %mul3A_3783 = arith.mulf %sub3A_3782, %sub3A_3782 : vector<16xf32>
      %add3A_3784 = arith.addf %add3A_3768, %mul3A_3783 : vector<16xf32>
      %eq3A_3785 = arith.constant 9 : i32
      %eq3A_3786 = vector.broadcast %eq3A_3785 : i32 to vector<16xi32>
      %eq3A_3787 = arith.cmpi eq, %iota3A, %eq3A_3786 : vector<16xi32>
      %reduce_sum3A_3788 = arith.constant true
      %reduce_sum3A_3789 = vector.broadcast %reduce_sum3A_3788 : i1 to vector<16xi1>
      %reduce_sum3A_3790 = tpu.scan <sum>, %add3A_3784 masked %reduce_sum3A_3789 : vector<16xf32>, vector<16xi1> -> vector<16xf32>
      %reduce_sum3A_3791 = vector.extract %reduce_sum3A_3790[15] : f32 from vector<16xf32>
      %broadcast_in_dim3A_3792 = vector.broadcast %reduce_sum3A_3791 : f32 to vector<16xf32>
      %select_n3A_3793 = arith.select %eq3A_3787, %broadcast_in_dim3A_3792, %select_n3A_3718 : vector<16xi1>, vector<16xf32>
      %broadcast_in_dim3A_3794 = arith.constant 0.000000e+00 : f32
      %broadcast_in_dim3A_3795 = vector.broadcast %broadcast_in_dim3A_3794 : f32 to vector<16xf32>
      %get3A_3796 = arith.constant 10 : i32
      %get3A_3797 = arith.index_cast %get3A_3796 : i32 to index
      %get3A_3798 = arith.constant 0 : index
      %get3A_3799 = tpu.vector_load %arg14[%get3A_3797, %get3A_3798] {strides = array<i32>} : memref<16x64xf32, #tpu.memory_space<vmem>>, vector<16xf32>,
      %get3A_3800 = arith.constant 10 : i32
      %get3A_3801 = arith.index_cast %get3A_3800 : i32 to index
      %get3A_3802 = arith.constant 0 : index
      %get3A_3803 = tpu.vector_load %arg15[%get3A_3801, %get3A_3802] {strides = array<i32>} : memref<16x64xf32, #tpu.memory_space<vmem>>, vector<16xf32>,
      %add3A_3804 = arith.addf %get3A_3799, %get3A_3803 : vector<16xf32>
      %get3A_3805 = arith.constant 10 : i32
      %get3A_3806 = arith.index_cast %get3A_3805 : i32 to index
      %get3A_3807 = arith.constant 0 : index
      %get3A_3808 = tpu.vector_load %arg16[%get3A_3806, %get3A_3807] {strides = array<i32>} : memref<16x64xf32, #tpu.memory_space<vmem>>, vector<16xf32>,
      %sub3A_3809 = arith.subf %add3A_3804, %get3A_3808 : vector<16xf32>
      %mul3A_3810 = arith.mulf %sub3A_3809, %sub3A_3809 : vector<16xf32>
      %add3A_3811 = arith.addf %broadcast_in_dim3A_3795, %mul3A_3810 : vector<16xf32>
      %get3A_3812 = arith.constant 10 : i32
      %get3A_3813 = arith.index_cast %get3A_3812 : i32 to index
      %get3A_3814 = arith.constant 16 : index
      %get3A_3815 = tpu.vector_load %arg14[%get3A_3813, %get3A_3814] {strides = array<i32>} : memref<16x64xf32, #tpu.memory_space<vmem>>, vector<16xf32>,
      %get3A_3816 = arith.constant 10 : i32
      %get3A_3817 = arith.index_cast %get3A_3816 : i32 to index
      %get3A_3818 = arith.constant 16 : index
      %get3A_3819 = tpu.vector_load %arg15[%get3A_3817, %get3A_3818] {strides = array<i32>} : memref<16x64xf32, #tpu.memory_space<vmem>>, vector<16xf32>,
      %add3A_3820 = arith.addf %get3A_3815, %get3A_3819 : vector<16xf32>
      %get3A_3821 = arith.constant 10 : i32
      %get3A_3822 = arith.index_cast %get3A_3821 : i32 to index
      %get3A_3823 = arith.constant 16 : index
      %get3A_3824 = tpu.vector_load %arg16[%get3A_3822, %get3A_3823] {strides = array<i32>} : memref<16x64xf32, #tpu.memory_space<vmem>>, vector<16xf32>,
      %sub3A_3825 = arith.subf %add3A_3820, %get3A_3824 : vector<16xf32>
      %mul3A_3826 = arith.mulf %sub3A_3825, %sub3A_3825 : vector<16xf32>
      %add3A_3827 = arith.addf %add3A_3811, %mul3A_3826 : vector<16xf32>
      %get3A_3828 = arith.constant 10 : i32
      %get3A_3829 = arith.index_cast %get3A_3828 : i32 to index
      %get3A_3830 = arith.constant 32 : index
      %get3A_3831 = tpu.vector_load %arg14[%get3A_3829, %get3A_3830] {strides = array<i32>} : memref<16x64xf32, #tpu.memory_space<vmem>>, vector<16xf32>,
      %get3A_3832 = arith.constant 10 : i32
      %get3A_3833 = arith.index_cast %get3A_3832 : i32 to index
      %get3A_3834 = arith.constant 32 : index
      %get3A_3835 = tpu.vector_load %arg15[%get3A_3833, %get3A_3834] {strides = array<i32>} : memref<16x64xf32, #tpu.memory_space<vmem>>, vector<16xf32>,
      %add3A_3836 = arith.addf %get3A_3831, %get3A_3835 : vector<16xf32>
      %get3A_3837 = arith.constant 10 : i32
      %get3A_3838 = arith.index_cast %get3A_3837 : i32 to index
      %get3A_3839 = arith.constant 32 : index
      %get3A_3840 = tpu.vector_load %arg16[%get3A_3838, %get3A_3839] {strides = array<i32>} : memref<16x64xf32, #tpu.memory_space<vmem>>, vector<16xf32>,
      %sub3A_3841 = arith.subf %add3A_3836, %get3A_3840 : vector<16xf32>
      %mul3A_3842 = arith.mulf %sub3A_3841, %sub3A_3841 : vector<16xf32>
      %add3A_3843 = arith.addf %add3A_3827, %mul3A_3842 : vector<16xf32>
      %get3A_3844 = arith.constant 10 : i32
      %get3A_3845 = arith.index_cast %get3A_3844 : i32 to index
      %get3A_3846 = arith.constant 48 : index
      %get3A_3847 = tpu.vector_load %arg14[%get3A_3845, %get3A_3846] {strides = array<i32>} : memref<16x64xf32, #tpu.memory_space<vmem>>, vector<16xf32>,
      %get3A_3848 = arith.constant 10 : i32
      %get3A_3849 = arith.index_cast %get3A_3848 : i32 to index
      %get3A_3850 = arith.constant 48 : index
      %get3A_3851 = tpu.vector_load %arg15[%get3A_3849, %get3A_3850] {strides = array<i32>} : memref<16x64xf32, #tpu.memory_space<vmem>>, vector<16xf32>,
      %add3A_3852 = arith.addf %get3A_3847, %get3A_3851 : vector<16xf32>
      %get3A_3853 = arith.constant 10 : i32
      %get3A_3854 = arith.index_cast %get3A_3853 : i32 to index
      %get3A_3855 = arith.constant 48 : index
      %get3A_3856 = tpu.vector_load %arg16[%get3A_3854, %get3A_3855] {strides = array<i32>} : memref<16x64xf32, #tpu.memory_space<vmem>>, vector<16xf32>,
      %sub3A_3857 = arith.subf %add3A_3852, %get3A_3856 : vector<16xf32>
      %mul3A_3858 = arith.mulf %sub3A_3857, %sub3A_3857 : vector<16xf32>
      %add3A_3859 = arith.addf %add3A_3843, %mul3A_3858 : vector<16xf32>
      %eq3A_3860 = arith.constant 10 : i32
      %eq3A_3861 = vector.broadcast %eq3A_3860 : i32 to vector<16xi32>
      %eq3A_3862 = arith.cmpi eq, %iota3A, %eq3A_3861 : vector<16xi32>
      %reduce_sum3A_3863 = arith.constant true
      %reduce_sum3A_3864 = vector.broadcast %reduce_sum3A_3863 : i1 to vector<16xi1>
      %reduce_sum3A_3865 = tpu.scan <sum>, %add3A_3859 masked %reduce_sum3A_3864 : vector<16xf32>, vector<16xi1> -> vector<16xf32>
      %reduce_sum3A_3866 = vector.extract %reduce_sum3A_3865[15] : f32 from vector<16xf32>
      %broadcast_in_dim3A_3867 = vector.broadcast %reduce_sum3A_3866 : f32 to vector<16xf32>
      %select_n3A_3868 = arith.select %eq3A_3862, %broadcast_in_dim3A_3867, %select_n3A_3793 : vector<16xi1>, vector<16xf32>
      %broadcast_in_dim3A_3869 = arith.constant 0.000000e+00 : f32
      %broadcast_in_dim3A_3870 = vector.broadcast %broadcast_in_dim3A_3869 : f32 to vector<16xf32>
      %get3A_3871 = arith.constant 11 : i32
      %get3A_3872 = arith.index_cast %get3A_3871 : i32 to index
      %get3A_3873 = arith.constant 0 : index
      %get3A_3874 = tpu.vector_load %arg14[%get3A_3872, %get3A_3873] {strides = array<i32>} : memref<16x64xf32, #tpu.memory_space<vmem>>, vector<16xf32>,
      %get3A_3875 = arith.constant 11 : i32
      %get3A_3876 = arith.index_cast %get3A_3875 : i32 to index
      %get3A_3877 = arith.constant 0 : index
      %get3A_3878 = tpu.vector_load %arg15[%get3A_3876, %get3A_3877] {strides = array<i32>} : memref<16x64xf32, #tpu.memory_space<vmem>>, vector<16xf32>,
      %add3A_3879 = arith.addf %get3A_3874, %get3A_3878 : vector<16xf32>
      %get3A_3880 = arith.constant 11 : i32
      %get3A_3881 = arith.index_cast %get3A_3880 : i32 to index
      %get3A_3882 = arith.constant 0 : index
      %get3A_3883 = tpu.vector_load %arg16[%get3A_3881, %get3A_3882] {strides = array<i32>} : memref<16x64xf32, #tpu.memory_space<vmem>>, vector<16xf32>,
      %sub3A_3884 = arith.subf %add3A_3879, %get3A_3883 : vector<16xf32>
      %mul3A_3885 = arith.mulf %sub3A_3884, %sub3A_3884 : vector<16xf32>
      %add3A_3886 = arith.addf %broadcast_in_dim3A_3870, %mul3A_3885 : vector<16xf32>
      %get3A_3887 = arith.constant 11 : i32
      %get3A_3888 = arith.index_cast %get3A_3887 : i32 to index
      %get3A_3889 = arith.constant 16 : index
      %get3A_3890 = tpu.vector_load %arg14[%get3A_3888, %get3A_3889] {strides = array<i32>} : memref<16x64xf32, #tpu.memory_space<vmem>>, vector<16xf32>,
      %get3A_3891 = arith.constant 11 : i32
      %get3A_3892 = arith.index_cast %get3A_3891 : i32 to index
      %get3A_3893 = arith.constant 16 : index
      %get3A_3894 = tpu.vector_load %arg15[%get3A_3892, %get3A_3893] {strides = array<i32>} : memref<16x64xf32, #tpu.memory_space<vmem>>, vector<16xf32>,
      %add3A_3895 = arith.addf %get3A_3890, %get3A_3894 : vector<16xf32>
      %get3A_3896 = arith.constant 11 : i32
      %get3A_3897 = arith.index_cast %get3A_3896 : i32 to index
      %get3A_3898 = arith.constant 16 : index
      %get3A_3899 = tpu.vector_load %arg16[%get3A_3897, %get3A_3898] {strides = array<i32>} : memref<16x64xf32, #tpu.memory_space<vmem>>, vector<16xf32>,
      %sub3A_3900 = arith.subf %add3A_3895, %get3A_3899 : vector<16xf32>
      %mul3A_3901 = arith.mulf %sub3A_3900, %sub3A_3900 : vector<16xf32>
      %add3A_3902 = arith.addf %add3A_3886, %mul3A_3901 : vector<16xf32>
      %get3A_3903 = arith.constant 11 : i32
      %get3A_3904 = arith.index_cast %get3A_3903 : i32 to index
      %get3A_3905 = arith.constant 32 : index
      %get3A_3906 = tpu.vector_load %arg14[%get3A_3904, %get3A_3905] {strides = array<i32>} : memref<16x64xf32, #tpu.memory_space<vmem>>, vector<16xf32>,
      %get3A_3907 = arith.constant 11 : i32
      %get3A_3908 = arith.index_cast %get3A_3907 : i32 to index
      %get3A_3909 = arith.constant 32 : index
      %get3A_3910 = tpu.vector_load %arg15[%get3A_3908, %get3A_3909] {strides = array<i32>} : memref<16x64xf32, #tpu.memory_space<vmem>>, vector<16xf32>,
      %add3A_3911 = arith.addf %get3A_3906, %get3A_3910 : vector<16xf32>
      %get3A_3912 = arith.constant 11 : i32
      %get3A_3913 = arith.index_cast %get3A_3912 : i32 to index
      %get3A_3914 = arith.constant 32 : index
      %get3A_3915 = tpu.vector_load %arg16[%get3A_3913, %get3A_3914] {strides = array<i32>} : memref<16x64xf32, #tpu.memory_space<vmem>>, vector<16xf32>,
      %sub3A_3916 = arith.subf %add3A_3911, %get3A_3915 : vector<16xf32>
      %mul3A_3917 = arith.mulf %sub3A_3916, %sub3A_3916 : vector<16xf32>
      %add3A_3918 = arith.addf %add3A_3902, %mul3A_3917 : vector<16xf32>
      %get3A_3919 = arith.constant 11 : i32
      %get3A_3920 = arith.index_cast %get3A_3919 : i32 to index
      %get3A_3921 = arith.constant 48 : index
      %get3A_3922 = tpu.vector_load %arg14[%get3A_3920, %get3A_3921] {strides = array<i32>} : memref<16x64xf32, #tpu.memory_space<vmem>>, vector<16xf32>,
      %get3A_3923 = arith.constant 11 : i32
      %get3A_3924 = arith.index_cast %get3A_3923 : i32 to index
      %get3A_3925 = arith.constant 48 : index
      %get3A_3926 = tpu.vector_load %arg15[%get3A_3924, %get3A_3925] {strides = array<i32>} : memref<16x64xf32, #tpu.memory_space<vmem>>, vector<16xf32>,
      %add3A_3927 = arith.addf %get3A_3922, %get3A_3926 : vector<16xf32>
      %get3A_3928 = arith.constant 11 : i32
      %get3A_3929 = arith.index_cast %get3A_3928 : i32 to index
      %get3A_3930 = arith.constant 48 : index
      %get3A_3931 = tpu.vector_load %arg16[%get3A_3929, %get3A_3930] {strides = array<i32>} : memref<16x64xf32, #tpu.memory_space<vmem>>, vector<16xf32>,
      %sub3A_3932 = arith.subf %add3A_3927, %get3A_3931 : vector<16xf32>
      %mul3A_3933 = arith.mulf %sub3A_3932, %sub3A_3932 : vector<16xf32>
      %add3A_3934 = arith.addf %add3A_3918, %mul3A_3933 : vector<16xf32>
      %eq3A_3935 = arith.constant 11 : i32
      %eq3A_3936 = vector.broadcast %eq3A_3935 : i32 to vector<16xi32>
      %eq3A_3937 = arith.cmpi eq, %iota3A, %eq3A_3936 : vector<16xi32>
      %reduce_sum3A_3938 = arith.constant true
      %reduce_sum3A_3939 = vector.broadcast %reduce_sum3A_3938 : i1 to vector<16xi1>
      %reduce_sum3A_3940 = tpu.scan <sum>, %add3A_3934 masked %reduce_sum3A_3939 : vector<16xf32>, vector<16xi1> -> vector<16xf32>
      %reduce_sum3A_3941 = vector.extract %reduce_sum3A_3940[15] : f32 from vector<16xf32>
      %broadcast_in_dim3A_3942 = vector.broadcast %reduce_sum3A_3941 : f32 to vector<16xf32>
      %select_n3A_3943 = arith.select %eq3A_3937, %broadcast_in_dim3A_3942, %select_n3A_3868 : vector<16xi1>, vector<16xf32>
      %broadcast_in_dim3A_3944 = arith.constant 0.000000e+00 : f32
      %broadcast_in_dim3A_3945 = vector.broadcast %broadcast_in_dim3A_3944 : f32 to vector<16xf32>
      %get3A_3946 = arith.constant 12 : i32
      %get3A_3947 = arith.index_cast %get3A_3946 : i32 to index
      %get3A_3948 = arith.constant 0 : index
      %get3A_3949 = tpu.vector_load %arg14[%get3A_3947, %get3A_3948] {strides = array<i32>} : memref<16x64xf32, #tpu.memory_space<vmem>>, vector<16xf32>,
      %get3A_3950 = arith.constant 12 : i32
      %get3A_3951 = arith.index_cast %get3A_3950 : i32 to index
      %get3A_3952 = arith.constant 0 : index
      %get3A_3953 = tpu.vector_load %arg15[%get3A_3951, %get3A_3952] {strides = array<i32>} : memref<16x64xf32, #tpu.memory_space<vmem>>, vector<16xf32>,
      %add3A_3954 = arith.addf %get3A_3949, %get3A_3953 : vector<16xf32>
      %get3A_3955 = arith.constant 12 : i32
      %get3A_3956 = arith.index_cast %get3A_3955 : i32 to index
      %get3A_3957 = arith.constant 0 : index
      %get3A_3958 = tpu.vector_load %arg16[%get3A_3956, %get3A_3957] {strides = array<i32>} : memref<16x64xf32, #tpu.memory_space<vmem>>, vector<16xf32>,
      %sub3A_3959 = arith.subf %add3A_3954, %get3A_3958 : vector<16xf32>
      %mul3A_3960 = arith.mulf %sub3A_3959, %sub3A_3959 : vector<16xf32>
      %add3A_3961 = arith.addf %broadcast_in_dim3A_3945, %mul3A_3960 : vector<16xf32>
      %get3A_3962 = arith.constant 12 : i32
      %get3A_3963 = arith.index_cast %get3A_3962 : i32 to index
      %get3A_3964 = arith.constant 16 : index
      %get3A_3965 = tpu.vector_load %arg14[%get3A_3963, %get3A_3964] {strides = array<i32>} : memref<16x64xf32, #tpu.memory_space<vmem>>, vector<16xf32>,
      %get3A_3966 = arith.constant 12 : i32
      %get3A_3967 = arith.index_cast %get3A_3966 : i32 to index
      %get3A_3968 = arith.constant 16 : index
      %get3A_3969 = tpu.vector_load %arg15[%get3A_3967, %get3A_3968] {strides = array<i32>} : memref<16x64xf32, #tpu.memory_space<vmem>>, vector<16xf32>,
      %add3A_3970 = arith.addf %get3A_3965, %get3A_3969 : vector<16xf32>
      %get3A_3971 = arith.constant 12 : i32
      %get3A_3972 = arith.index_cast %get3A_3971 : i32 to index
      %get3A_3973 = arith.constant 16 : index
      %get3A_3974 = tpu.vector_load %arg16[%get3A_3972, %get3A_3973] {strides = array<i32>} : memref<16x64xf32, #tpu.memory_space<vmem>>, vector<16xf32>,
      %sub3A_3975 = arith.subf %add3A_3970, %get3A_3974 : vector<16xf32>
      %mul3A_3976 = arith.mulf %sub3A_3975, %sub3A_3975 : vector<16xf32>
      %add3A_3977 = arith.addf %add3A_3961, %mul3A_3976 : vector<16xf32>
      %get3A_3978 = arith.constant 12 : i32
      %get3A_3979 = arith.index_cast %get3A_3978 : i32 to index
      %get3A_3980 = arith.constant 32 : index
      %get3A_3981 = tpu.vector_load %arg14[%get3A_3979, %get3A_3980] {strides = array<i32>} : memref<16x64xf32, #tpu.memory_space<vmem>>, vector<16xf32>,
      %get3A_3982 = arith.constant 12 : i32
      %get3A_3983 = arith.index_cast %get3A_3982 : i32 to index
      %get3A_3984 = arith.constant 32 : index
      %get3A_3985 = tpu.vector_load %arg15[%get3A_3983, %get3A_3984] {strides = array<i32>} : memref<16x64xf32, #tpu.memory_space<vmem>>, vector<16xf32>,
      %add3A_3986 = arith.addf %get3A_3981, %get3A_3985 : vector<16xf32>
      %get3A_3987 = arith.constant 12 : i32
      %get3A_3988 = arith.index_cast %get3A_3987 : i32 to index
      %get3A_3989 = arith.constant 32 : index
      %get3A_3990 = tpu.vector_load %arg16[%get3A_3988, %get3A_3989] {strides = array<i32>} : memref<16x64xf32, #tpu.memory_space<vmem>>, vector<16xf32>,
      %sub3A_3991 = arith.subf %add3A_3986, %get3A_3990 : vector<16xf32>
      %mul3A_3992 = arith.mulf %sub3A_3991, %sub3A_3991 : vector<16xf32>
      %add3A_3993 = arith.addf %add3A_3977, %mul3A_3992 : vector<16xf32>
      %get3A_3994 = arith.constant 12 : i32
      %get3A_3995 = arith.index_cast %get3A_3994 : i32 to index
      %get3A_3996 = arith.constant 48 : index
      %get3A_3997 = tpu.vector_load %arg14[%get3A_3995, %get3A_3996] {strides = array<i32>} : memref<16x64xf32, #tpu.memory_space<vmem>>, vector<16xf32>,
      %get3A_3998 = arith.constant 12 : i32
      %get3A_3999 = arith.index_cast %get3A_3998 : i32 to index
      %get3A_4000 = arith.constant 48 : index
      %get3A_4001 = tpu.vector_load %arg15[%get3A_3999, %get3A_4000] {strides = array<i32>} : memref<16x64xf32, #tpu.memory_space<vmem>>, vector<16xf32>,
      %add3A_4002 = arith.addf %get3A_3997, %get3A_4001 : vector<16xf32>
      %get3A_4003 = arith.constant 12 : i32
      %get3A_4004 = arith.index_cast %get3A_4003 : i32 to index
      %get3A_4005 = arith.constant 48 : index
      %get3A_4006 = tpu.vector_load %arg16[%get3A_4004, %get3A_4005] {strides = array<i32>} : memref<16x64xf32, #tpu.memory_space<vmem>>, vector<16xf32>,
      %sub3A_4007 = arith.subf %add3A_4002, %get3A_4006 : vector<16xf32>
      %mul3A_4008 = arith.mulf %sub3A_4007, %sub3A_4007 : vector<16xf32>
      %add3A_4009 = arith.addf %add3A_3993, %mul3A_4008 : vector<16xf32>
      %eq3A_4010 = arith.constant 12 : i32
      %eq3A_4011 = vector.broadcast %eq3A_4010 : i32 to vector<16xi32>
      %eq3A_4012 = arith.cmpi eq, %iota3A, %eq3A_4011 : vector<16xi32>
      %reduce_sum3A_4013 = arith.constant true
      %reduce_sum3A_4014 = vector.broadcast %reduce_sum3A_4013 : i1 to vector<16xi1>
      %reduce_sum3A_4015 = tpu.scan <sum>, %add3A_4009 masked %reduce_sum3A_4014 : vector<16xf32>, vector<16xi1> -> vector<16xf32>
      %reduce_sum3A_4016 = vector.extract %reduce_sum3A_4015[15] : f32 from vector<16xf32>
      %broadcast_in_dim3A_4017 = vector.broadcast %reduce_sum3A_4016 : f32 to vector<16xf32>
      %select_n3A_4018 = arith.select %eq3A_4012, %broadcast_in_dim3A_4017, %select_n3A_3943 : vector<16xi1>, vector<16xf32>
      %broadcast_in_dim3A_4019 = arith.constant 0.000000e+00 : f32
      %broadcast_in_dim3A_4020 = vector.broadcast %broadcast_in_dim3A_4019 : f32 to vector<16xf32>
      %get3A_4021 = arith.constant 13 : i32
      %get3A_4022 = arith.index_cast %get3A_4021 : i32 to index
      %get3A_4023 = arith.constant 0 : index
      %get3A_4024 = tpu.vector_load %arg14[%get3A_4022, %get3A_4023] {strides = array<i32>} : memref<16x64xf32, #tpu.memory_space<vmem>>, vector<16xf32>,
      %get3A_4025 = arith.constant 13 : i32
      %get3A_4026 = arith.index_cast %get3A_4025 : i32 to index
      %get3A_4027 = arith.constant 0 : index
      %get3A_4028 = tpu.vector_load %arg15[%get3A_4026, %get3A_4027] {strides = array<i32>} : memref<16x64xf32, #tpu.memory_space<vmem>>, vector<16xf32>,
      %add3A_4029 = arith.addf %get3A_4024, %get3A_4028 : vector<16xf32>
      %get3A_4030 = arith.constant 13 : i32
      %get3A_4031 = arith.index_cast %get3A_4030 : i32 to index
      %get3A_4032 = arith.constant 0 : index
      %get3A_4033 = tpu.vector_load %arg16[%get3A_4031, %get3A_4032] {strides = array<i32>} : memref<16x64xf32, #tpu.memory_space<vmem>>, vector<16xf32>,
      %sub3A_4034 = arith.subf %add3A_4029, %get3A_4033 : vector<16xf32>
      %mul3A_4035 = arith.mulf %sub3A_4034, %sub3A_4034 : vector<16xf32>
      %add3A_4036 = arith.addf %broadcast_in_dim3A_4020, %mul3A_4035 : vector<16xf32>
      %get3A_4037 = arith.constant 13 : i32
      %get3A_4038 = arith.index_cast %get3A_4037 : i32 to index
      %get3A_4039 = arith.constant 16 : index
      %get3A_4040 = tpu.vector_load %arg14[%get3A_4038, %get3A_4039] {strides = array<i32>} : memref<16x64xf32, #tpu.memory_space<vmem>>, vector<16xf32>,
      %get3A_4041 = arith.constant 13 : i32
      %get3A_4042 = arith.index_cast %get3A_4041 : i32 to index
      %get3A_4043 = arith.constant 16 : index
      %get3A_4044 = tpu.vector_load %arg15[%get3A_4042, %get3A_4043] {strides = array<i32>} : memref<16x64xf32, #tpu.memory_space<vmem>>, vector<16xf32>,
      %add3A_4045 = arith.addf %get3A_4040, %get3A_4044 : vector<16xf32>
      %get3A_4046 = arith.constant 13 : i32
      %get3A_4047 = arith.index_cast %get3A_4046 : i32 to index
      %get3A_4048 = arith.constant 16 : index
      %get3A_4049 = tpu.vector_load %arg16[%get3A_4047, %get3A_4048] {strides = array<i32>} : memref<16x64xf32, #tpu.memory_space<vmem>>, vector<16xf32>,
      %sub3A_4050 = arith.subf %add3A_4045, %get3A_4049 : vector<16xf32>
      %mul3A_4051 = arith.mulf %sub3A_4050, %sub3A_4050 : vector<16xf32>
      %add3A_4052 = arith.addf %add3A_4036, %mul3A_4051 : vector<16xf32>
      %get3A_4053 = arith.constant 13 : i32
      %get3A_4054 = arith.index_cast %get3A_4053 : i32 to index
      %get3A_4055 = arith.constant 32 : index
      %get3A_4056 = tpu.vector_load %arg14[%get3A_4054, %get3A_4055] {strides = array<i32>} : memref<16x64xf32, #tpu.memory_space<vmem>>, vector<16xf32>,
      %get3A_4057 = arith.constant 13 : i32
      %get3A_4058 = arith.index_cast %get3A_4057 : i32 to index
      %get3A_4059 = arith.constant 32 : index
      %get3A_4060 = tpu.vector_load %arg15[%get3A_4058, %get3A_4059] {strides = array<i32>} : memref<16x64xf32, #tpu.memory_space<vmem>>, vector<16xf32>,
      %add3A_4061 = arith.addf %get3A_4056, %get3A_4060 : vector<16xf32>
      %get3A_4062 = arith.constant 13 : i32
      %get3A_4063 = arith.index_cast %get3A_4062 : i32 to index
      %get3A_4064 = arith.constant 32 : index
      %get3A_4065 = tpu.vector_load %arg16[%get3A_4063, %get3A_4064] {strides = array<i32>} : memref<16x64xf32, #tpu.memory_space<vmem>>, vector<16xf32>,
      %sub3A_4066 = arith.subf %add3A_4061, %get3A_4065 : vector<16xf32>
      %mul3A_4067 = arith.mulf %sub3A_4066, %sub3A_4066 : vector<16xf32>
      %add3A_4068 = arith.addf %add3A_4052, %mul3A_4067 : vector<16xf32>
      %get3A_4069 = arith.constant 13 : i32
      %get3A_4070 = arith.index_cast %get3A_4069 : i32 to index
      %get3A_4071 = arith.constant 48 : index
      %get3A_4072 = tpu.vector_load %arg14[%get3A_4070, %get3A_4071] {strides = array<i32>} : memref<16x64xf32, #tpu.memory_space<vmem>>, vector<16xf32>,
      %get3A_4073 = arith.constant 13 : i32
      %get3A_4074 = arith.index_cast %get3A_4073 : i32 to index
      %get3A_4075 = arith.constant 48 : index
      %get3A_4076 = tpu.vector_load %arg15[%get3A_4074, %get3A_4075] {strides = array<i32>} : memref<16x64xf32, #tpu.memory_space<vmem>>, vector<16xf32>,
      %add3A_4077 = arith.addf %get3A_4072, %get3A_4076 : vector<16xf32>
      %get3A_4078 = arith.constant 13 : i32
      %get3A_4079 = arith.index_cast %get3A_4078 : i32 to index
      %get3A_4080 = arith.constant 48 : index
      %get3A_4081 = tpu.vector_load %arg16[%get3A_4079, %get3A_4080] {strides = array<i32>} : memref<16x64xf32, #tpu.memory_space<vmem>>, vector<16xf32>,
      %sub3A_4082 = arith.subf %add3A_4077, %get3A_4081 : vector<16xf32>
      %mul3A_4083 = arith.mulf %sub3A_4082, %sub3A_4082 : vector<16xf32>
      %add3A_4084 = arith.addf %add3A_4068, %mul3A_4083 : vector<16xf32>
      %eq3A_4085 = arith.constant 13 : i32
      %eq3A_4086 = vector.broadcast %eq3A_4085 : i32 to vector<16xi32>
      %eq3A_4087 = arith.cmpi eq, %iota3A, %eq3A_4086 : vector<16xi32>
      %reduce_sum3A_4088 = arith.constant true
      %reduce_sum3A_4089 = vector.broadcast %reduce_sum3A_4088 : i1 to vector<16xi1>
      %reduce_sum3A_4090 = tpu.scan <sum>, %add3A_4084 masked %reduce_sum3A_4089 : vector<16xf32>, vector<16xi1> -> vector<16xf32>
      %reduce_sum3A_4091 = vector.extract %reduce_sum3A_4090[15] : f32 from vector<16xf32>
      %broadcast_in_dim3A_4092 = vector.broadcast %reduce_sum3A_4091 : f32 to vector<16xf32>
      %select_n3A_4093 = arith.select %eq3A_4087, %broadcast_in_dim3A_4092, %select_n3A_4018 : vector<16xi1>, vector<16xf32>
      %broadcast_in_dim3A_4094 = arith.constant 0.000000e+00 : f32
      %broadcast_in_dim3A_4095 = vector.broadcast %broadcast_in_dim3A_4094 : f32 to vector<16xf32>
      %get3A_4096 = arith.constant 14 : i32
      %get3A_4097 = arith.index_cast %get3A_4096 : i32 to index
      %get3A_4098 = arith.constant 0 : index
      %get3A_4099 = tpu.vector_load %arg14[%get3A_4097, %get3A_4098] {strides = array<i32>} : memref<16x64xf32, #tpu.memory_space<vmem>>, vector<16xf32>,
      %get3A_4100 = arith.constant 14 : i32
      %get3A_4101 = arith.index_cast %get3A_4100 : i32 to index
      %get3A_4102 = arith.constant 0 : index
      %get3A_4103 = tpu.vector_load %arg15[%get3A_4101, %get3A_4102] {strides = array<i32>} : memref<16x64xf32, #tpu.memory_space<vmem>>, vector<16xf32>,
      %add3A_4104 = arith.addf %get3A_4099, %get3A_4103 : vector<16xf32>
      %get3A_4105 = arith.constant 14 : i32
      %get3A_4106 = arith.index_cast %get3A_4105 : i32 to index
      %get3A_4107 = arith.constant 0 : index
      %get3A_4108 = tpu.vector_load %arg16[%get3A_4106, %get3A_4107] {strides = array<i32>} : memref<16x64xf32, #tpu.memory_space<vmem>>, vector<16xf32>,
      %sub3A_4109 = arith.subf %add3A_4104, %get3A_4108 : vector<16xf32>
      %mul3A_4110 = arith.mulf %sub3A_4109, %sub3A_4109 : vector<16xf32>
      %add3A_4111 = arith.addf %broadcast_in_dim3A_4095, %mul3A_4110 : vector<16xf32>
      %get3A_4112 = arith.constant 14 : i32
      %get3A_4113 = arith.index_cast %get3A_4112 : i32 to index
      %get3A_4114 = arith.constant 16 : index
      %get3A_4115 = tpu.vector_load %arg14[%get3A_4113, %get3A_4114] {strides = array<i32>} : memref<16x64xf32, #tpu.memory_space<vmem>>, vector<16xf32>,
      %get3A_4116 = arith.constant 14 : i32
      %get3A_4117 = arith.index_cast %get3A_4116 : i32 to index
      %get3A_4118 = arith.constant 16 : index
      %get3A_4119 = tpu.vector_load %arg15[%get3A_4117, %get3A_4118] {strides = array<i32>} : memref<16x64xf32, #tpu.memory_space<vmem>>, vector<16xf32>,
      %add3A_4120 = arith.addf %get3A_4115, %get3A_4119 : vector<16xf32>
      %get3A_4121 = arith.constant 14 : i32
      %get3A_4122 = arith.index_cast %get3A_4121 : i32 to index
      %get3A_4123 = arith.constant 16 : index
      %get3A_4124 = tpu.vector_load %arg16[%get3A_4122, %get3A_4123] {strides = array<i32>} : memref<16x64xf32, #tpu.memory_space<vmem>>, vector<16xf32>,
      %sub3A_4125 = arith.subf %add3A_4120, %get3A_4124 : vector<16xf32>
      %mul3A_4126 = arith.mulf %sub3A_4125, %sub3A_4125 : vector<16xf32>
      %add3A_4127 = arith.addf %add3A_4111, %mul3A_4126 : vector<16xf32>
      %get3A_4128 = arith.constant 14 : i32
      %get3A_4129 = arith.index_cast %get3A_4128 : i32 to index
      %get3A_4130 = arith.constant 32 : index
      %get3A_4131 = tpu.vector_load %arg14[%get3A_4129, %get3A_4130] {strides = array<i32>} : memref<16x64xf32, #tpu.memory_space<vmem>>, vector<16xf32>,
      %get3A_4132 = arith.constant 14 : i32
      %get3A_4133 = arith.index_cast %get3A_4132 : i32 to index
      %get3A_4134 = arith.constant 32 : index
      %get3A_4135 = tpu.vector_load %arg15[%get3A_4133, %get3A_4134] {strides = array<i32>} : memref<16x64xf32, #tpu.memory_space<vmem>>, vector<16xf32>,
      %add3A_4136 = arith.addf %get3A_4131, %get3A_4135 : vector<16xf32>
      %get3A_4137 = arith.constant 14 : i32
      %get3A_4138 = arith.index_cast %get3A_4137 : i32 to index
      %get3A_4139 = arith.constant 32 : index
      %get3A_4140 = tpu.vector_load %arg16[%get3A_4138, %get3A_4139] {strides = array<i32>} : memref<16x64xf32, #tpu.memory_space<vmem>>, vector<16xf32>,
      %sub3A_4141 = arith.subf %add3A_4136, %get3A_4140 : vector<16xf32>
      %mul3A_4142 = arith.mulf %sub3A_4141, %sub3A_4141 : vector<16xf32>
      %add3A_4143 = arith.addf %add3A_4127, %mul3A_4142 : vector<16xf32>
      %get3A_4144 = arith.constant 14 : i32
      %get3A_4145 = arith.index_cast %get3A_4144 : i32 to index
      %get3A_4146 = arith.constant 48 : index
      %get3A_4147 = tpu.vector_load %arg14[%get3A_4145, %get3A_4146] {strides = array<i32>} : memref<16x64xf32, #tpu.memory_space<vmem>>, vector<16xf32>,
      %get3A_4148 = arith.constant 14 : i32
      %get3A_4149 = arith.index_cast %get3A_4148 : i32 to index
      %get3A_4150 = arith.constant 48 : index
      %get3A_4151 = tpu.vector_load %arg15[%get3A_4149, %get3A_4150] {strides = array<i32>} : memref<16x64xf32, #tpu.memory_space<vmem>>, vector<16xf32>,
      %add3A_4152 = arith.addf %get3A_4147, %get3A_4151 : vector<16xf32>
      %get3A_4153 = arith.constant 14 : i32
      %get3A_4154 = arith.index_cast %get3A_4153 : i32 to index
      %get3A_4155 = arith.constant 48 : index
      %get3A_4156 = tpu.vector_load %arg16[%get3A_4154, %get3A_4155] {strides = array<i32>} : memref<16x64xf32, #tpu.memory_space<vmem>>, vector<16xf32>,
      %sub3A_4157 = arith.subf %add3A_4152, %get3A_4156 : vector<16xf32>
      %mul3A_4158 = arith.mulf %sub3A_4157, %sub3A_4157 : vector<16xf32>
      %add3A_4159 = arith.addf %add3A_4143, %mul3A_4158 : vector<16xf32>
      %eq3A_4160 = arith.constant 14 : i32
      %eq3A_4161 = vector.broadcast %eq3A_4160 : i32 to vector<16xi32>
      %eq3A_4162 = arith.cmpi eq, %iota3A, %eq3A_4161 : vector<16xi32>
      %reduce_sum3A_4163 = arith.constant true
      %reduce_sum3A_4164 = vector.broadcast %reduce_sum3A_4163 : i1 to vector<16xi1>
      %reduce_sum3A_4165 = tpu.scan <sum>, %add3A_4159 masked %reduce_sum3A_4164 : vector<16xf32>, vector<16xi1> -> vector<16xf32>
      %reduce_sum3A_4166 = vector.extract %reduce_sum3A_4165[15] : f32 from vector<16xf32>
      %broadcast_in_dim3A_4167 = vector.broadcast %reduce_sum3A_4166 : f32 to vector<16xf32>
      %select_n3A_4168 = arith.select %eq3A_4162, %broadcast_in_dim3A_4167, %select_n3A_4093 : vector<16xi1>, vector<16xf32>
      %broadcast_in_dim3A_4169 = arith.constant 0.000000e+00 : f32
      %broadcast_in_dim3A_4170 = vector.broadcast %broadcast_in_dim3A_4169 : f32 to vector<16xf32>
      %get3A_4171 = arith.constant 15 : i32
      %get3A_4172 = arith.index_cast %get3A_4171 : i32 to index
      %get3A_4173 = arith.constant 0 : index
      %get3A_4174 = tpu.vector_load %arg14[%get3A_4172, %get3A_4173] {strides = array<i32>} : memref<16x64xf32, #tpu.memory_space<vmem>>, vector<16xf32>,
      %get3A_4175 = arith.constant 15 : i32
      %get3A_4176 = arith.index_cast %get3A_4175 : i32 to index
      %get3A_4177 = arith.constant 0 : index
      %get3A_4178 = tpu.vector_load %arg15[%get3A_4176, %get3A_4177] {strides = array<i32>} : memref<16x64xf32, #tpu.memory_space<vmem>>, vector<16xf32>,
      %add3A_4179 = arith.addf %get3A_4174, %get3A_4178 : vector<16xf32>
      %get3A_4180 = arith.constant 15 : i32
      %get3A_4181 = arith.index_cast %get3A_4180 : i32 to index
      %get3A_4182 = arith.constant 0 : index
      %get3A_4183 = tpu.vector_load %arg16[%get3A_4181, %get3A_4182] {strides = array<i32>} : memref<16x64xf32, #tpu.memory_space<vmem>>, vector<16xf32>,
      %sub3A_4184 = arith.subf %add3A_4179, %get3A_4183 : vector<16xf32>
      %mul3A_4185 = arith.mulf %sub3A_4184, %sub3A_4184 : vector<16xf32>
      %add3A_4186 = arith.addf %broadcast_in_dim3A_4170, %mul3A_4185 : vector<16xf32>
      %get3A_4187 = arith.constant 15 : i32
      %get3A_4188 = arith.index_cast %get3A_4187 : i32 to index
      %get3A_4189 = arith.constant 16 : index
      %get3A_4190 = tpu.vector_load %arg14[%get3A_4188, %get3A_4189] {strides = array<i32>} : memref<16x64xf32, #tpu.memory_space<vmem>>, vector<16xf32>,
      %get3A_4191 = arith.constant 15 : i32
      %get3A_4192 = arith.index_cast %get3A_4191 : i32 to index
      %get3A_4193 = arith.constant 16 : index
      %get3A_4194 = tpu.vector_load %arg15[%get3A_4192, %get3A_4193] {strides = array<i32>} : memref<16x64xf32, #tpu.memory_space<vmem>>, vector<16xf32>,
      %add3A_4195 = arith.addf %get3A_4190, %get3A_4194 : vector<16xf32>
      %get3A_4196 = arith.constant 15 : i32
      %get3A_4197 = arith.index_cast %get3A_4196 : i32 to index
      %get3A_4198 = arith.constant 16 : index
      %get3A_4199 = tpu.vector_load %arg16[%get3A_4197, %get3A_4198] {strides = array<i32>} : memref<16x64xf32, #tpu.memory_space<vmem>>, vector<16xf32>,
      %sub3A_4200 = arith.subf %add3A_4195, %get3A_4199 : vector<16xf32>
      %mul3A_4201 = arith.mulf %sub3A_4200, %sub3A_4200 : vector<16xf32>
      %add3A_4202 = arith.addf %add3A_4186, %mul3A_4201 : vector<16xf32>
      %get3A_4203 = arith.constant 15 : i32
      %get3A_4204 = arith.index_cast %get3A_4203 : i32 to index
      %get3A_4205 = arith.constant 32 : index
      %get3A_4206 = tpu.vector_load %arg14[%get3A_4204, %get3A_4205] {strides = array<i32>} : memref<16x64xf32, #tpu.memory_space<vmem>>, vector<16xf32>,
      %get3A_4207 = arith.constant 15 : i32
      %get3A_4208 = arith.index_cast %get3A_4207 : i32 to index
      %get3A_4209 = arith.constant 32 : index
      %get3A_4210 = tpu.vector_load %arg15[%get3A_4208, %get3A_4209] {strides = array<i32>} : memref<16x64xf32, #tpu.memory_space<vmem>>, vector<16xf32>,
      %add3A_4211 = arith.addf %get3A_4206, %get3A_4210 : vector<16xf32>
      %get3A_4212 = arith.constant 15 : i32
      %get3A_4213 = arith.index_cast %get3A_4212 : i32 to index
      %get3A_4214 = arith.constant 32 : index
      %get3A_4215 = tpu.vector_load %arg16[%get3A_4213, %get3A_4214] {strides = array<i32>} : memref<16x64xf32, #tpu.memory_space<vmem>>, vector<16xf32>,
      %sub3A_4216 = arith.subf %add3A_4211, %get3A_4215 : vector<16xf32>
      %mul3A_4217 = arith.mulf %sub3A_4216, %sub3A_4216 : vector<16xf32>
      %add3A_4218 = arith.addf %add3A_4202, %mul3A_4217 : vector<16xf32>
      %get3A_4219 = arith.constant 15 : i32
      %get3A_4220 = arith.index_cast %get3A_4219 : i32 to index
      %get3A_4221 = arith.constant 48 : index
      %get3A_4222 = tpu.vector_load %arg14[%get3A_4220, %get3A_4221] {strides = array<i32>} : memref<16x64xf32, #tpu.memory_space<vmem>>, vector<16xf32>,
      %get3A_4223 = arith.constant 15 : i32
      %get3A_4224 = arith.index_cast %get3A_4223 : i32 to index
      %get3A_4225 = arith.constant 48 : index
      %get3A_4226 = tpu.vector_load %arg15[%get3A_4224, %get3A_4225] {strides = array<i32>} : memref<16x64xf32, #tpu.memory_space<vmem>>, vector<16xf32>,
      %add3A_4227 = arith.addf %get3A_4222, %get3A_4226 : vector<16xf32>
      %get3A_4228 = arith.constant 15 : i32
      %get3A_4229 = arith.index_cast %get3A_4228 : i32 to index
      %get3A_4230 = arith.constant 48 : index
      %get3A_4231 = tpu.vector_load %arg16[%get3A_4229, %get3A_4230] {strides = array<i32>} : memref<16x64xf32, #tpu.memory_space<vmem>>, vector<16xf32>,
      %sub3A_4232 = arith.subf %add3A_4227, %get3A_4231 : vector<16xf32>
      %mul3A_4233 = arith.mulf %sub3A_4232, %sub3A_4232 : vector<16xf32>
      %add3A_4234 = arith.addf %add3A_4218, %mul3A_4233 : vector<16xf32>
      %eq3A_4235 = arith.constant 15 : i32
      %eq3A_4236 = vector.broadcast %eq3A_4235 : i32 to vector<16xi32>
      %eq3A_4237 = arith.cmpi eq, %iota3A, %eq3A_4236 : vector<16xi32>
      %reduce_sum3A_4238 = arith.constant true
      %reduce_sum3A_4239 = vector.broadcast %reduce_sum3A_4238 : i1 to vector<16xi1>
      %reduce_sum3A_4240 = tpu.scan <sum>, %add3A_4234 masked %reduce_sum3A_4239 : vector<16xf32>, vector<16xi1> -> vector<16xf32>
      %reduce_sum3A_4241 = vector.extract %reduce_sum3A_4240[15] : f32 from vector<16xf32>
      %broadcast_in_dim3A_4242 = vector.broadcast %reduce_sum3A_4241 : f32 to vector<16xf32>
      %select_n3A_4243 = arith.select %eq3A_4237, %broadcast_in_dim3A_4242, %select_n3A_4168 : vector<16xi1>, vector<16xf32>
      %bitcast_convert_type3A_4244 = tpu.bitcast %select_n3A_4243 : vector<16xf32> -> vector<16xi32>
      %shift_right_logical3A_4245 = arith.constant 1 : i32
      %shift_right_logical3A_4246 = vector.broadcast %shift_right_logical3A_4245 : i32 to vector<16xi32>
      %shift_right_logical3A_4247 = arith.shrui %bitcast_convert_type3A_4244, %shift_right_logical3A_4246 : vector<16xi32>
      %add3A_4248 = arith.constant 532487669 : i32
      %add3A_4249 = vector.broadcast %add3A_4248 : i32 to vector<16xi32>
      %add3A_4250 = arith.addi %add3A_4249, %shift_right_logical3A_4247 : vector<16xi32>
      %bitcast_convert_type3A_4251 = tpu.bitcast %add3A_4250 : vector<16xi32> -> vector<16xf32>
      %div3A_4252 = arith.divf %select_n3A_4243, %bitcast_convert_type3A_4251 : vector<16xf32>
      %add3A_4253 = arith.addf %bitcast_convert_type3A_4251, %div3A_4252 : vector<16xf32>
      %mul3A_4254 = arith.constant 5.000000e-01 : f32
      %mul3A_4255 = vector.broadcast %mul3A_4254 : f32 to vector<16xf32>
      %mul3A_4256 = arith.mulf %mul3A_4255, %add3A_4253 : vector<16xf32>
      %div3A_4257 = arith.divf %select_n3A_4243, %mul3A_4256 : vector<16xf32>
      %add3A_4258 = arith.addf %mul3A_4256, %div3A_4257 : vector<16xf32>
      %mul3A_4259 = arith.constant 5.000000e-01 : f32
      %mul3A_4260 = vector.broadcast %mul3A_4259 : f32 to vector<16xf32>
      %mul3A_4261 = arith.mulf %mul3A_4260, %add3A_4258 : vector<16xf32>
      %div3A_4262 = arith.divf %select_n3A_4243, %mul3A_4261 : vector<16xf32>
      %add3A_4263 = arith.addf %mul3A_4261, %div3A_4262 : vector<16xf32>
      %mul3A_4264 = arith.constant 5.000000e-01 : f32
      %mul3A_4265 = vector.broadcast %mul3A_4264 : f32 to vector<16xf32>
      %mul3A_4266 = arith.mulf %mul3A_4265, %add3A_4263 : vector<16xf32>
      %swap3A_4267 = arith.index_cast %mul3A_3041 : i32 to index
      %swap3A_4268 = tpu.vector_load %arg17[%swap3A_4267] {strides = array<i32>} : memref<512xf32, #tpu.memory_space<vmem>>, vector<16xf32>,
      tpu.vector_store %arg17[%swap3A_4267], %mul3A_4266 {strides = array<i32>} : memref<512xf32, #tpu.memory_space<vmem>>, vector<16xf32>,
    }
    %scan3A_585 = arith.constant 16 : i32
    %dma_wait3A = arith.constant 0 : i32
    %dma_wait3A_586 = arith.constant 0 : i32
    %dma_wait3A_587 = tpu.memref_slice %arg5[%dma_wait3A, %dma_wait3A_586] : memref<1000000x64xf32, #tpu.memory_space<hbm>> -> memref<16x64xf32, #tpu.memory_space<hbm>>
    %dma_wait3A_588 = arith.constant 0 : i32
    %dma_wait3A_589 = arith.constant 0 : i32
    %dma_wait3A_590 = tpu.memref_slice %arg5[%dma_wait3A_588, %dma_wait3A_589] : memref<1000000x64xf32, #tpu.memory_space<hbm>> -> memref<16x64xf32, #tpu.memory_space<hbm>>
    tpu.wait_dma2 semaphore(%arg18 : memref<!tpu.dma_semaphore, #tpu.memory_space<semaphore_mem>>) src(%dma_wait3A_590 : memref<16x64xf32, #tpu.memory_space<hbm>>) dst(%arg11 : memref<16x64xf32, #tpu.memory_space<vmem>>)
    %dma_wait3A_591 = arith.constant 0 : i32
    %dma_wait3A_592 = arith.constant 0 : i32
    %dma_wait3A_593 = tpu.memref_slice %arg5[%dma_wait3A_591, %dma_wait3A_592] : memref<1000000x64xf32, #tpu.memory_space<hbm>> -> memref<16x64xf32, #tpu.memory_space<hbm>>
    %dma_wait3A_594 = arith.constant 0 : i32
    %dma_wait3A_595 = arith.constant 0 : i32
    %dma_wait3A_596 = tpu.memref_slice %arg5[%dma_wait3A_594, %dma_wait3A_595] : memref<1000000x64xf32, #tpu.memory_space<hbm>> -> memref<16x64xf32, #tpu.memory_space<hbm>>
    tpu.wait_dma2 semaphore(%arg18 : memref<!tpu.dma_semaphore, #tpu.memory_space<semaphore_mem>>) src(%dma_wait3A_596 : memref<16x64xf32, #tpu.memory_space<hbm>>) dst(%arg12 : memref<16x64xf32, #tpu.memory_space<vmem>>)
    %dma_wait3A_597 = arith.constant 0 : i32
    %dma_wait3A_598 = arith.constant 0 : i32
    %dma_wait3A_599 = tpu.memref_slice %arg5[%dma_wait3A_597, %dma_wait3A_598] : memref<1000000x64xf32, #tpu.memory_space<hbm>> -> memref<16x64xf32, #tpu.memory_space<hbm>>
    %dma_wait3A_600 = arith.constant 0 : i32
    %dma_wait3A_601 = arith.constant 0 : i32
    %dma_wait3A_602 = tpu.memref_slice %arg5[%dma_wait3A_600, %dma_wait3A_601] : memref<1000000x64xf32, #tpu.memory_space<hbm>> -> memref<16x64xf32, #tpu.memory_space<hbm>>
    tpu.wait_dma2 semaphore(%arg18 : memref<!tpu.dma_semaphore, #tpu.memory_space<semaphore_mem>>) src(%dma_wait3A_602 : memref<16x64xf32, #tpu.memory_space<hbm>>) dst(%arg13 : memref<16x64xf32, #tpu.memory_space<vmem>>)
    "tpu.region"() ({
      %run_scoped3A = tpu.sem_alloc : memref<!tpu.dma_semaphore, #tpu.memory_space<semaphore_mem>>
      %dma_start3A_603 = tpu.memref_slice %arg7[%mul3A_2] : memref<16384xf32, #tpu.memory_space<hbm>> -> memref<512xf32, #tpu.memory_space<hbm>>
      %dma_start3A_604 = tpu.memref_slice %arg7[%mul3A_2] : memref<16384xf32, #tpu.memory_space<hbm>> -> memref<512xf32, #tpu.memory_space<hbm>>
      tpu.enqueue_dma source(%arg17 : memref<512xf32, #tpu.memory_space<vmem>>) target(%dma_start3A_604 : memref<512xf32, #tpu.memory_space<hbm>>) target_semaphore(%run_scoped3A : memref<!tpu.dma_semaphore, #tpu.memory_space<semaphore_mem>>)
      %dma_wait3A_605 = tpu.memref_slice %arg7[%mul3A_2] : memref<16384xf32, #tpu.memory_space<hbm>> -> memref<512xf32, #tpu.memory_space<hbm>>
      %dma_wait3A_606 = tpu.memref_slice %arg7[%mul3A_2] : memref<16384xf32, #tpu.memory_space<hbm>> -> memref<512xf32, #tpu.memory_space<hbm>>
      tpu.wait_dma2 semaphore(%run_scoped3A : memref<!tpu.dma_semaphore, #tpu.memory_space<semaphore_mem>>) src(%arg17 : memref<512xf32, #tpu.memory_space<vmem>>) dst(%dma_wait3A_606 : memref<512xf32, #tpu.memory_space<hbm>>)
      tpu.yield
    }) : () -> ()
    return
  }
}

</mosaic_0001>

<sc_bundles>
// kernel: kernel.3.cloned.1.call-start
scs
__scs_entry_jumppad:
0x0: {  	(pc) =	sbr.rel $0x88, $3  }
0x1: {  	(tag) =	ssettag $0x0;
	lr =	simm.s32 $0x1  }
0x2: {  	[smem:$0x3F9C] =	sst lr;
	_ =	strace $0xD0000000  }
0x3: {  	_ = 	snop  }
0x4: {  	_ = 	snop  }
0x5: {  	_ = 	snop  }
0x6: {  	_ = 	snop  }
0x7: {  	_ = 	snop  }
__scs_overlays_trampoline_lowered:
0x8: {  	[smem:$0x3FAB] =	sst s0  }
0x9: {  	[smem:$0x3FAC] =	sst s1  }
0xa: {  	[smem:$0x3FAD] =	sst s2  }
0xb: {  	[smem:$0x3FAE] =	sst s3  }
0xc: {  	[smem:$0x3FAF] =	sst s4  }
0xd: {  	[smem:$0x3FB0] =	sst s5  }
0xe: {  	[smem:$0x3FB1] =	sst s6  }
0xf: {  	[smem:$0x3FB2] =	sst s7  }
0x10: {  	[smem:$0x3FB3] =	sst s8  }
0x11: {  	[smem:$0x3FB4] =	sst s9;
	s0 =	simm.s32 @!p0 $0x0  }
0x12: {  	s1 =	sld [smem:$0x3F9A];
	s0 =	simm.s32 @p0 $0x1  }
0x13: {  	[smem:$0x3FB5] =	sst s0;
	s0 =	simm.s32 @!p1 $0x0  }
0x14: {  	s2 =	sld [smem:$0x3F99];
	s0 =	simm.s32 @p1 $0x1  }
0x15: {  	[smem:$0x3FB6] =	sst s0;
	s0 =	simm.s32 @!p2 $0x0  }
0x16: {  	s3 =	sld [smem:$0x3FDB];
	s0 =	simm.s32 @p2 $0x1  }
0x17: {  	s4 =	simm.s32 $0x1BF5;
	[smem:$0x3FB8] =	sst s0  }
0x18: {  	s0 =	sld [smem:$0x3F9B];
	_ =	swait.ge [sflag:s4], $0x0  }
0x19: {  	s7 =	sld [smem:$0x3F9C]  }
0x1a: {  	s8 =	sadd.s32 $0xFFFFE003, lr  }
0x1b: {  	s9 =	sadd.s32 $0xFFFFFEF7, lr;
	s5 =	simm.s32 $0xFFFFFFFF;
	p2 =	slt.u32 s8, $0xFFFFF086  }
0x1c: {  	p1 =	slt.u32 s9, $0xF7A;
	s5 =	simm.s32 @!p2 $0x0  }
0x1d: {  	s5 =	simm.s32 @p1 $0x1;
	p0 =	seq.s32 s7, s2  }
0x1e: {  	s7 =	smul.u32 @!p0 $0xF7A, s2;
	p2 =	seq.s32 @!p0 s5, $0x0  }
0x1f: {  	s9 =	smul.u32 $0xF7A, s1;
	s8 =	simm.s32 @!p0 $0x1BF5;
	p2 =	por !p2, p0  }
0x20: {  	[sflag:s8] =	ssyncset.s32 @!p0 $0xFFFFF086;
	s6 =	sadd.s32 @!p0 s3, s7;
	s7 =	simm.s32 @!p0 $0x108  }
0x21: {  	s3 =	sadd.s32 s3, s9;
	s6 =	sadd.s32 @!p0 $0x88, s6;
	s7 =	simm.s32 @p2 $0x1082  }
0x22: {  	[simem:s7], [sflag:s8] =	dma.local @!p0 [hbm:s6], $0xF7A  }
0x23: {  	s9 =	sor.u32 $0xD0000000, s2;
	s6 =	simm.s32 $0x108;
	_ =	swait.ge @!p0 [sflag:s8], $0x0  }
0x24: {  	s3 =	sadd.s32 $0x88, s3;
	s6 =	simm.s32 @!p1 $0x1082;
	[sflag:s4] =	ssyncset.s32 $0xFFFFF086  }
0x25: {  	[simem:s6], [sflag:s4] =	dma.local [hbm:s3], $0xF7A  }
0x26: {  	[smem:$0x3F9C] =	sst s1;
	(tag) =	ssettag s2;
	_ =	strace s9  }
0x27: {  	s1 =	sld [smem:$0x3FAC]  }
0x28: {  	s2 =	sld [smem:$0x3FAD]  }
0x29: {  	s4 =	sld [smem:$0x3FAF]  }
0x2a: {  	p0 =	seq.s32 s5, $0x0;
	s5 =	sld [smem:$0x3FB0]  }
0x2b: {  	s6 =	sld [smem:$0x3FB1]  }
0x2c: {  	s7 =	sld [smem:$0x3FB2]  }
0x2d: {  	s3 =	simm.s32 $0x108;
	s8 =	sld [smem:$0x3FB3]  }
0x2e: {  	s3 =	simm.s32 @!p0 $0x1082;
	s9 =	sld [smem:$0x3FB4]  }
0x2f: {  	lr =	sadd.s32 s0, s3;
	s0 =	sld [smem:$0x3FAB]  }
0x30: {  	s3 =	sld [smem:$0x3FAE]  }
0x31: {  	[smem:$0x3FB7] =	sst s10  }
0x32: {  	s10 =	sld [smem:$0x3FB5];
	_ =	sdelay $0x3  }
0x33: {  	p0 =	seq.s32 s10, $0x1;
	s10 =	sld [smem:$0x3FB7];
	_ =	sdelay $0x3  }
0x34: {  	[smem:$0x3FB7] =	sst s10  }
0x35: {  	s10 =	sld [smem:$0x3FB6];
	_ =	sdelay $0x3  }
0x36: {  	p1 =	seq.s32 s10, $0x1;
	s10 =	sld [smem:$0x3FB7];
	_ =	sdelay $0x3  }
0x37: {  	[smem:$0x3FB7] =	sst s10  }
0x38: {  	s10 =	sld [smem:$0x3FB8]  }
0x39: {  	_ = 	snop;
	(pc) =	sbr.ind lr, $3  }
0x3a: {  	_ = 	snop  }
0x3b: {  	_ = 	snop  }
0x3c: {  	p2 =	seq.s32 s10, $0x1;
	s10 =	sld [smem:$0x3FB7]  }
0x3d: {  	_ =	shalt  }
0x3e: {  	_ =	shalt  }
0x3f: {  	_ =	shalt  }
0x40: {  	_ =	shalt  }
0x41: {  	_ =	shalt  }
0x42: {  	_ =	shalt  }
0x43: {  	_ =	shalt  }
0x44: {  	_ =	shalt  }
0x45: {  	_ =	shalt  }
0x46: {  	_ =	shalt  }
0x47: {  	_ =	shalt  }
0x48: {  	_ =	shalt  }
0x49: {  	_ =	shalt  }
0x4a: {  	_ =	shalt  }
0x4b: {  	_ =	shalt  }
0x4c: {  	_ =	shalt  }
0x4d: {  	_ =	shalt  }
0x4e: {  	_ =	shalt  }
0x4f: {  	_ =	shalt  }
0x50: {  	_ =	shalt  }
0x51: {  	_ =	shalt  }
0x52: {  	_ =	shalt  }
0x53: {  	_ =	shalt  }
0x54: {  	_ =	shalt  }
0x55: {  	_ =	shalt  }
0x56: {  	_ =	shalt  }
0x57: {  	_ =	shalt  }
0x58: {  	_ =	shalt  }
0x59: {  	_ =	shalt  }
0x5a: {  	_ =	shalt  }
0x5b: {  	_ =	shalt  }
0x5c: {  	_ =	shalt  }
0x5d: {  	_ =	shalt  }
0x5e: {  	_ =	shalt  }
0x5f: {  	_ =	shalt  }
0x60: {  	_ =	shalt  }
0x61: {  	_ =	shalt  }
0x62: {  	_ =	shalt  }
0x63: {  	_ =	shalt  }
0x64: {  	_ =	shalt  }
0x65: {  	_ =	shalt  }
0x66: {  	_ =	shalt  }
0x67: {  	_ =	shalt  }
0x68: {  	_ =	shalt  }
0x69: {  	_ =	shalt  }
0x6a: {  	_ =	shalt  }
0x6b: {  	_ =	shalt  }
0x6c: {  	_ =	shalt  }
0x6d: {  	_ =	shalt  }
0x6e: {  	_ =	shalt  }
0x6f: {  	_ =	shalt  }
0x70: {  	_ =	shalt  }
0x71: {  	_ =	shalt  }
0x72: {  	_ =	shalt  }
0x73: {  	_ =	shalt  }
0x74: {  	_ =	shalt  }
0x75: {  	_ =	shalt  }
0x76: {  	_ =	shalt  }
0x77: {  	_ =	shalt  }
0x78: {  	_ =	shalt  }
0x79: {  	_ =	shalt  }
0x7a: {  	_ =	shalt  }
0x7b: {  	_ =	shalt  }
0x7c: {  	_ =	shalt  }
0x7d: {  	_ =	shalt  }
0x7e: {  	_ =	shalt  }
0x7f: {  	_ =	shalt  }
0x80: {  	_ =	shalt  }
0x81: {  	_ =	shalt  }
0x82: {  	_ =	shalt  }
0x83: {  	_ =	shalt  }
0x84: {  	_ =	shalt  }
0x85: {  	_ =	shalt  }
0x86: {  	_ =	shalt  }
0x87: {  	_ =	shalt  }
.Lfunc_end0:
.L_simem_size_0:
called_computation_lowered:
.L_overlay_start_0:
0x88: {  	s2 =	sld [smem:$0x3FD9]  }
0x89: {  	s3 =	sld [smem:$0x3FFE];
	_ =	sdelay $0x1  }
0x8a: {  	s1 =	srdreg.scid  }
0x8b: {  	s0 =	sand.u32 $0x1, s1  }
0x8c: {  	s17 =	sshll.u32 s0, $0xA;
	s2 =	sadd.s32 s3, s2  }
0x8d: {  	s2 =	sadd.s32 s2, s17  }
0x8e: {  	[smem:$0x3FC3] =	sst s2  }
0x8f: {  	_ = 	snop  }
0x90: {  	s2 =	sld [smem:$0x3FC9]  }
0x91: {  	s18 =	sld [smem:$0x3FC8]  }
0x92: {  	s4 =	sld [smem:$0x3FC7]  }
0x93: {  	s5 =	sld [smem:$0x3FD0];
	(tm) =	ssettm $0x1  }
0x94: {  	s6 =	sld [smem:$0x3FFB];
	_ =	sdelay $0x3  }
0x95: {  	_ =	strace s6  }
0x96: {  	s6 =	sld [smem:$0x3FFC];
	_ =	sdelay $0x3  }
0x97: {  	_ =	strace s6  }
0x98: {  	s6 =	sld [smem:$0x3FFD];
	_ =	sdelay $0x3  }
0x99: {  	_ =	strace s6  }
0x9a: {  	_ =	strace $0x8FFFFFFF  }
0x9b: {  	s19 =	sld [smem:$0x3FDB];
	_ =	sdelay $0x1  }
0x9c: {  	s7 =	simm.s32 $_scs_section_size  }
0x9d: {  	s8 =	simm.s32 $_size__tile_overlayer_lowered;
	s9 =	simm.s32 $_tile_overlayer_lowered  }
0x9e: {  	s22 =	simm.s32 $0x1BFF;
	s21 =	sshll.u32 s9, $0x1;
	s6 =	sadd.s32 s7, s19  }
0x9f: {  	s10 =	simm.s32 $0x0;
	s20 =	sshll.u32 s8, $0x1;
	s8 =	sadd.s32 s21, s6  }
0xa0: {  	[timem:s10], [sflag:s22] =	dma.local [hbm:s8], s20  }
0xa1: {  	_ =	swait.ge [sflag:s22], s20  }
0xa2: {  	s7 =	ssub.s32 $0x0, s20;
	[sflag:s22] =	ssyncset.done $0x0  }
0xa3: {  	[sflag:s22] =	ssyncadd.s32 s7;
	_ =	sdelay $0x1  }
0xa4: {  	s23 =	simm.s32 $0x1B8B  }
0xa5: {  	_ =	swait.ge [sflag:s23], $0x1  }
0xa6: {  	[sflag:s23] =	ssyncset.done $0x0  }
0xa7: {  	s25 =	simm.s32 $0x1B8E;
	s24 =	sld [smem:$0x3FFE];
	[sflag:s23] =	ssyncadd.s32 $0xFFFFFFFF  }
0xa8: {  	s26 =	simm.s32 $execute0_lowered;
	[smem:$0x3FD2] =	sst s25  }
0xa9: {  	s8 =	sshll.u32 s26, $0x1;
	_ =	strace $0x80000046;
	[dreg:$0x1] =	wrdreg $0xFFFFFFFF  }
0xaa: {  	s28 =	simm.s32 $_size_execute0_lowered;
	s6 =	sadd.s32 s6, s8;
	[dreg:$0x0] =	wrdreg $0x0  }
0xab: {  	s8 =	sshll.u32 s28, $0x1;
	[dreg:$0x2] =	wrdreg s6  }
0xac: {  	[dreg:$0x3] =	wrdreg s8  }
0xad: {  	[dreg:$0x4] =	wrdreg $0xC0  }
0xae: {  	_ =	task [dreg:s10], $0x5FFFF  }
0xaf: {  	[dreg:$0x1] =	wrdreg $0xFFFFFFFF  }
0xb0: {  	[dreg:$0x0] =	wrdreg $0x60  }
0xb1: {  	[dreg:$0x2] =	wrdreg s2  }
0xb2: {  	[dreg:$0x3] =	wrdreg s18  }
0xb3: {  	[dreg:$0x4] =	wrdreg s4  }
0xb4: {  	[dreg:$0x5] =	wrdreg s24  }
0xb5: {  	[dreg:$0x6] =	wrdreg s5  }
0xb6: {  	[dreg:$0x7] =	wrdreg $0x9  }
0xb7: {  	_ =	task.clear_ibuf [dreg:s10], $0x8FFFF;
	_ =	strace $0x90000046  }
0xb8: {  	s29 =	simm.s32 $0x9;
	_ =	strace $0x80000048  }
0xb9: {  	_ =	swait.ge [sflag:s29], $0x1  }
0xba: {  	[sflag:s29] =	ssyncadd.s32 $0xFFFFFFFF  }
0xbb: {  	_ =	strace $0x90000048  }
0xbc: {  	_ =	sfence  }
0xbd: {  	s30 =	sld [smem:$0x0];
	_ =	sdelay $0x2  }
0xbe: {  	s31 =	sshll.u32 s1, $0xD;
	s1 =	sshrl.u32 s1, $0x2  }
0xbf: {  	s3 =	sand.u32 $0x4000, s31;
	s1 =	sadd.s32 s1, s30  }
0xc0: {  	s0 =	sor.u32 s3, s0;
	s1 =	sshll.u32 s1, $0x11  }
0xc1: {  	s0 =	sor.u32 s1, s0  }
0xc2: {  	s0 =	sadd.s32 $0x8F2B, s0  }
0xc3: {  	[sflag:s0] =	ssyncadd.remote.s32 $0x1  }
0xc4: {  	_ =	sfence.sel $0xFFFF  }
0xc5: {  	[dreg:$0x0] =	wrdreg $0xFFFFFFFF;
	(pc) =	sbr.abs _section_cstart, $3  }
0xc6: {  	[dreg:$0x1] =	wrdreg $0xFFFFFFFF  }
0xc7: {  	_ =	task.clear_ibuf [dreg:s10], $0x2FFFF;
	_ =	strace $0x9FFFFFFF  }
0xc8: {  	(tm) =	ssettm $0x7FFFFFFF  }
0xc9: {  	_ =	shalt  }
tec
execute0_lowered:
.L_overlay_start_1:
0x0: {  	(tag) =	ssettag $0x1  }
0x1: {  	s6 =	rddreg [dreg:$0x0]  }
0x2: {  	s5 =	rddreg [dreg:$0x1]  }
0x3: {  	s4 =	rddreg [dreg:$0x2]  }
0x4: {  	s3 =	rddreg [dreg:$0x3]  }
0x5: {  	s0 =	rddreg [dreg:$0x4];
	s1 =	simm.s32 $0x0  }
0x6: {  	s2 =	simm.s32 $0x1E00;
	[smem:$0x7FF] =	sst s1  }
0x7: {  	s18 =	simm.s32 $0x2600;
	_ =	strace $0x80000047;
	[dreg:$0x6] =	wrdreg s2  }
0x8: {  	s19 =	simm.s32 $0x2E00;
	[dreg:$0x7] =	wrdreg s18  }
0x9: {  	s20 =	simm.s32 $0x1E80;
	[dreg:$0x8] =	wrdreg s19  }
0xa: {  	s21 =	simm.s32 $0x2680;
	[dreg:$0x9] =	wrdreg s20  }
0xb: {  	s22 =	simm.s32 $0x2E80;
	[dreg:$0xa] =	wrdreg s21  }
0xc: {  	s23 =	simm.s32 $0x1F00;
	[dreg:$0xb] =	wrdreg s22  }
0xd: {  	s24 =	simm.s32 $0x2700;
	[dreg:$0xc] =	wrdreg s23  }
0xe: {  	s25 =	simm.s32 $0x2F00;
	[dreg:$0xd] =	wrdreg s24  }
0xf: {  	s26 =	simm.s32 $0x1F80;
	[dreg:$0xe] =	wrdreg s25  }
0x10: {  	s7 =	simm.s32 $0x2780;
	[dreg:$0xf] =	wrdreg s26  }
0x11: {  	s8 =	simm.s32 $0x2F80;
	[dreg:$0x10] =	wrdreg s7  }
0x12: {  	s9 =	simm.s32 $0x2000;
	[dreg:$0x11] =	wrdreg s8  }
0x13: {  	s10 =	simm.s32 $0x2800;
	[dreg:$0x12] =	wrdreg s9  }
0x14: {  	s11 =	simm.s32 $0x3000;
	[dreg:$0x13] =	wrdreg s10  }
0x15: {  	s12 =	simm.s32 $0x2080;
	[dreg:$0x14] =	wrdreg s11  }
0x16: {  	s13 =	simm.s32 $0x2880;
	[dreg:$0x15] =	wrdreg s12  }
0x17: {  	s14 =	simm.s32 $0x2100;
	[dreg:$0x16] =	wrdreg s13  }
0x18: {  	s15 =	simm.s32 $0x2900;
	[dreg:$0x18] =	wrdreg s14  }
0x19: {  	s16 =	simm.s32 $0x3100;
	[dreg:$0x19] =	wrdreg s15  }
0x1a: {  	s17 =	simm.s32 $0x2180;
	[dreg:$0x1a] =	wrdreg s16  }
0x1b: {  	s7 =	simm.s32 $0x3080;
	[dreg:$0x1b] =	wrdreg s17  }
0x1c: {  	s18 =	simm.s32 $0x2980;
	[dreg:$0x17] =	wrdreg s7  }
0x1d: {  	s19 =	simm.s32 $0x3180;
	[dreg:$0x1c] =	wrdreg s18  }
0x1e: {  	s20 =	simm.s32 $0x2200;
	[dreg:$0x1d] =	wrdreg s19  }
0x1f: {  	s21 =	simm.s32 $0x2A00;
	[dreg:$0x1e] =	wrdreg s20  }
0x20: {  	s28 =	simm.s32 $0x1880;
	s23 =	simm.s32 $0x3200;
	[dreg:$0x1f] =	wrdreg s21  }
0x21: {  	s29 =	simm.s32 $0x900;
	s24 =	simm.s32 $0x2280;
	[smem:$0x7E3] =	sst s23  }
0x22: {  	s30 =	simm.s32 $0x1100;
	s25 =	simm.s32 $0x2A80;
	[smem:$0x7E4] =	sst s24  }
0x23: {  	s31 =	simm.s32 $0x1180;
	s26 =	simm.s32 $0x3280;
	[smem:$0x7E6] =	sst s25  }
0x24: {  	s2 =	sadd.s32 $0x4400, s3;
	s12 =	simm.s32 $0x2380;
	[smem:$0x7E8] =	sst s26  }
0x25: {  	s3 =	sadd.s32 $0x400, s3;
	s13 =	simm.s32 $0x2B80;
	[smem:$0x7EF] =	sst s12  }
0x26: {  	s8 =	srdreg.scid;
	s14 =	simm.s32 $0x3380;
	[smem:$0x7F0] =	sst s13  }
0x27: {  	s11 =	stileid.u32;
	s15 =	simm.s32 $0x2400;
	[smem:$0x7F1] =	sst s14  }
0x28: {  	s16 =	simm.s32 $0x2C00;
	s17 =	simm.s32 $0x3400;
	[smem:$0x7F2] =	sst s15  }
0x29: {  	s8 =	sand.u32 $0x1, s8;
	s22 =	sshll.u32 s11, $0x7;
	[smem:$0x7F3] =	sst s16  }
0x2a: {  	s7 =	simm.s32 $0x2B00;
	[smem:$0x7F4] =	sst s17;
	s18 =	simm.s32 $0x2480  }
0x2b: {  	s13 =	simm.s32 $0x680;
	s19 =	simm.s32 $0x2C80;
	s14 =	simm.s32 $0xE80  }
0x2c: {  	s20 =	simm.s32 $0x3480;
	s15 =	simm.s32 $0x1680;
	[smem:$0x7EC] =	sst s7  }
0x2d: {  	s21 =	simm.s32 $0x2500;
	s16 =	simm.s32 $0x700;
	[smem:$0x7F5] =	sst s18  }
0x2e: {  	s17 =	simm.s32 $0xF00;
	s23 =	simm.s32 $0x3500;
	[smem:$0x7F6] =	sst s19  }
0x2f: {  	s24 =	simm.s32 $0x2580;
	s25 =	simm.s32 $0x2D80;
	[smem:$0x7F7] =	sst s20  }
0x30: {  	s26 =	simm.s32 $0x3580;
	s12 =	simm.s32 $0x2;
	[smem:$0x7F8] =	sst s21  }
0x31: {  	s9 =	ssub.s32 $0x2, s8;
	s8 =	sshll.u32 s8, $0x6;
	[smem:$0x7FA] =	sst s23  }
0x32: {  	s18 =	simm.s32 $0x1700;
	s19 =	simm.s32 $0x780;
	[smem:$0x7FB] =	sst s24  }
0x33: {  	s20 =	simm.s32 $0xF80;
	[smem:$0x7FC] =	sst s25;
	s21 =	simm.s32 $0x1780  }
0x34: {  	[smem:$0x7FD] =	sst s26;
	s23 =	simm.s32 $0x1000;
	s24 =	simm.s32 $0x1800  }
0x35: {  	s25 =	simm.s32 $0x880;
	s26 =	simm.s32 $0x1080;
	s7 =	simm.s32 $0x0  }
0x36: {  	s10 =	sshrl.u32 s9, $0x1;
	s8 =	sor.u32 s8, s22;
	s22 =	simm.s32 $0x2D00  }
0x37: {  	s9 =	ssub.s32 s9, s10;
	s6 =	sadd.s32 s6, s8;
	[smem:$0x7F9] =	sst s22  }
0x38: {  	s5 =	sadd.s32 s5, s8;
	s4 =	sadd.s32 s4, s8;
	[smem:$0x7E5] =	sst s6  }
0x39: {  	s0 =	sadd.s32 s0, s8;
	s10 =	simm.s32 $0x3300;
	[smem:$0x7E7] =	sst s5  }
0x3a: {  	vm0 =	vmmov $0x1;
	vm1 =	vmmov $0x3;
	vm2 =	vmmov $0x7;
	s8 =	simm.s32 $0xE00;
	s22 =	simm.s32 $0x800;
	[smem:$0x7E9] =	sst s4  }
0x3b: {  	vm3 =	vmmov $0xf;
	vm4 =	vmmov $0x1f;
	vm5 =	vmmov $0x3f;
	s6 =	simm.s32 $0x2300;
	[smem:$0x7EB] =	sst s0;
	s11 =	smax.u32 s9, $0x1  }
0x3c: {  	vm6 =	vmmov $0x7f;
	vm7 =	vmmov $0xff;
	vm8 =	vmmov $0x1ff;
	[smem:$0x7EE] =	sst s10;
	s9 =	simm.s32 $0x600;
	s10 =	simm.s32 $0x1600  }
0x3d: {  	vm9 =	vmmov $0x3ff;
	vm10 =	vmmov $0x7ff;
	vm11 =	vmmov $0xfff;
	s0 =	simm.s32 $0x1900;
	s4 =	simm.s32 $0x980;
	[smem:$0x7EA] =	sst s6  }
0x3e: {  	vm12 =	vmmov $0x1fff;
	vm13 =	vmmov $0x3fff;
	vm14 =	vmmov $0x7fff;
	[smem:$0x7ED] =	sst s11;
	s6 =	simm.s32 $0x3;
	s11 =	simm.s32 $0x1  }
.LBB2_1:
0x3f: {  	s5 =	sld [smem:$0x7E5];
	_ =	sdelay $0x1  }
0x40: {  	[smem:$0x7E2] =	sst s7  }
0x41: {  	[tilespmem:s1], [sflag:$0x3] =	stream.linear.gather [hbm4b:s5+s1], $0x200, $0x38;
	[tilespmem:$0x3800] =	vst v63  }
0x42: {  	_ =	swait.ge [sflag:s6], $0x200  }
0x43: {  	s5 =	sld [smem:$0x7E7]  }
0x44: {  	[sflag:s6] =	ssyncset.done $0x0  }
0x45: {  	s7 =	simm.s32 $0x200;
	[sflag:s6] =	ssyncadd.s32 $0xFFFFFE00  }
0x46: {  	[tilespmem:s7], [sflag:$0x3] =	stream.linear.gather [hbm4b:s5+s1], $0x200, $0x38;
	[tilespmem:$0x3800] =	vst v63  }
0x47: {  	_ =	swait.ge [sflag:s6], $0x200  }
0x48: {  	s5 =	sld [smem:$0x7E9]  }
0x49: {  	[sflag:s6] =	ssyncset.done $0x0  }
0x4a: {  	s7 =	simm.s32 $0x400;
	[sflag:s6] =	ssyncadd.s32 $0xFFFFFE00  }
0x4b: {  	[tilespmem:s7], [sflag:$0x3] =	stream.linear.gather [hbm4b:s5+s1], $0x200, $0x38;
	[tilespmem:$0x3800] =	vst v63  }
0x4c: {  	_ =	swait.ge [sflag:s6], $0x200  }
0x4d: {  	[sflag:s6] =	ssyncset.done $0x0  }
0x4e: {  	[sflag:s6] =	ssyncadd.s32 $0xFFFFFE00  }
0x4f: {  	v0 =	vld [tilespmem:$0x0];
	_ =	sdelay $0x2  }
0x50: {  	v1 =	vld [tilespmem:$0x200];
	_ =	sdelay $0x1  }
0x51: {  	v2 =	vshll.u32 v0, $0x4  }
0x52: {  	v63 =	vld [tilespmem:$0x400];
	(v2sf) =	vpush v2, $0x0;
	_ =	sdelay $0x1  }
0x53: {  	v1 =	vshll.u32 v1, $0x4  }
0x54: {  	(v2sf) =	vpush v1, $0x0;
	_ =	sdelay $0x1  }
0x55: {  	v0 =	vshll.u32 v63, $0x4  }
0x56: {  	(v2sf) =	vpush v0, $0x0;
	_ =	sdelay $0x4  }
0x57: {  	(v2sf) =	vpush v2, $0x1;
	_ =	sdelay $0x3  }
0x58: {  	s6 =	spop (v2sf);
	(v2sf) =	vpush v1, $0x1;
	_ =	sdelay $0x1  }
0x59: {  	s5 =	sand.u32 $0x1FFFFFF0, s6  }
0x5a: {  	s7 =	spop (v2sf);
	s5 =	sadd.s32 s2, s5  }
0x5b: {  	(v2sf) =	vpush v0, $0x1;
	[tilespmem:s9], [sflag:$0x1] =	stream.linear.gather [hbm4b:s5+s1], $0x80, $0x38;
	[tilespmem:$0x3800] =	vst v63  }
0x5c: {  	s5 =	sand.u32 $0x1FFFFFF0, s7  }
0x5d: {  	s9 =	spop (v2sf);
	s5 =	sadd.s32 s3, s5  }
0x5e: {  	[tilespmem:s8], [sflag:$0x1] =	stream.linear.gather [hbm4b:s5+s1], $0x80, $0x38;
	[tilespmem:$0x3800] =	vst v63  }
0x5f: {  	(v2sf) =	vpush v2, $0x2;
	s5 =	sand.u32 $0x1FFFFFF0, s9  }
0x60: {  	s5 =	sadd.s32 s2, s5  }
0x61: {  	[tilespmem:s10], [sflag:$0x1] =	stream.linear.gather [hbm4b:s5+s1], $0x80, $0x38;
	[tilespmem:$0x3800] =	vst v63  }
0x62: {  	s10 =	spop (v2sf)  }
0x63: {  	(v2sf) =	vpush v1, $0x2;
	s5 =	sand.u32 $0x1FFFFFF0, s10  }
0x64: {  	s5 =	sadd.s32 s2, s5  }
0x65: {  	[tilespmem:s13], [sflag:$0x1] =	stream.linear.gather [hbm4b:s5+s1], $0x80, $0x38;
	[tilespmem:$0x3800] =	vst v63  }
0x66: {  	s13 =	spop (v2sf)  }
0x67: {  	(v2sf) =	vpush v0, $0x2;
	s5 =	sand.u32 $0x1FFFFFF0, s13  }
0x68: {  	s5 =	sadd.s32 s3, s5  }
0x69: {  	[tilespmem:s14], [sflag:$0x1] =	stream.linear.gather [hbm4b:s5+s1], $0x80, $0x38;
	[tilespmem:$0x3800] =	vst v63  }
0x6a: {  	s14 =	spop (v2sf)  }
0x6b: {  	(v2sf) =	vpush v2, $0x3;
	s5 =	sand.u32 $0x1FFFFFF0, s14  }
0x6c: {  	s5 =	sadd.s32 s2, s5  }
0x6d: {  	[tilespmem:s15], [sflag:$0x1] =	stream.linear.gather [hbm4b:s5+s1], $0x80, $0x38;
	[tilespmem:$0x3800] =	vst v63  }
0x6e: {  	s15 =	spop (v2sf)  }
0x6f: {  	(v2sf) =	vpush v1, $0x3;
	s5 =	sand.u32 $0x1FFFFFF0, s15  }
0x70: {  	s5 =	sadd.s32 s2, s5  }
0x71: {  	[tilespmem:s16], [sflag:$0x1] =	stream.linear.gather [hbm4b:s5+s1], $0x80, $0x38;
	[tilespmem:$0x3800] =	vst v63  }
0x72: {  	s16 =	spop (v2sf)  }
0x73: {  	(v2sf) =	vpush v0, $0x3;
	s5 =	sand.u32 $0x1FFFFFF0, s16  }
0x74: {  	s5 =	sadd.s32 s3, s5  }
0x75: {  	[tilespmem:s17], [sflag:$0x1] =	stream.linear.gather [hbm4b:s5+s1], $0x80, $0x38;
	[tilespmem:$0x3800] =	vst v63  }
0x76: {  	s17 =	spop (v2sf)  }
0x77: {  	s5 =	sand.u32 $0x1FFFFFF0, s17  }
0x78: {  	(v2sf) =	vpush v2, $0x4;
	s5 =	sadd.s32 s2, s5  }
0x79: {  	[tilespmem:s18], [sflag:$0x1] =	stream.linear.gather [hbm4b:s5+s1], $0x80, $0x38;
	[tilespmem:$0x3800] =	vst v63  }
0x7a: {  	s18 =	spop (v2sf);
	(v2sf) =	vpush v1, $0x4  }
0x7b: {  	s5 =	sand.u32 $0x1FFFFFF0, s18  }
0x7c: {  	s5 =	sadd.s32 s2, s5  }
0x7d: {  	[tilespmem:s19], [sflag:$0x1] =	stream.linear.gather [hbm4b:s5+s1], $0x80, $0x38;
	[tilespmem:$0x3800] =	vst v63  }
0x7e: {  	s19 =	spop (v2sf)  }
0x7f: {  	(v2sf) =	vpush v0, $0x4;
	s5 =	sand.u32 $0x1FFFFFF0, s19  }
0x80: {  	s5 =	sadd.s32 s3, s5  }
0x81: {  	[tilespmem:s20], [sflag:$0x1] =	stream.linear.gather [hbm4b:s5+s1], $0x80, $0x38;
	[tilespmem:$0x3800] =	vst v63  }
0x82: {  	s20 =	spop (v2sf);
	(v2sf) =	vpush v2, $0x5;
	_ =	sdelay $0x4  }
0x83: {  	s6 =	spop (v2sf);
	(v2sf) =	vpush v1, $0x5;
	_ =	sdelay $0x1  }
0x84: {  	s7 =	spop (v2sf);
	(v2sf) =	vpush v0, $0x5;
	_ =	sdelay $0x4  }
0x85: {  	s8 =	spop (v2sf);
	(v2sf) =	vpush v2, $0x6;
	_ =	sdelay $0x1  }
0x86: {  	s5 =	sand.u32 $0x1FFFFFF0, s20  }
0x87: {  	s5 =	sadd.s32 s2, s5;
	s9 =	spop (v2sf);
	(v2sf) =	vpush v1, $0x6  }
0x88: {  	[tilespmem:s21], [sflag:$0x1] =	stream.linear.gather [hbm4b:s5+s1], $0x80, $0x38;
	[tilespmem:$0x3800] =	vst v63  }
0x89: {  	s5 =	sand.u32 $0x1FFFFFF0, s6  }
0x8a: {  	s5 =	sadd.s32 s2, s5  }
0x8b: {  	[tilespmem:s22], [sflag:$0x1] =	stream.linear.gather [hbm4b:s5+s1], $0x80, $0x38;
	[tilespmem:$0x3800] =	vst v63  }
0x8c: {  	s10 =	spop (v2sf);
	(v2sf) =	vpush v0, $0x6  }
0x8d: {  	s5 =	sand.u32 $0x1FFFFFF0, s7  }
0x8e: {  	s5 =	sadd.s32 s3, s5;
	s13 =	spop (v2sf);
	(v2sf) =	vpush v2, $0x7  }
0x8f: {  	[tilespmem:s23], [sflag:$0x1] =	stream.linear.gather [hbm4b:s5+s1], $0x80, $0x38;
	[tilespmem:$0x3800] =	vst v63  }
0x90: {  	s5 =	sand.u32 $0x1FFFFFF0, s8  }
0x91: {  	s5 =	sadd.s32 s2, s5  }
0x92: {  	[tilespmem:s24], [sflag:$0x1] =	stream.linear.gather [hbm4b:s5+s1], $0x80, $0x38;
	[tilespmem:$0x3800] =	vst v63  }
0x93: {  	s5 =	sand.u32 $0x1FFFFFF0, s9;
	s14 =	spop (v2sf);
	(v2sf) =	vpush v1, $0x7  }
0x94: {  	s5 =	sadd.s32 s2, s5  }
0x95: {  	[tilespmem:s25], [sflag:$0x1] =	stream.linear.gather [hbm4b:s5+s1], $0x80, $0x38;
	[tilespmem:$0x3800] =	vst v63  }
0x96: {  	s15 =	spop (v2sf);
	(v2sf) =	vpush v0, $0x7  }
0x97: {  	s5 =	sand.u32 $0x1FFFFFF0, s10  }
0x98: {  	s5 =	sadd.s32 s3, s5  }
0x99: {  	[tilespmem:s26], [sflag:$0x1] =	stream.linear.gather [hbm4b:s5+s1], $0x80, $0x38;
	[tilespmem:$0x3800] =	vst v63  }
0x9a: {  	s5 =	sand.u32 $0x1FFFFFF0, s13  }
0x9b: {  	s5 =	sadd.s32 s2, s5;
	s16 =	spop (v2sf);
	(v2sf) =	vpush v2, $0x8  }
0x9c: {  	[tilespmem:s28], [sflag:$0x1] =	stream.linear.gather [hbm4b:s5+s1], $0x80, $0x38;
	[tilespmem:$0x3800] =	vst v63  }
0x9d: {  	s17 =	spop (v2sf);
	(v2sf) =	vpush v1, $0x8  }
0x9e: {  	s5 =	sand.u32 $0x1FFFFFF0, s14  }
0x9f: {  	s5 =	sadd.s32 s2, s5  }
0xa0: {  	[tilespmem:s29], [sflag:$0x1] =	stream.linear.gather [hbm4b:s5+s1], $0x80, $0x38;
	[tilespmem:$0x3800] =	vst v63  }
0xa1: {  	s5 =	sand.u32 $0x1FFFFFF0, s15  }
0xa2: {  	s5 =	sadd.s32 s3, s5;
	s18 =	spop (v2sf);
	(v2sf) =	vpush v0, $0x8  }
0xa3: {  	[tilespmem:s30], [sflag:$0x1] =	stream.linear.gather [hbm4b:s5+s1], $0x80, $0x38;
	[tilespmem:$0x3800] =	vst v63  }
0xa4: {  	s5 =	sand.u32 $0x1FFFFFF0, s16  }
0xa5: {  	s5 =	sadd.s32 s2, s5;
	s19 =	spop (v2sf);
	(v2sf) =	vpush v2, $0x9  }
0xa6: {  	[tilespmem:s0], [sflag:$0x1] =	stream.linear.gather [hbm4b:s5+s1], $0x80, $0x38;
	[tilespmem:$0x3800] =	vst v63  }
0xa7: {  	s5 =	sand.u32 $0x1FFFFFF0, s17  }
0xa8: {  	s5 =	sadd.s32 s2, s5  }
0xa9: {  	[tilespmem:s4], [sflag:$0x1] =	stream.linear.gather [hbm4b:s5+s1], $0x80, $0x38;
	[tilespmem:$0x3800] =	vst v63  }
0xaa: {  	s21 =	spop (v2sf);
	(v2sf) =	vpush v1, $0x9  }
0xab: {  	s5 =	sand.u32 $0x1FFFFFF0, s18  }
0xac: {  	s5 =	sadd.s32 s3, s5;
	s23 =	spop (v2sf);
	(v2sf) =	vpush v0, $0x9  }
0xad: {  	[tilespmem:s31], [sflag:$0x1] =	stream.linear.gather [hbm4b:s5+s1], $0x80, $0x38;
	[tilespmem:$0x3800] =	vst v63  }
0xae: {  	s5 =	sand.u32 $0x1FFFFFF0, s19  }
0xaf: {  	s20 =	simm.s32 $0x1980;
	s5 =	sadd.s32 s2, s5  }
0xb0: {  	[tilespmem:s20], [sflag:$0x1] =	stream.linear.gather [hbm4b:s5+s1], $0x80, $0x38;
	[tilespmem:$0x3800] =	vst v63  }
0xb1: {  	s5 =	sand.u32 $0x1FFFFFF0, s21;
	s25 =	spop (v2sf);
	(v2sf) =	vpush v2, $0xA  }
0xb2: {  	s22 =	simm.s32 $0xA00;
	s5 =	sadd.s32 s2, s5  }
0xb3: {  	[tilespmem:s22], [sflag:$0x1] =	stream.linear.gather [hbm4b:s5+s1], $0x80, $0x38;
	[tilespmem:$0x3800] =	vst v63  }
0xb4: {  	s0 =	spop (v2sf);
	(v2sf) =	vpush v1, $0xA  }
0xb5: {  	s5 =	sand.u32 $0x1FFFFFF0, s23  }
0xb6: {  	s24 =	simm.s32 $0x1200;
	s5 =	sadd.s32 s3, s5  }
0xb7: {  	[tilespmem:s24], [sflag:$0x1] =	stream.linear.gather [hbm4b:s5+s1], $0x80, $0x38;
	[tilespmem:$0x3800] =	vst v63  }
0xb8: {  	s5 =	sand.u32 $0x1FFFFFF0, s25  }
0xb9: {  	s26 =	simm.s32 $0x1A00;
	s5 =	sadd.s32 s2, s5;
	s6 =	spop (v2sf);
	(v2sf) =	vpush v0, $0xA  }
0xba: {  	[tilespmem:s26], [sflag:$0x1] =	stream.linear.gather [hbm4b:s5+s1], $0x80, $0x38;
	[tilespmem:$0x3800] =	vst v63  }
0xbb: {  	s8 =	spop (v2sf);
	(v2sf) =	vpush v2, $0xB  }
0xbc: {  	s5 =	sand.u32 $0x1FFFFFF0, s0  }
0xbd: {  	s4 =	simm.s32 $0xA80;
	s5 =	sadd.s32 s2, s5  }
0xbe: {  	[tilespmem:s4], [sflag:$0x1] =	stream.linear.gather [hbm4b:s5+s1], $0x80, $0x38;
	[tilespmem:$0x3800] =	vst v63  }
0xbf: {  	s5 =	sand.u32 $0x1FFFFFF0, s6  }
0xc0: {  	s7 =	simm.s32 $0x1280;
	s5 =	sadd.s32 s3, s5;
	s10 =	spop (v2sf);
	(v2sf) =	vpush v1, $0xB  }
0xc1: {  	[tilespmem:s7], [sflag:$0x1] =	stream.linear.gather [hbm4b:s5+s1], $0x80, $0x38;
	[tilespmem:$0x3800] =	vst v63  }
0xc2: {  	s5 =	sand.u32 $0x1FFFFFF0, s8  }
0xc3: {  	s9 =	simm.s32 $0x1A80;
	s5 =	sadd.s32 s2, s5;
	s14 =	spop (v2sf);
	(v2sf) =	vpush v0, $0xB  }
0xc4: {  	[tilespmem:s9], [sflag:$0x1] =	stream.linear.gather [hbm4b:s5+s1], $0x80, $0x38;
	[tilespmem:$0x3800] =	vst v63  }
0xc5: {  	s5 =	sand.u32 $0x1FFFFFF0, s10  }
0xc6: {  	s13 =	simm.s32 $0xB00;
	s5 =	sadd.s32 s2, s5  }
0xc7: {  	[tilespmem:s13], [sflag:$0x1] =	stream.linear.gather [hbm4b:s5+s1], $0x80, $0x38;
	[tilespmem:$0x3800] =	vst v63  }
0xc8: {  	s16 =	spop (v2sf);
	(v2sf) =	vpush v2, $0xC  }
0xc9: {  	s5 =	sand.u32 $0x1FFFFFF0, s14  }
0xca: {  	s15 =	simm.s32 $0x1300;
	s5 =	sadd.s32 s3, s5;
	s18 =	spop (v2sf);
	(v2sf) =	vpush v1, $0xC  }
0xcb: {  	[tilespmem:s15], [sflag:$0x1] =	stream.linear.gather [hbm4b:s5+s1], $0x80, $0x38;
	[tilespmem:$0x3800] =	vst v63  }
0xcc: {  	s5 =	sand.u32 $0x1FFFFFF0, s16  }
0xcd: {  	s17 =	simm.s32 $0x1B00;
	s5 =	sadd.s32 s2, s5  }
0xce: {  	[tilespmem:s17], [sflag:$0x1] =	stream.linear.gather [hbm4b:s5+s1], $0x80, $0x38;
	[tilespmem:$0x3800] =	vst v63  }
0xcf: {  	s5 =	sand.u32 $0x1FFFFFF0, s18;
	s20 =	spop (v2sf);
	(v2sf) =	vpush v0, $0xC  }
0xd0: {  	s19 =	simm.s32 $0xB80;
	s5 =	sadd.s32 s2, s5  }
0xd1: {  	[tilespmem:s19], [sflag:$0x1] =	stream.linear.gather [hbm4b:s5+s1], $0x80, $0x38;
	[tilespmem:$0x3800] =	vst v63  }
0xd2: {  	s22 =	spop (v2sf);
	(v2sf) =	vpush v2, $0xD  }
0xd3: {  	s5 =	sand.u32 $0x1FFFFFF0, s20  }
0xd4: {  	s21 =	simm.s32 $0x1380;
	s5 =	sadd.s32 s3, s5  }
0xd5: {  	[tilespmem:s21], [sflag:$0x1] =	stream.linear.gather [hbm4b:s5+s1], $0x80, $0x38;
	[tilespmem:$0x3800] =	vst v63  }
0xd6: {  	s5 =	sand.u32 $0x1FFFFFF0, s22  }
0xd7: {  	s23 =	simm.s32 $0x1B80;
	s5 =	sadd.s32 s2, s5;
	s24 =	spop (v2sf);
	(v2sf) =	vpush v1, $0xD  }
0xd8: {  	[tilespmem:s23], [sflag:$0x1] =	stream.linear.gather [hbm4b:s5+s1], $0x80, $0x38;
	[tilespmem:$0x3800] =	vst v63  }
0xd9: {  	s26 =	spop (v2sf);
	(v2sf) =	vpush v0, $0xD  }
0xda: {  	s5 =	sand.u32 $0x1FFFFFF0, s24  }
0xdb: {  	s25 =	simm.s32 $0xC00;
	s5 =	sadd.s32 s2, s5  }
0xdc: {  	[tilespmem:s25], [sflag:$0x1] =	stream.linear.gather [hbm4b:s5+s1], $0x80, $0x38;
	(v2sf) =	vpush v2, $0xE;
	[tilespmem:$0x3800] =	vst v63  }
0xdd: {  	s5 =	sand.u32 $0x1FFFFFF0, s26  }
0xde: {  	s13 =	simm.s32 $0x1400;
	s5 =	sadd.s32 s3, s5;
	s0 =	spop (v2sf);
	(v2sf) =	vpush v1, $0xE  }
0xdf: {  	[tilespmem:s13], [sflag:$0x1] =	stream.linear.gather [hbm4b:s5+s1], $0x80, $0x38;
	[tilespmem:$0x3800] =	vst v63  }
0xe0: {  	s5 =	sand.u32 $0x1FFFFFF0, s0  }
0xe1: {  	s15 =	simm.s32 $0x1C00;
	s5 =	sadd.s32 s2, s5;
	s4 =	spop (v2sf);
	(v2sf) =	vpush v0, $0xE  }
0xe2: {  	[tilespmem:s15], [sflag:$0x1] =	stream.linear.gather [hbm4b:s5+s1], $0x80, $0x38;
	[tilespmem:$0x3800] =	vst v63  }
0xe3: {  	s5 =	sand.u32 $0x1FFFFFF0, s4  }
0xe4: {  	s17 =	simm.s32 $0xC80;
	s5 =	sadd.s32 s2, s5  }
0xe5: {  	[tilespmem:s17], [sflag:$0x1] =	stream.linear.gather [hbm4b:s5+s1], $0x80, $0x38;
	[tilespmem:$0x3800] =	vst v63  }
0xe6: {  	s6 =	spop (v2sf);
	(v2sf) =	vpush v2, $0xF  }
0xe7: {  	s5 =	sand.u32 $0x1FFFFFF0, s6  }
0xe8: {  	s19 =	simm.s32 $0x1480;
	s5 =	sadd.s32 s3, s5;
	s7 =	spop (v2sf);
	(v2sf) =	vpush v1, $0xF  }
0xe9: {  	[tilespmem:s19], [sflag:$0x1] =	stream.linear.gather [hbm4b:s5+s1], $0x80, $0x38;
	[tilespmem:$0x3800] =	vst v63  }
0xea: {  	s5 =	sand.u32 $0x1FFFFFF0, s7  }
0xeb: {  	s21 =	simm.s32 $0x1C80;
	s8 =	spop (v2sf);
	(v2sf) =	vpush v0, $0xF;
	s5 =	sadd.s32 s2, s5  }
0xec: {  	[tilespmem:s21], [sflag:$0x1] =	stream.linear.gather [hbm4b:s5+s1], $0x80, $0x38;
	[tilespmem:$0x3800] =	vst v63  }
0xed: {  	s5 =	sand.u32 $0x1FFFFFF0, s8;
	s9 =	spop (v2sf)  }
0xee: {  	s23 =	simm.s32 $0xD00;
	s5 =	sadd.s32 s2, s5;
	s10 =	sand.u32 $0x1FFFFFF0, s9  }
0xef: {  	[tilespmem:s23], [sflag:$0x1] =	stream.linear.gather [hbm4b:s5+s1], $0x80, $0x38;
	[tilespmem:$0x3800] =	vst v63  }
0xf0: {  	s25 =	simm.s32 $0x1500;
	s5 =	sadd.s32 s3, s10;
	s14 =	spop (v2sf)  }
0xf1: {  	[tilespmem:s25], [sflag:$0x1] =	stream.linear.gather [hbm4b:s5+s1], $0x80, $0x38;
	[tilespmem:$0x3800] =	vst v63  }
0xf2: {  	s16 =	sand.u32 $0x1FFFFFF0, s14  }
0xf3: {  	s28 =	simm.s32 $0x1D00;
	s5 =	sadd.s32 s2, s16  }
0xf4: {  	[tilespmem:s28], [sflag:$0x1] =	stream.linear.gather [hbm4b:s5+s1], $0x80, $0x38;
	[tilespmem:$0x3800] =	vst v63  }
0xf5: {  	s29 =	simm.s32 $0x1880;
	s18 =	spop (v2sf)  }
0xf6: {  	s30 =	simm.s32 $0xD80;
	s31 =	simm.s32 $0x1100;
	s20 =	sand.u32 $0x1FFFFFF0, s18  }
0xf7: {  	s0 =	simm.s32 $0x1180;
	s5 =	sadd.s32 s2, s20;
	s22 =	spop (v2sf)  }
0xf8: {  	[tilespmem:s30], [sflag:$0x1] =	stream.linear.gather [hbm4b:s5+s1], $0x80, $0x38;
	[tilespmem:$0x3800] =	vst v63  }
0xf9: {  	s4 =	simm.s32 $0x980;
	s6 =	simm.s32 $0x0;
	s24 =	sand.u32 $0x1FFFFFF0, s22  }
0xfa: {  	s10 =	simm.s32 $0x1580;
	s26 =	spop (v2sf);
	s5 =	sadd.s32 s3, s24  }
0xfb: {  	[tilespmem:s10], [sflag:$0x1] =	stream.linear.gather [hbm4b:s5+s1], $0x80, $0x38;
	[tilespmem:$0x3800] =	vst v63  }
0xfc: {  	s14 =	simm.s32 $0x1D80;
	s18 =	simm.s32 $0xF00;
	s5 =	sand.u32 $0x1FFFFFF0, s26  }
0xfd: {  	s20 =	simm.s32 $0x780;
	s22 =	simm.s32 $0x1780;
	s5 =	sadd.s32 s2, s5  }
0xfe: {  	[tilespmem:s14], [sflag:$0x1] =	stream.linear.gather [hbm4b:s5+s1], $0x80, $0x38;
	[tilespmem:$0x3800] =	vst v63  }
0xff: {  	s24 =	simm.s32 $0x1000;
	s26 =	simm.s32 $0x880;
	s5 =	simm.s32 $0x20  }
.LBB2_2:
0x100: {  	s7 =	sshra.s32 s6, $0x2  }
0x101: {  	v0 =	vld [tilespmem:s7+$0x10];
	_ =	sdelay $0x3  }
0x102: {  	v1 =	vld [tilespmem:s7+$0x210]  }
0x103: {  	v2 =	vshll.u32 v0, $0x4  }
0x104: {  	(v2sf) =	vpush v2, $0x0  }
0x105: {  	v58 =	vld [tilespmem:s7+$0x410];
	_ =	sdelay $0x1  }
0x106: {  	v1 =	vshll.u32 v1, $0x4  }
0x107: {  	(v2sf) =	vpush v1, $0x0;
	_ =	sdelay $0x1  }
0x108: {  	v0 =	vshll.u32 v58, $0x4  }
0x109: {  	(v2sf) =	vpush v0, $0x0;
	_ =	sdelay $0x2  }
0x10a: {  	(v2sf) =	vpush v2, $0x1;
	_ =	sdelay $0x4  }
0x10b: {  	s8 =	spop (v2sf);
	(v2sf) =	vpush v1, $0x1  }
0x10c: {  	s8 =	sand.u32 $0x1FFFFFF0, s8  }
0x10d: {  	s9 =	rddreg [dreg:$0x6];
	s8 =	sadd.s32 s2, s8  }
0x10e: {  	[tilespmem:s9], [sflag:$0x2] =	stream.linear.gather [hbm4b:s8+s1], $0x80, $0x38;
	[tilespmem:$0x3800] =	vst v63  }
0x10f: {  	s9 =	spop (v2sf);
	(v2sf) =	vpush v0, $0x1;
	_ =	sdelay $0x2  }
0x110: {  	s8 =	sand.u32 $0x1FFFFFF0, s9;
	s9 =	spop (v2sf);
	(v2sf) =	vpush v2, $0x2  }
0x111: {  	s16 =	rddreg [dreg:$0x7];
	s8 =	sadd.s32 s3, s8  }
0x112: {  	[tilespmem:s16], [sflag:$0x2] =	stream.linear.gather [hbm4b:s8+s1], $0x80, $0x38;
	[tilespmem:$0x3800] =	vst v63  }
0x113: {  	s8 =	sand.u32 $0x1FFFFFF0, s9;
	s9 =	spop (v2sf);
	(v2sf) =	vpush v1, $0x2;
	_ =	sdelay $0x2  }
0x114: {  	s16 =	rddreg [dreg:$0x8];
	s8 =	sadd.s32 s2, s8  }
0x115: {  	[tilespmem:s16], [sflag:$0x2] =	stream.linear.gather [hbm4b:s8+s1], $0x80, $0x38;
	[tilespmem:$0x3800] =	vst v63  }
0x116: {  	s8 =	sand.u32 $0x1FFFFFF0, s9;
	s9 =	spop (v2sf);
	(v2sf) =	vpush v0, $0x2;
	_ =	sdelay $0x1  }
0x117: {  	s16 =	rddreg [dreg:$0x9];
	s8 =	sadd.s32 s2, s8  }
0x118: {  	[tilespmem:s16], [sflag:$0x2] =	stream.linear.gather [hbm4b:s8+s1], $0x80, $0x38;
	[tilespmem:$0x3800] =	vst v63  }
0x119: {  	s8 =	sand.u32 $0x1FFFFFF0, s9;
	s9 =	spop (v2sf);
	(v2sf) =	vpush v2, $0x3  }
0x11a: {  	s16 =	rddreg [dreg:$0xa];
	s8 =	sadd.s32 s3, s8  }
0x11b: {  	[tilespmem:s16], [sflag:$0x2] =	stream.linear.gather [hbm4b:s8+s1], $0x80, $0x38;
	[tilespmem:$0x3800] =	vst v63  }
0x11c: {  	s8 =	sand.u32 $0x1FFFFFF0, s9;
	s9 =	spop (v2sf);
	(v2sf) =	vpush v1, $0x3  }
0x11d: {  	s16 =	rddreg [dreg:$0xb];
	s8 =	sadd.s32 s2, s8  }
0x11e: {  	[tilespmem:s16], [sflag:$0x2] =	stream.linear.gather [hbm4b:s8+s1], $0x80, $0x38;
	[tilespmem:$0x3800] =	vst v63  }
0x11f: {  	s8 =	sand.u32 $0x1FFFFFF0, s9;
	s9 =	spop (v2sf);
	(v2sf) =	vpush v0, $0x3;
	_ =	sdelay $0x2  }
0x120: {  	s16 =	rddreg [dreg:$0xc];
	s8 =	sadd.s32 s2, s8  }
0x121: {  	[tilespmem:s16], [sflag:$0x2] =	stream.linear.gather [hbm4b:s8+s1], $0x80, $0x38;
	[tilespmem:$0x3800] =	vst v63  }
0x122: {  	s8 =	sand.u32 $0x1FFFFFF0, s9;
	s9 =	spop (v2sf);
	(v2sf) =	vpush v2, $0x4;
	_ =	sdelay $0x1  }
0x123: {  	s16 =	rddreg [dreg:$0xd];
	s8 =	sadd.s32 s3, s8  }
0x124: {  	[tilespmem:s16], [sflag:$0x2] =	stream.linear.gather [hbm4b:s8+s1], $0x80, $0x38;
	[tilespmem:$0x3800] =	vst v63  }
0x125: {  	s8 =	sand.u32 $0x1FFFFFF0, s9;
	s9 =	spop (v2sf);
	(v2sf) =	vpush v1, $0x4  }
0x126: {  	s16 =	rddreg [dreg:$0xe];
	s8 =	sadd.s32 s2, s8  }
0x127: {  	[tilespmem:s16], [sflag:$0x2] =	stream.linear.gather [hbm4b:s8+s1], $0x80, $0x38;
	[tilespmem:$0x3800] =	vst v63  }
0x128: {  	s8 =	sand.u32 $0x1FFFFFF0, s9;
	s9 =	spop (v2sf);
	(v2sf) =	vpush v0, $0x4  }
0x129: {  	s16 =	rddreg [dreg:$0xf];
	s8 =	sadd.s32 s2, s8  }
0x12a: {  	[tilespmem:s16], [sflag:$0x2] =	stream.linear.gather [hbm4b:s8+s1], $0x80, $0x38;
	[tilespmem:$0x3800] =	vst v63  }
0x12b: {  	s8 =	sand.u32 $0x1FFFFFF0, s9;
	s9 =	spop (v2sf);
	(v2sf) =	vpush v2, $0x5;
	_ =	sdelay $0x2  }
0x12c: {  	s16 =	rddreg [dreg:$0x10];
	s8 =	sadd.s32 s3, s8  }
0x12d: {  	[tilespmem:s16], [sflag:$0x2] =	stream.linear.gather [hbm4b:s8+s1], $0x80, $0x38;
	[tilespmem:$0x3800] =	vst v63  }
0x12e: {  	s8 =	sand.u32 $0x1FFFFFF0, s9;
	s9 =	spop (v2sf);
	(v2sf) =	vpush v1, $0x5;
	_ =	sdelay $0x1  }
0x12f: {  	s16 =	rddreg [dreg:$0x11];
	s8 =	sadd.s32 s2, s8  }
0x130: {  	[tilespmem:s16], [sflag:$0x2] =	stream.linear.gather [hbm4b:s8+s1], $0x80, $0x38;
	[tilespmem:$0x3800] =	vst v63  }
0x131: {  	s8 =	sand.u32 $0x1FFFFFF0, s9;
	s9 =	spop (v2sf);
	(v2sf) =	vpush v0, $0x5  }
0x132: {  	s16 =	rddreg [dreg:$0x12];
	s8 =	sadd.s32 s2, s8  }
0x133: {  	[tilespmem:s16], [sflag:$0x2] =	stream.linear.gather [hbm4b:s8+s1], $0x80, $0x38;
	[tilespmem:$0x3800] =	vst v63  }
0x134: {  	s8 =	sand.u32 $0x1FFFFFF0, s9;
	s9 =	spop (v2sf);
	(v2sf) =	vpush v2, $0x6  }
0x135: {  	s16 =	rddreg [dreg:$0x13];
	s8 =	sadd.s32 s3, s8  }
0x136: {  	[tilespmem:s16], [sflag:$0x2] =	stream.linear.gather [hbm4b:s8+s1], $0x80, $0x38;
	[tilespmem:$0x3800] =	vst v63  }
0x137: {  	s8 =	sand.u32 $0x1FFFFFF0, s9;
	s9 =	spop (v2sf);
	(v2sf) =	vpush v1, $0x6;
	_ =	sdelay $0x2  }
0x138: {  	s16 =	rddreg [dreg:$0x14];
	s8 =	sadd.s32 s2, s8  }
0x139: {  	[tilespmem:s16], [sflag:$0x2] =	stream.linear.gather [hbm4b:s8+s1], $0x80, $0x38;
	[tilespmem:$0x3800] =	vst v63  }
0x13a: {  	s8 =	sand.u32 $0x1FFFFFF0, s9;
	s9 =	spop (v2sf);
	(v2sf) =	vpush v0, $0x6;
	_ =	sdelay $0x1  }
0x13b: {  	s16 =	rddreg [dreg:$0x15];
	s8 =	sadd.s32 s2, s8  }
0x13c: {  	[tilespmem:s16], [sflag:$0x2] =	stream.linear.gather [hbm4b:s8+s1], $0x80, $0x38;
	[tilespmem:$0x3800] =	vst v63  }
0x13d: {  	s8 =	sand.u32 $0x1FFFFFF0, s9;
	s9 =	spop (v2sf);
	(v2sf) =	vpush v2, $0x7  }
0x13e: {  	s16 =	rddreg [dreg:$0x16];
	s8 =	sadd.s32 s3, s8  }
0x13f: {  	[tilespmem:s16], [sflag:$0x2] =	stream.linear.gather [hbm4b:s8+s1], $0x80, $0x38;
	[tilespmem:$0x3800] =	vst v63  }
0x140: {  	s8 =	sand.u32 $0x1FFFFFF0, s9;
	s9 =	spop (v2sf);
	(v2sf) =	vpush v1, $0x7  }
0x141: {  	s16 =	rddreg [dreg:$0x17];
	s8 =	sadd.s32 s2, s8  }
0x142: {  	[tilespmem:s16], [sflag:$0x2] =	stream.linear.gather [hbm4b:s8+s1], $0x80, $0x38;
	[tilespmem:$0x3800] =	vst v63  }
0x143: {  	s8 =	sand.u32 $0x1FFFFFF0, s9;
	s9 =	spop (v2sf);
	(v2sf) =	vpush v0, $0x7;
	_ =	sdelay $0x2  }
0x144: {  	s16 =	rddreg [dreg:$0x18];
	s8 =	sadd.s32 s2, s8  }
0x145: {  	[tilespmem:s16], [sflag:$0x2] =	stream.linear.gather [hbm4b:s8+s1], $0x80, $0x38;
	[tilespmem:$0x3800] =	vst v63  }
0x146: {  	s8 =	sand.u32 $0x1FFFFFF0, s9;
	s9 =	spop (v2sf);
	(v2sf) =	vpush v2, $0x8  }
0x147: {  	s16 =	rddreg [dreg:$0x19];
	s8 =	sadd.s32 s3, s8  }
0x148: {  	[tilespmem:s16], [sflag:$0x2] =	stream.linear.gather [hbm4b:s8+s1], $0x80, $0x38;
	[tilespmem:$0x3800] =	vst v63  }
0x149: {  	s8 =	sand.u32 $0x1FFFFFF0, s9  }
0x14a: {  	s16 =	rddreg [dreg:$0x1a];
	s8 =	sadd.s32 s2, s8;
	s9 =	spop (v2sf);
	(v2sf) =	vpush v1, $0x8  }
0x14b: {  	[tilespmem:s16], [sflag:$0x2] =	stream.linear.gather [hbm4b:s8+s1], $0x80, $0x38;
	[tilespmem:$0x3800] =	vst v63  }
0x14c: {  	s8 =	sand.u32 $0x1FFFFFF0, s9  }
0x14d: {  	s16 =	rddreg [dreg:$0x1b];
	s9 =	spop (v2sf);
	s8 =	sadd.s32 s2, s8  }
0x14e: {  	(v2sf) =	vpush v0, $0x8;
	[tilespmem:s16], [sflag:$0x2] =	stream.linear.gather [hbm4b:s8+s1], $0x80, $0x38;
	[tilespmem:$0x3800] =	vst v63  }
0x14f: {  	s8 =	sand.u32 $0x1FFFFFF0, s9  }
0x150: {  	s16 =	rddreg [dreg:$0x1c];
	s9 =	spop (v2sf);
	s8 =	sadd.s32 s3, s8  }
0x151: {  	[tilespmem:s16], [sflag:$0x2] =	stream.linear.gather [hbm4b:s8+s1], $0x80, $0x38;
	[tilespmem:$0x3800] =	vst v63  }
0x152: {  	(v2sf) =	vpush v2, $0x9;
	s8 =	sand.u32 $0x1FFFFFF0, s9  }
0x153: {  	s16 =	rddreg [dreg:$0x1d];
	s8 =	sadd.s32 s2, s8  }
0x154: {  	[tilespmem:s16], [sflag:$0x2] =	stream.linear.gather [hbm4b:s8+s1], $0x80, $0x38;
	[tilespmem:$0x3800] =	vst v63  }
0x155: {  	s9 =	spop (v2sf)  }
0x156: {  	(v2sf) =	vpush v1, $0x9;
	s8 =	sand.u32 $0x1FFFFFF0, s9  }
0x157: {  	s16 =	rddreg [dreg:$0x1e];
	s8 =	sadd.s32 s2, s8  }
0x158: {  	[tilespmem:s16], [sflag:$0x2] =	stream.linear.gather [hbm4b:s8+s1], $0x80, $0x38;
	[tilespmem:$0x3800] =	vst v63  }
0x159: {  	s9 =	spop (v2sf)  }
0x15a: {  	(v2sf) =	vpush v0, $0x9;
	s8 =	sand.u32 $0x1FFFFFF0, s9  }
0x15b: {  	s16 =	rddreg [dreg:$0x1f];
	s8 =	sadd.s32 s3, s8  }
0x15c: {  	[tilespmem:s16], [sflag:$0x2] =	stream.linear.gather [hbm4b:s8+s1], $0x80, $0x38;
	[tilespmem:$0x3800] =	vst v63  }
0x15d: {  	s9 =	spop (v2sf);
	s16 =	sld [smem:$0x7E3]  }
0x15e: {  	(v2sf) =	vpush v2, $0xA;
	s8 =	sand.u32 $0x1FFFFFF0, s9  }
0x15f: {  	s8 =	sadd.s32 s2, s8  }
0x160: {  	[tilespmem:s16], [sflag:$0x2] =	stream.linear.gather [hbm4b:s8+s1], $0x80, $0x38;
	[tilespmem:$0x3800] =	vst v63  }
0x161: {  	s9 =	spop (v2sf);
	s16 =	sld [smem:$0x7E4]  }
0x162: {  	(v2sf) =	vpush v1, $0xA;
	s8 =	sand.u32 $0x1FFFFFF0, s9  }
0x163: {  	s8 =	sadd.s32 s2, s8  }
0x164: {  	[tilespmem:s16], [sflag:$0x2] =	stream.linear.gather [hbm4b:s8+s1], $0x80, $0x38;
	[tilespmem:$0x3800] =	vst v63  }
0x165: {  	s16 =	sld [smem:$0x7E6];
	s9 =	spop (v2sf)  }
0x166: {  	(v2sf) =	vpush v0, $0xA;
	s8 =	sand.u32 $0x1FFFFFF0, s9  }
0x167: {  	s8 =	sadd.s32 s3, s8  }
0x168: {  	[tilespmem:s16], [sflag:$0x2] =	stream.linear.gather [hbm4b:s8+s1], $0x80, $0x38;
	[tilespmem:$0x3800] =	vst v63  }
0x169: {  	s9 =	spop (v2sf);
	s16 =	sld [smem:$0x7E8]  }
0x16a: {  	(v2sf) =	vpush v2, $0xB;
	s8 =	sand.u32 $0x1FFFFFF0, s9  }
0x16b: {  	s8 =	sadd.s32 s2, s8  }
0x16c: {  	[tilespmem:s16], [sflag:$0x2] =	stream.linear.gather [hbm4b:s8+s1], $0x80, $0x38;
	[tilespmem:$0x3800] =	vst v63  }
0x16d: {  	s9 =	spop (v2sf);
	s16 =	sld [smem:$0x7EA]  }
0x16e: {  	(v2sf) =	vpush v1, $0xB;
	s8 =	sand.u32 $0x1FFFFFF0, s9  }
0x16f: {  	s8 =	sadd.s32 s2, s8  }
0x170: {  	[tilespmem:s16], [sflag:$0x2] =	stream.linear.gather [hbm4b:s8+s1], $0x80, $0x38;
	[tilespmem:$0x3800] =	vst v63  }
0x171: {  	s9 =	spop (v2sf);
	s16 =	sld [smem:$0x7EC]  }
0x172: {  	(v2sf) =	vpush v0, $0xB;
	s8 =	sand.u32 $0x1FFFFFF0, s9  }
0x173: {  	s8 =	sadd.s32 s3, s8  }
0x174: {  	[tilespmem:s16], [sflag:$0x2] =	stream.linear.gather [hbm4b:s8+s1], $0x80, $0x38;
	[tilespmem:$0x3800] =	vst v63  }
0x175: {  	s16 =	sld [smem:$0x7EE];
	s9 =	spop (v2sf)  }
0x176: {  	(v2sf) =	vpush v2, $0xC;
	s8 =	sand.u32 $0x1FFFFFF0, s9  }
0x177: {  	s8 =	sadd.s32 s2, s8  }
0x178: {  	[tilespmem:s16], [sflag:$0x2] =	stream.linear.gather [hbm4b:s8+s1], $0x80, $0x38;
	[tilespmem:$0x3800] =	vst v63  }
0x179: {  	s9 =	spop (v2sf);
	s16 =	sld [smem:$0x7EF]  }
0x17a: {  	(v2sf) =	vpush v1, $0xC;
	s8 =	sand.u32 $0x1FFFFFF0, s9  }
0x17b: {  	s8 =	sadd.s32 s2, s8  }
0x17c: {  	[tilespmem:s16], [sflag:$0x2] =	stream.linear.gather [hbm4b:s8+s1], $0x80, $0x38;
	[tilespmem:$0x3800] =	vst v63  }
0x17d: {  	s9 =	spop (v2sf);
	s16 =	sld [smem:$0x7F0]  }
0x17e: {  	(v2sf) =	vpush v0, $0xC;
	s8 =	sand.u32 $0x1FFFFFF0, s9  }
0x17f: {  	s8 =	sadd.s32 s3, s8  }
0x180: {  	[tilespmem:s16], [sflag:$0x2] =	stream.linear.gather [hbm4b:s8+s1], $0x80, $0x38;
	[tilespmem:$0x3800] =	vst v63  }
0x181: {  	s9 =	spop (v2sf);
	s16 =	sld [smem:$0x7F1]  }
0x182: {  	(v2sf) =	vpush v2, $0xD;
	s8 =	sand.u32 $0x1FFFFFF0, s9  }
0x183: {  	s8 =	sadd.s32 s2, s8  }
0x184: {  	[tilespmem:s16], [sflag:$0x2] =	stream.linear.gather [hbm4b:s8+s1], $0x80, $0x38;
	[tilespmem:$0x3800] =	vst v63  }
0x185: {  	s16 =	sld [smem:$0x7F2];
	s9 =	spop (v2sf)  }
0x186: {  	(v2sf) =	vpush v1, $0xD;
	s8 =	sand.u32 $0x1FFFFFF0, s9  }
0x187: {  	s8 =	sadd.s32 s2, s8  }
0x188: {  	[tilespmem:s16], [sflag:$0x2] =	stream.linear.gather [hbm4b:s8+s1], $0x80, $0x38;
	[tilespmem:$0x3800] =	vst v63  }
0x189: {  	s9 =	spop (v2sf);
	s16 =	sld [smem:$0x7F3]  }
0x18a: {  	(v2sf) =	vpush v0, $0xD;
	s8 =	sand.u32 $0x1FFFFFF0, s9  }
0x18b: {  	s8 =	sadd.s32 s3, s8  }
0x18c: {  	[tilespmem:s16], [sflag:$0x2] =	stream.linear.gather [hbm4b:s8+s1], $0x80, $0x38;
	[tilespmem:$0x3800] =	vst v63  }
0x18d: {  	s9 =	spop (v2sf);
	s16 =	sld [smem:$0x7F4]  }
0x18e: {  	(v2sf) =	vpush v2, $0xE;
	s8 =	sand.u32 $0x1FFFFFF0, s9  }
0x18f: {  	s8 =	sadd.s32 s2, s8  }
0x190: {  	[tilespmem:s16], [sflag:$0x2] =	stream.linear.gather [hbm4b:s8+s1], $0x80, $0x38;
	[tilespmem:$0x3800] =	vst v63  }
0x191: {  	s9 =	spop (v2sf);
	s16 =	sld [smem:$0x7F5]  }
0x192: {  	(v2sf) =	vpush v1, $0xE;
	s8 =	sand.u32 $0x1FFFFFF0, s9  }
0x193: {  	s8 =	sadd.s32 s2, s8  }
0x194: {  	[tilespmem:s16], [sflag:$0x2] =	stream.linear.gather [hbm4b:s8+s1], $0x80, $0x38;
	[tilespmem:$0x3800] =	vst v63  }
0x195: {  	s16 =	sld [smem:$0x7F6];
	s9 =	spop (v2sf)  }
0x196: {  	(v2sf) =	vpush v0, $0xE;
	s8 =	sand.u32 $0x1FFFFFF0, s9  }
0x197: {  	s8 =	sadd.s32 s3, s8  }
0x198: {  	[tilespmem:s16], [sflag:$0x2] =	stream.linear.gather [hbm4b:s8+s1], $0x80, $0x38;
	[tilespmem:$0x3800] =	vst v63  }
0x199: {  	s9 =	spop (v2sf);
	s16 =	sld [smem:$0x7F7]  }
0x19a: {  	(v2sf) =	vpush v2, $0xF;
	s8 =	sand.u32 $0x1FFFFFF0, s9  }
0x19b: {  	s8 =	sadd.s32 s2, s8  }
0x19c: {  	[tilespmem:s16], [sflag:$0x2] =	stream.linear.gather [hbm4b:s8+s1], $0x80, $0x38;
	[tilespmem:$0x3800] =	vst v63  }
0x19d: {  	s9 =	spop (v2sf);
	s16 =	sld [smem:$0x7F8]  }
0x19e: {  	(v2sf) =	vpush v1, $0xF;
	s8 =	sand.u32 $0x1FFFFFF0, s9  }
0x19f: {  	s8 =	sadd.s32 s2, s8  }
0x1a0: {  	[tilespmem:s16], [sflag:$0x2] =	stream.linear.gather [hbm4b:s8+s1], $0x80, $0x38;
	[tilespmem:$0x3800] =	vst v63  }
0x1a1: {  	s9 =	spop (v2sf);
	s16 =	sld [smem:$0x7F9]  }
0x1a2: {  	(v2sf) =	vpush v0, $0xF;
	s8 =	sand.u32 $0x1FFFFFF0, s9  }
0x1a3: {  	s8 =	sadd.s32 s3, s8  }
0x1a4: {  	[tilespmem:s16], [sflag:$0x2] =	stream.linear.gather [hbm4b:s8+s1], $0x80, $0x38;
	[tilespmem:$0x3800] =	vst v63  }
0x1a5: {  	s16 =	sld [smem:$0x7FA];
	s9 =	spop (v2sf)  }
0x1a6: {  	s8 =	sand.u32 $0x1FFFFFF0, s9  }
0x1a7: {  	s8 =	sadd.s32 s2, s8  }
0x1a8: {  	[tilespmem:s16], [sflag:$0x2] =	stream.linear.gather [hbm4b:s8+s1], $0x80, $0x38;
	[tilespmem:$0x3800] =	vst v63  }
0x1a9: {  	s9 =	spop (v2sf);
	s16 =	sld [smem:$0x7FB]  }
0x1aa: {  	s8 =	sand.u32 $0x1FFFFFF0, s9  }
0x1ab: {  	s8 =	sadd.s32 s2, s8  }
0x1ac: {  	[tilespmem:s16], [sflag:$0x2] =	stream.linear.gather [hbm4b:s8+s1], $0x80, $0x38;
	[tilespmem:$0x3800] =	vst v63  }
0x1ad: {  	s9 =	spop (v2sf);
	s16 =	sld [smem:$0x7FC]  }
0x1ae: {  	s8 =	sand.u32 $0x1FFFFFF0, s9  }
0x1af: {  	s8 =	sadd.s32 s3, s8  }
0x1b0: {  	[tilespmem:s16], [sflag:$0x2] =	stream.linear.gather [hbm4b:s8+s1], $0x80, $0x38;
	[tilespmem:$0x3800] =	vst v63  }
0x1b1: {  	s9 =	spop (v2sf);
	s16 =	sld [smem:$0x7FD]  }
0x1b2: {  	s8 =	sand.u32 $0x1FFFFFF0, s9  }
0x1b3: {  	s8 =	sadd.s32 s2, s8  }
0x1b4: {  	[tilespmem:s16], [sflag:$0x2] =	stream.linear.gather [hbm4b:s8+s1], $0x80, $0x38;
	[tilespmem:$0x3800] =	vst v63  }
0x1b5: {  	_ =	swait.ge [sflag:s11], $0x800  }
0x1b6: {  	[sflag:s11] =	ssyncset.done $0x0  }
0x1b7: {  	[sflag:s11] =	ssyncadd.s32 $0xFFFFF800  }
0x1b8: {  	_ =	swait.ge [sflag:s11], $0x800  }
0x1b9: {  	[sflag:s11] =	ssyncset.done $0x0  }
0x1ba: {  	[sflag:s11] =	ssyncadd.s32 $0xFFFFF800  }
0x1bb: {  	_ =	swait.ge [sflag:s11], $0x800  }
0x1bc: {  	[sflag:s11] =	ssyncset.done $0x0  }
0x1bd: {  	[sflag:s11] =	ssyncadd.s32 $0xFFFFF800  }
0x1be: {  	v59 =	vld [tilespmem:$0x600]  }
0x1bf: {  	v60 =	vld [tilespmem:$0xE00]  }
0x1c0: {  	v61 =	vld [tilespmem:$0x1600]  }
0x1c1: {  	v3 =	vld [tilespmem:$0x610]  }
0x1c2: {  	v4 =	vld [tilespmem:$0xE10]  }
0x1c3: {  	v5 =	vld [tilespmem:$0x1610]  }
0x1c4: {  	v6 =	vld [tilespmem:$0x620]  }
0x1c5: {  	v7 =	vld [tilespmem:$0xE20]  }
0x1c6: {  	v8 =	vld [tilespmem:$0x1620]  }
0x1c7: {  	v9 =	vld [tilespmem:$0x630]  }
0x1c8: {  	v10 =	vld [tilespmem:$0xE30]  }
0x1c9: {  	v11 =	vld [tilespmem:$0x1630]  }
0x1ca: {  	v12 =	vld [tilespmem:$0x680]  }
0x1cb: {  	v13 =	vld [tilespmem:$0xE80]  }
0x1cc: {  	v14 =	vld [tilespmem:$0x1680]  }
0x1cd: {  	v15 =	vld [tilespmem:$0x690]  }
0x1ce: {  	v16 =	vld [tilespmem:$0xE90]  }
0x1cf: {  	v17 =	vld [tilespmem:$0x1690]  }
0x1d0: {  	v18 =	vld [tilespmem:$0x6A0]  }
0x1d1: {  	v19 =	vld [tilespmem:$0xEA0]  }
0x1d2: {  	v20 =	vld [tilespmem:$0x16A0]  }
0x1d3: {  	v21 =	vld [tilespmem:$0x6B0]  }
0x1d4: {  	v22 =	vld [tilespmem:$0xEB0]  }
0x1d5: {  	v23 =	vld [tilespmem:$0x16B0]  }
0x1d6: {  	v24 =	vld [tilespmem:$0x700]  }
0x1d7: {  	v25 =	vld [tilespmem:$0xF00]  }
0x1d8: {  	v26 =	vld [tilespmem:$0x1700]  }
0x1d9: {  	v27 =	vld [tilespmem:$0x710]  }
0x1da: {  	v28 =	vld [tilespmem:$0xF10]  }
0x1db: {  	v29 =	vld [tilespmem:$0x1710]  }
0x1dc: {  	v30 =	vld [tilespmem:$0x720]  }
0x1dd: {  	v31 =	vld [tilespmem:$0xF20]  }
0x1de: {  	v32 =	vld [tilespmem:$0x1720]  }
0x1df: {  	v33 =	vld [tilespmem:$0x730]  }
0x1e0: {  	v34 =	vld [tilespmem:$0xF30]  }
0x1e1: {  	v35 =	vld [tilespmem:$0x1730]  }
0x1e2: {  	v36 =	vld [tilespmem:$0x780]  }
0x1e3: {  	v37 =	vld [tilespmem:$0xF80]  }
0x1e4: {  	v38 =	vld [tilespmem:$0x1780]  }
0x1e5: {  	v39 =	vld [tilespmem:$0x790]  }
0x1e6: {  	v40 =	vld [tilespmem:$0xF90]  }
0x1e7: {  	v41 =	vld [tilespmem:$0x1790]  }
0x1e8: {  	v42 =	vld [tilespmem:$0x7A0]  }
0x1e9: {  	v43 =	vld [tilespmem:$0xFA0]  }
0x1ea: {  	v44 =	vld [tilespmem:$0x17A0]  }
0x1eb: {  	v45 =	vld [tilespmem:$0x7B0]  }
0x1ec: {  	v46 =	vld [tilespmem:$0xFB0]  }
0x1ed: {  	v47 =	vld [tilespmem:$0x17B0]  }
0x1ee: {  	v48 =	vld [tilespmem:$0x800]  }
0x1ef: {  	v49 =	vld [tilespmem:$0x1000]  }
0x1f0: {  	v50 =	vld [tilespmem:$0x1800]  }
0x1f1: {  	v51 =	vld [tilespmem:$0x810]  }
0x1f2: {  	v52 =	vld [tilespmem:$0x1010]  }
0x1f3: {  	v53 =	vld [tilespmem:$0x1810]  }
0x1f4: {  	v1 =	vld [tilespmem:$0x820]  }
0x1f5: {  	v2 =	vld [tilespmem:$0x1820]  }
0x1f6: {  	v3 =	vadd.f32 v4, v3;
	v4 =	vld [tilespmem:$0x1020]  }
0x1f7: {  	v62 =	vadd.f32 v7, v6;
	v6 =	vld [tilespmem:$0x830]  }
0x1f8: {  	v7 =	vld [tilespmem:$0x1030]  }
0x1f9: {  	v63 =	vadd.f32 v16, v15;
	v15 =	vld [tilespmem:$0x880]  }
0x1fa: {  	v54 =	vadd.f32 v10, v9;
	v9 =	vld [tilespmem:$0x1080]  }
0x1fb: {  	v12 =	vadd.f32 v13, v12;
	v13 =	vld [tilespmem:$0x1880]  }
0x1fc: {  	v57 =	vadd.f32 v19, v18;
	v18 =	vld [tilespmem:$0x8A0]  }
0x1fd: {  	v19 =	vld [tilespmem:$0x8B0]  }
0x1fe: {  	v0 =	vadd.f32 v60, v59;
	v60 =	vadd.f32 v28, v27;
	v27 =	vld [tilespmem:$0x900]  }
0x1ff: {  	v28 =	vld [tilespmem:$0x1100]  }
0x200: {  	v37 =	vadd.f32 v37, v36;
	v36 =	vld [tilespmem:$0x1180]  }
0x201: {  	v40 =	vadd.f32 v40, v39;
	v39 =	vld [tilespmem:$0x990]  }
0x202: {  	v34 =	vadd.f32 v34, v33;
	v33 =	vld [tilespmem:$0x1300]  }
0x203: {  	v3 =	vsub.f32 v3, v5;
	v5 =	vsub.f32 v62, v8;
	v8 =	vld [tilespmem:$0x1830]  }
0x204: {  	v55 =	vsub.f32 v12, v14;
	v14 =	vld [tilespmem:$0x890]  }
0x205: {  	v12 =	vld [tilespmem:$0x1090]  }
0x206: {  	v56 =	vsub.f32 v63, v17;
	v17 =	vld [tilespmem:$0x1890]  }
0x207: {  	v0 =	vsub.f32 v0, v61;
	v61 =	vadd.f32 v22, v21;
	v22 =	vld [tilespmem:$0x18A0]  }
0x208: {  	v62 =	vadd.f32 v31, v30;
	v30 =	vld [tilespmem:$0x1900]  }
0x209: {  	v31 =	vld [tilespmem:$0x1110]  }
0x20a: {  	v59 =	vadd.f32 v25, v24;
	v25 =	vsub.f32 v37, v38;
	v38 =	vld [tilespmem:$0x1980]  }
0x20b: {  	v24 =	vsub.f32 v34, v35;
	v34 =	vld [tilespmem:$0x1B00]  }
0x20c: {  	v63 =	vsub.f32 v61, v23;
	v23 =	vld [tilespmem:$0x10B0]  }
0x20d: {  	v10 =	vmul.f32 v55, v55;
	v55 =	vld [tilespmem:$0x1120]  }
0x20e: {  	v16 =	vmul.f32 v5, v5;
	v5 =	vsub.f32 v54, v11;
	v11 =	vsub.f32 v60, v29;
	v60 =	vld [tilespmem:$0x1130]  }
0x20f: {  	v58 =	vmul.f32 v56, v56;
	v56 =	vadd.f32 v46, v45;
	v45 =	vld [tilespmem:$0x11A0]  }
0x210: {  	v54 =	vadd.f32 v52, v51;
	v51 =	vld [tilespmem:$0x1930]  }
0x211: {  	v21 =	vsub.f32 v62, v32;
	v32 =	vld [tilespmem:$0xB00]  }
0x212: {  	v0 =	vmul.f32 v0, v0;
	v3 =	vmul.f32 v3, v3;
	v46 =	vadd.f32 v28, v27;
	v27 =	vld [tilespmem:$0x12A0]  }
0x213: {  	v28 =	vld [tilespmem:$0x1AA0]  }
0x214: {  	v0 =	vadd.f32 v3, v0;
	v3 =	vsub.f32 v57, v20;
	v20 =	vld [tilespmem:$0x10A0]  }
0x215: {  	v57 =	vld [tilespmem:$0x1920]  }
0x216: {  	v1 =	vadd.f32 v4, v1;
	v10 =	vadd.f32 v58, v10;
	v58 =	vld [tilespmem:$0x930]  }
0x217: {  	v61 =	vsub.f32 v56, v47;
	v47 =	vld [tilespmem:$0x19A0];
	v12 =	vadd.f32 v12, v14  }
0x218: {  	v5 =	vmul.f32 v5, v5;
	v0 =	vadd.f32 v16, v0;
	v16 =	vsub.f32 v59, v26;
	v26 =	vld [tilespmem:$0x18B0]  }
0x219: {  	v3 =	vmul.f32 v3, v3;
	v59 =	vadd.f32 v9, v15;
	v12 =	vsub.f32 v12, v17;
	v17 =	vld [tilespmem:$0xA30]  }
0x21a: {  	v11 =	vmul.f32 v11, v11;
	v16 =	vmul.f32 v16, v16;
	v0 =	vadd.f32 v5, v0;
	v5 =	vld [tilespmem:$0x1910]  }
0x21b: {  	v3 =	vadd.f32 v3, v10;
	v10 =	vmul.f32 v63, v63;
	v63 =	vld [tilespmem:$0x980];
	v35 =	vsub.f32 v59, v13  }
0x21c: {  	v37 =	vadd.f32 v20, v18;
	v20 =	vld [tilespmem:$0xA80];
	v11 =	vadd.f32 v11, v16  }
0x21d: {  	v16 =	vsub.f32 v40, v41;
	v41 =	vadd.f32 v43, v42;
	v42 =	vmul.f32 v24, v24;
	v24 =	vld [tilespmem:$0x910]  }
0x21e: {  	v40 =	vld [tilespmem:$0x1190]  }
0x21f: {  	v1 =	vsub.f32 v1, v2;
	v2 =	vmul.f32 v35, v35;
	v35 =	vld [tilespmem:$0xB10]  }
0x220: {  	v9 =	vadd.f32 v60, v58;
	v13 =	vsub.f32 v37, v22;
	v22 =	vld [tilespmem:$0x1A80]  }
0x221: {  	v21 =	vmul.f32 v21, v21;
	v37 =	vld [tilespmem:$0x1B10]  }
0x222: {  	v9 =	vsub.f32 v9, v51;
	v51 =	vld [tilespmem:$0x13A0]  }
0x223: {  	v12 =	vmul.f32 v12, v12;
	v11 =	vadd.f32 v21, v11;
	v21 =	vld [tilespmem:$0x920]  }
0x224: {  	v29 =	vsub.f32 v41, v44;
	v41 =	vld [tilespmem:$0x1990]  }
0x225: {  	v2 =	vadd.f32 v12, v2;
	v12 =	vsub.f32 v46, v30;
	v30 =	vld [tilespmem:$0x12B0]  }
0x226: {  	v25 =	vmul.f32 v25, v25;
	v46 =	vld [tilespmem:$0x1B80]  }
0x227: {  	v49 =	vadd.f32 v49, v48;
	v16 =	vmul.f32 v16, v16;
	v60 =	vmul.f32 v9, v9;
	v9 =	vld [tilespmem:$0x1200]  }
0x228: {  	v4 =	vadd.f32 v36, v63;
	v36 =	vld [tilespmem:$0x1310]  }
0x229: {  	v43 =	vadd.f32 v16, v25;
	v25 =	vsub.f32 v49, v50;
	v49 =	vld [tilespmem:$0x9B0]  }
0x22a: {  	v50 =	vld [tilespmem:$0x11B0]  }
0x22b: {  	v44 =	vmul.f32 v29, v29;
	v29 =	vsub.f32 v54, v53;
	v53 =	vld [tilespmem:$0x19B0]  }
0x22c: {  	v48 =	vadd.f32 v31, v24;
	v24 =	vld [tilespmem:$0x1290]  }
0x22d: {  	v31 =	vld [tilespmem:$0x1AB0]  }
0x22e: {  	v4 =	vsub.f32 v4, v38;
	v38 =	vld [tilespmem:$0xB20]  }
0x22f: {  	v3 =	vadd.f32 v10, v3;
	v18 =	vadd.f32 v40, v39;
	v39 =	vld [tilespmem:$0x1320]  }
0x230: {  	(xrf2) =	vadd.scan.msk.f32 $0xffff, v0;
	v10 =	vadd.f32 v42, v11;
	v40 =	vld [tilespmem:$0x1B20]  }
0x231: {  	(xrf2) =	vadd.scan.msk.f32 $0xffff, v3;
	v11 =	vadd.f32 v44, v43;
	v43 =	vld [tilespmem:$0x9A0]  }
0x232: {  	(xrf2) =	vadd.scan.msk.f32 $0xffff, v10;
	v10 =	vld [tilespmem:$0x1A00]  }
0x233: {  	v44 =	vadd.f32 v23, v19;
	v19 =	vld [tilespmem:$0x1A30]  }
0x234: {  	v42 =	vmul.f32 v13, v13;
	v23 =	vld [tilespmem:$0xA90]  }
0x235: {  	v62 =	vmul.f32 v25, v25;
	v25 =	vld [tilespmem:$0x1A90]  }
0x236: {  	v2 =	vadd.f32 v42, v2;
	v42 =	vld [tilespmem:$0x1330]  }
0x237: {  	v6 =	vadd.f32 v7, v6;
	v7 =	vsub.f32 v18, v41;
	v18 =	vld [tilespmem:$0x1230]  }
0x238: {  	v52 =	vadd.f32 v55, v21;
	v21 =	vld [tilespmem:$0x1280]  }
0x239: {  	v15 =	vmul.f32 v61, v61;
	v41 =	vld [tilespmem:$0xB30]  }
0x23a: {  	v5 =	vsub.f32 v48, v5;
	v48 =	vld [tilespmem:$0x1390]  }
0x23b: {  	v29 =	vmul.f32 v29, v29;
	v11 =	vadd.f32 v15, v11;
	v15 =	vld [tilespmem:$0x1220]  }
0x23c: {  	v6 =	vsub.f32 v6, v8;
	v8 =	vsub.f32 v44, v26;
	v26 =	vld [tilespmem:$0xAA0]  }
0x23d: {  	v16 =	vadd.f32 v29, v62;
	v29 =	vld [tilespmem:$0xAB0]  }
0x23e: {  	v44 =	vld [tilespmem:$0xB80]  }
0x23f: {  	v36 =	vadd.f32 v36, v35;
	v35 =	vld [tilespmem:$0xD00]  }
0x240: {  	v14 =	vadd.f32 v50, v49;
	v49 =	vld [tilespmem:$0x1B90]  }
0x241: {  	v50 =	vld [tilespmem:$0xBA0]  }
0x242: {  	v1 =	vmul.f32 v1, v1;
	v54 =	vsub.f32 v52, v57;
	v52 =	vld [tilespmem:$0x1BA0]  }
0x243: {  	v12 =	vmul.f32 v12, v12;
	v5 =	vmul.f32 v5, v5;
	(xrf2) =	vadd.scan.msk.f32 $0xffff, v11;
	v11 =	vld [tilespmem:$0xA10]  }
0x244: {  	v1 =	vadd.f32 v1, v16;
	v16 =	vld [tilespmem:$0x1A20]  }
0x245: {  	v55 =	vadd.f32 v5, v12;
	v12 =	vld [tilespmem:$0x1210]  }
0x246: {  	v59 =	vsub.f32 v14, v53;
	v14 =	vld [tilespmem:$0xA20]  }
0x247: {  	v13 =	vadd.f32 v45, v43;
	v43 =	vld [tilespmem:$0x1B30]  }
0x248: {  	v45 =	vld [tilespmem:$0x1380]  }
0x249: {  	v53 =	vld [tilespmem:$0xBB0]  }
0x24a: {  	v8 =	vmul.f32 v8, v8;
	v56 =	vmul.f32 v54, v54;
	v54 =	vld [tilespmem:$0x13B0]  }
0x24b: {  	v24 =	vadd.f32 v24, v23;
	v23 =	vld [tilespmem:$0x1480]  }
0x24c: {  	v2 =	vadd.f32 v8, v2;
	v8 =	vld [tilespmem:$0xA00]  }
0x24d: {  	v17 =	vadd.f32 v18, v17;
	v18 =	vld [tilespmem:$0x1490]  }
0x24e: {  	v13 =	vsub.f32 v13, v47;
	v47 =	vld [tilespmem:$0xB90]  }
0x24f: {  	v0 =	vadd.f32 v56, v55;
	v55 =	vld [tilespmem:$0x1BB0]  }
0x250: {  	v56 =	vld [tilespmem:$0xC00]  }
0x251: {  	v61 =	vmul.f32 v59, v59;
	v59 =	vld [tilespmem:$0xC10]  }
0x252: {  	v30 =	vadd.f32 v30, v29;
	v29 =	vld [tilespmem:$0xCB0]  }
0x253: {  	v27 =	vadd.f32 v27, v26;
	v26 =	vsub.f32 v36, v37;
	v37 =	vld [tilespmem:$0x1500]  }
0x254: {  	v58 =	vmul.f32 v13, v13;
	v13 =	vld [tilespmem:$0x1A10]  }
0x255: {  	v4 =	vmul.f32 v4, v4;
	v0 =	vadd.f32 v60, v0;
	v60 =	vld [tilespmem:$0x1410]  }
0x256: {  	v7 =	vmul.f32 v7, v7;
	v17 =	vsub.f32 v17, v19;
	v19 =	vsub.f32 v30, v31;
	v31 =	vld [tilespmem:$0x14B0]  }
0x257: {  	v63 =	vadd.f32 v12, v11;
	v11 =	vld [tilespmem:$0x1420]  }
0x258: {  	v57 =	vadd.f32 v7, v4;
	v12 =	vld [tilespmem:$0x1C20]  }
0x259: {  	v45 =	vadd.f32 v45, v44;
	v44 =	vadd.f32 v42, v41;
	v42 =	vld [tilespmem:$0xD80]  }
0x25a: {  	v3 =	vadd.f32 v58, v57;
	v57 =	vld [tilespmem:$0x1400]  }
0x25b: {  	v58 =	vld [tilespmem:$0x1C00];
	v8 =	vadd.f32 v9, v8  }
0x25c: {  	v6 =	vmul.f32 v6, v6;
	v47 =	vadd.f32 v48, v47;
	v48 =	vadd.f32 v39, v38;
	v39 =	vld [tilespmem:$0x1D00]  }
0x25d: {  	v62 =	vadd.f32 v61, v3;
	v61 =	vld [tilespmem:$0x1C10]  }
0x25e: {  	v1 =	vadd.f32 v6, v1;
	v8 =	vsub.f32 v8, v10;
	v10 =	vld [tilespmem:$0xC30]  }
0x25f: {  	v9 =	vsub.f32 v63, v13;
	v13 =	vadd.f32 v15, v14;
	v15 =	vld [tilespmem:$0x1430]  }
0x260: {  	v33 =	vadd.f32 v33, v32;
	v63 =	vadd.f32 v21, v20;
	v21 =	vld [tilespmem:$0x1C30]  }
0x261: {  	(xrf2) =	vadd.scan.msk.f32 $0xffff, v1;
	v20 =	vsub.f32 v24, v25;
	v24 =	vld [tilespmem:$0xC90];
	v30 =	vsub.f32 v47, v49  }
0x262: {  	(xrf2) =	vadd.scan.msk.f32 $0xffff, v2;
	v25 =	vld [tilespmem:$0x14A0];
	v32 =	vsub.f32 v48, v40;
	v47 =	vsub.f32 v44, v43  }
0x263: {  	(xrf2) =	vadd.scan.msk.f32 $0xffff, v0;
	v48 =	vld [tilespmem:$0xD10];
	v8 =	vmul.f32 v8, v8;
	v9 =	vmul.f32 v9, v9;
	v13 =	vsub.f32 v13, v16  }
0x264: {  	v60 =	vadd.f32 v60, v59;
	(xrf2) =	vadd.scan.msk.f32 $0xffff, v62;
	v62 =	vld [tilespmem:$0xC20];
	v14 =	vsub.f32 v63, v22  }
0x265: {  	v16 =	vld [tilespmem:$0xC80];
	v20 =	vmul.f32 v20, v20;
	v8 =	vadd.f32 v9, v8;
	v63 =	vmul.f32 v13, v13  }
0x266: {  	v40 =	vld [tilespmem:$0xD30];
	v22 =	vsub.f32 v27, v28;
	v57 =	vadd.f32 v57, v56;
	v14 =	vmul.f32 v14, v14  }
0x267: {  	v13 =	vld [tilespmem:$0x1C80];
	v10 =	vadd.f32 v15, v10;
	v8 =	vadd.f32 v63, v8  }
0x268: {  	v28 =	vmul.f32 v22, v22;
	v22 =	vld [tilespmem:$0xCA0];
	v27 =	vadd.f32 v20, v14;
	v14 =	vsub.f32 v33, v34  }
0x269: {  	v26 =	vmul.f32 v26, v26;
	v20 =	vld [tilespmem:$0x1C90];
	v63 =	vadd.f32 v51, v50;
	v11 =	vadd.f32 v11, v62  }
0x26a: {  	v17 =	vmul.f32 v17, v17;
	v33 =	vld [tilespmem:$0x1CB0];
	v16 =	vadd.f32 v23, v16;
	v10 =	vsub.f32 v10, v21  }
0x26b: {  	v6, _, _ =	vpop (xrf2);
	v19 =	vmul.f32 v19, v19;
	v51 =	vld [tilespmem:$0x1510];
	v9 =	vadd.f32 v28, v27;
	v28 =	vsub.f32 v45, v46  }
0x26c: {  	v7, _, _ =	vpop (xrf2);
	v30 =	vmul.f32 v30, v30;
	v23 =	vld [tilespmem:$0x1530];
	v34 =	vsub.f32 v63, v52;
	v45 =	vadd.f32 v54, v53  }
0x26d: {  	v5, _, _ =	vpop (xrf2);
	v27 =	vld [tilespmem:$0x1CA0];
	v14 =	vmul.f32 v14, v14;
	v8 =	vadd.f32 v17, v8;
	v17 =	vsub.f32 v57, v58  }
0x26e: {  	v4, _, _ =	vpop (xrf2);
	v46 =	vmul.f32 v32, v32;
	v53 =	vld [tilespmem:$0x1D10];
	v11 =	vsub.f32 v11, v12;
	v63 =	vadd.f32 v18, v24  }
0x26f: {  	v3, _, _ =	vpop (xrf2);
	v52 =	vmul.f32 v47, v47;
	v32 =	vld [tilespmem:$0x1520];
	v47 =	vadd.f32 v37, v35;
	v13 =	vsub.f32 v16, v13  }
0x270: {  	v1, _, _ =	vpop (xrf2);
	v18 =	vld [tilespmem:$0x1D30];
	v43 =	vadd.f32 v25, v22;
	v28 =	vmul.f32 v28, v28;
	v14 =	vadd.f32 v26, v14  }
0x271: {  	v2, _, _ =	vpop (xrf2);
	v49 =	vmul.f32 v34, v34;
	v50 =	vsub.f32 v45, v55;
	v9 =	vadd.f32 v19, v9;
	v34 =	vld [tilespmem:$0x1D20]  }
0x272: {  	v17 =	vmul.f32 v17, v17;
	v0, _, _ =	vpop (xrf2);
	v12 =	vsub.f32 v63, v20;
	v28 =	vadd.f32 v30, v28;
	v30 =	vld [tilespmem:$0xD20]  }
0x273: {  	v13 =	vmul.f32 v13, v13;
	v48 =	vadd.f32 v51, v48;
	v51 =	vsub.f32 v47, v39;
	v44 =	vld [tilespmem:$0x1580]  }
0x274: {  	v14 =	vadd.f32 v46, v14;
	v55 =	vmul.f32 v50, v50;
	v45 =	vld [tilespmem:$0x1D80];
	v23 =	vadd.f32 v23, v40  }
0x275: {  	v46 =	vld [tilespmem:$0xD90];
	v12 =	vmul.f32 v12, v12;
	v16 =	vsub.f32 v43, v27;
	v54 =	vadd.f32 v49, v28  }
0x276: {  	v50 =	vld [tilespmem:$0x1D90];
	v56 =	vmul.f32 v51, v51;
	v14 =	vadd.f32 v52, v14;
	v28 =	vsub.f32 v60, v61  }
0x277: {  	v49 =	vld [tilespmem:$0x1590];
	v52 =	vsub.f32 v48, v53;
	v12 =	vadd.f32 v12, v13;
	v16 =	vmul.f32 v16, v16  }
0x278: {  	v53 =	vld [tilespmem:$0xDA0];
	v18 =	vsub.f32 v23, v18;
	v19 =	vadd.f32 v55, v54;
	v41 =	vmul.f32 v28, v28  }
0x279: {  	v54 =	vadd.f32 v31, v29;
	v55 =	vld [tilespmem:$0x15A0];
	v57 =	vmul.f32 v52, v52;
	v12 =	vadd.f32 v16, v12  }
0x27a: {  	v60 =	vld [tilespmem:$0xDB0];
	v59 =	vadd.f32 v32, v30;
	v15 =	vadd.f32 v44, v42  }
0x27b: {  	v11 =	vmul.f32 v11, v11;
	v61 =	vld [tilespmem:$0x15B0];
	v17 =	vadd.f32 v41, v17;
	v16 =	vadd.f32 v57, v56  }
0x27c: {  	v58 =	vld [tilespmem:$0x1DA0];
	v62 =	vsub.f32 v59, v34;
	v22 =	vadd.f32 v49, v46  }
0x27d: {  	v10 =	vmul.f32 v10, v10;
	v63 =	vld [tilespmem:$0x1DB0];
	v15 =	vsub.f32 v15, v45;
	v11 =	vadd.f32 v11, v17  }
0x27e: {  	v13 =	vsub.f32 v22, v50;
	v25 =	vadd.f32 v55, v53  }
0x27f: {  	v10 =	vadd.f32 v10, v11;
	v11 =	vsub.f32 v54, v33  }
0x280: {  	(xrf2) =	vadd.scan.msk.f32 $0xffff, v8;
	v17 =	vadd.f32 v61, v60;
	v26 =	vmul.f32 v62, v62;
	v15 =	vmul.f32 v15, v15  }
0x281: {  	(xrf2) =	vadd.scan.msk.f32 $0xffff, v9;
	v27 =	vmul.f32 v13, v13;
	v28 =	vsub.f32 v25, v58;
	v11 =	vmul.f32 v11, v11  }
0x282: {  	(xrf2) =	vadd.scan.msk.f32 $0xffff, v14;
	v29 =	vmul.f32 v18, v18;
	v30 =	vsub.f32 v17, v63;
	v8 =	vadd.f32 v26, v16  }
0x283: {  	(xrf2) =	vadd.scan.msk.f32 $0xffff, v19;
	v9 =	vadd.f32 v27, v15;
	v13 =	vmul.f32 v28, v28;
	v11 =	vadd.f32 v11, v12  }
0x284: {  	v6 =	vbroadcast v6, $0xF;
	v7 =	vbroadcast v7, $0xF;
	(xrf2) =	vadd.scan.msk.f32 $0xffff, v10;
	v8 =	vadd.f32 v29, v8  }
0x285: {  	v5 =	vbroadcast v5, $0xF;
	v31 =	vmul.f32 v30, v30;
	v9 =	vadd.f32 v13, v9;
	(xrf2) =	vadd.scan.msk.f32 $0xffff, v11  }
0x286: {  	v6 =	vsel vm0, v6, v7;
	v4 =	vbroadcast v4, $0xF;
	(xrf2) =	vadd.scan.msk.f32 $0xffff, v8  }
0x287: {  	v5 =	vsel vm1, v6, v5;
	v3 =	vbroadcast v3, $0xF;
	v32 =	vadd.f32 v31, v9  }
0x288: {  	v4 =	vsel vm2, v5, v4;
	v1 =	vbroadcast v1, $0xF  }
0x289: {  	v3 =	vsel vm3, v4, v3;
	v2 =	vbroadcast v2, $0xF;
	(xrf2) =	vadd.scan.msk.f32 $0xffff, v32  }
0x28a: {  	v1 =	vsel vm4, v3, v1;
	v0 =	vbroadcast v0, $0xF;
	v33, _, _ =	vpop (xrf2)  }
0x28b: {  	v1 =	vsel vm5, v1, v2;
	v34 =	vbroadcast v33, $0xF;
	v35, _, _ =	vpop (xrf2)  }
0x28c: {  	v0 =	vsel vm6, v1, v0;
	v36 =	vbroadcast v35, $0xF;
	v37, _, _ =	vpop (xrf2)  }
0x28d: {  	v0 =	vsel vm7, v0, v34;
	v38 =	vbroadcast v37, $0xF;
	v39, _, _ =	vpop (xrf2)  }
0x28e: {  	v0 =	vsel vm8, v0, v36;
	v40 =	vbroadcast v39, $0xF;
	v41, _, _ =	vpop (xrf2)  }
0x28f: {  	v0 =	vsel vm9, v0, v38;
	v42 =	vbroadcast v41, $0xF;
	v43, _, _ =	vpop (xrf2)  }
0x290: {  	v0 =	vsel vm10, v0, v40;
	v44 =	vbroadcast v43, $0xF;
	v45, _, _ =	vpop (xrf2)  }
0x291: {  	v0 =	vsel vm11, v0, v42;
	v46 =	vbroadcast v45, $0xF  }
0x292: {  	v0 =	vsel vm12, v0, v44  }
0x293: {  	v47, _, _ =	vpop (xrf2);
	v0 =	vsel vm13, v0, v46  }
0x294: {  	v0 =	vsel vm14, v0, v47  }
0x295: {  	v1 =	vshrl.u32 v0, $0x1  }
0x296: {  	v1 =	vadd.s32 $0x1FBD1DF5, v1  }
0x297: {  	(erf) = vrcp.f32 v1;
	_ =	sdelay $0x8  }
0x298: {  	v48 =	vpop (erf)  }
0x299: {  	v2 =	vmul.f32 v48, v0;
	_ =	sdelay $0x1  }
0x29a: {  	v1 =	vadd.f32 v1, v2;
	_ =	sdelay $0x1  }
0x29b: {  	v1 =	vmul.f32 $5.000000000e-01, v1;
	_ =	sdelay $0x1  }
0x29c: {  	(erf) = vrcp.f32 v1;
	_ =	sdelay $0x8  }
0x29d: {  	v49 =	vpop (erf)  }
0x29e: {  	v2 =	vmul.f32 v49, v0;
	_ =	sdelay $0x1  }
0x29f: {  	v1 =	vadd.f32 v2, v1;
	_ =	sdelay $0x1  }
0x2a0: {  	v1 =	vmul.f32 $5.000000000e-01, v1;
	_ =	sdelay $0x1  }
0x2a1: {  	(erf) = vrcp.f32 v1;
	_ =	sdelay $0x8  }
0x2a2: {  	v50 =	vpop (erf)  }
0x2a3: {  	v0 =	vmul.f32 v50, v0;
	_ =	sdelay $0x1  }
0x2a4: {  	v0 =	vadd.f32 v0, v1;
	_ =	sdelay $0x1  }
0x2a5: {  	v0 =	vmul.f32 $5.000000000e-01, v0  }
0x2a6: {  	p0 =	seq.s32 s6, $0x780;
	s8 =	smov.u32 s5  }
0x2a7: {  	s8 =	simm.s32 @p0 $0x0;
	[tilespmem:s7+$0x3600] =	vst v0  }
0x2a8: {  	v0 =	vld [tilespmem:s8+$0x0];
	_ =	sdelay $0x1  }
0x2a9: {  	v51 =	vld [tilespmem:s8+$0x200];
	_ =	sdelay $0x2  }
0x2aa: {  	v52 =	vshll.u32 v0, $0x4  }
0x2ab: {  	(v2sf) =	vpush v52, $0x0  }
0x2ac: {  	v53 =	vld [tilespmem:s8+$0x400];
	v1 =	vshll.u32 v51, $0x4  }
0x2ad: {  	(v2sf) =	vpush v1, $0x0;
	_ =	sdelay $0x3  }
0x2ae: {  	v0 =	vshll.u32 v53, $0x4  }
0x2af: {  	(v2sf) =	vpush v0, $0x0;
	_ =	sdelay $0x3  }
0x2b0: {  	(v2sf) =	vpush v52, $0x1;
	_ =	sdelay $0x3  }
0x2b1: {  	s16 =	spop (v2sf);
	(v2sf) =	vpush v1, $0x1  }
0x2b2: {  	s8 =	sand.u32 $0x1FFFFFF0, s16  }
0x2b3: {  	s9 =	simm.s32 $0x600;
	s16 =	spop (v2sf);
	s8 =	sadd.s32 s2, s8  }
0x2b4: {  	[tilespmem:s9], [sflag:$0x1] =	stream.linear.gather [hbm4b:s8+s1], $0x80, $0x38;
	[tilespmem:$0x3800] =	vst v63  }
0x2b5: {  	(v2sf) =	vpush v0, $0x1;
	s8 =	sand.u32 $0x1FFFFFF0, s16  }
0x2b6: {  	s16 =	simm.s32 $0xE00;
	s8 =	sadd.s32 s3, s8  }
0x2b7: {  	[tilespmem:s16], [sflag:$0x1] =	stream.linear.gather [hbm4b:s8+s1], $0x80, $0x38;
	[tilespmem:$0x3800] =	vst v63  }
0x2b8: {  	s16 =	spop (v2sf)  }
0x2b9: {  	(v2sf) =	vpush v52, $0x2;
	s8 =	sand.u32 $0x1FFFFFF0, s16  }
0x2ba: {  	s16 =	simm.s32 $0x1600;
	s8 =	sadd.s32 s2, s8  }
0x2bb: {  	[tilespmem:s16], [sflag:$0x1] =	stream.linear.gather [hbm4b:s8+s1], $0x80, $0x38;
	[tilespmem:$0x3800] =	vst v63  }
0x2bc: {  	s16 =	spop (v2sf)  }
0x2bd: {  	(v2sf) =	vpush v1, $0x2;
	s8 =	sand.u32 $0x1FFFFFF0, s16  }
0x2be: {  	s16 =	simm.s32 $0x680;
	s8 =	sadd.s32 s2, s8  }
0x2bf: {  	[tilespmem:s16], [sflag:$0x1] =	stream.linear.gather [hbm4b:s8+s1], $0x80, $0x38;
	[tilespmem:$0x3800] =	vst v63  }
0x2c0: {  	s16 =	spop (v2sf)  }
0x2c1: {  	(v2sf) =	vpush v0, $0x2;
	s8 =	sand.u32 $0x1FFFFFF0, s16  }
0x2c2: {  	s16 =	simm.s32 $0xE80;
	s8 =	sadd.s32 s3, s8  }
0x2c3: {  	[tilespmem:s16], [sflag:$0x1] =	stream.linear.gather [hbm4b:s8+s1], $0x80, $0x38;
	[tilespmem:$0x3800] =	vst v63  }
0x2c4: {  	s16 =	spop (v2sf)  }
0x2c5: {  	(v2sf) =	vpush v52, $0x3;
	s8 =	sand.u32 $0x1FFFFFF0, s16  }
0x2c6: {  	s16 =	simm.s32 $0x1680;
	s8 =	sadd.s32 s2, s8  }
0x2c7: {  	[tilespmem:s16], [sflag:$0x1] =	stream.linear.gather [hbm4b:s8+s1], $0x80, $0x38;
	[tilespmem:$0x3800] =	vst v63  }
0x2c8: {  	s16 =	spop (v2sf)  }
0x2c9: {  	(v2sf) =	vpush v1, $0x3;
	s8 =	sand.u32 $0x1FFFFFF0, s16  }
0x2ca: {  	s16 =	simm.s32 $0x700;
	s8 =	sadd.s32 s2, s8  }
0x2cb: {  	[tilespmem:s16], [sflag:$0x1] =	stream.linear.gather [hbm4b:s8+s1], $0x80, $0x38;
	[tilespmem:$0x3800] =	vst v63  }
0x2cc: {  	s16 =	spop (v2sf)  }
0x2cd: {  	(v2sf) =	vpush v0, $0x3;
	s8 =	sand.u32 $0x1FFFFFF0, s16  }
0x2ce: {  	s8 =	sadd.s32 s3, s8  }
0x2cf: {  	[tilespmem:s18], [sflag:$0x1] =	stream.linear.gather [hbm4b:s8+s1], $0x80, $0x38;
	[tilespmem:$0x3800] =	vst v63  }
0x2d0: {  	s16 =	spop (v2sf)  }
0x2d1: {  	(v2sf) =	vpush v52, $0x4;
	s8 =	sand.u32 $0x1FFFFFF0, s16  }
0x2d2: {  	s16 =	simm.s32 $0x1700;
	s8 =	sadd.s32 s2, s8  }
0x2d3: {  	[tilespmem:s16], [sflag:$0x1] =	stream.linear.gather [hbm4b:s8+s1], $0x80, $0x38;
	[tilespmem:$0x3800] =	vst v63  }
0x2d4: {  	s16 =	spop (v2sf)  }
0x2d5: {  	(v2sf) =	vpush v1, $0x4;
	s8 =	sand.u32 $0x1FFFFFF0, s16  }
0x2d6: {  	s8 =	sadd.s32 s2, s8  }
0x2d7: {  	[tilespmem:s20], [sflag:$0x1] =	stream.linear.gather [hbm4b:s8+s1], $0x80, $0x38;
	[tilespmem:$0x3800] =	vst v63  }
0x2d8: {  	s16 =	spop (v2sf)  }
0x2d9: {  	(v2sf) =	vpush v0, $0x4;
	s8 =	sand.u32 $0x1FFFFFF0, s16  }
0x2da: {  	s16 =	simm.s32 $0xF80;
	s8 =	sadd.s32 s3, s8  }
0x2db: {  	[tilespmem:s16], [sflag:$0x1] =	stream.linear.gather [hbm4b:s8+s1], $0x80, $0x38;
	[tilespmem:$0x3800] =	vst v63  }
0x2dc: {  	s16 =	spop (v2sf)  }
0x2dd: {  	(v2sf) =	vpush v52, $0x5;
	s8 =	sand.u32 $0x1FFFFFF0, s16  }
0x2de: {  	s8 =	sadd.s32 s2, s8  }
0x2df: {  	[tilespmem:s22], [sflag:$0x1] =	stream.linear.gather [hbm4b:s8+s1], $0x80, $0x38;
	[tilespmem:$0x3800] =	vst v63  }
0x2e0: {  	s16 =	spop (v2sf)  }
0x2e1: {  	(v2sf) =	vpush v1, $0x5;
	s8 =	sand.u32 $0x1FFFFFF0, s16  }
0x2e2: {  	s16 =	simm.s32 $0x800;
	s8 =	sadd.s32 s2, s8  }
0x2e3: {  	[tilespmem:s16], [sflag:$0x1] =	stream.linear.gather [hbm4b:s8+s1], $0x80, $0x38;
	[tilespmem:$0x3800] =	vst v63  }
0x2e4: {  	s16 =	spop (v2sf)  }
0x2e5: {  	(v2sf) =	vpush v0, $0x5;
	s8 =	sand.u32 $0x1FFFFFF0, s16  }
0x2e6: {  	s8 =	sadd.s32 s3, s8  }
0x2e7: {  	[tilespmem:s24], [sflag:$0x1] =	stream.linear.gather [hbm4b:s8+s1], $0x80, $0x38;
	[tilespmem:$0x3800] =	vst v63  }
0x2e8: {  	s16 =	spop (v2sf)  }
0x2e9: {  	(v2sf) =	vpush v52, $0x6;
	s8 =	sand.u32 $0x1FFFFFF0, s16  }
0x2ea: {  	s16 =	simm.s32 $0x1800;
	s8 =	sadd.s32 s2, s8  }
0x2eb: {  	[tilespmem:s16], [sflag:$0x1] =	stream.linear.gather [hbm4b:s8+s1], $0x80, $0x38;
	[tilespmem:$0x3800] =	vst v63  }
0x2ec: {  	s16 =	spop (v2sf)  }
0x2ed: {  	(v2sf) =	vpush v1, $0x6;
	s8 =	sand.u32 $0x1FFFFFF0, s16  }
0x2ee: {  	s8 =	sadd.s32 s2, s8  }
0x2ef: {  	[tilespmem:s26], [sflag:$0x1] =	stream.linear.gather [hbm4b:s8+s1], $0x80, $0x38;
	[tilespmem:$0x3800] =	vst v63  }
0x2f0: {  	s16 =	spop (v2sf)  }
0x2f1: {  	(v2sf) =	vpush v0, $0x6;
	s8 =	sand.u32 $0x1FFFFFF0, s16  }
0x2f2: {  	s16 =	simm.s32 $0x1080;
	s8 =	sadd.s32 s3, s8  }
0x2f3: {  	[tilespmem:s16], [sflag:$0x1] =	stream.linear.gather [hbm4b:s8+s1], $0x80, $0x38;
	[tilespmem:$0x3800] =	vst v63  }
0x2f4: {  	s16 =	spop (v2sf)  }
0x2f5: {  	(v2sf) =	vpush v52, $0x7;
	s8 =	sand.u32 $0x1FFFFFF0, s16  }
0x2f6: {  	s8 =	sadd.s32 s2, s8  }
0x2f7: {  	[tilespmem:s29], [sflag:$0x1] =	stream.linear.gather [hbm4b:s8+s1], $0x80, $0x38;
	[tilespmem:$0x3800] =	vst v63  }
0x2f8: {  	s16 =	spop (v2sf)  }
0x2f9: {  	(v2sf) =	vpush v1, $0x7;
	s8 =	sand.u32 $0x1FFFFFF0, s16  }
0x2fa: {  	s16 =	simm.s32 $0x900;
	s8 =	sadd.s32 s2, s8  }
0x2fb: {  	[tilespmem:s16], [sflag:$0x1] =	stream.linear.gather [hbm4b:s8+s1], $0x80, $0x38;
	[tilespmem:$0x3800] =	vst v63  }
0x2fc: {  	s16 =	spop (v2sf)  }
0x2fd: {  	(v2sf) =	vpush v0, $0x7;
	s8 =	sand.u32 $0x1FFFFFF0, s16  }
0x2fe: {  	s8 =	sadd.s32 s3, s8  }
0x2ff: {  	[tilespmem:s31], [sflag:$0x1] =	stream.linear.gather [hbm4b:s8+s1], $0x80, $0x38;
	[tilespmem:$0x3800] =	vst v63  }
0x300: {  	s16 =	spop (v2sf)  }
0x301: {  	(v2sf) =	vpush v52, $0x8;
	s8 =	sand.u32 $0x1FFFFFF0, s16  }
0x302: {  	s16 =	simm.s32 $0x1900;
	s8 =	sadd.s32 s2, s8  }
0x303: {  	[tilespmem:s16], [sflag:$0x1] =	stream.linear.gather [hbm4b:s8+s1], $0x80, $0x38;
	[tilespmem:$0x3800] =	vst v63  }
0x304: {  	s16 =	spop (v2sf)  }
0x305: {  	(v2sf) =	vpush v1, $0x8;
	s8 =	sand.u32 $0x1FFFFFF0, s16  }
0x306: {  	s8 =	sadd.s32 s2, s8  }
0x307: {  	[tilespmem:s4], [sflag:$0x1] =	stream.linear.gather [hbm4b:s8+s1], $0x80, $0x38;
	[tilespmem:$0x3800] =	vst v63  }
0x308: {  	s16 =	spop (v2sf)  }
0x309: {  	(v2sf) =	vpush v0, $0x8;
	s8 =	sand.u32 $0x1FFFFFF0, s16  }
0x30a: {  	s8 =	sadd.s32 s3, s8  }
0x30b: {  	[tilespmem:s0], [sflag:$0x1] =	stream.linear.gather [hbm4b:s8+s1], $0x80, $0x38;
	[tilespmem:$0x3800] =	vst v63  }
0x30c: {  	s16 =	spop (v2sf)  }
0x30d: {  	(v2sf) =	vpush v52, $0x9;
	s8 =	sand.u32 $0x1FFFFFF0, s16  }
0x30e: {  	s16 =	simm.s32 $0x1980;
	s8 =	sadd.s32 s2, s8  }
0x30f: {  	[tilespmem:s16], [sflag:$0x1] =	stream.linear.gather [hbm4b:s8+s1], $0x80, $0x38;
	[tilespmem:$0x3800] =	vst v63  }
0x310: {  	s16 =	spop (v2sf)  }
0x311: {  	(v2sf) =	vpush v1, $0x9;
	s8 =	sand.u32 $0x1FFFFFF0, s16  }
0x312: {  	s16 =	simm.s32 $0xA00;
	s8 =	sadd.s32 s2, s8  }
0x313: {  	[tilespmem:s16], [sflag:$0x1] =	stream.linear.gather [hbm4b:s8+s1], $0x80, $0x38;
	[tilespmem:$0x3800] =	vst v63  }
0x314: {  	s16 =	spop (v2sf)  }
0x315: {  	(v2sf) =	vpush v0, $0x9;
	s8 =	sand.u32 $0x1FFFFFF0, s16  }
0x316: {  	s16 =	simm.s32 $0x1200;
	s8 =	sadd.s32 s3, s8  }
0x317: {  	[tilespmem:s16], [sflag:$0x1] =	stream.linear.gather [hbm4b:s8+s1], $0x80, $0x38;
	[tilespmem:$0x3800] =	vst v63  }
0x318: {  	s16 =	spop (v2sf)  }
0x319: {  	(v2sf) =	vpush v52, $0xA;
	s8 =	sand.u32 $0x1FFFFFF0, s16  }
0x31a: {  	s16 =	simm.s32 $0x1A00;
	s8 =	sadd.s32 s2, s8  }
0x31b: {  	[tilespmem:s16], [sflag:$0x1] =	stream.linear.gather [hbm4b:s8+s1], $0x80, $0x38;
	[tilespmem:$0x3800] =	vst v63  }
0x31c: {  	s16 =	spop (v2sf)  }
0x31d: {  	(v2sf) =	vpush v1, $0xA;
	s8 =	sand.u32 $0x1FFFFFF0, s16  }
0x31e: {  	s16 =	simm.s32 $0xA80;
	s8 =	sadd.s32 s2, s8  }
0x31f: {  	[tilespmem:s16], [sflag:$0x1] =	stream.linear.gather [hbm4b:s8+s1], $0x80, $0x38;
	[tilespmem:$0x3800] =	vst v63  }
0x320: {  	s16 =	spop (v2sf)  }
0x321: {  	(v2sf) =	vpush v0, $0xA;
	s8 =	sand.u32 $0x1FFFFFF0, s16  }
0x322: {  	s16 =	simm.s32 $0x1280;
	s8 =	sadd.s32 s3, s8  }
0x323: {  	[tilespmem:s16], [sflag:$0x1] =	stream.linear.gather [hbm4b:s8+s1], $0x80, $0x38;
	[tilespmem:$0x3800] =	vst v63  }
0x324: {  	s16 =	spop (v2sf)  }
0x325: {  	(v2sf) =	vpush v52, $0xB;
	s8 =	sand.u32 $0x1FFFFFF0, s16  }
0x326: {  	s16 =	simm.s32 $0x1A80;
	s8 =	sadd.s32 s2, s8  }
0x327: {  	[tilespmem:s16], [sflag:$0x1] =	stream.linear.gather [hbm4b:s8+s1], $0x80, $0x38;
	[tilespmem:$0x3800] =	vst v63  }
0x328: {  	s16 =	spop (v2sf)  }
0x329: {  	(v2sf) =	vpush v1, $0xB;
	s8 =	sand.u32 $0x1FFFFFF0, s16  }
0x32a: {  	s16 =	simm.s32 $0xB00;
	s8 =	sadd.s32 s2, s8  }
0x32b: {  	[tilespmem:s16], [sflag:$0x1] =	stream.linear.gather [hbm4b:s8+s1], $0x80, $0x38;
	[tilespmem:$0x3800] =	vst v63  }
0x32c: {  	s16 =	spop (v2sf)  }
0x32d: {  	(v2sf) =	vpush v0, $0xB;
	s8 =	sand.u32 $0x1FFFFFF0, s16  }
0x32e: {  	s16 =	simm.s32 $0x1300;
	s8 =	sadd.s32 s3, s8  }
0x32f: {  	[tilespmem:s16], [sflag:$0x1] =	stream.linear.gather [hbm4b:s8+s1], $0x80, $0x38;
	[tilespmem:$0x3800] =	vst v63  }
0x330: {  	s16 =	spop (v2sf)  }
0x331: {  	(v2sf) =	vpush v52, $0xC;
	s8 =	sand.u32 $0x1FFFFFF0, s16  }
0x332: {  	s16 =	simm.s32 $0x1B00;
	s8 =	sadd.s32 s2, s8  }
0x333: {  	[tilespmem:s16], [sflag:$0x1] =	stream.linear.gather [hbm4b:s8+s1], $0x80, $0x38;
	[tilespmem:$0x3800] =	vst v63  }
0x334: {  	s16 =	spop (v2sf)  }
0x335: {  	(v2sf) =	vpush v1, $0xC;
	s8 =	sand.u32 $0x1FFFFFF0, s16  }
0x336: {  	s16 =	simm.s32 $0xB80;
	s8 =	sadd.s32 s2, s8  }
0x337: {  	[tilespmem:s16], [sflag:$0x1] =	stream.linear.gather [hbm4b:s8+s1], $0x80, $0x38;
	[tilespmem:$0x3800] =	vst v63  }
0x338: {  	s16 =	spop (v2sf)  }
0x339: {  	(v2sf) =	vpush v0, $0xC;
	s8 =	sand.u32 $0x1FFFFFF0, s16  }
0x33a: {  	s16 =	simm.s32 $0x1380;
	s8 =	sadd.s32 s3, s8  }
0x33b: {  	[tilespmem:s16], [sflag:$0x1] =	stream.linear.gather [hbm4b:s8+s1], $0x80, $0x38;
	[tilespmem:$0x3800] =	vst v63  }
0x33c: {  	s16 =	spop (v2sf)  }
0x33d: {  	(v2sf) =	vpush v52, $0xD;
	s8 =	sand.u32 $0x1FFFFFF0, s16  }
0x33e: {  	s16 =	simm.s32 $0x1B80;
	s8 =	sadd.s32 s2, s8  }
0x33f: {  	[tilespmem:s16], [sflag:$0x1] =	stream.linear.gather [hbm4b:s8+s1], $0x80, $0x38;
	[tilespmem:$0x3800] =	vst v63  }
0x340: {  	s16 =	spop (v2sf)  }
0x341: {  	(v2sf) =	vpush v1, $0xD;
	s8 =	sand.u32 $0x1FFFFFF0, s16  }
0x342: {  	s16 =	simm.s32 $0xC00;
	s8 =	sadd.s32 s2, s8  }
0x343: {  	[tilespmem:s16], [sflag:$0x1] =	stream.linear.gather [hbm4b:s8+s1], $0x80, $0x38;
	[tilespmem:$0x3800] =	vst v63  }
0x344: {  	s16 =	spop (v2sf)  }
0x345: {  	(v2sf) =	vpush v0, $0xD;
	s8 =	sand.u32 $0x1FFFFFF0, s16  }
0x346: {  	s8 =	sadd.s32 s3, s8  }
0x347: {  	[tilespmem:s13], [sflag:$0x1] =	stream.linear.gather [hbm4b:s8+s1], $0x80, $0x38;
	[tilespmem:$0x3800] =	vst v63  }
0x348: {  	s16 =	spop (v2sf)  }
0x349: {  	(v2sf) =	vpush v52, $0xE;
	s8 =	sand.u32 $0x1FFFFFF0, s16  }
0x34a: {  	s8 =	sadd.s32 s2, s8  }
0x34b: {  	[tilespmem:s15], [sflag:$0x1] =	stream.linear.gather [hbm4b:s8+s1], $0x80, $0x38;
	[tilespmem:$0x3800] =	vst v63  }
0x34c: {  	s16 =	spop (v2sf)  }
0x34d: {  	(v2sf) =	vpush v1, $0xE;
	s8 =	sand.u32 $0x1FFFFFF0, s16  }
0x34e: {  	s8 =	sadd.s32 s2, s8  }
0x34f: {  	[tilespmem:s17], [sflag:$0x1] =	stream.linear.gather [hbm4b:s8+s1], $0x80, $0x38;
	[tilespmem:$0x3800] =	vst v63  }
0x350: {  	s16 =	spop (v2sf)  }
0x351: {  	(v2sf) =	vpush v0, $0xE;
	s8 =	sand.u32 $0x1FFFFFF0, s16  }
0x352: {  	s8 =	sadd.s32 s3, s8  }
0x353: {  	[tilespmem:s19], [sflag:$0x1] =	stream.linear.gather [hbm4b:s8+s1], $0x80, $0x38;
	[tilespmem:$0x3800] =	vst v63  }
0x354: {  	s16 =	spop (v2sf)  }
0x355: {  	(v2sf) =	vpush v52, $0xF;
	s8 =	sand.u32 $0x1FFFFFF0, s16  }
0x356: {  	s8 =	sadd.s32 s2, s8  }
0x357: {  	[tilespmem:s21], [sflag:$0x1] =	stream.linear.gather [hbm4b:s8+s1], $0x80, $0x38;
	[tilespmem:$0x3800] =	vst v63  }
0x358: {  	s16 =	spop (v2sf)  }
0x359: {  	(v2sf) =	vpush v1, $0xF;
	s8 =	sand.u32 $0x1FFFFFF0, s16  }
0x35a: {  	s8 =	sadd.s32 s2, s8  }
0x35b: {  	[tilespmem:s23], [sflag:$0x1] =	stream.linear.gather [hbm4b:s8+s1], $0x80, $0x38;
	[tilespmem:$0x3800] =	vst v63  }
0x35c: {  	s16 =	spop (v2sf)  }
0x35d: {  	(v2sf) =	vpush v0, $0xF;
	s8 =	sand.u32 $0x1FFFFFF0, s16  }
0x35e: {  	s8 =	sadd.s32 s3, s8  }
0x35f: {  	[tilespmem:s25], [sflag:$0x1] =	stream.linear.gather [hbm4b:s8+s1], $0x80, $0x38;
	[tilespmem:$0x3800] =	vst v63  }
0x360: {  	s16 =	spop (v2sf)  }
0x361: {  	s8 =	sand.u32 $0x1FFFFFF0, s16  }
0x362: {  	s8 =	sadd.s32 s2, s8  }
0x363: {  	[tilespmem:s28], [sflag:$0x1] =	stream.linear.gather [hbm4b:s8+s1], $0x80, $0x38;
	[tilespmem:$0x3800] =	vst v63  }
0x364: {  	s16 =	spop (v2sf)  }
0x365: {  	s8 =	sand.u32 $0x1FFFFFF0, s16  }
0x366: {  	s8 =	sadd.s32 s2, s8  }
0x367: {  	[tilespmem:s30], [sflag:$0x1] =	stream.linear.gather [hbm4b:s8+s1], $0x80, $0x38;
	[tilespmem:$0x3800] =	vst v63  }
0x368: {  	s16 =	spop (v2sf)  }
0x369: {  	s8 =	sand.u32 $0x1FFFFFF0, s16  }
0x36a: {  	s8 =	sadd.s32 s3, s8  }
0x36b: {  	[tilespmem:s10], [sflag:$0x1] =	stream.linear.gather [hbm4b:s8+s1], $0x80, $0x38;
	[tilespmem:$0x3800] =	vst v63  }
0x36c: {  	s16 =	spop (v2sf)  }
0x36d: {  	s8 =	sand.u32 $0x1FFFFFF0, s16  }
0x36e: {  	s8 =	sadd.s32 s2, s8  }
0x36f: {  	[tilespmem:s14], [sflag:$0x1] =	stream.linear.gather [hbm4b:s8+s1], $0x80, $0x38;
	[tilespmem:$0x3800] =	vst v63  }
0x370: {  	_ =	swait.ge [sflag:s12], $0x800  }
0x371: {  	[sflag:s12] =	ssyncset.done $0x0  }
0x372: {  	[sflag:s12] =	ssyncadd.s32 $0xFFFFF800  }
0x373: {  	_ =	swait.ge [sflag:s12], $0x800  }
0x374: {  	[sflag:s12] =	ssyncset.done $0x0  }
0x375: {  	[sflag:s12] =	ssyncadd.s32 $0xFFFFF800  }
0x376: {  	_ =	swait.ge [sflag:s12], $0x800  }
0x377: {  	[sflag:s12] =	ssyncset.done $0x0  }
0x378: {  	[sflag:s12] =	ssyncadd.s32 $0xFFFFF800  }
0x379: {  	v2 =	vld [tilespmem:$0x1E00]  }
0x37a: {  	v7 =	vld [tilespmem:$0x2600]  }
0x37b: {  	v8 =	vld [tilespmem:$0x2E00]  }
0x37c: {  	v19 =	vld [tilespmem:$0x1E10]  }
0x37d: {  	v20 =	vld [tilespmem:$0x2610]  }
0x37e: {  	v23 =	vld [tilespmem:$0x2E10]  }
0x37f: {  	v25 =	vld [tilespmem:$0x1E20]  }
0x380: {  	v26 =	vld [tilespmem:$0x2620]  }
0x381: {  	v28 =	vld [tilespmem:$0x2E20]  }
0x382: {  	v30 =	vld [tilespmem:$0x1E30]  }
0x383: {  	v31 =	vld [tilespmem:$0x2630]  }
0x384: {  	v32 =	vld [tilespmem:$0x2E30]  }
0x385: {  	v29 =	vld [tilespmem:$0x1E80]  }
0x386: {  	v36 =	vld [tilespmem:$0x2680]  }
0x387: {  	v37 =	vld [tilespmem:$0x2E80]  }
0x388: {  	v40 =	vld [tilespmem:$0x1E90]  }
0x389: {  	v44 =	vld [tilespmem:$0x2690]  }
0x38a: {  	v59 =	vld [tilespmem:$0x2830]  }
0x38b: {  	v45 =	vld [tilespmem:$0x2E90]  }
0x38c: {  	v48 =	vld [tilespmem:$0x1EA0]  }
0x38d: {  	v50 =	vld [tilespmem:$0x26A0]  }
0x38e: {  	v51 =	vld [tilespmem:$0x2EA0]  }
0x38f: {  	[tilespmem:$0x1FDA0] =	vst v59;
	v59 =	vld [tilespmem:$0x3110]  }
0x390: {  	v57 =	vld [tilespmem:$0x1EB0]  }
0x391: {  	v21 =	vld [tilespmem:$0x26B0]  }
0x392: {  	v34 =	vld [tilespmem:$0x2EB0]  }
0x393: {  	v4 =	vld [tilespmem:$0x1F00]  }
0x394: {  	[tilespmem:$0x1FE30] =	vst v59;
	v59 =	vld [tilespmem:$0x2120]  }
0x395: {  	v3 =	vld [tilespmem:$0x2700]  }
0x396: {  	v6 =	vld [tilespmem:$0x2F00]  }
0x397: {  	v1 =	vld [tilespmem:$0x1F10]  }
0x398: {  	v0 =	vld [tilespmem:$0x2710]  }
0x399: {  	[tilespmem:$0x1FE50] =	vst v59;
	v59 =	vld [tilespmem:$0x2920]  }
0x39a: {  	v5 =	vld [tilespmem:$0x2F10]  }
0x39b: {  	v17 =	vld [tilespmem:$0x1F20]  }
0x39c: {  	v13 =	vld [tilespmem:$0x2720]  }
0x39d: {  	v22 =	vld [tilespmem:$0x2F20]  }
0x39e: {  	[tilespmem:$0x1FE60] =	vst v59;
	v59 =	vld [tilespmem:$0x3120]  }
0x39f: {  	v33 =	vld [tilespmem:$0x1F30]  }
0x3a0: {  	v24 =	vld [tilespmem:$0x2730]  }
0x3a1: {  	v46 =	vld [tilespmem:$0x2F30]  }
0x3a2: {  	v12 =	vld [tilespmem:$0x1F80]  }
0x3a3: {  	[tilespmem:$0x1FE80] =	vst v59;
	v59 =	vld [tilespmem:$0x2130]  }
0x3a4: {  	v9 =	vld [tilespmem:$0x2780]  }
0x3a5: {  	v18 =	vld [tilespmem:$0x2F80]  }
0x3a6: {  	v11 =	vld [tilespmem:$0x1F90]  }
0x3a7: {  	v10 =	vld [tilespmem:$0x2790]  }
0x3a8: {  	[tilespmem:$0x1FE90] =	vst v59;
	v59 =	vld [tilespmem:$0x2930]  }
0x3a9: {  	v15 =	vld [tilespmem:$0x2F90]  }
0x3aa: {  	v16 =	vld [tilespmem:$0x1FA0]  }
0x3ab: {  	v14 =	vld [tilespmem:$0x27A0]  }
0x3ac: {  	v27 =	vld [tilespmem:$0x2FA0]  }
0x3ad: {  	[tilespmem:$0x1FEA0] =	vst v59;
	v59 =	vld [tilespmem:$0x3130]  }
0x3ae: {  	v54 =	vld [tilespmem:$0x1FB0]  }
0x3af: {  	v55 =	vld [tilespmem:$0x27B0]  }
0x3b0: {  	v56 =	vld [tilespmem:$0x2FB0]  }
0x3b1: {  	v43 =	vld [tilespmem:$0x2000]  }
0x3b2: {  	[tilespmem:$0x1FEB0] =	vst v59;
	v59 =	vld [tilespmem:$0x2180]  }
0x3b3: {  	v39 =	vld [tilespmem:$0x2800]  }
0x3b4: {  	v49 =	vld [tilespmem:$0x2010]  }
0x3b5: {  	v47 =	vld [tilespmem:$0x2810]  }
0x3b6: {  	v53 =	vld [tilespmem:$0x2820]  }
0x3b7: {  	[tilespmem:$0x1FEC0] =	vst v59;
	v59 =	vld [tilespmem:$0x2980]  }
0x3b8: {  	v63 =	vld [tilespmem:$0x3020]  }
0x3b9: {  	v58 =	vld [tilespmem:$0x2030]  }
0x3ba: {  	v60 =	vld [tilespmem:$0x3030]  }
0x3bb: {  	v42 =	vld [tilespmem:$0x2080]  }
0x3bc: {  	[tilespmem:$0x1FED0] =	vst v59;
	v59 =	vld [tilespmem:$0x3180]  }
0x3bd: {  	v41 =	vld [tilespmem:$0x2880]  }
0x3be: {  	v38 =	vld [tilespmem:$0x2090]  }
0x3bf: {  	v35 =	vld [tilespmem:$0x2890]  }
0x3c0: {  	v52 =	vld [tilespmem:$0x3090]  }
0x3c1: {  	[tilespmem:$0x1FF00] =	vst v59;
	v59 =	vld [tilespmem:$0x2190]  }
0x3c2: {  	v61 =	vld [tilespmem:$0x20A0]  }
0x3c3: {  	v62 =	vld [tilespmem:$0x28A0]  }
0x3c4: {  	[tilespmem:$0x1FDB0] =	vst v56;
	v56 =	vld [tilespmem:$0x3000]  }
0x3c5: {  	[tilespmem:$0x1FD70] =	vst v54;
	v54 =	vld [tilespmem:$0x3010]  }
0x3c6: {  	[tilespmem:$0x1FEE0] =	vst v59;
	v59 =	vld [tilespmem:$0x2990]  }
0x3c7: {  	[tilespmem:$0x1FD80] =	vst v55;
	v55 =	vld [tilespmem:$0x2020]  }
0x3c8: {  	[tilespmem:$0x1FD90] =	vst v58;
	v58 =	vld [tilespmem:$0x3080]  }
0x3c9: {  	[tilespmem:$0x1FDC0] =	vst v60;
	v60 =	vld [tilespmem:$0x30A0]  }
0x3ca: {  	[tilespmem:$0x1FDE0] =	vst v61;
	v61 =	vld [tilespmem:$0x20B0]  }
0x3cb: {  	[tilespmem:$0x1FEF0] =	vst v59;
	v59 =	vld [tilespmem:$0x3190]  }
0x3cc: {  	[tilespmem:$0x1FDF0] =	vst v62;
	v62 =	vld [tilespmem:$0x28B0]  }
0x3cd: {  	v2 =	vadd.f32 v7, v2;
	v7 =	vadd.f32 v20, v19;
	v19 =	vld [tilespmem:$0x2A10]  }
0x3ce: {  	v20 =	vadd.f32 v26, v25;
	v25 =	vld [tilespmem:$0x2220]  }
0x3cf: {  	v36 =	vadd.f32 v36, v29;
	v29 =	vld [tilespmem:$0x2A20]  }
0x3d0: {  	[tilespmem:$0x1FF30] =	vst v59;
	v59 =	vld [tilespmem:$0x21A0]  }
0x3d1: {  	v26 =	vadd.f32 v31, v30;
	v30 =	vld [tilespmem:$0x2280]  }
0x3d2: {  	v17 =	vadd.f32 v13, v17;
	v13 =	vld [tilespmem:$0x2B20]  }
0x3d3: {  	v24 =	vadd.f32 v24, v33;
	v33 =	vadd.f32 v14, v16;
	v14 =	vld [tilespmem:$0x3320]  }
0x3d4: {  	v43 =	vadd.f32 v39, v43;
	v39 =	vld [tilespmem:$0x1FDE0]  }
0x3d5: {  	[tilespmem:$0x1FF10] =	vst v59;
	v59 =	vld [tilespmem:$0x29A0]  }
0x3d6: {  	v2 =	vsub.f32 v2, v8;
	v8 =	vsub.f32 v20, v28;
	v20 =	vld [tilespmem:$0x3220]  }
0x3d7: {  	v40 =	vadd.f32 v44, v40;
	v7 =	vsub.f32 v7, v23;
	v23 =	vld [tilespmem:$0x2230]  }
0x3d8: {  	v28 =	vld [tilespmem:$0x2A30]  }
0x3d9: {  	v45 =	vsub.f32 v40, v45;
	v40 =	vsub.f32 v26, v32;
	v26 =	vld [tilespmem:$0x3230]  }
0x3da: {  	[tilespmem:$0x1FF20] =	vst v59;
	v59 =	vld [tilespmem:$0x31A0]  }
0x3db: {  	v3 =	vadd.f32 v3, v4;
	v32 =	vld [tilespmem:$0x2A80]  }
0x3dc: {  	v4 =	vsub.f32 v17, v22;
	v22 =	vadd.f32 v10, v11;
	v10 =	vld [tilespmem:$0x3310]  }
0x3dd: {  	v3 =	vsub.f32 v3, v6;
	v6 =	vsub.f32 v24, v46;
	v24 =	vld [tilespmem:$0x1FD90]  }
0x3de: {  	v17 =	vld [tilespmem:$0x2B30]  }
0x3df: {  	[tilespmem:$0x1FF60] =	vst v59;
	v59 =	vld [tilespmem:$0x21B0]  }
0x3e0: {  	[tilespmem:$0x1FE40] =	vst v60;
	v60 =	vld [tilespmem:$0x30B0]  }
0x3e1: {  	[tilespmem:$0x1FE00] =	vst v61;
	v61 =	vld [tilespmem:$0x2100]  }
0x3e2: {  	v47 =	vadd.f32 v47, v49;
	v44 =	vsub.f32 v36, v37;
	[tilespmem:$0x1FE10] =	vst v62;
	v62 =	vld [tilespmem:$0x3100]  }
0x3e3: {  	v49 =	vsub.f32 v43, v56;
	v56 =	vadd.f32 v41, v42;
	v41 =	vld [tilespmem:$0x1FDF0]  }
0x3e4: {  	v37 =	vmul.f32 v44, v44;
	v31 =	vmul.f32 v45, v45;
	[tilespmem:$0x1FFA0] =	vst v59;
	v59 =	vld [tilespmem:$0x29B0]  }
0x3e5: {  	v25 =	vadd.f32 v29, v25;
	v29 =	vld [tilespmem:$0x3410]  }
0x3e6: {  	v2 =	vmul.f32 v2, v2;
	v7 =	vmul.f32 v7, v7;
	v45 =	vadd.f32 v31, v37;
	v31 =	vld [tilespmem:$0x3280]  }
0x3e7: {  	v0 =	vadd.f32 v0, v1;
	v37 =	vld [tilespmem:$0x22B0]  }
0x3e8: {  	v2 =	vadd.f32 v7, v2;
	v7 =	vsub.f32 v33, v27;
	v27 =	vld [tilespmem:$0x1FDA0]  }
0x3e9: {  	[tilespmem:$0x1FFB0] =	vst v59;
	v59 =	vld [tilespmem:$0x31B0]  }
0x3ea: {  	v0 =	vsub.f32 v0, v5;
	v33 =	vld [tilespmem:$0x1FDB0]  }
0x3eb: {  	v42 =	vld [tilespmem:$0x1FE00]  }
0x3ec: {  	v3 =	vmul.f32 v3, v3;
	v0 =	vmul.f32 v0, v0;
	v43 =	vld [tilespmem:$0x1FE10]  }
0x3ed: {  	v8 =	vmul.f32 v8, v8;
	v20 =	vsub.f32 v25, v20;
	v25 =	vld [tilespmem:$0x2C20]  }
0x3ee: {  	v0 =	vadd.f32 v0, v3;
	[tilespmem:$0x1FFC0] =	vst v59;
	v59 =	vld [tilespmem:$0x2200]  }
0x3ef: {  	v4 =	vmul.f32 v4, v4;
	v44 =	vadd.f32 v8, v2;
	v8 =	vadd.f32 v21, v57;
	v57 =	vld [tilespmem:$0x2AA0]  }
0x3f0: {  	v46 =	vmul.f32 v7, v7;
	v7 =	vld [tilespmem:$0x3300]  }
0x3f1: {  	v0 =	vadd.f32 v4, v0;
	v4 =	vld [tilespmem:$0x2B10]  }
0x3f2: {  	v21 =	vadd.f32 v9, v12;
	v12 =	vld [tilespmem:$0x2320]  }
0x3f3: {  	[tilespmem:$0x1FF40] =	vst v59;
	v59 =	vld [tilespmem:$0x2A00]  }
0x3f4: {  	[tilespmem:$0x1FE70] =	vst v60;
	v60 =	vld [tilespmem:$0x2900]  }
0x3f5: {  	[tilespmem:$0x1FDD0] =	vst v61;
	v61 =	vld [tilespmem:$0x2110]  }
0x3f6: {  	[tilespmem:$0x1FE20] =	vst v62;
	v62 =	vld [tilespmem:$0x2910]  }
0x3f7: {  	v5 =	vsub.f32 v22, v15;
	v3 =	vsub.f32 v21, v18;
	v21 =	vld [tilespmem:$0x1FD80]  }
0x3f8: {  	[tilespmem:$0x1FF50] =	vst v59;
	v59 =	vld [tilespmem:$0x3200]  }
0x3f9: {  	v55 =	vadd.f32 v53, v55;
	v5 =	vmul.f32 v5, v5;
	v18 =	vld [tilespmem:$0x3330]  }
0x3fa: {  	v16 =	vadd.f32 v27, v24;
	v24 =	vadd.f32 v41, v39;
	v39 =	vld [tilespmem:$0x3390];
	v3 =	vmul.f32 v3, v3  }
0x3fb: {  	v27 =	vadd.f32 v43, v42;
	v42 =	vld [tilespmem:$0x23A0]  }
0x3fc: {  	v3 =	vadd.f32 v5, v3;
	v5 =	vsub.f32 v55, v63;
	v63 =	vld [tilespmem:$0x1FD70]  }
0x3fd: {  	[tilespmem:$0x1FF80] =	vst v59;
	v59 =	vld [tilespmem:$0x2210]  }
0x3fe: {  	v22 =	vmul.f32 v5, v5;
	v5 =	vld [tilespmem:$0x2330]  }
0x3ff: {  	v53 =	vld [tilespmem:$0x1FE60]  }
0x400: {  	v9 =	vsub.f32 v56, v58;
	v56 =	vld [tilespmem:$0x1FE90]  }
0x401: {  	v15 =	vadd.f32 v21, v63;
	v58 =	vld [tilespmem:$0x1FEA0]  }
0x402: {  	[tilespmem:$0x1FF70] =	vst v59;
	v59 =	vld [tilespmem:$0x3210]  }
0x403: {  	v15 =	vsub.f32 v15, v33;
	v33 =	vld [tilespmem:$0x3380]  }
0x404: {  	v55 =	vld [tilespmem:$0x1FE80]  }
0x405: {  	v5 =	vadd.f32 v17, v5;
	v17 =	vld [tilespmem:$0x34B0]  }
0x406: {  	v41 =	vadd.f32 v58, v56;
	v58 =	vld [tilespmem:$0x1FF30]  }
0x407: {  	v56 =	vld [tilespmem:$0x1FF20];
	[tilespmem:$0x1FF90] =	vst v59;
	v59 =	vadd.f32 v50, v48  }
0x408: {  	v50 =	vld [tilespmem:$0x2A90]  }
0x409: {  	v48 =	vld [tilespmem:$0x32A0];
	v36 =	vsub.f32 v59, v51;
	v51 =	vmul.f32 v40, v40  }
0x40a: {  	v40 =	vld [tilespmem:$0x2290]  }
0x40b: {  	v1 =	vadd.f32 v51, v44;
	v44 =	vld [tilespmem:$0x3290]  }
0x40c: {  	v59 =	vmul.f32 v36, v36;
	v51 =	vld [tilespmem:$0x22A0]  }
0x40d: {  	v36 =	vld [tilespmem:$0x32B0]  }
0x40e: {  	v2 =	vadd.f32 v59, v45;
	v45 =	vld [tilespmem:$0x2AB0]  }
0x40f: {  	[tilespmem:$0x1FFD0] =	vst v1;
	v1 =	vsub.f32 v8, v34;
	v8 =	vld [tilespmem:$0x2300]  }
0x410: {  	v34 =	vmul.f32 v6, v6;
	v6 =	vld [tilespmem:$0x2310]  }
0x411: {  	v59 =	vadd.f32 v35, v38;
	v35 =	vld [tilespmem:$0x1FDD0]  }
0x412: {  	v1 =	vmul.f32 v1, v1;
	v0 =	vadd.f32 v34, v0;
	v34 =	vld [tilespmem:$0x1FDC0]  }
0x413: {  	v11 =	vsub.f32 v59, v52;
	v52 =	vld [tilespmem:$0x1FE50]  }
0x414: {  	v1 =	vadd.f32 v1, v2;
	v2 =	vld [tilespmem:$0x2B00]  }
0x415: {  	[tilespmem:$0x1FFF0] =	vst v0;
	v0 =	vsub.f32 v47, v54;
	v47 =	vld [tilespmem:$0x1FE30]  }
0x416: {  	v9 =	vmul.f32 v9, v9;
	v11 =	vmul.f32 v11, v11;
	v54 =	vld [tilespmem:$0x1FE70]  }
0x417: {  	v4 =	vadd.f32 v4, v6;
	v6 =	vld [tilespmem:$0x2C90]  }
0x418: {  	v9 =	vadd.f32 v11, v9;
	v11 =	vld [tilespmem:$0x2380]  }
0x419: {  	v38 =	vadd.f32 v62, v61;
	[tilespmem:$0x1FFE0] =	vst v1;
	v1 =	vadd.f32 v46, v3;
	v46 =	vld [tilespmem:$0x1FE20]  }
0x41a: {  	v3 =	vmul.f32 v49, v49;
	v0 =	vmul.f32 v0, v0;
	v49 =	vld [tilespmem:$0x1FE40]  }
0x41b: {  	v21 =	vsub.f32 v38, v47;
	v38 =	vld [tilespmem:$0x2B90]  }
0x41c: {  	v0 =	vadd.f32 v0, v3;
	v47 =	vld [tilespmem:$0x1FEC0]  }
0x41d: {  	v27 =	vsub.f32 v27, v54;
	v54 =	vld [tilespmem:$0x1FF00]  }
0x41e: {  	v3 =	vadd.f32 v22, v0;
	v22 =	vld [tilespmem:$0x2B80]  }
0x41f: {  	v0 =	vsub.f32 v16, v34;
	v34 =	vld [tilespmem:$0x2390]  }
0x420: {  	v16 =	vadd.f32 v60, v35;
	v60 =	vld [tilespmem:$0x1FEB0]  }
0x421: {  	v35 =	vadd.f32 v53, v52;
	v52 =	vld [tilespmem:$0x1FEE0]  }
0x422: {  	v53 =	vld [tilespmem:$0x1FEF0]  }
0x423: {  	v2 =	vadd.f32 v2, v8;
	v24 =	vsub.f32 v24, v49;
	v49 =	vld [tilespmem:$0x1FED0]  }
0x424: {  	v62 =	vmul.f32 v27, v27;
	v27 =	vld [tilespmem:$0x2400]  }
0x425: {  	v2 =	vsub.f32 v2, v7;
	v7 =	vld [tilespmem:$0x24A0]  }
0x426: {  	v16 =	vsub.f32 v16, v46;
	v46 =	vld [tilespmem:$0x33A0]  }
0x427: {  	v15 =	vmul.f32 v15, v15;
	v35 =	vsub.f32 v35, v55;
	v61 =	vmul.f32 v0, v0;
	v55 =	vld [tilespmem:$0x1FF10]  }
0x428: {  	v59 =	vmul.f32 v24, v24;
	v24 =	vld [tilespmem:$0x2BA0]  }
0x429: {  	v0 =	vadd.f32 v15, v1;
	v1 =	vadd.f32 v61, v3;
	v61 =	vld [tilespmem:$0x1FF60]  }
0x42a: {  	v9 =	vadd.f32 v59, v9;
	v59 =	vld [tilespmem:$0x1FF40]  }
0x42b: {  	v21 =	vmul.f32 v21, v21;
	v16 =	vmul.f32 v16, v16;
	v41 =	vsub.f32 v41, v60;
	v60 =	vld [tilespmem:$0x1FF50]  }
0x42c: {  	v11 =	vadd.f32 v22, v11;
	v22 =	vld [tilespmem:$0x2CB0]  }
0x42d: {  	v16 =	vadd.f32 v21, v16;
	v21 =	vld [tilespmem:$0x23B0]  }
0x42e: {  	v15 =	vadd.f32 v49, v47;
	v47 =	vld [tilespmem:$0x2C00]  }
0x42f: {  	v63 =	vmul.f32 v41, v41;
	v41 =	vld [tilespmem:$0x33B0]  }
0x430: {  	v3 =	vadd.f32 v62, v9;
	v62 =	vld [tilespmem:$0x1FF70]  }
0x431: {  	v35 =	vmul.f32 v35, v35;
	v43 =	vadd.f32 v56, v55;
	v55 =	vld [tilespmem:$0x2420]  }
0x432: {  	v56 =	vadd.f32 v50, v40;
	v40 =	vld [tilespmem:$0x2490]  }
0x433: {  	v16 =	vadd.f32 v35, v16;
	v35 =	vld [tilespmem:$0x2BB0]  }
0x434: {  	v15 =	vsub.f32 v15, v54;
	v54 =	vld [tilespmem:$0x2C10]  }
0x435: {  	v24 =	vadd.f32 v24, v42;
	v42 =	vld [tilespmem:$0x3530]  }
0x436: {  	v43 =	vsub.f32 v43, v61;
	v61 =	vld [tilespmem:$0x1FFB0]  }
0x437: {  	v9 =	vadd.f32 v63, v16;
	v16 =	vadd.f32 v53, v52;
	v52 =	vld [tilespmem:$0x3400]  }
0x438: {  	v53 =	vld [tilespmem:$0x2410]  }
0x439: {  	v63 =	vld [tilespmem:$0x1FF80]  }
0x43a: {  	v49 =	vadd.f32 v60, v59;
	v60 =	vld [tilespmem:$0x1FFA0]  }
0x43b: {  	v27 =	vadd.f32 v47, v27;
	v47 =	vld [tilespmem:$0x2590]  }
0x43c: {  	v50 =	vsub.f32 v24, v46;
	v16 =	vsub.f32 v16, v58;
	v58 =	vld [tilespmem:$0x1FF90]  }
0x43d: {  	v19 =	vadd.f32 v19, v62;
	v62 =	vadd.f32 v28, v23;
	v23 =	vld [tilespmem:$0x3420]  }
0x43e: {  	v5 =	vsub.f32 v5, v18;
	v4 =	vsub.f32 v4, v10;
	v18 =	vmul.f32 v50, v50;
	v50 =	vld [tilespmem:$0x3590]  }
0x43f: {  	v15 =	vmul.f32 v15, v15;
	v25 =	vadd.f32 v25, v55;
	v55 =	vld [tilespmem:$0x2DA0];
	v16 =	vmul.f32 v16, v16  }
0x440: {  	v49 =	vsub.f32 v49, v63;
	v63 =	vld [tilespmem:$0x1FFC0];
	v27 =	vsub.f32 v27, v52  }
0x441: {  	v52 =	vld [tilespmem:$0x25A0];
	v15 =	vadd.f32 v16, v15;
	v16 =	vsub.f32 v62, v26  }
0x442: {  	v62 =	vadd.f32 v45, v37;
	v45 =	vadd.f32 v38, v34;
	v38 =	vld [tilespmem:$0x2D30]  }
0x443: {  	v19 =	vsub.f32 v19, v58;
	v58 =	vadd.f32 v57, v51;
	v51 =	vld [tilespmem:$0x3500]  }
0x444: {  	v4 =	vmul.f32 v4, v4;
	v2 =	vmul.f32 v2, v2;
	v57 =	vadd.f32 v54, v53;
	v53 =	vld [tilespmem:$0x1FFE0]  }
0x445: {  	v59 =	vmul.f32 v43, v43;
	v37 =	vsub.f32 v62, v36;
	v62 =	vld [tilespmem:$0x2D20]  }
0x446: {  	v2 =	vadd.f32 v4, v2;
	v43 =	vadd.f32 v61, v60;
	v36 =	vld [tilespmem:$0x2530]  }
0x447: {  	v15 =	vadd.f32 v59, v15;
	v59 =	vsub.f32 v58, v48;
	v48 =	vld [tilespmem:$0x2500]  }
0x448: {  	v11 =	vsub.f32 v11, v33;
	v21 =	vadd.f32 v35, v21;
	v58 =	vld [tilespmem:$0x2D10]  }
0x449: {  	v49 =	vmul.f32 v49, v49;
	v19 =	vmul.f32 v19, v19;
	v28 =	vsub.f32 v43, v63;
	v43 =	vld [tilespmem:$0x2430]  }
0x44a: {  	v4 =	vsub.f32 v45, v39;
	v63 =	vadd.f32 v13, v12;
	v12 =	vld [tilespmem:$0x2CA0]  }
0x44b: {  	v20 =	vmul.f32 v20, v20;
	v19 =	vadd.f32 v19, v49;
	v49 =	vadd.f32 v32, v30;
	v30 =	vld [tilespmem:$0x2C30]  }
0x44c: {  	v11 =	vmul.f32 v11, v11;
	v6 =	vadd.f32 v6, v40;
	v21 =	vsub.f32 v21, v41;
	v32 =	vld [tilespmem:$0x3430]  }
0x44d: {  	v23 =	vsub.f32 v25, v23;
	v4 =	vmul.f32 v4, v4;
	v61 =	vmul.f32 v59, v59;
	v59 =	vld [tilespmem:$0x3510]  }
0x44e: {  	v5 =	vmul.f32 v5, v5;
	v24 =	vadd.f32 v55, v52;
	v10 =	vsub.f32 v63, v14;
	v14 =	vld [tilespmem:$0x24B0]  }
0x44f: {  	v28 =	vmul.f32 v28, v28;
	v4 =	vadd.f32 v4, v11;
	v11 =	vsub.f32 v57, v29;
	v63 =	vld [tilespmem:$0x3520]  }
0x450: {  	v27 =	vmul.f32 v27, v27;
	v19 =	vadd.f32 v20, v19;
	v26 =	vsub.f32 v49, v31;
	v49 =	vld [tilespmem:$0x2D00]  }
0x451: {  	v16 =	vmul.f32 v16, v16;
	v31 =	vld [tilespmem:$0x2480];
	v20 =	vsub.f32 v56, v44;
	v15 =	vadd.f32 v28, v15  }
0x452: {  	v44 =	vld [tilespmem:$0x2C80];
	v10 =	vmul.f32 v10, v10;
	v4 =	vadd.f32 v18, v4;
	v11 =	vmul.f32 v11, v11  }
0x453: {  	v56 =	vld [tilespmem:$0x2510];
	v16 =	vadd.f32 v16, v19;
	v26 =	vmul.f32 v26, v26;
	v7 =	vadd.f32 v12, v7  }
0x454: {  	v28 =	vld [tilespmem:$0x3490];
	v20 =	vmul.f32 v20, v20;
	v2 =	vadd.f32 v10, v2;
	v11 =	vadd.f32 v11, v27  }
0x455: {  	v13 =	vmul.f32 v37, v37;
	v19 =	vld [tilespmem:$0x3480];
	v39 =	vadd.f32 v30, v43;
	v10 =	vadd.f32 v49, v48  }
0x456: {  	v37 =	vmul.f32 v23, v23;
	v43 =	vld [tilespmem:$0x2580];
	v60 =	vadd.f32 v20, v26;
	v14 =	vadd.f32 v22, v14  }
0x457: {  	v2 =	vadd.f32 v5, v2;
	v10 =	vsub.f32 v10, v51;
	v51 =	vld [tilespmem:$0x1FFD0]  }
0x458: {  	v41 =	vadd.f32 v44, v31;
	v11 =	vadd.f32 v37, v11;
	v48 =	vld [tilespmem:$0x2D90]  }
0x459: {  	v23 =	vsub.f32 v39, v32;
	v46 =	vadd.f32 v58, v56;
	v56 =	vld [tilespmem:$0x1FFF0]  }
0x45a: {  	v5 =	vadd.f32 v38, v36;
	v8 =	vadd.f32 v61, v60;
	v60 =	vld [tilespmem:$0x2520]  }
0x45b: {  	v20 =	vld [tilespmem:$0x34A0];
	v6 =	vsub.f32 v6, v28;
	v19 =	vsub.f32 v41, v19  }
0x45c: {  	v44 =	vld [tilespmem:$0x2D80];
	v61 =	vmul.f32 v21, v21;
	v49 =	vsub.f32 v46, v59;
	v59 =	vsub.f32 v14, v17;
	(xrf2) =	vadd.scan.msk.f32 $0xffff, v51  }
0x45d: {  	v45 =	vld [tilespmem:$0x3580];
	v5 =	vsub.f32 v5, v42;
	v8 =	vadd.f32 v13, v8;
	(xrf2) =	vadd.scan.msk.f32 $0xffff, v53  }
0x45e: {  	v58 =	vld [tilespmem:$0x35A0];
	v23 =	vmul.f32 v23, v23;
	v4 =	vadd.f32 v61, v4;
	v22 =	vadd.f32 v48, v47;
	(xrf2) =	vadd.scan.msk.f32 $0xffff, v56  }
0x45f: {  	v6 =	vmul.f32 v6, v6;
	v19 =	vmul.f32 v19, v19;
	v57 =	vadd.f32 v62, v60;
	v60 =	vld [tilespmem:$0x25B0];
	(xrf2) =	vadd.scan.msk.f32 $0xffff, v0  }
0x460: {  	v7 =	vsub.f32 v7, v20;
	v10 =	vmul.f32 v10, v10;
	v62 =	vld [tilespmem:$0x2DB0];
	v27 =	vsub.f32 v22, v50;
	(xrf2) =	vadd.scan.msk.f32 $0xffff, v1  }
0x461: {  	v54 =	vmul.f32 v49, v49;
	v61 =	vsub.f32 v57, v63;
	v63 =	vadd.f32 v44, v43;
	(xrf2) =	vadd.scan.msk.f32 $0xffff, v3  }
0x462: {  	v25 =	vld [tilespmem:$0x35B0];
	v11 =	vadd.f32 v23, v11;
	v6 =	vadd.f32 v6, v19;
	v7 =	vmul.f32 v7, v7;
	(xrf2) =	vadd.scan.msk.f32 $0xffff, v9  }
0x463: {  	v10 =	vadd.f32 v54, v10;
	v28 =	vmul.f32 v27, v27;
	v3 =	vsub.f32 v63, v45;
	(xrf2) =	vadd.scan.msk.f32 $0xffff, v15  }
0x464: {  	v6 =	vadd.f32 v7, v6;
	v0 =	vmul.f32 v59, v59;
	v1 =	vmul.f32 v61, v61;
	(xrf2) =	vadd.scan.msk.f32 $0xffff, v16  }
0x465: {  	v7 =	vadd.f32 v62, v60;
	v9 =	vsub.f32 v24, v58;
	v3 =	vmul.f32 v3, v3;
	(xrf2) =	vadd.scan.msk.f32 $0xffff, v8  }
0x466: {  	v30 =	vmul.f32 v5, v5;
	v0 =	vadd.f32 v0, v6;
	v1 =	vadd.f32 v1, v10;
	v29, _, _ =	vpop (xrf2);
	(xrf2) =	vadd.scan.msk.f32 $0xffff, v2  }
0x467: {  	v33 =	vsub.f32 v7, v25;
	v32 =	vmul.f32 v9, v9;
	v3 =	vadd.f32 v28, v3;
	v31, _, _ =	vpop (xrf2);
	(xrf2) =	vadd.scan.msk.f32 $0xffff, v4  }
0x468: {  	v1 =	vadd.f32 v30, v1;
	v35 =	vbroadcast v29, $0xF;
	v34, _, _ =	vpop (xrf2);
	(xrf2) =	vadd.scan.msk.f32 $0xffff, v11;
	v5 =	vbroadcast v31, $0xF  }
0x469: {  	v39 =	vmul.f32 v33, v33;
	v37 =	vadd.f32 v32, v3;
	v36, _, _ =	vpop (xrf2);
	(xrf2) =	vadd.scan.msk.f32 $0xffff, v0;
	v38 =	vbroadcast v34, $0xF  }
0x46a: {  	v5 =	vsel vm0, v35, v5;
	v2 =	vbroadcast v36, $0xF;
	v40, _, _ =	vpop (xrf2);
	(xrf2) =	vadd.scan.msk.f32 $0xffff, v1  }
0x46b: {  	v0 =	vadd.f32 v39, v37;
	v41, _, _ =	vpop (xrf2);
	v3 =	vsel vm1, v5, v38;
	v42 =	vbroadcast v40, $0xF  }
0x46c: {  	v43, _, _ =	vpop (xrf2);
	v2 =	vsel vm2, v3, v2;
	v1 =	vbroadcast v41, $0xF  }
0x46d: {  	(xrf2) =	vadd.scan.msk.f32 $0xffff, v0;
	v2 =	vsel vm3, v2, v42;
	v44 =	vbroadcast v43, $0xF;
	v45, _, _ =	vpop (xrf2)  }
0x46e: {  	v46, _, _ =	vpop (xrf2);
	v1 =	vsel vm4, v2, v1;
	v47 =	vbroadcast v45, $0xF  }
0x46f: {  	v48, _, _ =	vpop (xrf2);
	v1 =	vsel vm5, v1, v44;
	v0 =	vbroadcast v46, $0xF  }
0x470: {  	v49, _, _ =	vpop (xrf2);
	v1 =	vsel vm6, v1, v47;
	v50 =	vbroadcast v48, $0xF  }
0x471: {  	v51, _, _ =	vpop (xrf2);
	v0 =	vsel vm7, v1, v0;
	v52 =	vbroadcast v49, $0xF  }
0x472: {  	v53, _, _ =	vpop (xrf2);
	v0 =	vsel vm8, v0, v50;
	v54 =	vbroadcast v51, $0xF  }
0x473: {  	v55, _, _ =	vpop (xrf2);
	v0 =	vsel vm9, v0, v52;
	v56 =	vbroadcast v53, $0xF  }
0x474: {  	v57, _, _ =	vpop (xrf2);
	v0 =	vsel vm10, v0, v54;
	v58 =	vbroadcast v55, $0xF  }
0x475: {  	v0 =	vsel vm11, v0, v56;
	v59 =	vbroadcast v57, $0xF  }
0x476: {  	v0 =	vsel vm12, v0, v58  }
0x477: {  	v60, _, _ =	vpop (xrf2);
	v0 =	vsel vm13, v0, v59  }
0x478: {  	v0 =	vsel vm14, v0, v60  }
0x479: {  	v1 =	vshrl.u32 v0, $0x1  }
0x47a: {  	v1 =	vadd.s32 $0x1FBD1DF5, v1  }
0x47b: {  	(erf) = vrcp.f32 v1;
	_ =	sdelay $0x8  }
0x47c: {  	v61 =	vpop (erf)  }
0x47d: {  	v2 =	vmul.f32 v61, v0;
	_ =	sdelay $0x1  }
0x47e: {  	v1 =	vadd.f32 v1, v2;
	_ =	sdelay $0x1  }
0x47f: {  	v1 =	vmul.f32 $5.000000000e-01, v1;
	_ =	sdelay $0x1  }
0x480: {  	(erf) = vrcp.f32 v1;
	_ =	sdelay $0x8  }
0x481: {  	v62 =	vpop (erf)  }
0x482: {  	v2 =	vmul.f32 v62, v0;
	_ =	sdelay $0x1  }
0x483: {  	v1 =	vadd.f32 v2, v1;
	_ =	sdelay $0x1  }
0x484: {  	v1 =	vmul.f32 $5.000000000e-01, v1;
	_ =	sdelay $0x1  }
0x485: {  	(erf) = vrcp.f32 v1;
	_ =	sdelay $0x8  }
0x486: {  	v63 =	vpop (erf)  }
0x487: {  	v0 =	vmul.f32 v63, v0  }
0x488: {  	p0 =	sne.s32 s6, $0x780  }
.Ltmp0:
0x489: {  	v0 =	vadd.f32 v0, v1;
	(pc) =	sbr.rel @p0 .LBB2_2-.Ltmp0, $3  }
0x48a: {  	_ = 	snop  }
0x48b: {  	v0 =	vmul.f32 $5.000000000e-01, v0;
	_ =	sdelay $0x1  }
0x48c: {  	s5 =	sadd.s32 $0x20, s5;
	s6 =	sadd.s32 $0x80, s6;
	[tilespmem:s7+$0x3610] =	vst v0  }
0x48d: {  	_ =	swait.ge [sflag:s11], $0x800  }
0x48e: {  	[sflag:s11] =	ssyncset.done $0x0  }
0x48f: {  	[sflag:s11] =	ssyncadd.s32 $0xFFFFF800  }
0x490: {  	_ =	swait.ge [sflag:s11], $0x800  }
0x491: {  	[sflag:s11] =	ssyncset.done $0x0  }
0x492: {  	[sflag:s11] =	ssyncadd.s32 $0xFFFFF800  }
0x493: {  	_ =	swait.ge [sflag:s11], $0x800  }
0x494: {  	s5 =	sld [smem:$0x7EB]  }
0x495: {  	[sflag:s11] =	ssyncset.done $0x0  }
0x496: {  	s0 =	simm.s32 $0x3600;
	s6 =	simm.s32 $0x3;
	[sflag:s11] =	ssyncadd.s32 $0xFFFFF800  }
0x497: {  	[hbm4b:s5+s1] =	stream.linear.scatter [tilespmem:s0], [sflag:$0x3], $0x200, $0x38;
	[tilespmem:$0x3800] =	vst v63  }
0x498: {  	_ =	swait.ge [sflag:s6], $0x200  }
0x499: {  	s8 =	simm.s32 $0xE00;
	s7 =	sld [smem:$0x7E2]  }
0x49a: {  	s10 =	simm.s32 $0x1600;
	s13 =	simm.s32 $0x680;
	s26 =	sld [smem:$0x7ED]  }
0x49b: {  	s14 =	simm.s32 $0xE80;
	s15 =	simm.s32 $0x1680;
	s16 =	simm.s32 $0x700  }
0x49c: {  	s17 =	simm.s32 $0xF00;
	s18 =	simm.s32 $0x1700;
	s7 =	sadd.s32 $0x1, s7  }
0x49d: {  	s19 =	simm.s32 $0x780;
	s20 =	simm.s32 $0xF80;
	p0 =	sne.s32 s7, s26  }
.Ltmp1:
0x49e: {  	s21 =	simm.s32 $0x1780;
	s22 =	simm.s32 $0x800;
	(pc) =	sbr.rel @p0 .LBB2_1-.Ltmp1, $4  }
0x49f: {  	s23 =	simm.s32 $0x1000;
	s24 =	simm.s32 $0x1800;
	s25 =	simm.s32 $0x880  }
0x4a0: {  	s28 =	simm.s32 $0x1880;
	s29 =	simm.s32 $0x900;
	s30 =	simm.s32 $0x1100  }
0x4a1: {  	s4 =	simm.s32 $0x980;
	s31 =	simm.s32 $0x1180;
	[sflag:s6] =	ssyncset.done $0x0  }
0x4a2: {  	s0 =	simm.s32 $0x1900;
	[sflag:s6] =	ssyncadd.s32 $0xFFFFFE00;
	s26 =	simm.s32 $0x1080  }
0x4a3: {  	_ =	sfence.sel $0x180000  }
0x4a4: {  	[bflag:$0x0] =	sbarrier.arrive $0xFFFF  }
0x4a5: {  	_ =	strace $0x90000047  }
0x4a6: {  	s0 =	stileid.u32;
	[bflag:$0x2] =	sbarrier.arrive $0xFFFF  }
0x4a7: {  	p0 =	sne.s32 s0, $0x0;
	s0 =	rddreg [dreg:$0x5]  }
0x4a8: {  	s0 =	sadd.s32 @!p0 $0x100000, s0  }
0x4a9: {  	[sflag:s0] =	ssyncadd.tile.s32 @!p0 $0x1;
	_ =	shalt  }
.Lfunc_end2:
_tile_overlayer_lowered:
.L_overlay_start_2:
0x4aa: {  	(tag) =	ssettag $0x2  }
0x4ab: {  	s0 =	rddreg [dreg:$0x0];
	s2 =	stileid.u32  }
0x4ac: {  	s1 =	rddreg [dreg:$0x1];
	p0 =	sne.s32 s2, $0x0  }
0x4ad: {  	s3 =	rddreg [dreg:$0x2];
	[bflag:$0x3] =	sbarrier.arrive $0xFFFF;
	s2 =	simm.s32 @!p0 $0x1C03  }
0x4ae: {  	[timem:s3], [sflag:s2] =	dma.local @!p0 [hbm:s0], s1  }
0x4af: {  	s0 =	simm.s32 @!p0 $0x3  }
0x4b0: {  	_ =	swait.ge @!p0 [sflag:s0], s1  }
0x4b1: {  	s1 =	ssub.s32 @!p0 $0x0, s1;
	[sflag:s0] =	ssyncset.done @!p0 $0x0  }
0x4b2: {  	[sflag:s0] =	ssyncadd.s32 @!p0 s1  }
0x4b3: {  	[bflag:$0x3] =	sbarrier.arrive $0xFFFF  }
0x4b4: {  	_ =	shalt  }

</sc_bundles>
